<compile_context>
chip_gen: v7x
topology: tpu7x:2x2x1
jax: 0.10.2.dev20260603
libtpu: 0.0.44.dev20260713+nightly
codegen_flags: <defaults>
</compile_context>

<pallas_src>
import functools

import jax
import jax.numpy as jnp
from jax import lax
from jax.experimental import pallas as pl
from jax.experimental.pallas import tpu as pltpu
from jax.experimental.pallas import tpu_sc as plsc

DIM = 64
PADW = 128
LANES = 16
NW = 32
CB = 512
NA = 15
WPG = 8
NG = CB // WPG
GROWS = WPG * NA
TBLK = 20480


def _tc_transpose_body(tcm_ref, out_ref):
    out_ref[:, :DIM] = tcm_ref[...].T
    out_ref[:, DIM:] = jnp.zeros((TBLK, PADW - DIM), jnp.float32)


def _row_major_table(table):
    V = table.shape[0]
    nblk = (V + TBLK - 1) // TBLK
    return pl.pallas_call(
        _tc_transpose_body,
        grid=(nblk,),
        in_specs=[pl.BlockSpec((DIM, TBLK), lambda i: (0, i))],
        out_specs=pl.BlockSpec((TBLK, PADW), lambda i: (i, 0)),
        out_shape=jax.ShapeDtypeStruct((nblk * TBLK, PADW), jnp.float32),
    )(table.T)


def _sc_body(table_hbm, wid_hbm, fid_hbm, lid_hbm, out_hbm,
             idx_w, idx_f, idx_l, gf, gl, wtmp, acc, fsems, lsems, wsem):
    c = lax.axis_index("c")
    s = lax.axis_index("s")
    wid = s * 2 + c
    base = wid * CB

    pltpu.sync_copy(wid_hbm.at[pl.ds(base, CB)], idx_w)
    pltpu.sync_copy(fid_hbm.at[pl.ds(base * NA, CB * NA)], idx_f)
    pltpu.sync_copy(lid_hbm.at[pl.ds(base * NA, CB * NA)], idx_l)

    sls = [pl.ds(d * LANES, LANES) for d in range(DIM // LANES)]

    for sb in range(4):
        pltpu.async_copy(
            table_hbm.at[idx_w.at[pl.ds(sb * 128, 128)]], wtmp, wsem
        ).wait()
        blk = sb * 128

        @plsc.parallel_loop(0, 128, 1, unroll=4)
        def _(i):
            for sl in sls:
                acc[blk + i, sl] = wtmp[i, sl] * (1.0 / 3.0)

    def _start(g, b):
        off = g * GROWS
        pltpu.async_copy(
            table_hbm.at[idx_f.at[pl.ds(off, GROWS)]], gf.at[b], fsems.at[b]
        )
        pltpu.async_copy(
            table_hbm.at[idx_l.at[pl.ds(off, GROWS)]], gl.at[b], lsems.at[b]
        )

    def _drain(b):
        pltpu.make_async_copy(
            table_hbm.at[idx_f.at[pl.ds(0, GROWS)]], gf.at[b], fsems.at[b]
        ).wait()
        pltpu.make_async_copy(
            table_hbm.at[idx_l.at[pl.ds(0, GROWS)]], gl.at[b], lsems.at[b]
        ).wait()

    def _accum(g, b):
        blk = g * WPG

        @plsc.parallel_loop(0, WPG, 1, unroll=2)
        def _(k):
            r0 = k * NA
            row = blk + k
            accs = [gf[b, r0, sl] + gl[b, r0, sl] for sl in sls]
            for j in range(1, NA):
                for d, sl in enumerate(sls):
                    accs[d] = accs[d] + gf[b, r0 + j, sl]
                    accs[d] = accs[d] + gl[b, r0 + j, sl]
            for d, sl in enumerate(sls):
                plsc.addupdate(acc.at[row, sl], accs[d] * (1.0 / 45.0))

    _start(0, 0)

    def tbody(t, carry):
        g0 = 2 * t
        _start(g0 + 1, 1)
        _drain(0)
        _accum(g0, 0)

        @pl.when(g0 + 2 < NG)
        def _():
            _start(g0 + 2, 0)

        _drain(1)
        _accum(g0 + 1, 1)
        return carry

    lax.fori_loop(0, NG // 2, tbody, 0)

    pltpu.sync_copy(acc, out_hbm.at[pl.ds(base, CB), :])


def kernel(word_ids, form_ids, lemma_ids, table):
    B = word_ids.shape[0]
    wv = word_ids.astype(jnp.int32)
    fv = form_ids.astype(jnp.int32).reshape(B * NA)
    lv = lemma_ids.astype(jnp.int32).reshape(B * NA)
    trm = _row_major_table(table)

    mesh = plsc.VectorSubcoreMesh(core_axis_name="c", subcore_axis_name="s")
    run = functools.partial(
        pl.kernel,
        mesh=mesh,
        out_type=jax.ShapeDtypeStruct((B, DIM), jnp.float32),
        scratch_types=[
            pltpu.VMEM((CB,), jnp.int32),
            pltpu.VMEM((CB * NA,), jnp.int32),
            pltpu.VMEM((CB * NA,), jnp.int32),
            pltpu.VMEM((2, GROWS, PADW), jnp.float32),
            pltpu.VMEM((2, GROWS, PADW), jnp.float32),
            pltpu.VMEM((128, PADW), jnp.float32),
            pltpu.VMEM((CB, DIM), jnp.float32),
            pltpu.SemaphoreType.DMA((2,)),
            pltpu.SemaphoreType.DMA((2,)),
            pltpu.SemaphoreType.DMA,
        ],
        compiler_params=pltpu.CompilerParams(use_tc_tiling_on_sc=False),
    )(_sc_body)
    return run(trm, wv, fv, lv)

# --- scband reference (transcript-rebuilt; emitter-appended) ---
"""Pipeline reference for scband-hebrew-embedding-model-73083163509482 (READ-ONLY COPY).

The authoritative reference and input builder live on the scoring server;
editing this copy changes nothing except your own understanding.
"""

import jax, jax.numpy as jnp
import numpy as np

NUM_EMB = 1000001  # vocab + 1 padding row at index 0
DIM = 64
B = 16384
A = 3   # max number of morphological analyses per word
L = 5   # max expanded forms/lemmas per analysis


def setup_inputs(seed: int = 0) -> dict:
    key = jax.random.key(seed)
    k1, k2, k3, k4 = jax.random.split(key, 4)
    # Embedding table (pretrained weights with zero padding vector at row 0)
    table = jax.random.normal(k1, (NUM_EMB, DIM), dtype=jnp.float32) * 0.02
    table = table.at[0].set(0.0)
    word_ids = jax.random.randint(k2, (B,), 0, NUM_EMB)
    form_ids = jax.random.randint(k3, (B, A, L), 0, NUM_EMB)
    lemma_ids = jax.random.randint(k4, (B, A, L), 0, NUM_EMB)
    return {"word_ids": word_ids, "form_ids": form_ids, "lemma_ids": lemma_ids, "table": table}


def reference(word_ids, form_ids, lemma_ids, table):
    # _embed_words: direct embedding lookup
    word_vectors = jnp.take(table, word_ids, axis=0)              # [B, DIM]
    # _embed_morph_values on forms: lookup padded [B, A, L] indices, mean over (1, 2)
    form_vectors = jnp.mean(jnp.take(table, form_ids, axis=0), axis=(1, 2))   # [B, DIM]
    # _embed_morph_values on lemmas
    lemma_vectors = jnp.mean(jnp.take(table, lemma_ids, axis=0), axis=(1, 2))  # [B, DIM]
    # embed_words: mean of the three embedding views
    return jnp.mean(jnp.stack([word_vectors, form_vectors, lemma_vectors]), axis=0)

if __name__ == "__main__":
    import jax
    _d = setup_inputs()
    print(jax.jit(kernel)(*tuple(_d.values())))

</pallas_src>

<mosaic_0001>
#map = affine_map<(d0, d1) -> (0, 0)>
#map1 = affine_map<(d0, d1) -> (0)>
module attributes {stable_mosaic.version = 14 : i64} {
  func.func @_sc_body(%arg0: i32, %arg1: i32, %arg2: memref<1003520x128xf32, #tpu.memory_space<hbm>>, %arg3: memref<16384xi32, #tpu.memory_space<hbm>>, %arg4: memref<245760xi32, #tpu.memory_space<hbm>>, %arg5: memref<245760xi32, #tpu.memory_space<hbm>>, %arg6: memref<16384x64xf32, #tpu.memory_space<hbm>>, %arg7: memref<512xi32, #tpu.memory_space<vmem>>, %arg8: memref<7680xi32, #tpu.memory_space<vmem>>, %arg9: memref<7680xi32, #tpu.memory_space<vmem>>, %arg10: memref<2x120x128xf32, #tpu.memory_space<vmem>>, %arg11: memref<2x120x128xf32, #tpu.memory_space<vmem>>, %arg12: memref<128x128xf32, #tpu.memory_space<vmem>>, %arg13: memref<512x64xf32, #tpu.memory_space<vmem>>, %arg14: memref<2x!tpu.dma_semaphore, #tpu.memory_space<semaphore_mem>>, %arg15: memref<2x!tpu.dma_semaphore, #tpu.memory_space<semaphore_mem>>, %arg16: memref<!tpu.dma_semaphore, #tpu.memory_space<semaphore_mem>>) attributes {dimension_semantics = [#tpu.dimension_semantics<core_parallel>, #tpu.dimension_semantics<subcore_parallel>], iteration_bounds = array<i64: 2, 16>, scalar_prefetch = 0 : i64, scratch_operands = 10 : i64, tpu.core_type = #tpu.core_type<sc_vector_subcore>, window_params = [{transform_indices = #map}, {transform_indices = #map1}, {transform_indices = #map1}, {transform_indices = #map1}, {transform_indices = #map}]} {
    %mul3A = arith.constant 2 : i32
    %mul3A_0 = arith.muli %arg1, %mul3A : i32
    %add3A = arith.addi %mul3A_0, %arg0 : i32
    %mul3A_1 = arith.constant 512 : i32
    %mul3A_2 = arith.muli %add3A, %mul3A_1 : i32
    "tpu.region"() ({
      %run_scoped3A = tpu.sem_alloc : memref<!tpu.dma_semaphore, #tpu.memory_space<semaphore_mem>>
      %dma_start3A_87 = tpu.memref_slice %arg3[%mul3A_2] : memref<16384xi32, #tpu.memory_space<hbm>> -> memref<512xi32, #tpu.memory_space<hbm>>
      %dma_start3A_88 = tpu.memref_slice %arg3[%mul3A_2] : memref<16384xi32, #tpu.memory_space<hbm>> -> memref<512xi32, #tpu.memory_space<hbm>>
      tpu.enqueue_dma source(%dma_start3A_88 : memref<512xi32, #tpu.memory_space<hbm>>) target(%arg7 : memref<512xi32, #tpu.memory_space<vmem>>) target_semaphore(%run_scoped3A : memref<!tpu.dma_semaphore, #tpu.memory_space<semaphore_mem>>)
      %dma_wait3A_89 = tpu.memref_slice %arg3[%mul3A_2] : memref<16384xi32, #tpu.memory_space<hbm>> -> memref<512xi32, #tpu.memory_space<hbm>>
      %dma_wait3A_90 = tpu.memref_slice %arg3[%mul3A_2] : memref<16384xi32, #tpu.memory_space<hbm>> -> memref<512xi32, #tpu.memory_space<hbm>>
      tpu.wait_dma2 semaphore(%run_scoped3A : memref<!tpu.dma_semaphore, #tpu.memory_space<semaphore_mem>>) src(%dma_wait3A_90 : memref<512xi32, #tpu.memory_space<hbm>>) dst(%arg7 : memref<512xi32, #tpu.memory_space<vmem>>)
      tpu.yield
    }) : () -> ()
    %mul3A_3 = arith.constant 15 : i32
    %mul3A_4 = arith.muli %mul3A_2, %mul3A_3 : i32
    "tpu.region"() ({
      %run_scoped3A = tpu.sem_alloc : memref<!tpu.dma_semaphore, #tpu.memory_space<semaphore_mem>>
      %dma_start3A_87 = tpu.memref_slice %arg4[%mul3A_4] : memref<245760xi32, #tpu.memory_space<hbm>> -> memref<7680xi32, #tpu.memory_space<hbm>>
      %dma_start3A_88 = tpu.memref_slice %arg4[%mul3A_4] : memref<245760xi32, #tpu.memory_space<hbm>> -> memref<7680xi32, #tpu.memory_space<hbm>>
      tpu.enqueue_dma source(%dma_start3A_88 : memref<7680xi32, #tpu.memory_space<hbm>>) target(%arg8 : memref<7680xi32, #tpu.memory_space<vmem>>) target_semaphore(%run_scoped3A : memref<!tpu.dma_semaphore, #tpu.memory_space<semaphore_mem>>)
      %dma_wait3A_89 = tpu.memref_slice %arg4[%mul3A_4] : memref<245760xi32, #tpu.memory_space<hbm>> -> memref<7680xi32, #tpu.memory_space<hbm>>
      %dma_wait3A_90 = tpu.memref_slice %arg4[%mul3A_4] : memref<245760xi32, #tpu.memory_space<hbm>> -> memref<7680xi32, #tpu.memory_space<hbm>>
      tpu.wait_dma2 semaphore(%run_scoped3A : memref<!tpu.dma_semaphore, #tpu.memory_space<semaphore_mem>>) src(%dma_wait3A_90 : memref<7680xi32, #tpu.memory_space<hbm>>) dst(%arg8 : memref<7680xi32, #tpu.memory_space<vmem>>)
      tpu.yield
    }) : () -> ()
    %mul3A_5 = arith.constant 15 : i32
    %mul3A_6 = arith.muli %mul3A_2, %mul3A_5 : i32
    "tpu.region"() ({
      %run_scoped3A = tpu.sem_alloc : memref<!tpu.dma_semaphore, #tpu.memory_space<semaphore_mem>>
      %dma_start3A_87 = tpu.memref_slice %arg5[%mul3A_6] : memref<245760xi32, #tpu.memory_space<hbm>> -> memref<7680xi32, #tpu.memory_space<hbm>>
      %dma_start3A_88 = tpu.memref_slice %arg5[%mul3A_6] : memref<245760xi32, #tpu.memory_space<hbm>> -> memref<7680xi32, #tpu.memory_space<hbm>>
      tpu.enqueue_dma source(%dma_start3A_88 : memref<7680xi32, #tpu.memory_space<hbm>>) target(%arg9 : memref<7680xi32, #tpu.memory_space<vmem>>) target_semaphore(%run_scoped3A : memref<!tpu.dma_semaphore, #tpu.memory_space<semaphore_mem>>)
      %dma_wait3A_89 = tpu.memref_slice %arg5[%mul3A_6] : memref<245760xi32, #tpu.memory_space<hbm>> -> memref<7680xi32, #tpu.memory_space<hbm>>
      %dma_wait3A_90 = tpu.memref_slice %arg5[%mul3A_6] : memref<245760xi32, #tpu.memory_space<hbm>> -> memref<7680xi32, #tpu.memory_space<hbm>>
      tpu.wait_dma2 semaphore(%run_scoped3A : memref<!tpu.dma_semaphore, #tpu.memory_space<semaphore_mem>>) src(%dma_wait3A_90 : memref<7680xi32, #tpu.memory_space<hbm>>) dst(%arg9 : memref<7680xi32, #tpu.memory_space<vmem>>)
      tpu.yield
    }) : () -> ()
    %dma_start3A = arith.constant 0 : i32
    %dma_start3A_7 = tpu.memref_slice %arg7[%dma_start3A] : memref<512xi32, #tpu.memory_space<vmem>> -> memref<128xi32, #tpu.memory_space<vmem>>
    %dma_start3A_8 = arith.constant 0 : i32
    %dma_start3A_9 = arith.constant 0 : i32
    %dma_start3A_10 = tpu.memref_slice %arg2[%dma_start3A_8, %dma_start3A_9] : memref<1003520x128xf32, #tpu.memory_space<hbm>> -> memref<1003520x128xf32, #tpu.memory_space<hbm>>
    tpu.enqueue_indirect_dma source(%dma_start3A_10 : memref<1003520x128xf32, #tpu.memory_space<hbm>>) target(%arg12 : memref<128x128xf32, #tpu.memory_space<vmem>>) offsets(%dma_start3A_7 : memref<128xi32, #tpu.memory_space<vmem>>) semaphore(%arg16 : memref<!tpu.dma_semaphore, #tpu.memory_space<semaphore_mem>>)
    %dma_wait3A = arith.constant 0 : i32
    %dma_wait3A_11 = tpu.memref_slice %arg7[%dma_wait3A] : memref<512xi32, #tpu.memory_space<vmem>> -> memref<128xi32, #tpu.memory_space<vmem>>
    %dma_wait3A_12 = arith.constant 0 : i32
    %dma_wait3A_13 = arith.constant 0 : i32
    %dma_wait3A_14 = tpu.memref_slice %arg2[%dma_wait3A_12, %dma_wait3A_13] : memref<1003520x128xf32, #tpu.memory_space<hbm>> -> memref<1003520x128xf32, #tpu.memory_space<hbm>>
    tpu.wait_indirect_dma semaphore(%arg16 : memref<!tpu.dma_semaphore, #tpu.memory_space<semaphore_mem>>) src(%dma_wait3A_14 : memref<1003520x128xf32, #tpu.memory_space<hbm>>) dst(%arg12 : memref<128x128xf32, #tpu.memory_space<vmem>>)
    %parallel_loop3A = arith.constant 0 : i32
    %parallel_loop3A_15 = arith.constant 128 : i32
    %parallel_loop3A_16 = arith.constant 1 : i32
    scf.for %parallel_loop3A_87 = %parallel_loop3A to %parallel_loop3A_15 step %parallel_loop3A_16  : i32 {
      %parallel_loop3A_88 = arith.index_cast %parallel_loop3A_87 : i32 to index
      %parallel_loop3A_89 = arith.constant 0 : index
      %parallel_loop3A_90 = tpu.vector_load %arg12[%parallel_loop3A_88, %parallel_loop3A_89] {strides = array<i32>} : memref<128x128xf32, #tpu.memory_space<vmem>>, vector<1x16xf32>,
      %parallel_loop3A_91 = vector.shape_cast %parallel_loop3A_90 : vector<1x16xf32> to vector<16xf32>
      %parallel_loop3A_92 = arith.constant 0.333333343 : f32
      %parallel_loop3A_93 = vector.broadcast %parallel_loop3A_92 : f32 to vector<16xf32>
      %parallel_loop3A_94 = arith.mulf %parallel_loop3A_91, %parallel_loop3A_93 : vector<16xf32>
      %parallel_loop3A_95 = arith.constant 0 : i32
      %parallel_loop3A_96 = arith.addi %parallel_loop3A_95, %parallel_loop3A_87 : i32
      %parallel_loop3A_97 = arith.index_cast %parallel_loop3A_96 : i32 to index
      %parallel_loop3A_98 = arith.constant 0 : index
      %parallel_loop3A_99 = tpu.vector_load %arg13[%parallel_loop3A_97, %parallel_loop3A_98] {strides = array<i32>} : memref<512x64xf32, #tpu.memory_space<vmem>>, vector<1x16xf32>,
      %parallel_loop3A_100 = vector.shape_cast %parallel_loop3A_99 : vector<1x16xf32> to vector<16xf32>
      %parallel_loop3A_101 = vector.shape_cast %parallel_loop3A_94 : vector<16xf32> to vector<1x16xf32>
      tpu.vector_store %arg13[%parallel_loop3A_97, %parallel_loop3A_98], %parallel_loop3A_101 {strides = array<i32>} : memref<512x64xf32, #tpu.memory_space<vmem>>, vector<1x16xf32>,
      %parallel_loop3A_102 = arith.index_cast %parallel_loop3A_87 : i32 to index
      %parallel_loop3A_103 = arith.constant 16 : index
      %parallel_loop3A_104 = tpu.vector_load %arg12[%parallel_loop3A_102, %parallel_loop3A_103] {strides = array<i32>} : memref<128x128xf32, #tpu.memory_space<vmem>>, vector<1x16xf32>,
      %parallel_loop3A_105 = vector.shape_cast %parallel_loop3A_104 : vector<1x16xf32> to vector<16xf32>
      %parallel_loop3A_106 = arith.constant 0.333333343 : f32
      %parallel_loop3A_107 = vector.broadcast %parallel_loop3A_106 : f32 to vector<16xf32>
      %parallel_loop3A_108 = arith.mulf %parallel_loop3A_105, %parallel_loop3A_107 : vector<16xf32>
      %parallel_loop3A_109 = arith.constant 0 : i32
      %parallel_loop3A_110 = arith.addi %parallel_loop3A_109, %parallel_loop3A_87 : i32
      %parallel_loop3A_111 = arith.index_cast %parallel_loop3A_110 : i32 to index
      %parallel_loop3A_112 = arith.constant 16 : index
      %parallel_loop3A_113 = tpu.vector_load %arg13[%parallel_loop3A_111, %parallel_loop3A_112] {strides = array<i32>} : memref<512x64xf32, #tpu.memory_space<vmem>>, vector<1x16xf32>,
      %parallel_loop3A_114 = vector.shape_cast %parallel_loop3A_113 : vector<1x16xf32> to vector<16xf32>
      %parallel_loop3A_115 = vector.shape_cast %parallel_loop3A_108 : vector<16xf32> to vector<1x16xf32>
      tpu.vector_store %arg13[%parallel_loop3A_111, %parallel_loop3A_112], %parallel_loop3A_115 {strides = array<i32>} : memref<512x64xf32, #tpu.memory_space<vmem>>, vector<1x16xf32>,
      %parallel_loop3A_116 = arith.index_cast %parallel_loop3A_87 : i32 to index
      %parallel_loop3A_117 = arith.constant 32 : index
      %parallel_loop3A_118 = tpu.vector_load %arg12[%parallel_loop3A_116, %parallel_loop3A_117] {strides = array<i32>} : memref<128x128xf32, #tpu.memory_space<vmem>>, vector<1x16xf32>,
      %parallel_loop3A_119 = vector.shape_cast %parallel_loop3A_118 : vector<1x16xf32> to vector<16xf32>
      %parallel_loop3A_120 = arith.constant 0.333333343 : f32
      %parallel_loop3A_121 = vector.broadcast %parallel_loop3A_120 : f32 to vector<16xf32>
      %parallel_loop3A_122 = arith.mulf %parallel_loop3A_119, %parallel_loop3A_121 : vector<16xf32>
      %parallel_loop3A_123 = arith.constant 0 : i32
      %parallel_loop3A_124 = arith.addi %parallel_loop3A_123, %parallel_loop3A_87 : i32
      %parallel_loop3A_125 = arith.index_cast %parallel_loop3A_124 : i32 to index
      %parallel_loop3A_126 = arith.constant 32 : index
      %parallel_loop3A_127 = tpu.vector_load %arg13[%parallel_loop3A_125, %parallel_loop3A_126] {strides = array<i32>} : memref<512x64xf32, #tpu.memory_space<vmem>>, vector<1x16xf32>,
      %parallel_loop3A_128 = vector.shape_cast %parallel_loop3A_127 : vector<1x16xf32> to vector<16xf32>
      %parallel_loop3A_129 = vector.shape_cast %parallel_loop3A_122 : vector<16xf32> to vector<1x16xf32>
      tpu.vector_store %arg13[%parallel_loop3A_125, %parallel_loop3A_126], %parallel_loop3A_129 {strides = array<i32>} : memref<512x64xf32, #tpu.memory_space<vmem>>, vector<1x16xf32>,
      %parallel_loop3A_130 = arith.index_cast %parallel_loop3A_87 : i32 to index
      %parallel_loop3A_131 = arith.constant 48 : index
      %parallel_loop3A_132 = tpu.vector_load %arg12[%parallel_loop3A_130, %parallel_loop3A_131] {strides = array<i32>} : memref<128x128xf32, #tpu.memory_space<vmem>>, vector<1x16xf32>,
      %parallel_loop3A_133 = vector.shape_cast %parallel_loop3A_132 : vector<1x16xf32> to vector<16xf32>
      %parallel_loop3A_134 = arith.constant 0.333333343 : f32
      %parallel_loop3A_135 = vector.broadcast %parallel_loop3A_134 : f32 to vector<16xf32>
      %parallel_loop3A_136 = arith.mulf %parallel_loop3A_133, %parallel_loop3A_135 : vector<16xf32>
      %parallel_loop3A_137 = arith.constant 0 : i32
      %parallel_loop3A_138 = arith.addi %parallel_loop3A_137, %parallel_loop3A_87 : i32
      %parallel_loop3A_139 = arith.index_cast %parallel_loop3A_138 : i32 to index
      %parallel_loop3A_140 = arith.constant 48 : index
      %parallel_loop3A_141 = tpu.vector_load %arg13[%parallel_loop3A_139, %parallel_loop3A_140] {strides = array<i32>} : memref<512x64xf32, #tpu.memory_space<vmem>>, vector<1x16xf32>,
      %parallel_loop3A_142 = vector.shape_cast %parallel_loop3A_141 : vector<1x16xf32> to vector<16xf32>
      %parallel_loop3A_143 = vector.shape_cast %parallel_loop3A_136 : vector<16xf32> to vector<1x16xf32>
      tpu.vector_store %arg13[%parallel_loop3A_139, %parallel_loop3A_140], %parallel_loop3A_143 {strides = array<i32>} : memref<512x64xf32, #tpu.memory_space<vmem>>, vector<1x16xf32>,
    } {sc.loop_unroll_factor = 4 : i64, sc.parallel_access}
    %dma_start3A_17 = arith.constant 128 : i32
    %dma_start3A_18 = tpu.memref_slice %arg7[%dma_start3A_17] : memref<512xi32, #tpu.memory_space<vmem>> -> memref<128xi32, #tpu.memory_space<vmem>>
    %dma_start3A_19 = arith.constant 0 : i32
    %dma_start3A_20 = arith.constant 0 : i32
    %dma_start3A_21 = tpu.memref_slice %arg2[%dma_start3A_19, %dma_start3A_20] : memref<1003520x128xf32, #tpu.memory_space<hbm>> -> memref<1003520x128xf32, #tpu.memory_space<hbm>>
    tpu.enqueue_indirect_dma source(%dma_start3A_21 : memref<1003520x128xf32, #tpu.memory_space<hbm>>) target(%arg12 : memref<128x128xf32, #tpu.memory_space<vmem>>) offsets(%dma_start3A_18 : memref<128xi32, #tpu.memory_space<vmem>>) semaphore(%arg16 : memref<!tpu.dma_semaphore, #tpu.memory_space<semaphore_mem>>)
    %dma_wait3A_22 = arith.constant 128 : i32
    %dma_wait3A_23 = tpu.memref_slice %arg7[%dma_wait3A_22] : memref<512xi32, #tpu.memory_space<vmem>> -> memref<128xi32, #tpu.memory_space<vmem>>
    %dma_wait3A_24 = arith.constant 0 : i32
    %dma_wait3A_25 = arith.constant 0 : i32
    %dma_wait3A_26 = tpu.memref_slice %arg2[%dma_wait3A_24, %dma_wait3A_25] : memref<1003520x128xf32, #tpu.memory_space<hbm>> -> memref<1003520x128xf32, #tpu.memory_space<hbm>>
    tpu.wait_indirect_dma semaphore(%arg16 : memref<!tpu.dma_semaphore, #tpu.memory_space<semaphore_mem>>) src(%dma_wait3A_26 : memref<1003520x128xf32, #tpu.memory_space<hbm>>) dst(%arg12 : memref<128x128xf32, #tpu.memory_space<vmem>>)
    %parallel_loop3A_27 = arith.constant 0 : i32
    %parallel_loop3A_28 = arith.constant 128 : i32
    %parallel_loop3A_29 = arith.constant 1 : i32
    scf.for %parallel_loop3A_87 = %parallel_loop3A_27 to %parallel_loop3A_28 step %parallel_loop3A_29  : i32 {
      %parallel_loop3A_88 = arith.index_cast %parallel_loop3A_87 : i32 to index
      %parallel_loop3A_89 = arith.constant 0 : index
      %parallel_loop3A_90 = tpu.vector_load %arg12[%parallel_loop3A_88, %parallel_loop3A_89] {strides = array<i32>} : memref<128x128xf32, #tpu.memory_space<vmem>>, vector<1x16xf32>,
      %parallel_loop3A_91 = vector.shape_cast %parallel_loop3A_90 : vector<1x16xf32> to vector<16xf32>
      %parallel_loop3A_92 = arith.constant 0.333333343 : f32
      %parallel_loop3A_93 = vector.broadcast %parallel_loop3A_92 : f32 to vector<16xf32>
      %parallel_loop3A_94 = arith.mulf %parallel_loop3A_91, %parallel_loop3A_93 : vector<16xf32>
      %parallel_loop3A_95 = arith.constant 128 : i32
      %parallel_loop3A_96 = arith.addi %parallel_loop3A_95, %parallel_loop3A_87 : i32
      %parallel_loop3A_97 = arith.index_cast %parallel_loop3A_96 : i32 to index
      %parallel_loop3A_98 = arith.constant 0 : index
      %parallel_loop3A_99 = tpu.vector_load %arg13[%parallel_loop3A_97, %parallel_loop3A_98] {strides = array<i32>} : memref<512x64xf32, #tpu.memory_space<vmem>>, vector<1x16xf32>,
      %parallel_loop3A_100 = vector.shape_cast %parallel_loop3A_99 : vector<1x16xf32> to vector<16xf32>
      %parallel_loop3A_101 = vector.shape_cast %parallel_loop3A_94 : vector<16xf32> to vector<1x16xf32>
      tpu.vector_store %arg13[%parallel_loop3A_97, %parallel_loop3A_98], %parallel_loop3A_101 {strides = array<i32>} : memref<512x64xf32, #tpu.memory_space<vmem>>, vector<1x16xf32>,
      %parallel_loop3A_102 = arith.index_cast %parallel_loop3A_87 : i32 to index
      %parallel_loop3A_103 = arith.constant 16 : index
      %parallel_loop3A_104 = tpu.vector_load %arg12[%parallel_loop3A_102, %parallel_loop3A_103] {strides = array<i32>} : memref<128x128xf32, #tpu.memory_space<vmem>>, vector<1x16xf32>,
      %parallel_loop3A_105 = vector.shape_cast %parallel_loop3A_104 : vector<1x16xf32> to vector<16xf32>
      %parallel_loop3A_106 = arith.constant 0.333333343 : f32
      %parallel_loop3A_107 = vector.broadcast %parallel_loop3A_106 : f32 to vector<16xf32>
      %parallel_loop3A_108 = arith.mulf %parallel_loop3A_105, %parallel_loop3A_107 : vector<16xf32>
      %parallel_loop3A_109 = arith.constant 128 : i32
      %parallel_loop3A_110 = arith.addi %parallel_loop3A_109, %parallel_loop3A_87 : i32
      %parallel_loop3A_111 = arith.index_cast %parallel_loop3A_110 : i32 to index
      %parallel_loop3A_112 = arith.constant 16 : index
      %parallel_loop3A_113 = tpu.vector_load %arg13[%parallel_loop3A_111, %parallel_loop3A_112] {strides = array<i32>} : memref<512x64xf32, #tpu.memory_space<vmem>>, vector<1x16xf32>,
      %parallel_loop3A_114 = vector.shape_cast %parallel_loop3A_113 : vector<1x16xf32> to vector<16xf32>
      %parallel_loop3A_115 = vector.shape_cast %parallel_loop3A_108 : vector<16xf32> to vector<1x16xf32>
      tpu.vector_store %arg13[%parallel_loop3A_111, %parallel_loop3A_112], %parallel_loop3A_115 {strides = array<i32>} : memref<512x64xf32, #tpu.memory_space<vmem>>, vector<1x16xf32>,
      %parallel_loop3A_116 = arith.index_cast %parallel_loop3A_87 : i32 to index
      %parallel_loop3A_117 = arith.constant 32 : index
      %parallel_loop3A_118 = tpu.vector_load %arg12[%parallel_loop3A_116, %parallel_loop3A_117] {strides = array<i32>} : memref<128x128xf32, #tpu.memory_space<vmem>>, vector<1x16xf32>,
      %parallel_loop3A_119 = vector.shape_cast %parallel_loop3A_118 : vector<1x16xf32> to vector<16xf32>
      %parallel_loop3A_120 = arith.constant 0.333333343 : f32
      %parallel_loop3A_121 = vector.broadcast %parallel_loop3A_120 : f32 to vector<16xf32>
      %parallel_loop3A_122 = arith.mulf %parallel_loop3A_119, %parallel_loop3A_121 : vector<16xf32>
      %parallel_loop3A_123 = arith.constant 128 : i32
      %parallel_loop3A_124 = arith.addi %parallel_loop3A_123, %parallel_loop3A_87 : i32
      %parallel_loop3A_125 = arith.index_cast %parallel_loop3A_124 : i32 to index
      %parallel_loop3A_126 = arith.constant 32 : index
      %parallel_loop3A_127 = tpu.vector_load %arg13[%parallel_loop3A_125, %parallel_loop3A_126] {strides = array<i32>} : memref<512x64xf32, #tpu.memory_space<vmem>>, vector<1x16xf32>,
      %parallel_loop3A_128 = vector.shape_cast %parallel_loop3A_127 : vector<1x16xf32> to vector<16xf32>
      %parallel_loop3A_129 = vector.shape_cast %parallel_loop3A_122 : vector<16xf32> to vector<1x16xf32>
      tpu.vector_store %arg13[%parallel_loop3A_125, %parallel_loop3A_126], %parallel_loop3A_129 {strides = array<i32>} : memref<512x64xf32, #tpu.memory_space<vmem>>, vector<1x16xf32>,
      %parallel_loop3A_130 = arith.index_cast %parallel_loop3A_87 : i32 to index
      %parallel_loop3A_131 = arith.constant 48 : index
      %parallel_loop3A_132 = tpu.vector_load %arg12[%parallel_loop3A_130, %parallel_loop3A_131] {strides = array<i32>} : memref<128x128xf32, #tpu.memory_space<vmem>>, vector<1x16xf32>,
      %parallel_loop3A_133 = vector.shape_cast %parallel_loop3A_132 : vector<1x16xf32> to vector<16xf32>
      %parallel_loop3A_134 = arith.constant 0.333333343 : f32
      %parallel_loop3A_135 = vector.broadcast %parallel_loop3A_134 : f32 to vector<16xf32>
      %parallel_loop3A_136 = arith.mulf %parallel_loop3A_133, %parallel_loop3A_135 : vector<16xf32>
      %parallel_loop3A_137 = arith.constant 128 : i32
      %parallel_loop3A_138 = arith.addi %parallel_loop3A_137, %parallel_loop3A_87 : i32
      %parallel_loop3A_139 = arith.index_cast %parallel_loop3A_138 : i32 to index
      %parallel_loop3A_140 = arith.constant 48 : index
      %parallel_loop3A_141 = tpu.vector_load %arg13[%parallel_loop3A_139, %parallel_loop3A_140] {strides = array<i32>} : memref<512x64xf32, #tpu.memory_space<vmem>>, vector<1x16xf32>,
      %parallel_loop3A_142 = vector.shape_cast %parallel_loop3A_141 : vector<1x16xf32> to vector<16xf32>
      %parallel_loop3A_143 = vector.shape_cast %parallel_loop3A_136 : vector<16xf32> to vector<1x16xf32>
      tpu.vector_store %arg13[%parallel_loop3A_139, %parallel_loop3A_140], %parallel_loop3A_143 {strides = array<i32>} : memref<512x64xf32, #tpu.memory_space<vmem>>, vector<1x16xf32>,
    } {sc.loop_unroll_factor = 4 : i64, sc.parallel_access}
    %dma_start3A_30 = arith.constant 256 : i32
    %dma_start3A_31 = tpu.memref_slice %arg7[%dma_start3A_30] : memref<512xi32, #tpu.memory_space<vmem>> -> memref<128xi32, #tpu.memory_space<vmem>>
    %dma_start3A_32 = arith.constant 0 : i32
    %dma_start3A_33 = arith.constant 0 : i32
    %dma_start3A_34 = tpu.memref_slice %arg2[%dma_start3A_32, %dma_start3A_33] : memref<1003520x128xf32, #tpu.memory_space<hbm>> -> memref<1003520x128xf32, #tpu.memory_space<hbm>>
    tpu.enqueue_indirect_dma source(%dma_start3A_34 : memref<1003520x128xf32, #tpu.memory_space<hbm>>) target(%arg12 : memref<128x128xf32, #tpu.memory_space<vmem>>) offsets(%dma_start3A_31 : memref<128xi32, #tpu.memory_space<vmem>>) semaphore(%arg16 : memref<!tpu.dma_semaphore, #tpu.memory_space<semaphore_mem>>)
    %dma_wait3A_35 = arith.constant 256 : i32
    %dma_wait3A_36 = tpu.memref_slice %arg7[%dma_wait3A_35] : memref<512xi32, #tpu.memory_space<vmem>> -> memref<128xi32, #tpu.memory_space<vmem>>
    %dma_wait3A_37 = arith.constant 0 : i32
    %dma_wait3A_38 = arith.constant 0 : i32
    %dma_wait3A_39 = tpu.memref_slice %arg2[%dma_wait3A_37, %dma_wait3A_38] : memref<1003520x128xf32, #tpu.memory_space<hbm>> -> memref<1003520x128xf32, #tpu.memory_space<hbm>>
    tpu.wait_indirect_dma semaphore(%arg16 : memref<!tpu.dma_semaphore, #tpu.memory_space<semaphore_mem>>) src(%dma_wait3A_39 : memref<1003520x128xf32, #tpu.memory_space<hbm>>) dst(%arg12 : memref<128x128xf32, #tpu.memory_space<vmem>>)
    %parallel_loop3A_40 = arith.constant 0 : i32
    %parallel_loop3A_41 = arith.constant 128 : i32
    %parallel_loop3A_42 = arith.constant 1 : i32
    scf.for %parallel_loop3A_87 = %parallel_loop3A_40 to %parallel_loop3A_41 step %parallel_loop3A_42  : i32 {
      %parallel_loop3A_88 = arith.index_cast %parallel_loop3A_87 : i32 to index
      %parallel_loop3A_89 = arith.constant 0 : index
      %parallel_loop3A_90 = tpu.vector_load %arg12[%parallel_loop3A_88, %parallel_loop3A_89] {strides = array<i32>} : memref<128x128xf32, #tpu.memory_space<vmem>>, vector<1x16xf32>,
      %parallel_loop3A_91 = vector.shape_cast %parallel_loop3A_90 : vector<1x16xf32> to vector<16xf32>
      %parallel_loop3A_92 = arith.constant 0.333333343 : f32
      %parallel_loop3A_93 = vector.broadcast %parallel_loop3A_92 : f32 to vector<16xf32>
      %parallel_loop3A_94 = arith.mulf %parallel_loop3A_91, %parallel_loop3A_93 : vector<16xf32>
      %parallel_loop3A_95 = arith.constant 256 : i32
      %parallel_loop3A_96 = arith.addi %parallel_loop3A_95, %parallel_loop3A_87 : i32
      %parallel_loop3A_97 = arith.index_cast %parallel_loop3A_96 : i32 to index
      %parallel_loop3A_98 = arith.constant 0 : index
      %parallel_loop3A_99 = tpu.vector_load %arg13[%parallel_loop3A_97, %parallel_loop3A_98] {strides = array<i32>} : memref<512x64xf32, #tpu.memory_space<vmem>>, vector<1x16xf32>,
      %parallel_loop3A_100 = vector.shape_cast %parallel_loop3A_99 : vector<1x16xf32> to vector<16xf32>
      %parallel_loop3A_101 = vector.shape_cast %parallel_loop3A_94 : vector<16xf32> to vector<1x16xf32>
      tpu.vector_store %arg13[%parallel_loop3A_97, %parallel_loop3A_98], %parallel_loop3A_101 {strides = array<i32>} : memref<512x64xf32, #tpu.memory_space<vmem>>, vector<1x16xf32>,
      %parallel_loop3A_102 = arith.index_cast %parallel_loop3A_87 : i32 to index
      %parallel_loop3A_103 = arith.constant 16 : index
      %parallel_loop3A_104 = tpu.vector_load %arg12[%parallel_loop3A_102, %parallel_loop3A_103] {strides = array<i32>} : memref<128x128xf32, #tpu.memory_space<vmem>>, vector<1x16xf32>,
      %parallel_loop3A_105 = vector.shape_cast %parallel_loop3A_104 : vector<1x16xf32> to vector<16xf32>
      %parallel_loop3A_106 = arith.constant 0.333333343 : f32
      %parallel_loop3A_107 = vector.broadcast %parallel_loop3A_106 : f32 to vector<16xf32>
      %parallel_loop3A_108 = arith.mulf %parallel_loop3A_105, %parallel_loop3A_107 : vector<16xf32>
      %parallel_loop3A_109 = arith.constant 256 : i32
      %parallel_loop3A_110 = arith.addi %parallel_loop3A_109, %parallel_loop3A_87 : i32
      %parallel_loop3A_111 = arith.index_cast %parallel_loop3A_110 : i32 to index
      %parallel_loop3A_112 = arith.constant 16 : index
      %parallel_loop3A_113 = tpu.vector_load %arg13[%parallel_loop3A_111, %parallel_loop3A_112] {strides = array<i32>} : memref<512x64xf32, #tpu.memory_space<vmem>>, vector<1x16xf32>,
      %parallel_loop3A_114 = vector.shape_cast %parallel_loop3A_113 : vector<1x16xf32> to vector<16xf32>
      %parallel_loop3A_115 = vector.shape_cast %parallel_loop3A_108 : vector<16xf32> to vector<1x16xf32>
      tpu.vector_store %arg13[%parallel_loop3A_111, %parallel_loop3A_112], %parallel_loop3A_115 {strides = array<i32>} : memref<512x64xf32, #tpu.memory_space<vmem>>, vector<1x16xf32>,
      %parallel_loop3A_116 = arith.index_cast %parallel_loop3A_87 : i32 to index
      %parallel_loop3A_117 = arith.constant 32 : index
      %parallel_loop3A_118 = tpu.vector_load %arg12[%parallel_loop3A_116, %parallel_loop3A_117] {strides = array<i32>} : memref<128x128xf32, #tpu.memory_space<vmem>>, vector<1x16xf32>,
      %parallel_loop3A_119 = vector.shape_cast %parallel_loop3A_118 : vector<1x16xf32> to vector<16xf32>
      %parallel_loop3A_120 = arith.constant 0.333333343 : f32
      %parallel_loop3A_121 = vector.broadcast %parallel_loop3A_120 : f32 to vector<16xf32>
      %parallel_loop3A_122 = arith.mulf %parallel_loop3A_119, %parallel_loop3A_121 : vector<16xf32>
      %parallel_loop3A_123 = arith.constant 256 : i32
      %parallel_loop3A_124 = arith.addi %parallel_loop3A_123, %parallel_loop3A_87 : i32
      %parallel_loop3A_125 = arith.index_cast %parallel_loop3A_124 : i32 to index
      %parallel_loop3A_126 = arith.constant 32 : index
      %parallel_loop3A_127 = tpu.vector_load %arg13[%parallel_loop3A_125, %parallel_loop3A_126] {strides = array<i32>} : memref<512x64xf32, #tpu.memory_space<vmem>>, vector<1x16xf32>,
      %parallel_loop3A_128 = vector.shape_cast %parallel_loop3A_127 : vector<1x16xf32> to vector<16xf32>
      %parallel_loop3A_129 = vector.shape_cast %parallel_loop3A_122 : vector<16xf32> to vector<1x16xf32>
      tpu.vector_store %arg13[%parallel_loop3A_125, %parallel_loop3A_126], %parallel_loop3A_129 {strides = array<i32>} : memref<512x64xf32, #tpu.memory_space<vmem>>, vector<1x16xf32>,
      %parallel_loop3A_130 = arith.index_cast %parallel_loop3A_87 : i32 to index
      %parallel_loop3A_131 = arith.constant 48 : index
      %parallel_loop3A_132 = tpu.vector_load %arg12[%parallel_loop3A_130, %parallel_loop3A_131] {strides = array<i32>} : memref<128x128xf32, #tpu.memory_space<vmem>>, vector<1x16xf32>,
      %parallel_loop3A_133 = vector.shape_cast %parallel_loop3A_132 : vector<1x16xf32> to vector<16xf32>
      %parallel_loop3A_134 = arith.constant 0.333333343 : f32
      %parallel_loop3A_135 = vector.broadcast %parallel_loop3A_134 : f32 to vector<16xf32>
      %parallel_loop3A_136 = arith.mulf %parallel_loop3A_133, %parallel_loop3A_135 : vector<16xf32>
      %parallel_loop3A_137 = arith.constant 256 : i32
      %parallel_loop3A_138 = arith.addi %parallel_loop3A_137, %parallel_loop3A_87 : i32
      %parallel_loop3A_139 = arith.index_cast %parallel_loop3A_138 : i32 to index
      %parallel_loop3A_140 = arith.constant 48 : index
      %parallel_loop3A_141 = tpu.vector_load %arg13[%parallel_loop3A_139, %parallel_loop3A_140] {strides = array<i32>} : memref<512x64xf32, #tpu.memory_space<vmem>>, vector<1x16xf32>,
      %parallel_loop3A_142 = vector.shape_cast %parallel_loop3A_141 : vector<1x16xf32> to vector<16xf32>
      %parallel_loop3A_143 = vector.shape_cast %parallel_loop3A_136 : vector<16xf32> to vector<1x16xf32>
      tpu.vector_store %arg13[%parallel_loop3A_139, %parallel_loop3A_140], %parallel_loop3A_143 {strides = array<i32>} : memref<512x64xf32, #tpu.memory_space<vmem>>, vector<1x16xf32>,
    } {sc.loop_unroll_factor = 4 : i64, sc.parallel_access}
    %dma_start3A_43 = arith.constant 384 : i32
    %dma_start3A_44 = tpu.memref_slice %arg7[%dma_start3A_43] : memref<512xi32, #tpu.memory_space<vmem>> -> memref<128xi32, #tpu.memory_space<vmem>>
    %dma_start3A_45 = arith.constant 0 : i32
    %dma_start3A_46 = arith.constant 0 : i32
    %dma_start3A_47 = tpu.memref_slice %arg2[%dma_start3A_45, %dma_start3A_46] : memref<1003520x128xf32, #tpu.memory_space<hbm>> -> memref<1003520x128xf32, #tpu.memory_space<hbm>>
    tpu.enqueue_indirect_dma source(%dma_start3A_47 : memref<1003520x128xf32, #tpu.memory_space<hbm>>) target(%arg12 : memref<128x128xf32, #tpu.memory_space<vmem>>) offsets(%dma_start3A_44 : memref<128xi32, #tpu.memory_space<vmem>>) semaphore(%arg16 : memref<!tpu.dma_semaphore, #tpu.memory_space<semaphore_mem>>)
    %dma_wait3A_48 = arith.constant 384 : i32
    %dma_wait3A_49 = tpu.memref_slice %arg7[%dma_wait3A_48] : memref<512xi32, #tpu.memory_space<vmem>> -> memref<128xi32, #tpu.memory_space<vmem>>
    %dma_wait3A_50 = arith.constant 0 : i32
    %dma_wait3A_51 = arith.constant 0 : i32
    %dma_wait3A_52 = tpu.memref_slice %arg2[%dma_wait3A_50, %dma_wait3A_51] : memref<1003520x128xf32, #tpu.memory_space<hbm>> -> memref<1003520x128xf32, #tpu.memory_space<hbm>>
    tpu.wait_indirect_dma semaphore(%arg16 : memref<!tpu.dma_semaphore, #tpu.memory_space<semaphore_mem>>) src(%dma_wait3A_52 : memref<1003520x128xf32, #tpu.memory_space<hbm>>) dst(%arg12 : memref<128x128xf32, #tpu.memory_space<vmem>>)
    %parallel_loop3A_53 = arith.constant 0 : i32
    %parallel_loop3A_54 = arith.constant 128 : i32
    %parallel_loop3A_55 = arith.constant 1 : i32
    scf.for %parallel_loop3A_87 = %parallel_loop3A_53 to %parallel_loop3A_54 step %parallel_loop3A_55  : i32 {
      %parallel_loop3A_88 = arith.index_cast %parallel_loop3A_87 : i32 to index
      %parallel_loop3A_89 = arith.constant 0 : index
      %parallel_loop3A_90 = tpu.vector_load %arg12[%parallel_loop3A_88, %parallel_loop3A_89] {strides = array<i32>} : memref<128x128xf32, #tpu.memory_space<vmem>>, vector<1x16xf32>,
      %parallel_loop3A_91 = vector.shape_cast %parallel_loop3A_90 : vector<1x16xf32> to vector<16xf32>
      %parallel_loop3A_92 = arith.constant 0.333333343 : f32
      %parallel_loop3A_93 = vector.broadcast %parallel_loop3A_92 : f32 to vector<16xf32>
      %parallel_loop3A_94 = arith.mulf %parallel_loop3A_91, %parallel_loop3A_93 : vector<16xf32>
      %parallel_loop3A_95 = arith.constant 384 : i32
      %parallel_loop3A_96 = arith.addi %parallel_loop3A_95, %parallel_loop3A_87 : i32
      %parallel_loop3A_97 = arith.index_cast %parallel_loop3A_96 : i32 to index
      %parallel_loop3A_98 = arith.constant 0 : index
      %parallel_loop3A_99 = tpu.vector_load %arg13[%parallel_loop3A_97, %parallel_loop3A_98] {strides = array<i32>} : memref<512x64xf32, #tpu.memory_space<vmem>>, vector<1x16xf32>,
      %parallel_loop3A_100 = vector.shape_cast %parallel_loop3A_99 : vector<1x16xf32> to vector<16xf32>
      %parallel_loop3A_101 = vector.shape_cast %parallel_loop3A_94 : vector<16xf32> to vector<1x16xf32>
      tpu.vector_store %arg13[%parallel_loop3A_97, %parallel_loop3A_98], %parallel_loop3A_101 {strides = array<i32>} : memref<512x64xf32, #tpu.memory_space<vmem>>, vector<1x16xf32>,
      %parallel_loop3A_102 = arith.index_cast %parallel_loop3A_87 : i32 to index
      %parallel_loop3A_103 = arith.constant 16 : index
      %parallel_loop3A_104 = tpu.vector_load %arg12[%parallel_loop3A_102, %parallel_loop3A_103] {strides = array<i32>} : memref<128x128xf32, #tpu.memory_space<vmem>>, vector<1x16xf32>,
      %parallel_loop3A_105 = vector.shape_cast %parallel_loop3A_104 : vector<1x16xf32> to vector<16xf32>
      %parallel_loop3A_106 = arith.constant 0.333333343 : f32
      %parallel_loop3A_107 = vector.broadcast %parallel_loop3A_106 : f32 to vector<16xf32>
      %parallel_loop3A_108 = arith.mulf %parallel_loop3A_105, %parallel_loop3A_107 : vector<16xf32>
      %parallel_loop3A_109 = arith.constant 384 : i32
      %parallel_loop3A_110 = arith.addi %parallel_loop3A_109, %parallel_loop3A_87 : i32
      %parallel_loop3A_111 = arith.index_cast %parallel_loop3A_110 : i32 to index
      %parallel_loop3A_112 = arith.constant 16 : index
      %parallel_loop3A_113 = tpu.vector_load %arg13[%parallel_loop3A_111, %parallel_loop3A_112] {strides = array<i32>} : memref<512x64xf32, #tpu.memory_space<vmem>>, vector<1x16xf32>,
      %parallel_loop3A_114 = vector.shape_cast %parallel_loop3A_113 : vector<1x16xf32> to vector<16xf32>
      %parallel_loop3A_115 = vector.shape_cast %parallel_loop3A_108 : vector<16xf32> to vector<1x16xf32>
      tpu.vector_store %arg13[%parallel_loop3A_111, %parallel_loop3A_112], %parallel_loop3A_115 {strides = array<i32>} : memref<512x64xf32, #tpu.memory_space<vmem>>, vector<1x16xf32>,
      %parallel_loop3A_116 = arith.index_cast %parallel_loop3A_87 : i32 to index
      %parallel_loop3A_117 = arith.constant 32 : index
      %parallel_loop3A_118 = tpu.vector_load %arg12[%parallel_loop3A_116, %parallel_loop3A_117] {strides = array<i32>} : memref<128x128xf32, #tpu.memory_space<vmem>>, vector<1x16xf32>,
      %parallel_loop3A_119 = vector.shape_cast %parallel_loop3A_118 : vector<1x16xf32> to vector<16xf32>
      %parallel_loop3A_120 = arith.constant 0.333333343 : f32
      %parallel_loop3A_121 = vector.broadcast %parallel_loop3A_120 : f32 to vector<16xf32>
      %parallel_loop3A_122 = arith.mulf %parallel_loop3A_119, %parallel_loop3A_121 : vector<16xf32>
      %parallel_loop3A_123 = arith.constant 384 : i32
      %parallel_loop3A_124 = arith.addi %parallel_loop3A_123, %parallel_loop3A_87 : i32
      %parallel_loop3A_125 = arith.index_cast %parallel_loop3A_124 : i32 to index
      %parallel_loop3A_126 = arith.constant 32 : index
      %parallel_loop3A_127 = tpu.vector_load %arg13[%parallel_loop3A_125, %parallel_loop3A_126] {strides = array<i32>} : memref<512x64xf32, #tpu.memory_space<vmem>>, vector<1x16xf32>,
      %parallel_loop3A_128 = vector.shape_cast %parallel_loop3A_127 : vector<1x16xf32> to vector<16xf32>
      %parallel_loop3A_129 = vector.shape_cast %parallel_loop3A_122 : vector<16xf32> to vector<1x16xf32>
      tpu.vector_store %arg13[%parallel_loop3A_125, %parallel_loop3A_126], %parallel_loop3A_129 {strides = array<i32>} : memref<512x64xf32, #tpu.memory_space<vmem>>, vector<1x16xf32>,
      %parallel_loop3A_130 = arith.index_cast %parallel_loop3A_87 : i32 to index
      %parallel_loop3A_131 = arith.constant 48 : index
      %parallel_loop3A_132 = tpu.vector_load %arg12[%parallel_loop3A_130, %parallel_loop3A_131] {strides = array<i32>} : memref<128x128xf32, #tpu.memory_space<vmem>>, vector<1x16xf32>,
      %parallel_loop3A_133 = vector.shape_cast %parallel_loop3A_132 : vector<1x16xf32> to vector<16xf32>
      %parallel_loop3A_134 = arith.constant 0.333333343 : f32
      %parallel_loop3A_135 = vector.broadcast %parallel_loop3A_134 : f32 to vector<16xf32>
      %parallel_loop3A_136 = arith.mulf %parallel_loop3A_133, %parallel_loop3A_135 : vector<16xf32>
      %parallel_loop3A_137 = arith.constant 384 : i32
      %parallel_loop3A_138 = arith.addi %parallel_loop3A_137, %parallel_loop3A_87 : i32
      %parallel_loop3A_139 = arith.index_cast %parallel_loop3A_138 : i32 to index
      %parallel_loop3A_140 = arith.constant 48 : index
      %parallel_loop3A_141 = tpu.vector_load %arg13[%parallel_loop3A_139, %parallel_loop3A_140] {strides = array<i32>} : memref<512x64xf32, #tpu.memory_space<vmem>>, vector<1x16xf32>,
      %parallel_loop3A_142 = vector.shape_cast %parallel_loop3A_141 : vector<1x16xf32> to vector<16xf32>
      %parallel_loop3A_143 = vector.shape_cast %parallel_loop3A_136 : vector<16xf32> to vector<1x16xf32>
      tpu.vector_store %arg13[%parallel_loop3A_139, %parallel_loop3A_140], %parallel_loop3A_143 {strides = array<i32>} : memref<512x64xf32, #tpu.memory_space<vmem>>, vector<1x16xf32>,
    } {sc.loop_unroll_factor = 4 : i64, sc.parallel_access}
    %dma_start3A_56 = arith.constant 0 : i32
    %dma_start3A_57 = arith.constant 0 : i32
    %dma_start3A_58 = arith.constant 0 : i32
    %dma_start3A_59 = arith.constant 0 : i32
    %dma_start3A_60 = tpu.memref_slice %arg10[%dma_start3A_56, %dma_start3A_58, %dma_start3A_59] : memref<2x120x128xf32, #tpu.memory_space<vmem>> -> memref<1x120x128xf32, #tpu.memory_space<vmem>>
    %dma_start3A_61 = tpu.memref_squeeze %dma_start3A_60 : memref<1x120x128xf32, #tpu.memory_space<vmem>> -> memref<120x128xf32, #tpu.memory_space<vmem>>
    %dma_start3A_62 = arith.constant 0 : i32
    %dma_start3A_63 = tpu.memref_slice %arg8[%dma_start3A_62] : memref<7680xi32, #tpu.memory_space<vmem>> -> memref<120xi32, #tpu.memory_space<vmem>>
    %dma_start3A_64 = arith.constant 0 : i32
    %dma_start3A_65 = arith.constant 0 : i32
    %dma_start3A_66 = tpu.memref_slice %arg2[%dma_start3A_64, %dma_start3A_65] : memref<1003520x128xf32, #tpu.memory_space<hbm>> -> memref<1003520x128xf32, #tpu.memory_space<hbm>>
    %dma_start3A_67 = tpu.memref_slice %arg14[%dma_start3A_57] : memref<2x!tpu.dma_semaphore, #tpu.memory_space<semaphore_mem>> -> memref<1x!tpu.dma_semaphore, #tpu.memory_space<semaphore_mem>>
    %dma_start3A_68 = tpu.memref_squeeze %dma_start3A_67 : memref<1x!tpu.dma_semaphore, #tpu.memory_space<semaphore_mem>> -> memref<!tpu.dma_semaphore, #tpu.memory_space<semaphore_mem>>
    tpu.enqueue_indirect_dma source(%dma_start3A_66 : memref<1003520x128xf32, #tpu.memory_space<hbm>>) target(%dma_start3A_61 : memref<120x128xf32, #tpu.memory_space<vmem>>) offsets(%dma_start3A_63 : memref<120xi32, #tpu.memory_space<vmem>>) semaphore(%dma_start3A_68 : memref<!tpu.dma_semaphore, #tpu.memory_space<semaphore_mem>>)
    %dma_start3A_69 = arith.constant 0 : i32
    %dma_start3A_70 = arith.constant 0 : i32
    %dma_start3A_71 = arith.constant 0 : i32
    %dma_start3A_72 = arith.constant 0 : i32
    %dma_start3A_73 = tpu.memref_slice %arg11[%dma_start3A_69, %dma_start3A_71, %dma_start3A_72] : memref<2x120x128xf32, #tpu.memory_space<vmem>> -> memref<1x120x128xf32, #tpu.memory_space<vmem>>
    %dma_start3A_74 = tpu.memref_squeeze %dma_start3A_73 : memref<1x120x128xf32, #tpu.memory_space<vmem>> -> memref<120x128xf32, #tpu.memory_space<vmem>>
    %dma_start3A_75 = arith.constant 0 : i32
    %dma_start3A_76 = tpu.memref_slice %arg9[%dma_start3A_75] : memref<7680xi32, #tpu.memory_space<vmem>> -> memref<120xi32, #tpu.memory_space<vmem>>
    %dma_start3A_77 = arith.constant 0 : i32
    %dma_start3A_78 = arith.constant 0 : i32
    %dma_start3A_79 = tpu.memref_slice %arg2[%dma_start3A_77, %dma_start3A_78] : memref<1003520x128xf32, #tpu.memory_space<hbm>> -> memref<1003520x128xf32, #tpu.memory_space<hbm>>
    %dma_start3A_80 = tpu.memref_slice %arg15[%dma_start3A_70] : memref<2x!tpu.dma_semaphore, #tpu.memory_space<semaphore_mem>> -> memref<1x!tpu.dma_semaphore, #tpu.memory_space<semaphore_mem>>
    %dma_start3A_81 = tpu.memref_squeeze %dma_start3A_80 : memref<1x!tpu.dma_semaphore, #tpu.memory_space<semaphore_mem>> -> memref<!tpu.dma_semaphore, #tpu.memory_space<semaphore_mem>>
    tpu.enqueue_indirect_dma source(%dma_start3A_79 : memref<1003520x128xf32, #tpu.memory_space<hbm>>) target(%dma_start3A_74 : memref<120x128xf32, #tpu.memory_space<vmem>>) offsets(%dma_start3A_76 : memref<120xi32, #tpu.memory_space<vmem>>) semaphore(%dma_start3A_81 : memref<!tpu.dma_semaphore, #tpu.memory_space<semaphore_mem>>)
    %scan3A = arith.constant 0 : i32
    %scan3A_82 = arith.constant 0 : i32
    %scan3A_83 = arith.constant 32 : i32
    %scan3A_84 = arith.addi %scan3A_82, %scan3A_83 : i32
    %scan3A_85 = arith.constant 1 : i32
    scf.for %scan3A_87 = %scan3A_82 to %scan3A_84 step %scan3A_85  : i32 {
      %mul3A_88 = arith.constant 2 : i32
      %mul3A_89 = arith.muli %mul3A_88, %scan3A_87 : i32
      %add3A_90 = arith.constant 1 : i32
      %add3A_91 = arith.addi %mul3A_89, %add3A_90 : i32
      %mul3A_92 = arith.constant 120 : i32
      %mul3A_93 = arith.muli %add3A_91, %mul3A_92 : i32
      %dma_start3A_94 = arith.constant 1 : i32
      %dma_start3A_95 = arith.constant 1 : i32
      %dma_start3A_96 = arith.constant 0 : i32
      %dma_start3A_97 = arith.constant 0 : i32
      %dma_start3A_98 = tpu.memref_slice %arg10[%dma_start3A_94, %dma_start3A_96, %dma_start3A_97] : memref<2x120x128xf32, #tpu.memory_space<vmem>> -> memref<1x120x128xf32, #tpu.memory_space<vmem>>
      %dma_start3A_99 = tpu.memref_squeeze %dma_start3A_98 : memref<1x120x128xf32, #tpu.memory_space<vmem>> -> memref<120x128xf32, #tpu.memory_space<vmem>>
      %dma_start3A_100 = tpu.memref_slice %arg8[%mul3A_93] : memref<7680xi32, #tpu.memory_space<vmem>> -> memref<120xi32, #tpu.memory_space<vmem>>
      %dma_start3A_101 = arith.constant 0 : i32
      %dma_start3A_102 = arith.constant 0 : i32
      %dma_start3A_103 = tpu.memref_slice %arg2[%dma_start3A_101, %dma_start3A_102] : memref<1003520x128xf32, #tpu.memory_space<hbm>> -> memref<1003520x128xf32, #tpu.memory_space<hbm>>
      %dma_start3A_104 = tpu.memref_slice %arg14[%dma_start3A_95] : memref<2x!tpu.dma_semaphore, #tpu.memory_space<semaphore_mem>> -> memref<1x!tpu.dma_semaphore, #tpu.memory_space<semaphore_mem>>
      %dma_start3A_105 = tpu.memref_squeeze %dma_start3A_104 : memref<1x!tpu.dma_semaphore, #tpu.memory_space<semaphore_mem>> -> memref<!tpu.dma_semaphore, #tpu.memory_space<semaphore_mem>>
      tpu.enqueue_indirect_dma source(%dma_start3A_103 : memref<1003520x128xf32, #tpu.memory_space<hbm>>) target(%dma_start3A_99 : memref<120x128xf32, #tpu.memory_space<vmem>>) offsets(%dma_start3A_100 : memref<120xi32, #tpu.memory_space<vmem>>) semaphore(%dma_start3A_105 : memref<!tpu.dma_semaphore, #tpu.memory_space<semaphore_mem>>)
      %dma_start3A_106 = arith.constant 1 : i32
      %dma_start3A_107 = arith.constant 1 : i32
      %dma_start3A_108 = arith.constant 0 : i32
      %dma_start3A_109 = arith.constant 0 : i32
      %dma_start3A_110 = tpu.memref_slice %arg11[%dma_start3A_106, %dma_start3A_108, %dma_start3A_109] : memref<2x120x128xf32, #tpu.memory_space<vmem>> -> memref<1x120x128xf32, #tpu.memory_space<vmem>>
      %dma_start3A_111 = tpu.memref_squeeze %dma_start3A_110 : memref<1x120x128xf32, #tpu.memory_space<vmem>> -> memref<120x128xf32, #tpu.memory_space<vmem>>
      %dma_start3A_112 = tpu.memref_slice %arg9[%mul3A_93] : memref<7680xi32, #tpu.memory_space<vmem>> -> memref<120xi32, #tpu.memory_space<vmem>>
      %dma_start3A_113 = arith.constant 0 : i32
      %dma_start3A_114 = arith.constant 0 : i32
      %dma_start3A_115 = tpu.memref_slice %arg2[%dma_start3A_113, %dma_start3A_114] : memref<1003520x128xf32, #tpu.memory_space<hbm>> -> memref<1003520x128xf32, #tpu.memory_space<hbm>>
      %dma_start3A_116 = tpu.memref_slice %arg15[%dma_start3A_107] : memref<2x!tpu.dma_semaphore, #tpu.memory_space<semaphore_mem>> -> memref<1x!tpu.dma_semaphore, #tpu.memory_space<semaphore_mem>>
      %dma_start3A_117 = tpu.memref_squeeze %dma_start3A_116 : memref<1x!tpu.dma_semaphore, #tpu.memory_space<semaphore_mem>> -> memref<!tpu.dma_semaphore, #tpu.memory_space<semaphore_mem>>
      tpu.enqueue_indirect_dma source(%dma_start3A_115 : memref<1003520x128xf32, #tpu.memory_space<hbm>>) target(%dma_start3A_111 : memref<120x128xf32, #tpu.memory_space<vmem>>) offsets(%dma_start3A_112 : memref<120xi32, #tpu.memory_space<vmem>>) semaphore(%dma_start3A_117 : memref<!tpu.dma_semaphore, #tpu.memory_space<semaphore_mem>>)
      %dma_wait3A_118 = arith.constant 0 : i32
      %dma_wait3A_119 = arith.constant 0 : i32
      %dma_wait3A_120 = arith.constant 0 : i32
      %dma_wait3A_121 = arith.constant 0 : i32
      %dma_wait3A_122 = tpu.memref_slice %arg10[%dma_wait3A_118, %dma_wait3A_120, %dma_wait3A_121] : memref<2x120x128xf32, #tpu.memory_space<vmem>> -> memref<1x120x128xf32, #tpu.memory_space<vmem>>
      %dma_wait3A_123 = tpu.memref_squeeze %dma_wait3A_122 : memref<1x120x128xf32, #tpu.memory_space<vmem>> -> memref<120x128xf32, #tpu.memory_space<vmem>>
      %dma_wait3A_124 = arith.constant 0 : i32
      %dma_wait3A_125 = tpu.memref_slice %arg8[%dma_wait3A_124] : memref<7680xi32, #tpu.memory_space<vmem>> -> memref<120xi32, #tpu.memory_space<vmem>>
      %dma_wait3A_126 = arith.constant 0 : i32
      %dma_wait3A_127 = arith.constant 0 : i32
      %dma_wait3A_128 = tpu.memref_slice %arg2[%dma_wait3A_126, %dma_wait3A_127] : memref<1003520x128xf32, #tpu.memory_space<hbm>> -> memref<1003520x128xf32, #tpu.memory_space<hbm>>
      %dma_wait3A_129 = tpu.memref_slice %arg14[%dma_wait3A_119] : memref<2x!tpu.dma_semaphore, #tpu.memory_space<semaphore_mem>> -> memref<1x!tpu.dma_semaphore, #tpu.memory_space<semaphore_mem>>
      %dma_wait3A_130 = tpu.memref_squeeze %dma_wait3A_129 : memref<1x!tpu.dma_semaphore, #tpu.memory_space<semaphore_mem>> -> memref<!tpu.dma_semaphore, #tpu.memory_space<semaphore_mem>>
      tpu.wait_indirect_dma semaphore(%dma_wait3A_130 : memref<!tpu.dma_semaphore, #tpu.memory_space<semaphore_mem>>) src(%dma_wait3A_128 : memref<1003520x128xf32, #tpu.memory_space<hbm>>) dst(%dma_wait3A_123 : memref<120x128xf32, #tpu.memory_space<vmem>>)
      %dma_wait3A_131 = arith.constant 0 : i32
      %dma_wait3A_132 = arith.constant 0 : i32
      %dma_wait3A_133 = arith.constant 0 : i32
      %dma_wait3A_134 = arith.constant 0 : i32
      %dma_wait3A_135 = tpu.memref_slice %arg11[%dma_wait3A_131, %dma_wait3A_133, %dma_wait3A_134] : memref<2x120x128xf32, #tpu.memory_space<vmem>> -> memref<1x120x128xf32, #tpu.memory_space<vmem>>
      %dma_wait3A_136 = tpu.memref_squeeze %dma_wait3A_135 : memref<1x120x128xf32, #tpu.memory_space<vmem>> -> memref<120x128xf32, #tpu.memory_space<vmem>>
      %dma_wait3A_137 = arith.constant 0 : i32
      %dma_wait3A_138 = tpu.memref_slice %arg9[%dma_wait3A_137] : memref<7680xi32, #tpu.memory_space<vmem>> -> memref<120xi32, #tpu.memory_space<vmem>>
      %dma_wait3A_139 = arith.constant 0 : i32
      %dma_wait3A_140 = arith.constant 0 : i32
      %dma_wait3A_141 = tpu.memref_slice %arg2[%dma_wait3A_139, %dma_wait3A_140] : memref<1003520x128xf32, #tpu.memory_space<hbm>> -> memref<1003520x128xf32, #tpu.memory_space<hbm>>
      %dma_wait3A_142 = tpu.memref_slice %arg15[%dma_wait3A_132] : memref<2x!tpu.dma_semaphore, #tpu.memory_space<semaphore_mem>> -> memref<1x!tpu.dma_semaphore, #tpu.memory_space<semaphore_mem>>
      %dma_wait3A_143 = tpu.memref_squeeze %dma_wait3A_142 : memref<1x!tpu.dma_semaphore, #tpu.memory_space<semaphore_mem>> -> memref<!tpu.dma_semaphore, #tpu.memory_space<semaphore_mem>>
      tpu.wait_indirect_dma semaphore(%dma_wait3A_143 : memref<!tpu.dma_semaphore, #tpu.memory_space<semaphore_mem>>) src(%dma_wait3A_141 : memref<1003520x128xf32, #tpu.memory_space<hbm>>) dst(%dma_wait3A_136 : memref<120x128xf32, #tpu.memory_space<vmem>>)
      %mul3A_144 = arith.constant 8 : i32
      %mul3A_145 = arith.muli %mul3A_89, %mul3A_144 : i32
      %parallel_loop3A_146 = arith.constant 0 : i32
      %parallel_loop3A_147 = arith.constant 8 : i32
      %parallel_loop3A_148 = arith.constant 1 : i32
      scf.for %parallel_loop3A_186 = %parallel_loop3A_146 to %parallel_loop3A_147 step %parallel_loop3A_148  : i32 {
        %parallel_loop3A_187 = arith.constant 15 : i32
        %parallel_loop3A_188 = arith.muli %parallel_loop3A_186, %parallel_loop3A_187 : i32
        %parallel_loop3A_189 = arith.addi %mul3A_145, %parallel_loop3A_186 : i32
        %parallel_loop3A_190 = arith.constant 0 : i32
        %parallel_loop3A_191 = arith.index_cast %parallel_loop3A_190 : i32 to index
        %parallel_loop3A_192 = arith.index_cast %parallel_loop3A_188 : i32 to index
        %parallel_loop3A_193 = arith.constant 0 : index
        %parallel_loop3A_194 = tpu.vector_load %arg10[%parallel_loop3A_191, %parallel_loop3A_192, %parallel_loop3A_193] {strides = array<i32>} : memref<2x120x128xf32, #tpu.memory_space<vmem>>, vector<1x1x16xf32>,
        %parallel_loop3A_195 = vector.shape_cast %parallel_loop3A_194 : vector<1x1x16xf32> to vector<16xf32>
        %parallel_loop3A_196 = arith.constant 0 : i32
        %parallel_loop3A_197 = arith.index_cast %parallel_loop3A_196 : i32 to index
        %parallel_loop3A_198 = arith.index_cast %parallel_loop3A_188 : i32 to index
        %parallel_loop3A_199 = arith.constant 0 : index
        %parallel_loop3A_200 = tpu.vector_load %arg11[%parallel_loop3A_197, %parallel_loop3A_198, %parallel_loop3A_199] {strides = array<i32>} : memref<2x120x128xf32, #tpu.memory_space<vmem>>, vector<1x1x16xf32>,
        %parallel_loop3A_201 = vector.shape_cast %parallel_loop3A_200 : vector<1x1x16xf32> to vector<16xf32>
        %parallel_loop3A_202 = arith.addf %parallel_loop3A_195, %parallel_loop3A_201 : vector<16xf32>
        %parallel_loop3A_203 = arith.constant 0 : i32
        %parallel_loop3A_204 = arith.index_cast %parallel_loop3A_203 : i32 to index
        %parallel_loop3A_205 = arith.index_cast %parallel_loop3A_188 : i32 to index
        %parallel_loop3A_206 = arith.constant 16 : index
        %parallel_loop3A_207 = tpu.vector_load %arg10[%parallel_loop3A_204, %parallel_loop3A_205, %parallel_loop3A_206] {strides = array<i32>} : memref<2x120x128xf32, #tpu.memory_space<vmem>>, vector<1x1x16xf32>,
        %parallel_loop3A_208 = vector.shape_cast %parallel_loop3A_207 : vector<1x1x16xf32> to vector<16xf32>
        %parallel_loop3A_209 = arith.constant 0 : i32
        %parallel_loop3A_210 = arith.index_cast %parallel_loop3A_209 : i32 to index
        %parallel_loop3A_211 = arith.index_cast %parallel_loop3A_188 : i32 to index
        %parallel_loop3A_212 = arith.constant 16 : index
        %parallel_loop3A_213 = tpu.vector_load %arg11[%parallel_loop3A_210, %parallel_loop3A_211, %parallel_loop3A_212] {strides = array<i32>} : memref<2x120x128xf32, #tpu.memory_space<vmem>>, vector<1x1x16xf32>,
        %parallel_loop3A_214 = vector.shape_cast %parallel_loop3A_213 : vector<1x1x16xf32> to vector<16xf32>
        %parallel_loop3A_215 = arith.addf %parallel_loop3A_208, %parallel_loop3A_214 : vector<16xf32>
        %parallel_loop3A_216 = arith.constant 0 : i32
        %parallel_loop3A_217 = arith.index_cast %parallel_loop3A_216 : i32 to index
        %parallel_loop3A_218 = arith.index_cast %parallel_loop3A_188 : i32 to index
        %parallel_loop3A_219 = arith.constant 32 : index
        %parallel_loop3A_220 = tpu.vector_load %arg10[%parallel_loop3A_217, %parallel_loop3A_218, %parallel_loop3A_219] {strides = array<i32>} : memref<2x120x128xf32, #tpu.memory_space<vmem>>, vector<1x1x16xf32>,
        %parallel_loop3A_221 = vector.shape_cast %parallel_loop3A_220 : vector<1x1x16xf32> to vector<16xf32>
        %parallel_loop3A_222 = arith.constant 0 : i32
        %parallel_loop3A_223 = arith.index_cast %parallel_loop3A_222 : i32 to index
        %parallel_loop3A_224 = arith.index_cast %parallel_loop3A_188 : i32 to index
        %parallel_loop3A_225 = arith.constant 32 : index
        %parallel_loop3A_226 = tpu.vector_load %arg11[%parallel_loop3A_223, %parallel_loop3A_224, %parallel_loop3A_225] {strides = array<i32>} : memref<2x120x128xf32, #tpu.memory_space<vmem>>, vector<1x1x16xf32>,
        %parallel_loop3A_227 = vector.shape_cast %parallel_loop3A_226 : vector<1x1x16xf32> to vector<16xf32>
        %parallel_loop3A_228 = arith.addf %parallel_loop3A_221, %parallel_loop3A_227 : vector<16xf32>
        %parallel_loop3A_229 = arith.constant 0 : i32
        %parallel_loop3A_230 = arith.index_cast %parallel_loop3A_229 : i32 to index
        %parallel_loop3A_231 = arith.index_cast %parallel_loop3A_188 : i32 to index
        %parallel_loop3A_232 = arith.constant 48 : index
        %parallel_loop3A_233 = tpu.vector_load %arg10[%parallel_loop3A_230, %parallel_loop3A_231, %parallel_loop3A_232] {strides = array<i32>} : memref<2x120x128xf32, #tpu.memory_space<vmem>>, vector<1x1x16xf32>,
        %parallel_loop3A_234 = vector.shape_cast %parallel_loop3A_233 : vector<1x1x16xf32> to vector<16xf32>
        %parallel_loop3A_235 = arith.constant 0 : i32
        %parallel_loop3A_236 = arith.index_cast %parallel_loop3A_235 : i32 to index
        %parallel_loop3A_237 = arith.index_cast %parallel_loop3A_188 : i32 to index
        %parallel_loop3A_238 = arith.constant 48 : index
        %parallel_loop3A_239 = tpu.vector_load %arg11[%parallel_loop3A_236, %parallel_loop3A_237, %parallel_loop3A_238] {strides = array<i32>} : memref<2x120x128xf32, #tpu.memory_space<vmem>>, vector<1x1x16xf32>,
        %parallel_loop3A_240 = vector.shape_cast %parallel_loop3A_239 : vector<1x1x16xf32> to vector<16xf32>
        %parallel_loop3A_241 = arith.addf %parallel_loop3A_234, %parallel_loop3A_240 : vector<16xf32>
        %parallel_loop3A_242 = arith.constant 1 : i32
        %parallel_loop3A_243 = arith.addi %parallel_loop3A_188, %parallel_loop3A_242 : i32
        %parallel_loop3A_244 = arith.constant 0 : i32
        %parallel_loop3A_245 = arith.index_cast %parallel_loop3A_244 : i32 to index
        %parallel_loop3A_246 = arith.index_cast %parallel_loop3A_243 : i32 to index
        %parallel_loop3A_247 = arith.constant 0 : index
        %parallel_loop3A_248 = tpu.vector_load %arg10[%parallel_loop3A_245, %parallel_loop3A_246, %parallel_loop3A_247] {strides = array<i32>} : memref<2x120x128xf32, #tpu.memory_space<vmem>>, vector<1x1x16xf32>,
        %parallel_loop3A_249 = vector.shape_cast %parallel_loop3A_248 : vector<1x1x16xf32> to vector<16xf32>
        %parallel_loop3A_250 = arith.addf %parallel_loop3A_202, %parallel_loop3A_249 : vector<16xf32>
        %parallel_loop3A_251 = arith.constant 1 : i32
        %parallel_loop3A_252 = arith.addi %parallel_loop3A_188, %parallel_loop3A_251 : i32
        %parallel_loop3A_253 = arith.constant 0 : i32
        %parallel_loop3A_254 = arith.index_cast %parallel_loop3A_253 : i32 to index
        %parallel_loop3A_255 = arith.index_cast %parallel_loop3A_252 : i32 to index
        %parallel_loop3A_256 = arith.constant 0 : index
        %parallel_loop3A_257 = tpu.vector_load %arg11[%parallel_loop3A_254, %parallel_loop3A_255, %parallel_loop3A_256] {strides = array<i32>} : memref<2x120x128xf32, #tpu.memory_space<vmem>>, vector<1x1x16xf32>,
        %parallel_loop3A_258 = vector.shape_cast %parallel_loop3A_257 : vector<1x1x16xf32> to vector<16xf32>
        %parallel_loop3A_259 = arith.addf %parallel_loop3A_250, %parallel_loop3A_258 : vector<16xf32>
        %parallel_loop3A_260 = arith.constant 1 : i32
        %parallel_loop3A_261 = arith.addi %parallel_loop3A_188, %parallel_loop3A_260 : i32
        %parallel_loop3A_262 = arith.constant 0 : i32
        %parallel_loop3A_263 = arith.index_cast %parallel_loop3A_262 : i32 to index
        %parallel_loop3A_264 = arith.index_cast %parallel_loop3A_261 : i32 to index
        %parallel_loop3A_265 = arith.constant 16 : index
        %parallel_loop3A_266 = tpu.vector_load %arg10[%parallel_loop3A_263, %parallel_loop3A_264, %parallel_loop3A_265] {strides = array<i32>} : memref<2x120x128xf32, #tpu.memory_space<vmem>>, vector<1x1x16xf32>,
        %parallel_loop3A_267 = vector.shape_cast %parallel_loop3A_266 : vector<1x1x16xf32> to vector<16xf32>
        %parallel_loop3A_268 = arith.addf %parallel_loop3A_215, %parallel_loop3A_267 : vector<16xf32>
        %parallel_loop3A_269 = arith.constant 1 : i32
        %parallel_loop3A_270 = arith.addi %parallel_loop3A_188, %parallel_loop3A_269 : i32
        %parallel_loop3A_271 = arith.constant 0 : i32
        %parallel_loop3A_272 = arith.index_cast %parallel_loop3A_271 : i32 to index
        %parallel_loop3A_273 = arith.index_cast %parallel_loop3A_270 : i32 to index
        %parallel_loop3A_274 = arith.constant 16 : index
        %parallel_loop3A_275 = tpu.vector_load %arg11[%parallel_loop3A_272, %parallel_loop3A_273, %parallel_loop3A_274] {strides = array<i32>} : memref<2x120x128xf32, #tpu.memory_space<vmem>>, vector<1x1x16xf32>,
        %parallel_loop3A_276 = vector.shape_cast %parallel_loop3A_275 : vector<1x1x16xf32> to vector<16xf32>
        %parallel_loop3A_277 = arith.addf %parallel_loop3A_268, %parallel_loop3A_276 : vector<16xf32>
        %parallel_loop3A_278 = arith.constant 1 : i32
        %parallel_loop3A_279 = arith.addi %parallel_loop3A_188, %parallel_loop3A_278 : i32
        %parallel_loop3A_280 = arith.constant 0 : i32
        %parallel_loop3A_281 = arith.index_cast %parallel_loop3A_280 : i32 to index
        %parallel_loop3A_282 = arith.index_cast %parallel_loop3A_279 : i32 to index
        %parallel_loop3A_283 = arith.constant 32 : index
        %parallel_loop3A_284 = tpu.vector_load %arg10[%parallel_loop3A_281, %parallel_loop3A_282, %parallel_loop3A_283] {strides = array<i32>} : memref<2x120x128xf32, #tpu.memory_space<vmem>>, vector<1x1x16xf32>,
        %parallel_loop3A_285 = vector.shape_cast %parallel_loop3A_284 : vector<1x1x16xf32> to vector<16xf32>
        %parallel_loop3A_286 = arith.addf %parallel_loop3A_228, %parallel_loop3A_285 : vector<16xf32>
        %parallel_loop3A_287 = arith.constant 1 : i32
        %parallel_loop3A_288 = arith.addi %parallel_loop3A_188, %parallel_loop3A_287 : i32
        %parallel_loop3A_289 = arith.constant 0 : i32
        %parallel_loop3A_290 = arith.index_cast %parallel_loop3A_289 : i32 to index
        %parallel_loop3A_291 = arith.index_cast %parallel_loop3A_288 : i32 to index
        %parallel_loop3A_292 = arith.constant 32 : index
        %parallel_loop3A_293 = tpu.vector_load %arg11[%parallel_loop3A_290, %parallel_loop3A_291, %parallel_loop3A_292] {strides = array<i32>} : memref<2x120x128xf32, #tpu.memory_space<vmem>>, vector<1x1x16xf32>,
        %parallel_loop3A_294 = vector.shape_cast %parallel_loop3A_293 : vector<1x1x16xf32> to vector<16xf32>
        %parallel_loop3A_295 = arith.addf %parallel_loop3A_286, %parallel_loop3A_294 : vector<16xf32>
        %parallel_loop3A_296 = arith.constant 1 : i32
        %parallel_loop3A_297 = arith.addi %parallel_loop3A_188, %parallel_loop3A_296 : i32
        %parallel_loop3A_298 = arith.constant 0 : i32
        %parallel_loop3A_299 = arith.index_cast %parallel_loop3A_298 : i32 to index
        %parallel_loop3A_300 = arith.index_cast %parallel_loop3A_297 : i32 to index
        %parallel_loop3A_301 = arith.constant 48 : index
        %parallel_loop3A_302 = tpu.vector_load %arg10[%parallel_loop3A_299, %parallel_loop3A_300, %parallel_loop3A_301] {strides = array<i32>} : memref<2x120x128xf32, #tpu.memory_space<vmem>>, vector<1x1x16xf32>,
        %parallel_loop3A_303 = vector.shape_cast %parallel_loop3A_302 : vector<1x1x16xf32> to vector<16xf32>
        %parallel_loop3A_304 = arith.addf %parallel_loop3A_241, %parallel_loop3A_303 : vector<16xf32>
        %parallel_loop3A_305 = arith.constant 1 : i32
        %parallel_loop3A_306 = arith.addi %parallel_loop3A_188, %parallel_loop3A_305 : i32
        %parallel_loop3A_307 = arith.constant 0 : i32
        %parallel_loop3A_308 = arith.index_cast %parallel_loop3A_307 : i32 to index
        %parallel_loop3A_309 = arith.index_cast %parallel_loop3A_306 : i32 to index
        %parallel_loop3A_310 = arith.constant 48 : index
        %parallel_loop3A_311 = tpu.vector_load %arg11[%parallel_loop3A_308, %parallel_loop3A_309, %parallel_loop3A_310] {strides = array<i32>} : memref<2x120x128xf32, #tpu.memory_space<vmem>>, vector<1x1x16xf32>,
        %parallel_loop3A_312 = vector.shape_cast %parallel_loop3A_311 : vector<1x1x16xf32> to vector<16xf32>
        %parallel_loop3A_313 = arith.addf %parallel_loop3A_304, %parallel_loop3A_312 : vector<16xf32>
        %parallel_loop3A_314 = arith.constant 2 : i32
        %parallel_loop3A_315 = arith.addi %parallel_loop3A_188, %parallel_loop3A_314 : i32
        %parallel_loop3A_316 = arith.constant 0 : i32
        %parallel_loop3A_317 = arith.index_cast %parallel_loop3A_316 : i32 to index
        %parallel_loop3A_318 = arith.index_cast %parallel_loop3A_315 : i32 to index
        %parallel_loop3A_319 = arith.constant 0 : index
        %parallel_loop3A_320 = tpu.vector_load %arg10[%parallel_loop3A_317, %parallel_loop3A_318, %parallel_loop3A_319] {strides = array<i32>} : memref<2x120x128xf32, #tpu.memory_space<vmem>>, vector<1x1x16xf32>,
        %parallel_loop3A_321 = vector.shape_cast %parallel_loop3A_320 : vector<1x1x16xf32> to vector<16xf32>
        %parallel_loop3A_322 = arith.addf %parallel_loop3A_259, %parallel_loop3A_321 : vector<16xf32>
        %parallel_loop3A_323 = arith.constant 2 : i32
        %parallel_loop3A_324 = arith.addi %parallel_loop3A_188, %parallel_loop3A_323 : i32
        %parallel_loop3A_325 = arith.constant 0 : i32
        %parallel_loop3A_326 = arith.index_cast %parallel_loop3A_325 : i32 to index
        %parallel_loop3A_327 = arith.index_cast %parallel_loop3A_324 : i32 to index
        %parallel_loop3A_328 = arith.constant 0 : index
        %parallel_loop3A_329 = tpu.vector_load %arg11[%parallel_loop3A_326, %parallel_loop3A_327, %parallel_loop3A_328] {strides = array<i32>} : memref<2x120x128xf32, #tpu.memory_space<vmem>>, vector<1x1x16xf32>,
        %parallel_loop3A_330 = vector.shape_cast %parallel_loop3A_329 : vector<1x1x16xf32> to vector<16xf32>
        %parallel_loop3A_331 = arith.addf %parallel_loop3A_322, %parallel_loop3A_330 : vector<16xf32>
        %parallel_loop3A_332 = arith.constant 2 : i32
        %parallel_loop3A_333 = arith.addi %parallel_loop3A_188, %parallel_loop3A_332 : i32
        %parallel_loop3A_334 = arith.constant 0 : i32
        %parallel_loop3A_335 = arith.index_cast %parallel_loop3A_334 : i32 to index
        %parallel_loop3A_336 = arith.index_cast %parallel_loop3A_333 : i32 to index
        %parallel_loop3A_337 = arith.constant 16 : index
        %parallel_loop3A_338 = tpu.vector_load %arg10[%parallel_loop3A_335, %parallel_loop3A_336, %parallel_loop3A_337] {strides = array<i32>} : memref<2x120x128xf32, #tpu.memory_space<vmem>>, vector<1x1x16xf32>,
        %parallel_loop3A_339 = vector.shape_cast %parallel_loop3A_338 : vector<1x1x16xf32> to vector<16xf32>
        %parallel_loop3A_340 = arith.addf %parallel_loop3A_277, %parallel_loop3A_339 : vector<16xf32>
        %parallel_loop3A_341 = arith.constant 2 : i32
        %parallel_loop3A_342 = arith.addi %parallel_loop3A_188, %parallel_loop3A_341 : i32
        %parallel_loop3A_343 = arith.constant 0 : i32
        %parallel_loop3A_344 = arith.index_cast %parallel_loop3A_343 : i32 to index
        %parallel_loop3A_345 = arith.index_cast %parallel_loop3A_342 : i32 to index
        %parallel_loop3A_346 = arith.constant 16 : index
        %parallel_loop3A_347 = tpu.vector_load %arg11[%parallel_loop3A_344, %parallel_loop3A_345, %parallel_loop3A_346] {strides = array<i32>} : memref<2x120x128xf32, #tpu.memory_space<vmem>>, vector<1x1x16xf32>,
        %parallel_loop3A_348 = vector.shape_cast %parallel_loop3A_347 : vector<1x1x16xf32> to vector<16xf32>
        %parallel_loop3A_349 = arith.addf %parallel_loop3A_340, %parallel_loop3A_348 : vector<16xf32>
        %parallel_loop3A_350 = arith.constant 2 : i32
        %parallel_loop3A_351 = arith.addi %parallel_loop3A_188, %parallel_loop3A_350 : i32
        %parallel_loop3A_352 = arith.constant 0 : i32
        %parallel_loop3A_353 = arith.index_cast %parallel_loop3A_352 : i32 to index
        %parallel_loop3A_354 = arith.index_cast %parallel_loop3A_351 : i32 to index
        %parallel_loop3A_355 = arith.constant 32 : index
        %parallel_loop3A_356 = tpu.vector_load %arg10[%parallel_loop3A_353, %parallel_loop3A_354, %parallel_loop3A_355] {strides = array<i32>} : memref<2x120x128xf32, #tpu.memory_space<vmem>>, vector<1x1x16xf32>,
        %parallel_loop3A_357 = vector.shape_cast %parallel_loop3A_356 : vector<1x1x16xf32> to vector<16xf32>
        %parallel_loop3A_358 = arith.addf %parallel_loop3A_295, %parallel_loop3A_357 : vector<16xf32>
        %parallel_loop3A_359 = arith.constant 2 : i32
        %parallel_loop3A_360 = arith.addi %parallel_loop3A_188, %parallel_loop3A_359 : i32
        %parallel_loop3A_361 = arith.constant 0 : i32
        %parallel_loop3A_362 = arith.index_cast %parallel_loop3A_361 : i32 to index
        %parallel_loop3A_363 = arith.index_cast %parallel_loop3A_360 : i32 to index
        %parallel_loop3A_364 = arith.constant 32 : index
        %parallel_loop3A_365 = tpu.vector_load %arg11[%parallel_loop3A_362, %parallel_loop3A_363, %parallel_loop3A_364] {strides = array<i32>} : memref<2x120x128xf32, #tpu.memory_space<vmem>>, vector<1x1x16xf32>,
        %parallel_loop3A_366 = vector.shape_cast %parallel_loop3A_365 : vector<1x1x16xf32> to vector<16xf32>
        %parallel_loop3A_367 = arith.addf %parallel_loop3A_358, %parallel_loop3A_366 : vector<16xf32>
        %parallel_loop3A_368 = arith.constant 2 : i32
        %parallel_loop3A_369 = arith.addi %parallel_loop3A_188, %parallel_loop3A_368 : i32
        %parallel_loop3A_370 = arith.constant 0 : i32
        %parallel_loop3A_371 = arith.index_cast %parallel_loop3A_370 : i32 to index
        %parallel_loop3A_372 = arith.index_cast %parallel_loop3A_369 : i32 to index
        %parallel_loop3A_373 = arith.constant 48 : index
        %parallel_loop3A_374 = tpu.vector_load %arg10[%parallel_loop3A_371, %parallel_loop3A_372, %parallel_loop3A_373] {strides = array<i32>} : memref<2x120x128xf32, #tpu.memory_space<vmem>>, vector<1x1x16xf32>,
        %parallel_loop3A_375 = vector.shape_cast %parallel_loop3A_374 : vector<1x1x16xf32> to vector<16xf32>
        %parallel_loop3A_376 = arith.addf %parallel_loop3A_313, %parallel_loop3A_375 : vector<16xf32>
        %parallel_loop3A_377 = arith.constant 2 : i32
        %parallel_loop3A_378 = arith.addi %parallel_loop3A_188, %parallel_loop3A_377 : i32
        %parallel_loop3A_379 = arith.constant 0 : i32
        %parallel_loop3A_380 = arith.index_cast %parallel_loop3A_379 : i32 to index
        %parallel_loop3A_381 = arith.index_cast %parallel_loop3A_378 : i32 to index
        %parallel_loop3A_382 = arith.constant 48 : index
        %parallel_loop3A_383 = tpu.vector_load %arg11[%parallel_loop3A_380, %parallel_loop3A_381, %parallel_loop3A_382] {strides = array<i32>} : memref<2x120x128xf32, #tpu.memory_space<vmem>>, vector<1x1x16xf32>,
        %parallel_loop3A_384 = vector.shape_cast %parallel_loop3A_383 : vector<1x1x16xf32> to vector<16xf32>
        %parallel_loop3A_385 = arith.addf %parallel_loop3A_376, %parallel_loop3A_384 : vector<16xf32>
        %parallel_loop3A_386 = arith.constant 3 : i32
        %parallel_loop3A_387 = arith.addi %parallel_loop3A_188, %parallel_loop3A_386 : i32
        %parallel_loop3A_388 = arith.constant 0 : i32
        %parallel_loop3A_389 = arith.index_cast %parallel_loop3A_388 : i32 to index
        %parallel_loop3A_390 = arith.index_cast %parallel_loop3A_387 : i32 to index
        %parallel_loop3A_391 = arith.constant 0 : index
        %parallel_loop3A_392 = tpu.vector_load %arg10[%parallel_loop3A_389, %parallel_loop3A_390, %parallel_loop3A_391] {strides = array<i32>} : memref<2x120x128xf32, #tpu.memory_space<vmem>>, vector<1x1x16xf32>,
        %parallel_loop3A_393 = vector.shape_cast %parallel_loop3A_392 : vector<1x1x16xf32> to vector<16xf32>
        %parallel_loop3A_394 = arith.addf %parallel_loop3A_331, %parallel_loop3A_393 : vector<16xf32>
        %parallel_loop3A_395 = arith.constant 3 : i32
        %parallel_loop3A_396 = arith.addi %parallel_loop3A_188, %parallel_loop3A_395 : i32
        %parallel_loop3A_397 = arith.constant 0 : i32
        %parallel_loop3A_398 = arith.index_cast %parallel_loop3A_397 : i32 to index
        %parallel_loop3A_399 = arith.index_cast %parallel_loop3A_396 : i32 to index
        %parallel_loop3A_400 = arith.constant 0 : index
        %parallel_loop3A_401 = tpu.vector_load %arg11[%parallel_loop3A_398, %parallel_loop3A_399, %parallel_loop3A_400] {strides = array<i32>} : memref<2x120x128xf32, #tpu.memory_space<vmem>>, vector<1x1x16xf32>,
        %parallel_loop3A_402 = vector.shape_cast %parallel_loop3A_401 : vector<1x1x16xf32> to vector<16xf32>
        %parallel_loop3A_403 = arith.addf %parallel_loop3A_394, %parallel_loop3A_402 : vector<16xf32>
        %parallel_loop3A_404 = arith.constant 3 : i32
        %parallel_loop3A_405 = arith.addi %parallel_loop3A_188, %parallel_loop3A_404 : i32
        %parallel_loop3A_406 = arith.constant 0 : i32
        %parallel_loop3A_407 = arith.index_cast %parallel_loop3A_406 : i32 to index
        %parallel_loop3A_408 = arith.index_cast %parallel_loop3A_405 : i32 to index
        %parallel_loop3A_409 = arith.constant 16 : index
        %parallel_loop3A_410 = tpu.vector_load %arg10[%parallel_loop3A_407, %parallel_loop3A_408, %parallel_loop3A_409] {strides = array<i32>} : memref<2x120x128xf32, #tpu.memory_space<vmem>>, vector<1x1x16xf32>,
        %parallel_loop3A_411 = vector.shape_cast %parallel_loop3A_410 : vector<1x1x16xf32> to vector<16xf32>
        %parallel_loop3A_412 = arith.addf %parallel_loop3A_349, %parallel_loop3A_411 : vector<16xf32>
        %parallel_loop3A_413 = arith.constant 3 : i32
        %parallel_loop3A_414 = arith.addi %parallel_loop3A_188, %parallel_loop3A_413 : i32
        %parallel_loop3A_415 = arith.constant 0 : i32
        %parallel_loop3A_416 = arith.index_cast %parallel_loop3A_415 : i32 to index
        %parallel_loop3A_417 = arith.index_cast %parallel_loop3A_414 : i32 to index
        %parallel_loop3A_418 = arith.constant 16 : index
        %parallel_loop3A_419 = tpu.vector_load %arg11[%parallel_loop3A_416, %parallel_loop3A_417, %parallel_loop3A_418] {strides = array<i32>} : memref<2x120x128xf32, #tpu.memory_space<vmem>>, vector<1x1x16xf32>,
        %parallel_loop3A_420 = vector.shape_cast %parallel_loop3A_419 : vector<1x1x16xf32> to vector<16xf32>
        %parallel_loop3A_421 = arith.addf %parallel_loop3A_412, %parallel_loop3A_420 : vector<16xf32>
        %parallel_loop3A_422 = arith.constant 3 : i32
        %parallel_loop3A_423 = arith.addi %parallel_loop3A_188, %parallel_loop3A_422 : i32
        %parallel_loop3A_424 = arith.constant 0 : i32
        %parallel_loop3A_425 = arith.index_cast %parallel_loop3A_424 : i32 to index
        %parallel_loop3A_426 = arith.index_cast %parallel_loop3A_423 : i32 to index
        %parallel_loop3A_427 = arith.constant 32 : index
        %parallel_loop3A_428 = tpu.vector_load %arg10[%parallel_loop3A_425, %parallel_loop3A_426, %parallel_loop3A_427] {strides = array<i32>} : memref<2x120x128xf32, #tpu.memory_space<vmem>>, vector<1x1x16xf32>,
        %parallel_loop3A_429 = vector.shape_cast %parallel_loop3A_428 : vector<1x1x16xf32> to vector<16xf32>
        %parallel_loop3A_430 = arith.addf %parallel_loop3A_367, %parallel_loop3A_429 : vector<16xf32>
        %parallel_loop3A_431 = arith.constant 3 : i32
        %parallel_loop3A_432 = arith.addi %parallel_loop3A_188, %parallel_loop3A_431 : i32
        %parallel_loop3A_433 = arith.constant 0 : i32
        %parallel_loop3A_434 = arith.index_cast %parallel_loop3A_433 : i32 to index
        %parallel_loop3A_435 = arith.index_cast %parallel_loop3A_432 : i32 to index
        %parallel_loop3A_436 = arith.constant 32 : index
        %parallel_loop3A_437 = tpu.vector_load %arg11[%parallel_loop3A_434, %parallel_loop3A_435, %parallel_loop3A_436] {strides = array<i32>} : memref<2x120x128xf32, #tpu.memory_space<vmem>>, vector<1x1x16xf32>,
        %parallel_loop3A_438 = vector.shape_cast %parallel_loop3A_437 : vector<1x1x16xf32> to vector<16xf32>
        %parallel_loop3A_439 = arith.addf %parallel_loop3A_430, %parallel_loop3A_438 : vector<16xf32>
        %parallel_loop3A_440 = arith.constant 3 : i32
        %parallel_loop3A_441 = arith.addi %parallel_loop3A_188, %parallel_loop3A_440 : i32
        %parallel_loop3A_442 = arith.constant 0 : i32
        %parallel_loop3A_443 = arith.index_cast %parallel_loop3A_442 : i32 to index
        %parallel_loop3A_444 = arith.index_cast %parallel_loop3A_441 : i32 to index
        %parallel_loop3A_445 = arith.constant 48 : index
        %parallel_loop3A_446 = tpu.vector_load %arg10[%parallel_loop3A_443, %parallel_loop3A_444, %parallel_loop3A_445] {strides = array<i32>} : memref<2x120x128xf32, #tpu.memory_space<vmem>>, vector<1x1x16xf32>,
        %parallel_loop3A_447 = vector.shape_cast %parallel_loop3A_446 : vector<1x1x16xf32> to vector<16xf32>
        %parallel_loop3A_448 = arith.addf %parallel_loop3A_385, %parallel_loop3A_447 : vector<16xf32>
        %parallel_loop3A_449 = arith.constant 3 : i32
        %parallel_loop3A_450 = arith.addi %parallel_loop3A_188, %parallel_loop3A_449 : i32
        %parallel_loop3A_451 = arith.constant 0 : i32
        %parallel_loop3A_452 = arith.index_cast %parallel_loop3A_451 : i32 to index
        %parallel_loop3A_453 = arith.index_cast %parallel_loop3A_450 : i32 to index
        %parallel_loop3A_454 = arith.constant 48 : index
        %parallel_loop3A_455 = tpu.vector_load %arg11[%parallel_loop3A_452, %parallel_loop3A_453, %parallel_loop3A_454] {strides = array<i32>} : memref<2x120x128xf32, #tpu.memory_space<vmem>>, vector<1x1x16xf32>,
        %parallel_loop3A_456 = vector.shape_cast %parallel_loop3A_455 : vector<1x1x16xf32> to vector<16xf32>
        %parallel_loop3A_457 = arith.addf %parallel_loop3A_448, %parallel_loop3A_456 : vector<16xf32>
        %parallel_loop3A_458 = arith.constant 4 : i32
        %parallel_loop3A_459 = arith.addi %parallel_loop3A_188, %parallel_loop3A_458 : i32
        %parallel_loop3A_460 = arith.constant 0 : i32
        %parallel_loop3A_461 = arith.index_cast %parallel_loop3A_460 : i32 to index
        %parallel_loop3A_462 = arith.index_cast %parallel_loop3A_459 : i32 to index
        %parallel_loop3A_463 = arith.constant 0 : index
        %parallel_loop3A_464 = tpu.vector_load %arg10[%parallel_loop3A_461, %parallel_loop3A_462, %parallel_loop3A_463] {strides = array<i32>} : memref<2x120x128xf32, #tpu.memory_space<vmem>>, vector<1x1x16xf32>,
        %parallel_loop3A_465 = vector.shape_cast %parallel_loop3A_464 : vector<1x1x16xf32> to vector<16xf32>
        %parallel_loop3A_466 = arith.addf %parallel_loop3A_403, %parallel_loop3A_465 : vector<16xf32>
        %parallel_loop3A_467 = arith.constant 4 : i32
        %parallel_loop3A_468 = arith.addi %parallel_loop3A_188, %parallel_loop3A_467 : i32
        %parallel_loop3A_469 = arith.constant 0 : i32
        %parallel_loop3A_470 = arith.index_cast %parallel_loop3A_469 : i32 to index
        %parallel_loop3A_471 = arith.index_cast %parallel_loop3A_468 : i32 to index
        %parallel_loop3A_472 = arith.constant 0 : index
        %parallel_loop3A_473 = tpu.vector_load %arg11[%parallel_loop3A_470, %parallel_loop3A_471, %parallel_loop3A_472] {strides = array<i32>} : memref<2x120x128xf32, #tpu.memory_space<vmem>>, vector<1x1x16xf32>,
        %parallel_loop3A_474 = vector.shape_cast %parallel_loop3A_473 : vector<1x1x16xf32> to vector<16xf32>
        %parallel_loop3A_475 = arith.addf %parallel_loop3A_466, %parallel_loop3A_474 : vector<16xf32>
        %parallel_loop3A_476 = arith.constant 4 : i32
        %parallel_loop3A_477 = arith.addi %parallel_loop3A_188, %parallel_loop3A_476 : i32
        %parallel_loop3A_478 = arith.constant 0 : i32
        %parallel_loop3A_479 = arith.index_cast %parallel_loop3A_478 : i32 to index
        %parallel_loop3A_480 = arith.index_cast %parallel_loop3A_477 : i32 to index
        %parallel_loop3A_481 = arith.constant 16 : index
        %parallel_loop3A_482 = tpu.vector_load %arg10[%parallel_loop3A_479, %parallel_loop3A_480, %parallel_loop3A_481] {strides = array<i32>} : memref<2x120x128xf32, #tpu.memory_space<vmem>>, vector<1x1x16xf32>,
        %parallel_loop3A_483 = vector.shape_cast %parallel_loop3A_482 : vector<1x1x16xf32> to vector<16xf32>
        %parallel_loop3A_484 = arith.addf %parallel_loop3A_421, %parallel_loop3A_483 : vector<16xf32>
        %parallel_loop3A_485 = arith.constant 4 : i32
        %parallel_loop3A_486 = arith.addi %parallel_loop3A_188, %parallel_loop3A_485 : i32
        %parallel_loop3A_487 = arith.constant 0 : i32
        %parallel_loop3A_488 = arith.index_cast %parallel_loop3A_487 : i32 to index
        %parallel_loop3A_489 = arith.index_cast %parallel_loop3A_486 : i32 to index
        %parallel_loop3A_490 = arith.constant 16 : index
        %parallel_loop3A_491 = tpu.vector_load %arg11[%parallel_loop3A_488, %parallel_loop3A_489, %parallel_loop3A_490] {strides = array<i32>} : memref<2x120x128xf32, #tpu.memory_space<vmem>>, vector<1x1x16xf32>,
        %parallel_loop3A_492 = vector.shape_cast %parallel_loop3A_491 : vector<1x1x16xf32> to vector<16xf32>
        %parallel_loop3A_493 = arith.addf %parallel_loop3A_484, %parallel_loop3A_492 : vector<16xf32>
        %parallel_loop3A_494 = arith.constant 4 : i32
        %parallel_loop3A_495 = arith.addi %parallel_loop3A_188, %parallel_loop3A_494 : i32
        %parallel_loop3A_496 = arith.constant 0 : i32
        %parallel_loop3A_497 = arith.index_cast %parallel_loop3A_496 : i32 to index
        %parallel_loop3A_498 = arith.index_cast %parallel_loop3A_495 : i32 to index
        %parallel_loop3A_499 = arith.constant 32 : index
        %parallel_loop3A_500 = tpu.vector_load %arg10[%parallel_loop3A_497, %parallel_loop3A_498, %parallel_loop3A_499] {strides = array<i32>} : memref<2x120x128xf32, #tpu.memory_space<vmem>>, vector<1x1x16xf32>,
        %parallel_loop3A_501 = vector.shape_cast %parallel_loop3A_500 : vector<1x1x16xf32> to vector<16xf32>
        %parallel_loop3A_502 = arith.addf %parallel_loop3A_439, %parallel_loop3A_501 : vector<16xf32>
        %parallel_loop3A_503 = arith.constant 4 : i32
        %parallel_loop3A_504 = arith.addi %parallel_loop3A_188, %parallel_loop3A_503 : i32
        %parallel_loop3A_505 = arith.constant 0 : i32
        %parallel_loop3A_506 = arith.index_cast %parallel_loop3A_505 : i32 to index
        %parallel_loop3A_507 = arith.index_cast %parallel_loop3A_504 : i32 to index
        %parallel_loop3A_508 = arith.constant 32 : index
        %parallel_loop3A_509 = tpu.vector_load %arg11[%parallel_loop3A_506, %parallel_loop3A_507, %parallel_loop3A_508] {strides = array<i32>} : memref<2x120x128xf32, #tpu.memory_space<vmem>>, vector<1x1x16xf32>,
        %parallel_loop3A_510 = vector.shape_cast %parallel_loop3A_509 : vector<1x1x16xf32> to vector<16xf32>
        %parallel_loop3A_511 = arith.addf %parallel_loop3A_502, %parallel_loop3A_510 : vector<16xf32>
        %parallel_loop3A_512 = arith.constant 4 : i32
        %parallel_loop3A_513 = arith.addi %parallel_loop3A_188, %parallel_loop3A_512 : i32
        %parallel_loop3A_514 = arith.constant 0 : i32
        %parallel_loop3A_515 = arith.index_cast %parallel_loop3A_514 : i32 to index
        %parallel_loop3A_516 = arith.index_cast %parallel_loop3A_513 : i32 to index
        %parallel_loop3A_517 = arith.constant 48 : index
        %parallel_loop3A_518 = tpu.vector_load %arg10[%parallel_loop3A_515, %parallel_loop3A_516, %parallel_loop3A_517] {strides = array<i32>} : memref<2x120x128xf32, #tpu.memory_space<vmem>>, vector<1x1x16xf32>,
        %parallel_loop3A_519 = vector.shape_cast %parallel_loop3A_518 : vector<1x1x16xf32> to vector<16xf32>
        %parallel_loop3A_520 = arith.addf %parallel_loop3A_457, %parallel_loop3A_519 : vector<16xf32>
        %parallel_loop3A_521 = arith.constant 4 : i32
        %parallel_loop3A_522 = arith.addi %parallel_loop3A_188, %parallel_loop3A_521 : i32
        %parallel_loop3A_523 = arith.constant 0 : i32
        %parallel_loop3A_524 = arith.index_cast %parallel_loop3A_523 : i32 to index
        %parallel_loop3A_525 = arith.index_cast %parallel_loop3A_522 : i32 to index
        %parallel_loop3A_526 = arith.constant 48 : index
        %parallel_loop3A_527 = tpu.vector_load %arg11[%parallel_loop3A_524, %parallel_loop3A_525, %parallel_loop3A_526] {strides = array<i32>} : memref<2x120x128xf32, #tpu.memory_space<vmem>>, vector<1x1x16xf32>,
        %parallel_loop3A_528 = vector.shape_cast %parallel_loop3A_527 : vector<1x1x16xf32> to vector<16xf32>
        %parallel_loop3A_529 = arith.addf %parallel_loop3A_520, %parallel_loop3A_528 : vector<16xf32>
        %parallel_loop3A_530 = arith.constant 5 : i32
        %parallel_loop3A_531 = arith.addi %parallel_loop3A_188, %parallel_loop3A_530 : i32
        %parallel_loop3A_532 = arith.constant 0 : i32
        %parallel_loop3A_533 = arith.index_cast %parallel_loop3A_532 : i32 to index
        %parallel_loop3A_534 = arith.index_cast %parallel_loop3A_531 : i32 to index
        %parallel_loop3A_535 = arith.constant 0 : index
        %parallel_loop3A_536 = tpu.vector_load %arg10[%parallel_loop3A_533, %parallel_loop3A_534, %parallel_loop3A_535] {strides = array<i32>} : memref<2x120x128xf32, #tpu.memory_space<vmem>>, vector<1x1x16xf32>,
        %parallel_loop3A_537 = vector.shape_cast %parallel_loop3A_536 : vector<1x1x16xf32> to vector<16xf32>
        %parallel_loop3A_538 = arith.addf %parallel_loop3A_475, %parallel_loop3A_537 : vector<16xf32>
        %parallel_loop3A_539 = arith.constant 5 : i32
        %parallel_loop3A_540 = arith.addi %parallel_loop3A_188, %parallel_loop3A_539 : i32
        %parallel_loop3A_541 = arith.constant 0 : i32
        %parallel_loop3A_542 = arith.index_cast %parallel_loop3A_541 : i32 to index
        %parallel_loop3A_543 = arith.index_cast %parallel_loop3A_540 : i32 to index
        %parallel_loop3A_544 = arith.constant 0 : index
        %parallel_loop3A_545 = tpu.vector_load %arg11[%parallel_loop3A_542, %parallel_loop3A_543, %parallel_loop3A_544] {strides = array<i32>} : memref<2x120x128xf32, #tpu.memory_space<vmem>>, vector<1x1x16xf32>,
        %parallel_loop3A_546 = vector.shape_cast %parallel_loop3A_545 : vector<1x1x16xf32> to vector<16xf32>
        %parallel_loop3A_547 = arith.addf %parallel_loop3A_538, %parallel_loop3A_546 : vector<16xf32>
        %parallel_loop3A_548 = arith.constant 5 : i32
        %parallel_loop3A_549 = arith.addi %parallel_loop3A_188, %parallel_loop3A_548 : i32
        %parallel_loop3A_550 = arith.constant 0 : i32
        %parallel_loop3A_551 = arith.index_cast %parallel_loop3A_550 : i32 to index
        %parallel_loop3A_552 = arith.index_cast %parallel_loop3A_549 : i32 to index
        %parallel_loop3A_553 = arith.constant 16 : index
        %parallel_loop3A_554 = tpu.vector_load %arg10[%parallel_loop3A_551, %parallel_loop3A_552, %parallel_loop3A_553] {strides = array<i32>} : memref<2x120x128xf32, #tpu.memory_space<vmem>>, vector<1x1x16xf32>,
        %parallel_loop3A_555 = vector.shape_cast %parallel_loop3A_554 : vector<1x1x16xf32> to vector<16xf32>
        %parallel_loop3A_556 = arith.addf %parallel_loop3A_493, %parallel_loop3A_555 : vector<16xf32>
        %parallel_loop3A_557 = arith.constant 5 : i32
        %parallel_loop3A_558 = arith.addi %parallel_loop3A_188, %parallel_loop3A_557 : i32
        %parallel_loop3A_559 = arith.constant 0 : i32
        %parallel_loop3A_560 = arith.index_cast %parallel_loop3A_559 : i32 to index
        %parallel_loop3A_561 = arith.index_cast %parallel_loop3A_558 : i32 to index
        %parallel_loop3A_562 = arith.constant 16 : index
        %parallel_loop3A_563 = tpu.vector_load %arg11[%parallel_loop3A_560, %parallel_loop3A_561, %parallel_loop3A_562] {strides = array<i32>} : memref<2x120x128xf32, #tpu.memory_space<vmem>>, vector<1x1x16xf32>,
        %parallel_loop3A_564 = vector.shape_cast %parallel_loop3A_563 : vector<1x1x16xf32> to vector<16xf32>
        %parallel_loop3A_565 = arith.addf %parallel_loop3A_556, %parallel_loop3A_564 : vector<16xf32>
        %parallel_loop3A_566 = arith.constant 5 : i32
        %parallel_loop3A_567 = arith.addi %parallel_loop3A_188, %parallel_loop3A_566 : i32
        %parallel_loop3A_568 = arith.constant 0 : i32
        %parallel_loop3A_569 = arith.index_cast %parallel_loop3A_568 : i32 to index
        %parallel_loop3A_570 = arith.index_cast %parallel_loop3A_567 : i32 to index
        %parallel_loop3A_571 = arith.constant 32 : index
        %parallel_loop3A_572 = tpu.vector_load %arg10[%parallel_loop3A_569, %parallel_loop3A_570, %parallel_loop3A_571] {strides = array<i32>} : memref<2x120x128xf32, #tpu.memory_space<vmem>>, vector<1x1x16xf32>,
        %parallel_loop3A_573 = vector.shape_cast %parallel_loop3A_572 : vector<1x1x16xf32> to vector<16xf32>
        %parallel_loop3A_574 = arith.addf %parallel_loop3A_511, %parallel_loop3A_573 : vector<16xf32>
        %parallel_loop3A_575 = arith.constant 5 : i32
        %parallel_loop3A_576 = arith.addi %parallel_loop3A_188, %parallel_loop3A_575 : i32
        %parallel_loop3A_577 = arith.constant 0 : i32
        %parallel_loop3A_578 = arith.index_cast %parallel_loop3A_577 : i32 to index
        %parallel_loop3A_579 = arith.index_cast %parallel_loop3A_576 : i32 to index
        %parallel_loop3A_580 = arith.constant 32 : index
        %parallel_loop3A_581 = tpu.vector_load %arg11[%parallel_loop3A_578, %parallel_loop3A_579, %parallel_loop3A_580] {strides = array<i32>} : memref<2x120x128xf32, #tpu.memory_space<vmem>>, vector<1x1x16xf32>,
        %parallel_loop3A_582 = vector.shape_cast %parallel_loop3A_581 : vector<1x1x16xf32> to vector<16xf32>
        %parallel_loop3A_583 = arith.addf %parallel_loop3A_574, %parallel_loop3A_582 : vector<16xf32>
        %parallel_loop3A_584 = arith.constant 5 : i32
        %parallel_loop3A_585 = arith.addi %parallel_loop3A_188, %parallel_loop3A_584 : i32
        %parallel_loop3A_586 = arith.constant 0 : i32
        %parallel_loop3A_587 = arith.index_cast %parallel_loop3A_586 : i32 to index
        %parallel_loop3A_588 = arith.index_cast %parallel_loop3A_585 : i32 to index
        %parallel_loop3A_589 = arith.constant 48 : index
        %parallel_loop3A_590 = tpu.vector_load %arg10[%parallel_loop3A_587, %parallel_loop3A_588, %parallel_loop3A_589] {strides = array<i32>} : memref<2x120x128xf32, #tpu.memory_space<vmem>>, vector<1x1x16xf32>,
        %parallel_loop3A_591 = vector.shape_cast %parallel_loop3A_590 : vector<1x1x16xf32> to vector<16xf32>
        %parallel_loop3A_592 = arith.addf %parallel_loop3A_529, %parallel_loop3A_591 : vector<16xf32>
        %parallel_loop3A_593 = arith.constant 5 : i32
        %parallel_loop3A_594 = arith.addi %parallel_loop3A_188, %parallel_loop3A_593 : i32
        %parallel_loop3A_595 = arith.constant 0 : i32
        %parallel_loop3A_596 = arith.index_cast %parallel_loop3A_595 : i32 to index
        %parallel_loop3A_597 = arith.index_cast %parallel_loop3A_594 : i32 to index
        %parallel_loop3A_598 = arith.constant 48 : index
        %parallel_loop3A_599 = tpu.vector_load %arg11[%parallel_loop3A_596, %parallel_loop3A_597, %parallel_loop3A_598] {strides = array<i32>} : memref<2x120x128xf32, #tpu.memory_space<vmem>>, vector<1x1x16xf32>,
        %parallel_loop3A_600 = vector.shape_cast %parallel_loop3A_599 : vector<1x1x16xf32> to vector<16xf32>
        %parallel_loop3A_601 = arith.addf %parallel_loop3A_592, %parallel_loop3A_600 : vector<16xf32>
        %parallel_loop3A_602 = arith.constant 6 : i32
        %parallel_loop3A_603 = arith.addi %parallel_loop3A_188, %parallel_loop3A_602 : i32
        %parallel_loop3A_604 = arith.constant 0 : i32
        %parallel_loop3A_605 = arith.index_cast %parallel_loop3A_604 : i32 to index
        %parallel_loop3A_606 = arith.index_cast %parallel_loop3A_603 : i32 to index
        %parallel_loop3A_607 = arith.constant 0 : index
        %parallel_loop3A_608 = tpu.vector_load %arg10[%parallel_loop3A_605, %parallel_loop3A_606, %parallel_loop3A_607] {strides = array<i32>} : memref<2x120x128xf32, #tpu.memory_space<vmem>>, vector<1x1x16xf32>,
        %parallel_loop3A_609 = vector.shape_cast %parallel_loop3A_608 : vector<1x1x16xf32> to vector<16xf32>
        %parallel_loop3A_610 = arith.addf %parallel_loop3A_547, %parallel_loop3A_609 : vector<16xf32>
        %parallel_loop3A_611 = arith.constant 6 : i32
        %parallel_loop3A_612 = arith.addi %parallel_loop3A_188, %parallel_loop3A_611 : i32
        %parallel_loop3A_613 = arith.constant 0 : i32
        %parallel_loop3A_614 = arith.index_cast %parallel_loop3A_613 : i32 to index
        %parallel_loop3A_615 = arith.index_cast %parallel_loop3A_612 : i32 to index
        %parallel_loop3A_616 = arith.constant 0 : index
        %parallel_loop3A_617 = tpu.vector_load %arg11[%parallel_loop3A_614, %parallel_loop3A_615, %parallel_loop3A_616] {strides = array<i32>} : memref<2x120x128xf32, #tpu.memory_space<vmem>>, vector<1x1x16xf32>,
        %parallel_loop3A_618 = vector.shape_cast %parallel_loop3A_617 : vector<1x1x16xf32> to vector<16xf32>
        %parallel_loop3A_619 = arith.addf %parallel_loop3A_610, %parallel_loop3A_618 : vector<16xf32>
        %parallel_loop3A_620 = arith.constant 6 : i32
        %parallel_loop3A_621 = arith.addi %parallel_loop3A_188, %parallel_loop3A_620 : i32
        %parallel_loop3A_622 = arith.constant 0 : i32
        %parallel_loop3A_623 = arith.index_cast %parallel_loop3A_622 : i32 to index
        %parallel_loop3A_624 = arith.index_cast %parallel_loop3A_621 : i32 to index
        %parallel_loop3A_625 = arith.constant 16 : index
        %parallel_loop3A_626 = tpu.vector_load %arg10[%parallel_loop3A_623, %parallel_loop3A_624, %parallel_loop3A_625] {strides = array<i32>} : memref<2x120x128xf32, #tpu.memory_space<vmem>>, vector<1x1x16xf32>,
        %parallel_loop3A_627 = vector.shape_cast %parallel_loop3A_626 : vector<1x1x16xf32> to vector<16xf32>
        %parallel_loop3A_628 = arith.addf %parallel_loop3A_565, %parallel_loop3A_627 : vector<16xf32>
        %parallel_loop3A_629 = arith.constant 6 : i32
        %parallel_loop3A_630 = arith.addi %parallel_loop3A_188, %parallel_loop3A_629 : i32
        %parallel_loop3A_631 = arith.constant 0 : i32
        %parallel_loop3A_632 = arith.index_cast %parallel_loop3A_631 : i32 to index
        %parallel_loop3A_633 = arith.index_cast %parallel_loop3A_630 : i32 to index
        %parallel_loop3A_634 = arith.constant 16 : index
        %parallel_loop3A_635 = tpu.vector_load %arg11[%parallel_loop3A_632, %parallel_loop3A_633, %parallel_loop3A_634] {strides = array<i32>} : memref<2x120x128xf32, #tpu.memory_space<vmem>>, vector<1x1x16xf32>,
        %parallel_loop3A_636 = vector.shape_cast %parallel_loop3A_635 : vector<1x1x16xf32> to vector<16xf32>
        %parallel_loop3A_637 = arith.addf %parallel_loop3A_628, %parallel_loop3A_636 : vector<16xf32>
        %parallel_loop3A_638 = arith.constant 6 : i32
        %parallel_loop3A_639 = arith.addi %parallel_loop3A_188, %parallel_loop3A_638 : i32
        %parallel_loop3A_640 = arith.constant 0 : i32
        %parallel_loop3A_641 = arith.index_cast %parallel_loop3A_640 : i32 to index
        %parallel_loop3A_642 = arith.index_cast %parallel_loop3A_639 : i32 to index
        %parallel_loop3A_643 = arith.constant 32 : index
        %parallel_loop3A_644 = tpu.vector_load %arg10[%parallel_loop3A_641, %parallel_loop3A_642, %parallel_loop3A_643] {strides = array<i32>} : memref<2x120x128xf32, #tpu.memory_space<vmem>>, vector<1x1x16xf32>,
        %parallel_loop3A_645 = vector.shape_cast %parallel_loop3A_644 : vector<1x1x16xf32> to vector<16xf32>
        %parallel_loop3A_646 = arith.addf %parallel_loop3A_583, %parallel_loop3A_645 : vector<16xf32>
        %parallel_loop3A_647 = arith.constant 6 : i32
        %parallel_loop3A_648 = arith.addi %parallel_loop3A_188, %parallel_loop3A_647 : i32
        %parallel_loop3A_649 = arith.constant 0 : i32
        %parallel_loop3A_650 = arith.index_cast %parallel_loop3A_649 : i32 to index
        %parallel_loop3A_651 = arith.index_cast %parallel_loop3A_648 : i32 to index
        %parallel_loop3A_652 = arith.constant 32 : index
        %parallel_loop3A_653 = tpu.vector_load %arg11[%parallel_loop3A_650, %parallel_loop3A_651, %parallel_loop3A_652] {strides = array<i32>} : memref<2x120x128xf32, #tpu.memory_space<vmem>>, vector<1x1x16xf32>,
        %parallel_loop3A_654 = vector.shape_cast %parallel_loop3A_653 : vector<1x1x16xf32> to vector<16xf32>
        %parallel_loop3A_655 = arith.addf %parallel_loop3A_646, %parallel_loop3A_654 : vector<16xf32>
        %parallel_loop3A_656 = arith.constant 6 : i32
        %parallel_loop3A_657 = arith.addi %parallel_loop3A_188, %parallel_loop3A_656 : i32
        %parallel_loop3A_658 = arith.constant 0 : i32
        %parallel_loop3A_659 = arith.index_cast %parallel_loop3A_658 : i32 to index
        %parallel_loop3A_660 = arith.index_cast %parallel_loop3A_657 : i32 to index
        %parallel_loop3A_661 = arith.constant 48 : index
        %parallel_loop3A_662 = tpu.vector_load %arg10[%parallel_loop3A_659, %parallel_loop3A_660, %parallel_loop3A_661] {strides = array<i32>} : memref<2x120x128xf32, #tpu.memory_space<vmem>>, vector<1x1x16xf32>,
        %parallel_loop3A_663 = vector.shape_cast %parallel_loop3A_662 : vector<1x1x16xf32> to vector<16xf32>
        %parallel_loop3A_664 = arith.addf %parallel_loop3A_601, %parallel_loop3A_663 : vector<16xf32>
        %parallel_loop3A_665 = arith.constant 6 : i32
        %parallel_loop3A_666 = arith.addi %parallel_loop3A_188, %parallel_loop3A_665 : i32
        %parallel_loop3A_667 = arith.constant 0 : i32
        %parallel_loop3A_668 = arith.index_cast %parallel_loop3A_667 : i32 to index
        %parallel_loop3A_669 = arith.index_cast %parallel_loop3A_666 : i32 to index
        %parallel_loop3A_670 = arith.constant 48 : index
        %parallel_loop3A_671 = tpu.vector_load %arg11[%parallel_loop3A_668, %parallel_loop3A_669, %parallel_loop3A_670] {strides = array<i32>} : memref<2x120x128xf32, #tpu.memory_space<vmem>>, vector<1x1x16xf32>,
        %parallel_loop3A_672 = vector.shape_cast %parallel_loop3A_671 : vector<1x1x16xf32> to vector<16xf32>
        %parallel_loop3A_673 = arith.addf %parallel_loop3A_664, %parallel_loop3A_672 : vector<16xf32>
        %parallel_loop3A_674 = arith.constant 7 : i32
        %parallel_loop3A_675 = arith.addi %parallel_loop3A_188, %parallel_loop3A_674 : i32
        %parallel_loop3A_676 = arith.constant 0 : i32
        %parallel_loop3A_677 = arith.index_cast %parallel_loop3A_676 : i32 to index
        %parallel_loop3A_678 = arith.index_cast %parallel_loop3A_675 : i32 to index
        %parallel_loop3A_679 = arith.constant 0 : index
        %parallel_loop3A_680 = tpu.vector_load %arg10[%parallel_loop3A_677, %parallel_loop3A_678, %parallel_loop3A_679] {strides = array<i32>} : memref<2x120x128xf32, #tpu.memory_space<vmem>>, vector<1x1x16xf32>,
        %parallel_loop3A_681 = vector.shape_cast %parallel_loop3A_680 : vector<1x1x16xf32> to vector<16xf32>
        %parallel_loop3A_682 = arith.addf %parallel_loop3A_619, %parallel_loop3A_681 : vector<16xf32>
        %parallel_loop3A_683 = arith.constant 7 : i32
        %parallel_loop3A_684 = arith.addi %parallel_loop3A_188, %parallel_loop3A_683 : i32
        %parallel_loop3A_685 = arith.constant 0 : i32
        %parallel_loop3A_686 = arith.index_cast %parallel_loop3A_685 : i32 to index
        %parallel_loop3A_687 = arith.index_cast %parallel_loop3A_684 : i32 to index
        %parallel_loop3A_688 = arith.constant 0 : index
        %parallel_loop3A_689 = tpu.vector_load %arg11[%parallel_loop3A_686, %parallel_loop3A_687, %parallel_loop3A_688] {strides = array<i32>} : memref<2x120x128xf32, #tpu.memory_space<vmem>>, vector<1x1x16xf32>,
        %parallel_loop3A_690 = vector.shape_cast %parallel_loop3A_689 : vector<1x1x16xf32> to vector<16xf32>
        %parallel_loop3A_691 = arith.addf %parallel_loop3A_682, %parallel_loop3A_690 : vector<16xf32>
        %parallel_loop3A_692 = arith.constant 7 : i32
        %parallel_loop3A_693 = arith.addi %parallel_loop3A_188, %parallel_loop3A_692 : i32
        %parallel_loop3A_694 = arith.constant 0 : i32
        %parallel_loop3A_695 = arith.index_cast %parallel_loop3A_694 : i32 to index
        %parallel_loop3A_696 = arith.index_cast %parallel_loop3A_693 : i32 to index
        %parallel_loop3A_697 = arith.constant 16 : index
        %parallel_loop3A_698 = tpu.vector_load %arg10[%parallel_loop3A_695, %parallel_loop3A_696, %parallel_loop3A_697] {strides = array<i32>} : memref<2x120x128xf32, #tpu.memory_space<vmem>>, vector<1x1x16xf32>,
        %parallel_loop3A_699 = vector.shape_cast %parallel_loop3A_698 : vector<1x1x16xf32> to vector<16xf32>
        %parallel_loop3A_700 = arith.addf %parallel_loop3A_637, %parallel_loop3A_699 : vector<16xf32>
        %parallel_loop3A_701 = arith.constant 7 : i32
        %parallel_loop3A_702 = arith.addi %parallel_loop3A_188, %parallel_loop3A_701 : i32
        %parallel_loop3A_703 = arith.constant 0 : i32
        %parallel_loop3A_704 = arith.index_cast %parallel_loop3A_703 : i32 to index
        %parallel_loop3A_705 = arith.index_cast %parallel_loop3A_702 : i32 to index
        %parallel_loop3A_706 = arith.constant 16 : index
        %parallel_loop3A_707 = tpu.vector_load %arg11[%parallel_loop3A_704, %parallel_loop3A_705, %parallel_loop3A_706] {strides = array<i32>} : memref<2x120x128xf32, #tpu.memory_space<vmem>>, vector<1x1x16xf32>,
        %parallel_loop3A_708 = vector.shape_cast %parallel_loop3A_707 : vector<1x1x16xf32> to vector<16xf32>
        %parallel_loop3A_709 = arith.addf %parallel_loop3A_700, %parallel_loop3A_708 : vector<16xf32>
        %parallel_loop3A_710 = arith.constant 7 : i32
        %parallel_loop3A_711 = arith.addi %parallel_loop3A_188, %parallel_loop3A_710 : i32
        %parallel_loop3A_712 = arith.constant 0 : i32
        %parallel_loop3A_713 = arith.index_cast %parallel_loop3A_712 : i32 to index
        %parallel_loop3A_714 = arith.index_cast %parallel_loop3A_711 : i32 to index
        %parallel_loop3A_715 = arith.constant 32 : index
        %parallel_loop3A_716 = tpu.vector_load %arg10[%parallel_loop3A_713, %parallel_loop3A_714, %parallel_loop3A_715] {strides = array<i32>} : memref<2x120x128xf32, #tpu.memory_space<vmem>>, vector<1x1x16xf32>,
        %parallel_loop3A_717 = vector.shape_cast %parallel_loop3A_716 : vector<1x1x16xf32> to vector<16xf32>
        %parallel_loop3A_718 = arith.addf %parallel_loop3A_655, %parallel_loop3A_717 : vector<16xf32>
        %parallel_loop3A_719 = arith.constant 7 : i32
        %parallel_loop3A_720 = arith.addi %parallel_loop3A_188, %parallel_loop3A_719 : i32
        %parallel_loop3A_721 = arith.constant 0 : i32
        %parallel_loop3A_722 = arith.index_cast %parallel_loop3A_721 : i32 to index
        %parallel_loop3A_723 = arith.index_cast %parallel_loop3A_720 : i32 to index
        %parallel_loop3A_724 = arith.constant 32 : index
        %parallel_loop3A_725 = tpu.vector_load %arg11[%parallel_loop3A_722, %parallel_loop3A_723, %parallel_loop3A_724] {strides = array<i32>} : memref<2x120x128xf32, #tpu.memory_space<vmem>>, vector<1x1x16xf32>,
        %parallel_loop3A_726 = vector.shape_cast %parallel_loop3A_725 : vector<1x1x16xf32> to vector<16xf32>
        %parallel_loop3A_727 = arith.addf %parallel_loop3A_718, %parallel_loop3A_726 : vector<16xf32>
        %parallel_loop3A_728 = arith.constant 7 : i32
        %parallel_loop3A_729 = arith.addi %parallel_loop3A_188, %parallel_loop3A_728 : i32
        %parallel_loop3A_730 = arith.constant 0 : i32
        %parallel_loop3A_731 = arith.index_cast %parallel_loop3A_730 : i32 to index
        %parallel_loop3A_732 = arith.index_cast %parallel_loop3A_729 : i32 to index
        %parallel_loop3A_733 = arith.constant 48 : index
        %parallel_loop3A_734 = tpu.vector_load %arg10[%parallel_loop3A_731, %parallel_loop3A_732, %parallel_loop3A_733] {strides = array<i32>} : memref<2x120x128xf32, #tpu.memory_space<vmem>>, vector<1x1x16xf32>,
        %parallel_loop3A_735 = vector.shape_cast %parallel_loop3A_734 : vector<1x1x16xf32> to vector<16xf32>
        %parallel_loop3A_736 = arith.addf %parallel_loop3A_673, %parallel_loop3A_735 : vector<16xf32>
        %parallel_loop3A_737 = arith.constant 7 : i32
        %parallel_loop3A_738 = arith.addi %parallel_loop3A_188, %parallel_loop3A_737 : i32
        %parallel_loop3A_739 = arith.constant 0 : i32
        %parallel_loop3A_740 = arith.index_cast %parallel_loop3A_739 : i32 to index
        %parallel_loop3A_741 = arith.index_cast %parallel_loop3A_738 : i32 to index
        %parallel_loop3A_742 = arith.constant 48 : index
        %parallel_loop3A_743 = tpu.vector_load %arg11[%parallel_loop3A_740, %parallel_loop3A_741, %parallel_loop3A_742] {strides = array<i32>} : memref<2x120x128xf32, #tpu.memory_space<vmem>>, vector<1x1x16xf32>,
        %parallel_loop3A_744 = vector.shape_cast %parallel_loop3A_743 : vector<1x1x16xf32> to vector<16xf32>
        %parallel_loop3A_745 = arith.addf %parallel_loop3A_736, %parallel_loop3A_744 : vector<16xf32>
        %parallel_loop3A_746 = arith.constant 8 : i32
        %parallel_loop3A_747 = arith.addi %parallel_loop3A_188, %parallel_loop3A_746 : i32
        %parallel_loop3A_748 = arith.constant 0 : i32
        %parallel_loop3A_749 = arith.index_cast %parallel_loop3A_748 : i32 to index
        %parallel_loop3A_750 = arith.index_cast %parallel_loop3A_747 : i32 to index
        %parallel_loop3A_751 = arith.constant 0 : index
        %parallel_loop3A_752 = tpu.vector_load %arg10[%parallel_loop3A_749, %parallel_loop3A_750, %parallel_loop3A_751] {strides = array<i32>} : memref<2x120x128xf32, #tpu.memory_space<vmem>>, vector<1x1x16xf32>,
        %parallel_loop3A_753 = vector.shape_cast %parallel_loop3A_752 : vector<1x1x16xf32> to vector<16xf32>
        %parallel_loop3A_754 = arith.addf %parallel_loop3A_691, %parallel_loop3A_753 : vector<16xf32>
        %parallel_loop3A_755 = arith.constant 8 : i32
        %parallel_loop3A_756 = arith.addi %parallel_loop3A_188, %parallel_loop3A_755 : i32
        %parallel_loop3A_757 = arith.constant 0 : i32
        %parallel_loop3A_758 = arith.index_cast %parallel_loop3A_757 : i32 to index
        %parallel_loop3A_759 = arith.index_cast %parallel_loop3A_756 : i32 to index
        %parallel_loop3A_760 = arith.constant 0 : index
        %parallel_loop3A_761 = tpu.vector_load %arg11[%parallel_loop3A_758, %parallel_loop3A_759, %parallel_loop3A_760] {strides = array<i32>} : memref<2x120x128xf32, #tpu.memory_space<vmem>>, vector<1x1x16xf32>,
        %parallel_loop3A_762 = vector.shape_cast %parallel_loop3A_761 : vector<1x1x16xf32> to vector<16xf32>
        %parallel_loop3A_763 = arith.addf %parallel_loop3A_754, %parallel_loop3A_762 : vector<16xf32>
        %parallel_loop3A_764 = arith.constant 8 : i32
        %parallel_loop3A_765 = arith.addi %parallel_loop3A_188, %parallel_loop3A_764 : i32
        %parallel_loop3A_766 = arith.constant 0 : i32
        %parallel_loop3A_767 = arith.index_cast %parallel_loop3A_766 : i32 to index
        %parallel_loop3A_768 = arith.index_cast %parallel_loop3A_765 : i32 to index
        %parallel_loop3A_769 = arith.constant 16 : index
        %parallel_loop3A_770 = tpu.vector_load %arg10[%parallel_loop3A_767, %parallel_loop3A_768, %parallel_loop3A_769] {strides = array<i32>} : memref<2x120x128xf32, #tpu.memory_space<vmem>>, vector<1x1x16xf32>,
        %parallel_loop3A_771 = vector.shape_cast %parallel_loop3A_770 : vector<1x1x16xf32> to vector<16xf32>
        %parallel_loop3A_772 = arith.addf %parallel_loop3A_709, %parallel_loop3A_771 : vector<16xf32>
        %parallel_loop3A_773 = arith.constant 8 : i32
        %parallel_loop3A_774 = arith.addi %parallel_loop3A_188, %parallel_loop3A_773 : i32
        %parallel_loop3A_775 = arith.constant 0 : i32
        %parallel_loop3A_776 = arith.index_cast %parallel_loop3A_775 : i32 to index
        %parallel_loop3A_777 = arith.index_cast %parallel_loop3A_774 : i32 to index
        %parallel_loop3A_778 = arith.constant 16 : index
        %parallel_loop3A_779 = tpu.vector_load %arg11[%parallel_loop3A_776, %parallel_loop3A_777, %parallel_loop3A_778] {strides = array<i32>} : memref<2x120x128xf32, #tpu.memory_space<vmem>>, vector<1x1x16xf32>,
        %parallel_loop3A_780 = vector.shape_cast %parallel_loop3A_779 : vector<1x1x16xf32> to vector<16xf32>
        %parallel_loop3A_781 = arith.addf %parallel_loop3A_772, %parallel_loop3A_780 : vector<16xf32>
        %parallel_loop3A_782 = arith.constant 8 : i32
        %parallel_loop3A_783 = arith.addi %parallel_loop3A_188, %parallel_loop3A_782 : i32
        %parallel_loop3A_784 = arith.constant 0 : i32
        %parallel_loop3A_785 = arith.index_cast %parallel_loop3A_784 : i32 to index
        %parallel_loop3A_786 = arith.index_cast %parallel_loop3A_783 : i32 to index
        %parallel_loop3A_787 = arith.constant 32 : index
        %parallel_loop3A_788 = tpu.vector_load %arg10[%parallel_loop3A_785, %parallel_loop3A_786, %parallel_loop3A_787] {strides = array<i32>} : memref<2x120x128xf32, #tpu.memory_space<vmem>>, vector<1x1x16xf32>,
        %parallel_loop3A_789 = vector.shape_cast %parallel_loop3A_788 : vector<1x1x16xf32> to vector<16xf32>
        %parallel_loop3A_790 = arith.addf %parallel_loop3A_727, %parallel_loop3A_789 : vector<16xf32>
        %parallel_loop3A_791 = arith.constant 8 : i32
        %parallel_loop3A_792 = arith.addi %parallel_loop3A_188, %parallel_loop3A_791 : i32
        %parallel_loop3A_793 = arith.constant 0 : i32
        %parallel_loop3A_794 = arith.index_cast %parallel_loop3A_793 : i32 to index
        %parallel_loop3A_795 = arith.index_cast %parallel_loop3A_792 : i32 to index
        %parallel_loop3A_796 = arith.constant 32 : index
        %parallel_loop3A_797 = tpu.vector_load %arg11[%parallel_loop3A_794, %parallel_loop3A_795, %parallel_loop3A_796] {strides = array<i32>} : memref<2x120x128xf32, #tpu.memory_space<vmem>>, vector<1x1x16xf32>,
        %parallel_loop3A_798 = vector.shape_cast %parallel_loop3A_797 : vector<1x1x16xf32> to vector<16xf32>
        %parallel_loop3A_799 = arith.addf %parallel_loop3A_790, %parallel_loop3A_798 : vector<16xf32>
        %parallel_loop3A_800 = arith.constant 8 : i32
        %parallel_loop3A_801 = arith.addi %parallel_loop3A_188, %parallel_loop3A_800 : i32
        %parallel_loop3A_802 = arith.constant 0 : i32
        %parallel_loop3A_803 = arith.index_cast %parallel_loop3A_802 : i32 to index
        %parallel_loop3A_804 = arith.index_cast %parallel_loop3A_801 : i32 to index
        %parallel_loop3A_805 = arith.constant 48 : index
        %parallel_loop3A_806 = tpu.vector_load %arg10[%parallel_loop3A_803, %parallel_loop3A_804, %parallel_loop3A_805] {strides = array<i32>} : memref<2x120x128xf32, #tpu.memory_space<vmem>>, vector<1x1x16xf32>,
        %parallel_loop3A_807 = vector.shape_cast %parallel_loop3A_806 : vector<1x1x16xf32> to vector<16xf32>
        %parallel_loop3A_808 = arith.addf %parallel_loop3A_745, %parallel_loop3A_807 : vector<16xf32>
        %parallel_loop3A_809 = arith.constant 8 : i32
        %parallel_loop3A_810 = arith.addi %parallel_loop3A_188, %parallel_loop3A_809 : i32
        %parallel_loop3A_811 = arith.constant 0 : i32
        %parallel_loop3A_812 = arith.index_cast %parallel_loop3A_811 : i32 to index
        %parallel_loop3A_813 = arith.index_cast %parallel_loop3A_810 : i32 to index
        %parallel_loop3A_814 = arith.constant 48 : index
        %parallel_loop3A_815 = tpu.vector_load %arg11[%parallel_loop3A_812, %parallel_loop3A_813, %parallel_loop3A_814] {strides = array<i32>} : memref<2x120x128xf32, #tpu.memory_space<vmem>>, vector<1x1x16xf32>,
        %parallel_loop3A_816 = vector.shape_cast %parallel_loop3A_815 : vector<1x1x16xf32> to vector<16xf32>
        %parallel_loop3A_817 = arith.addf %parallel_loop3A_808, %parallel_loop3A_816 : vector<16xf32>
        %parallel_loop3A_818 = arith.constant 9 : i32
        %parallel_loop3A_819 = arith.addi %parallel_loop3A_188, %parallel_loop3A_818 : i32
        %parallel_loop3A_820 = arith.constant 0 : i32
        %parallel_loop3A_821 = arith.index_cast %parallel_loop3A_820 : i32 to index
        %parallel_loop3A_822 = arith.index_cast %parallel_loop3A_819 : i32 to index
        %parallel_loop3A_823 = arith.constant 0 : index
        %parallel_loop3A_824 = tpu.vector_load %arg10[%parallel_loop3A_821, %parallel_loop3A_822, %parallel_loop3A_823] {strides = array<i32>} : memref<2x120x128xf32, #tpu.memory_space<vmem>>, vector<1x1x16xf32>,
        %parallel_loop3A_825 = vector.shape_cast %parallel_loop3A_824 : vector<1x1x16xf32> to vector<16xf32>
        %parallel_loop3A_826 = arith.addf %parallel_loop3A_763, %parallel_loop3A_825 : vector<16xf32>
        %parallel_loop3A_827 = arith.constant 9 : i32
        %parallel_loop3A_828 = arith.addi %parallel_loop3A_188, %parallel_loop3A_827 : i32
        %parallel_loop3A_829 = arith.constant 0 : i32
        %parallel_loop3A_830 = arith.index_cast %parallel_loop3A_829 : i32 to index
        %parallel_loop3A_831 = arith.index_cast %parallel_loop3A_828 : i32 to index
        %parallel_loop3A_832 = arith.constant 0 : index
        %parallel_loop3A_833 = tpu.vector_load %arg11[%parallel_loop3A_830, %parallel_loop3A_831, %parallel_loop3A_832] {strides = array<i32>} : memref<2x120x128xf32, #tpu.memory_space<vmem>>, vector<1x1x16xf32>,
        %parallel_loop3A_834 = vector.shape_cast %parallel_loop3A_833 : vector<1x1x16xf32> to vector<16xf32>
        %parallel_loop3A_835 = arith.addf %parallel_loop3A_826, %parallel_loop3A_834 : vector<16xf32>
        %parallel_loop3A_836 = arith.constant 9 : i32
        %parallel_loop3A_837 = arith.addi %parallel_loop3A_188, %parallel_loop3A_836 : i32
        %parallel_loop3A_838 = arith.constant 0 : i32
        %parallel_loop3A_839 = arith.index_cast %parallel_loop3A_838 : i32 to index
        %parallel_loop3A_840 = arith.index_cast %parallel_loop3A_837 : i32 to index
        %parallel_loop3A_841 = arith.constant 16 : index
        %parallel_loop3A_842 = tpu.vector_load %arg10[%parallel_loop3A_839, %parallel_loop3A_840, %parallel_loop3A_841] {strides = array<i32>} : memref<2x120x128xf32, #tpu.memory_space<vmem>>, vector<1x1x16xf32>,
        %parallel_loop3A_843 = vector.shape_cast %parallel_loop3A_842 : vector<1x1x16xf32> to vector<16xf32>
        %parallel_loop3A_844 = arith.addf %parallel_loop3A_781, %parallel_loop3A_843 : vector<16xf32>
        %parallel_loop3A_845 = arith.constant 9 : i32
        %parallel_loop3A_846 = arith.addi %parallel_loop3A_188, %parallel_loop3A_845 : i32
        %parallel_loop3A_847 = arith.constant 0 : i32
        %parallel_loop3A_848 = arith.index_cast %parallel_loop3A_847 : i32 to index
        %parallel_loop3A_849 = arith.index_cast %parallel_loop3A_846 : i32 to index
        %parallel_loop3A_850 = arith.constant 16 : index
        %parallel_loop3A_851 = tpu.vector_load %arg11[%parallel_loop3A_848, %parallel_loop3A_849, %parallel_loop3A_850] {strides = array<i32>} : memref<2x120x128xf32, #tpu.memory_space<vmem>>, vector<1x1x16xf32>,
        %parallel_loop3A_852 = vector.shape_cast %parallel_loop3A_851 : vector<1x1x16xf32> to vector<16xf32>
        %parallel_loop3A_853 = arith.addf %parallel_loop3A_844, %parallel_loop3A_852 : vector<16xf32>
        %parallel_loop3A_854 = arith.constant 9 : i32
        %parallel_loop3A_855 = arith.addi %parallel_loop3A_188, %parallel_loop3A_854 : i32
        %parallel_loop3A_856 = arith.constant 0 : i32
        %parallel_loop3A_857 = arith.index_cast %parallel_loop3A_856 : i32 to index
        %parallel_loop3A_858 = arith.index_cast %parallel_loop3A_855 : i32 to index
        %parallel_loop3A_859 = arith.constant 32 : index
        %parallel_loop3A_860 = tpu.vector_load %arg10[%parallel_loop3A_857, %parallel_loop3A_858, %parallel_loop3A_859] {strides = array<i32>} : memref<2x120x128xf32, #tpu.memory_space<vmem>>, vector<1x1x16xf32>,
        %parallel_loop3A_861 = vector.shape_cast %parallel_loop3A_860 : vector<1x1x16xf32> to vector<16xf32>
        %parallel_loop3A_862 = arith.addf %parallel_loop3A_799, %parallel_loop3A_861 : vector<16xf32>
        %parallel_loop3A_863 = arith.constant 9 : i32
        %parallel_loop3A_864 = arith.addi %parallel_loop3A_188, %parallel_loop3A_863 : i32
        %parallel_loop3A_865 = arith.constant 0 : i32
        %parallel_loop3A_866 = arith.index_cast %parallel_loop3A_865 : i32 to index
        %parallel_loop3A_867 = arith.index_cast %parallel_loop3A_864 : i32 to index
        %parallel_loop3A_868 = arith.constant 32 : index
        %parallel_loop3A_869 = tpu.vector_load %arg11[%parallel_loop3A_866, %parallel_loop3A_867, %parallel_loop3A_868] {strides = array<i32>} : memref<2x120x128xf32, #tpu.memory_space<vmem>>, vector<1x1x16xf32>,
        %parallel_loop3A_870 = vector.shape_cast %parallel_loop3A_869 : vector<1x1x16xf32> to vector<16xf32>
        %parallel_loop3A_871 = arith.addf %parallel_loop3A_862, %parallel_loop3A_870 : vector<16xf32>
        %parallel_loop3A_872 = arith.constant 9 : i32
        %parallel_loop3A_873 = arith.addi %parallel_loop3A_188, %parallel_loop3A_872 : i32
        %parallel_loop3A_874 = arith.constant 0 : i32
        %parallel_loop3A_875 = arith.index_cast %parallel_loop3A_874 : i32 to index
        %parallel_loop3A_876 = arith.index_cast %parallel_loop3A_873 : i32 to index
        %parallel_loop3A_877 = arith.constant 48 : index
        %parallel_loop3A_878 = tpu.vector_load %arg10[%parallel_loop3A_875, %parallel_loop3A_876, %parallel_loop3A_877] {strides = array<i32>} : memref<2x120x128xf32, #tpu.memory_space<vmem>>, vector<1x1x16xf32>,
        %parallel_loop3A_879 = vector.shape_cast %parallel_loop3A_878 : vector<1x1x16xf32> to vector<16xf32>
        %parallel_loop3A_880 = arith.addf %parallel_loop3A_817, %parallel_loop3A_879 : vector<16xf32>
        %parallel_loop3A_881 = arith.constant 9 : i32
        %parallel_loop3A_882 = arith.addi %parallel_loop3A_188, %parallel_loop3A_881 : i32
        %parallel_loop3A_883 = arith.constant 0 : i32
        %parallel_loop3A_884 = arith.index_cast %parallel_loop3A_883 : i32 to index
        %parallel_loop3A_885 = arith.index_cast %parallel_loop3A_882 : i32 to index
        %parallel_loop3A_886 = arith.constant 48 : index
        %parallel_loop3A_887 = tpu.vector_load %arg11[%parallel_loop3A_884, %parallel_loop3A_885, %parallel_loop3A_886] {strides = array<i32>} : memref<2x120x128xf32, #tpu.memory_space<vmem>>, vector<1x1x16xf32>,
        %parallel_loop3A_888 = vector.shape_cast %parallel_loop3A_887 : vector<1x1x16xf32> to vector<16xf32>
        %parallel_loop3A_889 = arith.addf %parallel_loop3A_880, %parallel_loop3A_888 : vector<16xf32>
        %parallel_loop3A_890 = arith.constant 10 : i32
        %parallel_loop3A_891 = arith.addi %parallel_loop3A_188, %parallel_loop3A_890 : i32
        %parallel_loop3A_892 = arith.constant 0 : i32
        %parallel_loop3A_893 = arith.index_cast %parallel_loop3A_892 : i32 to index
        %parallel_loop3A_894 = arith.index_cast %parallel_loop3A_891 : i32 to index
        %parallel_loop3A_895 = arith.constant 0 : index
        %parallel_loop3A_896 = tpu.vector_load %arg10[%parallel_loop3A_893, %parallel_loop3A_894, %parallel_loop3A_895] {strides = array<i32>} : memref<2x120x128xf32, #tpu.memory_space<vmem>>, vector<1x1x16xf32>,
        %parallel_loop3A_897 = vector.shape_cast %parallel_loop3A_896 : vector<1x1x16xf32> to vector<16xf32>
        %parallel_loop3A_898 = arith.addf %parallel_loop3A_835, %parallel_loop3A_897 : vector<16xf32>
        %parallel_loop3A_899 = arith.constant 10 : i32
        %parallel_loop3A_900 = arith.addi %parallel_loop3A_188, %parallel_loop3A_899 : i32
        %parallel_loop3A_901 = arith.constant 0 : i32
        %parallel_loop3A_902 = arith.index_cast %parallel_loop3A_901 : i32 to index
        %parallel_loop3A_903 = arith.index_cast %parallel_loop3A_900 : i32 to index
        %parallel_loop3A_904 = arith.constant 0 : index
        %parallel_loop3A_905 = tpu.vector_load %arg11[%parallel_loop3A_902, %parallel_loop3A_903, %parallel_loop3A_904] {strides = array<i32>} : memref<2x120x128xf32, #tpu.memory_space<vmem>>, vector<1x1x16xf32>,
        %parallel_loop3A_906 = vector.shape_cast %parallel_loop3A_905 : vector<1x1x16xf32> to vector<16xf32>
        %parallel_loop3A_907 = arith.addf %parallel_loop3A_898, %parallel_loop3A_906 : vector<16xf32>
        %parallel_loop3A_908 = arith.constant 10 : i32
        %parallel_loop3A_909 = arith.addi %parallel_loop3A_188, %parallel_loop3A_908 : i32
        %parallel_loop3A_910 = arith.constant 0 : i32
        %parallel_loop3A_911 = arith.index_cast %parallel_loop3A_910 : i32 to index
        %parallel_loop3A_912 = arith.index_cast %parallel_loop3A_909 : i32 to index
        %parallel_loop3A_913 = arith.constant 16 : index
        %parallel_loop3A_914 = tpu.vector_load %arg10[%parallel_loop3A_911, %parallel_loop3A_912, %parallel_loop3A_913] {strides = array<i32>} : memref<2x120x128xf32, #tpu.memory_space<vmem>>, vector<1x1x16xf32>,
        %parallel_loop3A_915 = vector.shape_cast %parallel_loop3A_914 : vector<1x1x16xf32> to vector<16xf32>
        %parallel_loop3A_916 = arith.addf %parallel_loop3A_853, %parallel_loop3A_915 : vector<16xf32>
        %parallel_loop3A_917 = arith.constant 10 : i32
        %parallel_loop3A_918 = arith.addi %parallel_loop3A_188, %parallel_loop3A_917 : i32
        %parallel_loop3A_919 = arith.constant 0 : i32
        %parallel_loop3A_920 = arith.index_cast %parallel_loop3A_919 : i32 to index
        %parallel_loop3A_921 = arith.index_cast %parallel_loop3A_918 : i32 to index
        %parallel_loop3A_922 = arith.constant 16 : index
        %parallel_loop3A_923 = tpu.vector_load %arg11[%parallel_loop3A_920, %parallel_loop3A_921, %parallel_loop3A_922] {strides = array<i32>} : memref<2x120x128xf32, #tpu.memory_space<vmem>>, vector<1x1x16xf32>,
        %parallel_loop3A_924 = vector.shape_cast %parallel_loop3A_923 : vector<1x1x16xf32> to vector<16xf32>
        %parallel_loop3A_925 = arith.addf %parallel_loop3A_916, %parallel_loop3A_924 : vector<16xf32>
        %parallel_loop3A_926 = arith.constant 10 : i32
        %parallel_loop3A_927 = arith.addi %parallel_loop3A_188, %parallel_loop3A_926 : i32
        %parallel_loop3A_928 = arith.constant 0 : i32
        %parallel_loop3A_929 = arith.index_cast %parallel_loop3A_928 : i32 to index
        %parallel_loop3A_930 = arith.index_cast %parallel_loop3A_927 : i32 to index
        %parallel_loop3A_931 = arith.constant 32 : index
        %parallel_loop3A_932 = tpu.vector_load %arg10[%parallel_loop3A_929, %parallel_loop3A_930, %parallel_loop3A_931] {strides = array<i32>} : memref<2x120x128xf32, #tpu.memory_space<vmem>>, vector<1x1x16xf32>,
        %parallel_loop3A_933 = vector.shape_cast %parallel_loop3A_932 : vector<1x1x16xf32> to vector<16xf32>
        %parallel_loop3A_934 = arith.addf %parallel_loop3A_871, %parallel_loop3A_933 : vector<16xf32>
        %parallel_loop3A_935 = arith.constant 10 : i32
        %parallel_loop3A_936 = arith.addi %parallel_loop3A_188, %parallel_loop3A_935 : i32
        %parallel_loop3A_937 = arith.constant 0 : i32
        %parallel_loop3A_938 = arith.index_cast %parallel_loop3A_937 : i32 to index
        %parallel_loop3A_939 = arith.index_cast %parallel_loop3A_936 : i32 to index
        %parallel_loop3A_940 = arith.constant 32 : index
        %parallel_loop3A_941 = tpu.vector_load %arg11[%parallel_loop3A_938, %parallel_loop3A_939, %parallel_loop3A_940] {strides = array<i32>} : memref<2x120x128xf32, #tpu.memory_space<vmem>>, vector<1x1x16xf32>,
        %parallel_loop3A_942 = vector.shape_cast %parallel_loop3A_941 : vector<1x1x16xf32> to vector<16xf32>
        %parallel_loop3A_943 = arith.addf %parallel_loop3A_934, %parallel_loop3A_942 : vector<16xf32>
        %parallel_loop3A_944 = arith.constant 10 : i32
        %parallel_loop3A_945 = arith.addi %parallel_loop3A_188, %parallel_loop3A_944 : i32
        %parallel_loop3A_946 = arith.constant 0 : i32
        %parallel_loop3A_947 = arith.index_cast %parallel_loop3A_946 : i32 to index
        %parallel_loop3A_948 = arith.index_cast %parallel_loop3A_945 : i32 to index
        %parallel_loop3A_949 = arith.constant 48 : index
        %parallel_loop3A_950 = tpu.vector_load %arg10[%parallel_loop3A_947, %parallel_loop3A_948, %parallel_loop3A_949] {strides = array<i32>} : memref<2x120x128xf32, #tpu.memory_space<vmem>>, vector<1x1x16xf32>,
        %parallel_loop3A_951 = vector.shape_cast %parallel_loop3A_950 : vector<1x1x16xf32> to vector<16xf32>
        %parallel_loop3A_952 = arith.addf %parallel_loop3A_889, %parallel_loop3A_951 : vector<16xf32>
        %parallel_loop3A_953 = arith.constant 10 : i32
        %parallel_loop3A_954 = arith.addi %parallel_loop3A_188, %parallel_loop3A_953 : i32
        %parallel_loop3A_955 = arith.constant 0 : i32
        %parallel_loop3A_956 = arith.index_cast %parallel_loop3A_955 : i32 to index
        %parallel_loop3A_957 = arith.index_cast %parallel_loop3A_954 : i32 to index
        %parallel_loop3A_958 = arith.constant 48 : index
        %parallel_loop3A_959 = tpu.vector_load %arg11[%parallel_loop3A_956, %parallel_loop3A_957, %parallel_loop3A_958] {strides = array<i32>} : memref<2x120x128xf32, #tpu.memory_space<vmem>>, vector<1x1x16xf32>,
        %parallel_loop3A_960 = vector.shape_cast %parallel_loop3A_959 : vector<1x1x16xf32> to vector<16xf32>
        %parallel_loop3A_961 = arith.addf %parallel_loop3A_952, %parallel_loop3A_960 : vector<16xf32>
        %parallel_loop3A_962 = arith.constant 11 : i32
        %parallel_loop3A_963 = arith.addi %parallel_loop3A_188, %parallel_loop3A_962 : i32
        %parallel_loop3A_964 = arith.constant 0 : i32
        %parallel_loop3A_965 = arith.index_cast %parallel_loop3A_964 : i32 to index
        %parallel_loop3A_966 = arith.index_cast %parallel_loop3A_963 : i32 to index
        %parallel_loop3A_967 = arith.constant 0 : index
        %parallel_loop3A_968 = tpu.vector_load %arg10[%parallel_loop3A_965, %parallel_loop3A_966, %parallel_loop3A_967] {strides = array<i32>} : memref<2x120x128xf32, #tpu.memory_space<vmem>>, vector<1x1x16xf32>,
        %parallel_loop3A_969 = vector.shape_cast %parallel_loop3A_968 : vector<1x1x16xf32> to vector<16xf32>
        %parallel_loop3A_970 = arith.addf %parallel_loop3A_907, %parallel_loop3A_969 : vector<16xf32>
        %parallel_loop3A_971 = arith.constant 11 : i32
        %parallel_loop3A_972 = arith.addi %parallel_loop3A_188, %parallel_loop3A_971 : i32
        %parallel_loop3A_973 = arith.constant 0 : i32
        %parallel_loop3A_974 = arith.index_cast %parallel_loop3A_973 : i32 to index
        %parallel_loop3A_975 = arith.index_cast %parallel_loop3A_972 : i32 to index
        %parallel_loop3A_976 = arith.constant 0 : index
        %parallel_loop3A_977 = tpu.vector_load %arg11[%parallel_loop3A_974, %parallel_loop3A_975, %parallel_loop3A_976] {strides = array<i32>} : memref<2x120x128xf32, #tpu.memory_space<vmem>>, vector<1x1x16xf32>,
        %parallel_loop3A_978 = vector.shape_cast %parallel_loop3A_977 : vector<1x1x16xf32> to vector<16xf32>
        %parallel_loop3A_979 = arith.addf %parallel_loop3A_970, %parallel_loop3A_978 : vector<16xf32>
        %parallel_loop3A_980 = arith.constant 11 : i32
        %parallel_loop3A_981 = arith.addi %parallel_loop3A_188, %parallel_loop3A_980 : i32
        %parallel_loop3A_982 = arith.constant 0 : i32
        %parallel_loop3A_983 = arith.index_cast %parallel_loop3A_982 : i32 to index
        %parallel_loop3A_984 = arith.index_cast %parallel_loop3A_981 : i32 to index
        %parallel_loop3A_985 = arith.constant 16 : index
        %parallel_loop3A_986 = tpu.vector_load %arg10[%parallel_loop3A_983, %parallel_loop3A_984, %parallel_loop3A_985] {strides = array<i32>} : memref<2x120x128xf32, #tpu.memory_space<vmem>>, vector<1x1x16xf32>,
        %parallel_loop3A_987 = vector.shape_cast %parallel_loop3A_986 : vector<1x1x16xf32> to vector<16xf32>
        %parallel_loop3A_988 = arith.addf %parallel_loop3A_925, %parallel_loop3A_987 : vector<16xf32>
        %parallel_loop3A_989 = arith.constant 11 : i32
        %parallel_loop3A_990 = arith.addi %parallel_loop3A_188, %parallel_loop3A_989 : i32
        %parallel_loop3A_991 = arith.constant 0 : i32
        %parallel_loop3A_992 = arith.index_cast %parallel_loop3A_991 : i32 to index
        %parallel_loop3A_993 = arith.index_cast %parallel_loop3A_990 : i32 to index
        %parallel_loop3A_994 = arith.constant 16 : index
        %parallel_loop3A_995 = tpu.vector_load %arg11[%parallel_loop3A_992, %parallel_loop3A_993, %parallel_loop3A_994] {strides = array<i32>} : memref<2x120x128xf32, #tpu.memory_space<vmem>>, vector<1x1x16xf32>,
        %parallel_loop3A_996 = vector.shape_cast %parallel_loop3A_995 : vector<1x1x16xf32> to vector<16xf32>
        %parallel_loop3A_997 = arith.addf %parallel_loop3A_988, %parallel_loop3A_996 : vector<16xf32>
        %parallel_loop3A_998 = arith.constant 11 : i32
        %parallel_loop3A_999 = arith.addi %parallel_loop3A_188, %parallel_loop3A_998 : i32
        %parallel_loop3A_1000 = arith.constant 0 : i32
        %parallel_loop3A_1001 = arith.index_cast %parallel_loop3A_1000 : i32 to index
        %parallel_loop3A_1002 = arith.index_cast %parallel_loop3A_999 : i32 to index
        %parallel_loop3A_1003 = arith.constant 32 : index
        %parallel_loop3A_1004 = tpu.vector_load %arg10[%parallel_loop3A_1001, %parallel_loop3A_1002, %parallel_loop3A_1003] {strides = array<i32>} : memref<2x120x128xf32, #tpu.memory_space<vmem>>, vector<1x1x16xf32>,
        %parallel_loop3A_1005 = vector.shape_cast %parallel_loop3A_1004 : vector<1x1x16xf32> to vector<16xf32>
        %parallel_loop3A_1006 = arith.addf %parallel_loop3A_943, %parallel_loop3A_1005 : vector<16xf32>
        %parallel_loop3A_1007 = arith.constant 11 : i32
        %parallel_loop3A_1008 = arith.addi %parallel_loop3A_188, %parallel_loop3A_1007 : i32
        %parallel_loop3A_1009 = arith.constant 0 : i32
        %parallel_loop3A_1010 = arith.index_cast %parallel_loop3A_1009 : i32 to index
        %parallel_loop3A_1011 = arith.index_cast %parallel_loop3A_1008 : i32 to index
        %parallel_loop3A_1012 = arith.constant 32 : index
        %parallel_loop3A_1013 = tpu.vector_load %arg11[%parallel_loop3A_1010, %parallel_loop3A_1011, %parallel_loop3A_1012] {strides = array<i32>} : memref<2x120x128xf32, #tpu.memory_space<vmem>>, vector<1x1x16xf32>,
        %parallel_loop3A_1014 = vector.shape_cast %parallel_loop3A_1013 : vector<1x1x16xf32> to vector<16xf32>
        %parallel_loop3A_1015 = arith.addf %parallel_loop3A_1006, %parallel_loop3A_1014 : vector<16xf32>
        %parallel_loop3A_1016 = arith.constant 11 : i32
        %parallel_loop3A_1017 = arith.addi %parallel_loop3A_188, %parallel_loop3A_1016 : i32
        %parallel_loop3A_1018 = arith.constant 0 : i32
        %parallel_loop3A_1019 = arith.index_cast %parallel_loop3A_1018 : i32 to index
        %parallel_loop3A_1020 = arith.index_cast %parallel_loop3A_1017 : i32 to index
        %parallel_loop3A_1021 = arith.constant 48 : index
        %parallel_loop3A_1022 = tpu.vector_load %arg10[%parallel_loop3A_1019, %parallel_loop3A_1020, %parallel_loop3A_1021] {strides = array<i32>} : memref<2x120x128xf32, #tpu.memory_space<vmem>>, vector<1x1x16xf32>,
        %parallel_loop3A_1023 = vector.shape_cast %parallel_loop3A_1022 : vector<1x1x16xf32> to vector<16xf32>
        %parallel_loop3A_1024 = arith.addf %parallel_loop3A_961, %parallel_loop3A_1023 : vector<16xf32>
        %parallel_loop3A_1025 = arith.constant 11 : i32
        %parallel_loop3A_1026 = arith.addi %parallel_loop3A_188, %parallel_loop3A_1025 : i32
        %parallel_loop3A_1027 = arith.constant 0 : i32
        %parallel_loop3A_1028 = arith.index_cast %parallel_loop3A_1027 : i32 to index
        %parallel_loop3A_1029 = arith.index_cast %parallel_loop3A_1026 : i32 to index
        %parallel_loop3A_1030 = arith.constant 48 : index
        %parallel_loop3A_1031 = tpu.vector_load %arg11[%parallel_loop3A_1028, %parallel_loop3A_1029, %parallel_loop3A_1030] {strides = array<i32>} : memref<2x120x128xf32, #tpu.memory_space<vmem>>, vector<1x1x16xf32>,
        %parallel_loop3A_1032 = vector.shape_cast %parallel_loop3A_1031 : vector<1x1x16xf32> to vector<16xf32>
        %parallel_loop3A_1033 = arith.addf %parallel_loop3A_1024, %parallel_loop3A_1032 : vector<16xf32>
        %parallel_loop3A_1034 = arith.constant 12 : i32
        %parallel_loop3A_1035 = arith.addi %parallel_loop3A_188, %parallel_loop3A_1034 : i32
        %parallel_loop3A_1036 = arith.constant 0 : i32
        %parallel_loop3A_1037 = arith.index_cast %parallel_loop3A_1036 : i32 to index
        %parallel_loop3A_1038 = arith.index_cast %parallel_loop3A_1035 : i32 to index
        %parallel_loop3A_1039 = arith.constant 0 : index
        %parallel_loop3A_1040 = tpu.vector_load %arg10[%parallel_loop3A_1037, %parallel_loop3A_1038, %parallel_loop3A_1039] {strides = array<i32>} : memref<2x120x128xf32, #tpu.memory_space<vmem>>, vector<1x1x16xf32>,
        %parallel_loop3A_1041 = vector.shape_cast %parallel_loop3A_1040 : vector<1x1x16xf32> to vector<16xf32>
        %parallel_loop3A_1042 = arith.addf %parallel_loop3A_979, %parallel_loop3A_1041 : vector<16xf32>
        %parallel_loop3A_1043 = arith.constant 12 : i32
        %parallel_loop3A_1044 = arith.addi %parallel_loop3A_188, %parallel_loop3A_1043 : i32
        %parallel_loop3A_1045 = arith.constant 0 : i32
        %parallel_loop3A_1046 = arith.index_cast %parallel_loop3A_1045 : i32 to index
        %parallel_loop3A_1047 = arith.index_cast %parallel_loop3A_1044 : i32 to index
        %parallel_loop3A_1048 = arith.constant 0 : index
        %parallel_loop3A_1049 = tpu.vector_load %arg11[%parallel_loop3A_1046, %parallel_loop3A_1047, %parallel_loop3A_1048] {strides = array<i32>} : memref<2x120x128xf32, #tpu.memory_space<vmem>>, vector<1x1x16xf32>,
        %parallel_loop3A_1050 = vector.shape_cast %parallel_loop3A_1049 : vector<1x1x16xf32> to vector<16xf32>
        %parallel_loop3A_1051 = arith.addf %parallel_loop3A_1042, %parallel_loop3A_1050 : vector<16xf32>
        %parallel_loop3A_1052 = arith.constant 12 : i32
        %parallel_loop3A_1053 = arith.addi %parallel_loop3A_188, %parallel_loop3A_1052 : i32
        %parallel_loop3A_1054 = arith.constant 0 : i32
        %parallel_loop3A_1055 = arith.index_cast %parallel_loop3A_1054 : i32 to index
        %parallel_loop3A_1056 = arith.index_cast %parallel_loop3A_1053 : i32 to index
        %parallel_loop3A_1057 = arith.constant 16 : index
        %parallel_loop3A_1058 = tpu.vector_load %arg10[%parallel_loop3A_1055, %parallel_loop3A_1056, %parallel_loop3A_1057] {strides = array<i32>} : memref<2x120x128xf32, #tpu.memory_space<vmem>>, vector<1x1x16xf32>,
        %parallel_loop3A_1059 = vector.shape_cast %parallel_loop3A_1058 : vector<1x1x16xf32> to vector<16xf32>
        %parallel_loop3A_1060 = arith.addf %parallel_loop3A_997, %parallel_loop3A_1059 : vector<16xf32>
        %parallel_loop3A_1061 = arith.constant 12 : i32
        %parallel_loop3A_1062 = arith.addi %parallel_loop3A_188, %parallel_loop3A_1061 : i32
        %parallel_loop3A_1063 = arith.constant 0 : i32
        %parallel_loop3A_1064 = arith.index_cast %parallel_loop3A_1063 : i32 to index
        %parallel_loop3A_1065 = arith.index_cast %parallel_loop3A_1062 : i32 to index
        %parallel_loop3A_1066 = arith.constant 16 : index
        %parallel_loop3A_1067 = tpu.vector_load %arg11[%parallel_loop3A_1064, %parallel_loop3A_1065, %parallel_loop3A_1066] {strides = array<i32>} : memref<2x120x128xf32, #tpu.memory_space<vmem>>, vector<1x1x16xf32>,
        %parallel_loop3A_1068 = vector.shape_cast %parallel_loop3A_1067 : vector<1x1x16xf32> to vector<16xf32>
        %parallel_loop3A_1069 = arith.addf %parallel_loop3A_1060, %parallel_loop3A_1068 : vector<16xf32>
        %parallel_loop3A_1070 = arith.constant 12 : i32
        %parallel_loop3A_1071 = arith.addi %parallel_loop3A_188, %parallel_loop3A_1070 : i32
        %parallel_loop3A_1072 = arith.constant 0 : i32
        %parallel_loop3A_1073 = arith.index_cast %parallel_loop3A_1072 : i32 to index
        %parallel_loop3A_1074 = arith.index_cast %parallel_loop3A_1071 : i32 to index
        %parallel_loop3A_1075 = arith.constant 32 : index
        %parallel_loop3A_1076 = tpu.vector_load %arg10[%parallel_loop3A_1073, %parallel_loop3A_1074, %parallel_loop3A_1075] {strides = array<i32>} : memref<2x120x128xf32, #tpu.memory_space<vmem>>, vector<1x1x16xf32>,
        %parallel_loop3A_1077 = vector.shape_cast %parallel_loop3A_1076 : vector<1x1x16xf32> to vector<16xf32>
        %parallel_loop3A_1078 = arith.addf %parallel_loop3A_1015, %parallel_loop3A_1077 : vector<16xf32>
        %parallel_loop3A_1079 = arith.constant 12 : i32
        %parallel_loop3A_1080 = arith.addi %parallel_loop3A_188, %parallel_loop3A_1079 : i32
        %parallel_loop3A_1081 = arith.constant 0 : i32
        %parallel_loop3A_1082 = arith.index_cast %parallel_loop3A_1081 : i32 to index
        %parallel_loop3A_1083 = arith.index_cast %parallel_loop3A_1080 : i32 to index
        %parallel_loop3A_1084 = arith.constant 32 : index
        %parallel_loop3A_1085 = tpu.vector_load %arg11[%parallel_loop3A_1082, %parallel_loop3A_1083, %parallel_loop3A_1084] {strides = array<i32>} : memref<2x120x128xf32, #tpu.memory_space<vmem>>, vector<1x1x16xf32>,
        %parallel_loop3A_1086 = vector.shape_cast %parallel_loop3A_1085 : vector<1x1x16xf32> to vector<16xf32>
        %parallel_loop3A_1087 = arith.addf %parallel_loop3A_1078, %parallel_loop3A_1086 : vector<16xf32>
        %parallel_loop3A_1088 = arith.constant 12 : i32
        %parallel_loop3A_1089 = arith.addi %parallel_loop3A_188, %parallel_loop3A_1088 : i32
        %parallel_loop3A_1090 = arith.constant 0 : i32
        %parallel_loop3A_1091 = arith.index_cast %parallel_loop3A_1090 : i32 to index
        %parallel_loop3A_1092 = arith.index_cast %parallel_loop3A_1089 : i32 to index
        %parallel_loop3A_1093 = arith.constant 48 : index
        %parallel_loop3A_1094 = tpu.vector_load %arg10[%parallel_loop3A_1091, %parallel_loop3A_1092, %parallel_loop3A_1093] {strides = array<i32>} : memref<2x120x128xf32, #tpu.memory_space<vmem>>, vector<1x1x16xf32>,
        %parallel_loop3A_1095 = vector.shape_cast %parallel_loop3A_1094 : vector<1x1x16xf32> to vector<16xf32>
        %parallel_loop3A_1096 = arith.addf %parallel_loop3A_1033, %parallel_loop3A_1095 : vector<16xf32>
        %parallel_loop3A_1097 = arith.constant 12 : i32
        %parallel_loop3A_1098 = arith.addi %parallel_loop3A_188, %parallel_loop3A_1097 : i32
        %parallel_loop3A_1099 = arith.constant 0 : i32
        %parallel_loop3A_1100 = arith.index_cast %parallel_loop3A_1099 : i32 to index
        %parallel_loop3A_1101 = arith.index_cast %parallel_loop3A_1098 : i32 to index
        %parallel_loop3A_1102 = arith.constant 48 : index
        %parallel_loop3A_1103 = tpu.vector_load %arg11[%parallel_loop3A_1100, %parallel_loop3A_1101, %parallel_loop3A_1102] {strides = array<i32>} : memref<2x120x128xf32, #tpu.memory_space<vmem>>, vector<1x1x16xf32>,
        %parallel_loop3A_1104 = vector.shape_cast %parallel_loop3A_1103 : vector<1x1x16xf32> to vector<16xf32>
        %parallel_loop3A_1105 = arith.addf %parallel_loop3A_1096, %parallel_loop3A_1104 : vector<16xf32>
        %parallel_loop3A_1106 = arith.constant 13 : i32
        %parallel_loop3A_1107 = arith.addi %parallel_loop3A_188, %parallel_loop3A_1106 : i32
        %parallel_loop3A_1108 = arith.constant 0 : i32
        %parallel_loop3A_1109 = arith.index_cast %parallel_loop3A_1108 : i32 to index
        %parallel_loop3A_1110 = arith.index_cast %parallel_loop3A_1107 : i32 to index
        %parallel_loop3A_1111 = arith.constant 0 : index
        %parallel_loop3A_1112 = tpu.vector_load %arg10[%parallel_loop3A_1109, %parallel_loop3A_1110, %parallel_loop3A_1111] {strides = array<i32>} : memref<2x120x128xf32, #tpu.memory_space<vmem>>, vector<1x1x16xf32>,
        %parallel_loop3A_1113 = vector.shape_cast %parallel_loop3A_1112 : vector<1x1x16xf32> to vector<16xf32>
        %parallel_loop3A_1114 = arith.addf %parallel_loop3A_1051, %parallel_loop3A_1113 : vector<16xf32>
        %parallel_loop3A_1115 = arith.constant 13 : i32
        %parallel_loop3A_1116 = arith.addi %parallel_loop3A_188, %parallel_loop3A_1115 : i32
        %parallel_loop3A_1117 = arith.constant 0 : i32
        %parallel_loop3A_1118 = arith.index_cast %parallel_loop3A_1117 : i32 to index
        %parallel_loop3A_1119 = arith.index_cast %parallel_loop3A_1116 : i32 to index
        %parallel_loop3A_1120 = arith.constant 0 : index
        %parallel_loop3A_1121 = tpu.vector_load %arg11[%parallel_loop3A_1118, %parallel_loop3A_1119, %parallel_loop3A_1120] {strides = array<i32>} : memref<2x120x128xf32, #tpu.memory_space<vmem>>, vector<1x1x16xf32>,
        %parallel_loop3A_1122 = vector.shape_cast %parallel_loop3A_1121 : vector<1x1x16xf32> to vector<16xf32>
        %parallel_loop3A_1123 = arith.addf %parallel_loop3A_1114, %parallel_loop3A_1122 : vector<16xf32>
        %parallel_loop3A_1124 = arith.constant 13 : i32
        %parallel_loop3A_1125 = arith.addi %parallel_loop3A_188, %parallel_loop3A_1124 : i32
        %parallel_loop3A_1126 = arith.constant 0 : i32
        %parallel_loop3A_1127 = arith.index_cast %parallel_loop3A_1126 : i32 to index
        %parallel_loop3A_1128 = arith.index_cast %parallel_loop3A_1125 : i32 to index
        %parallel_loop3A_1129 = arith.constant 16 : index
        %parallel_loop3A_1130 = tpu.vector_load %arg10[%parallel_loop3A_1127, %parallel_loop3A_1128, %parallel_loop3A_1129] {strides = array<i32>} : memref<2x120x128xf32, #tpu.memory_space<vmem>>, vector<1x1x16xf32>,
        %parallel_loop3A_1131 = vector.shape_cast %parallel_loop3A_1130 : vector<1x1x16xf32> to vector<16xf32>
        %parallel_loop3A_1132 = arith.addf %parallel_loop3A_1069, %parallel_loop3A_1131 : vector<16xf32>
        %parallel_loop3A_1133 = arith.constant 13 : i32
        %parallel_loop3A_1134 = arith.addi %parallel_loop3A_188, %parallel_loop3A_1133 : i32
        %parallel_loop3A_1135 = arith.constant 0 : i32
        %parallel_loop3A_1136 = arith.index_cast %parallel_loop3A_1135 : i32 to index
        %parallel_loop3A_1137 = arith.index_cast %parallel_loop3A_1134 : i32 to index
        %parallel_loop3A_1138 = arith.constant 16 : index
        %parallel_loop3A_1139 = tpu.vector_load %arg11[%parallel_loop3A_1136, %parallel_loop3A_1137, %parallel_loop3A_1138] {strides = array<i32>} : memref<2x120x128xf32, #tpu.memory_space<vmem>>, vector<1x1x16xf32>,
        %parallel_loop3A_1140 = vector.shape_cast %parallel_loop3A_1139 : vector<1x1x16xf32> to vector<16xf32>
        %parallel_loop3A_1141 = arith.addf %parallel_loop3A_1132, %parallel_loop3A_1140 : vector<16xf32>
        %parallel_loop3A_1142 = arith.constant 13 : i32
        %parallel_loop3A_1143 = arith.addi %parallel_loop3A_188, %parallel_loop3A_1142 : i32
        %parallel_loop3A_1144 = arith.constant 0 : i32
        %parallel_loop3A_1145 = arith.index_cast %parallel_loop3A_1144 : i32 to index
        %parallel_loop3A_1146 = arith.index_cast %parallel_loop3A_1143 : i32 to index
        %parallel_loop3A_1147 = arith.constant 32 : index
        %parallel_loop3A_1148 = tpu.vector_load %arg10[%parallel_loop3A_1145, %parallel_loop3A_1146, %parallel_loop3A_1147] {strides = array<i32>} : memref<2x120x128xf32, #tpu.memory_space<vmem>>, vector<1x1x16xf32>,
        %parallel_loop3A_1149 = vector.shape_cast %parallel_loop3A_1148 : vector<1x1x16xf32> to vector<16xf32>
        %parallel_loop3A_1150 = arith.addf %parallel_loop3A_1087, %parallel_loop3A_1149 : vector<16xf32>
        %parallel_loop3A_1151 = arith.constant 13 : i32
        %parallel_loop3A_1152 = arith.addi %parallel_loop3A_188, %parallel_loop3A_1151 : i32
        %parallel_loop3A_1153 = arith.constant 0 : i32
        %parallel_loop3A_1154 = arith.index_cast %parallel_loop3A_1153 : i32 to index
        %parallel_loop3A_1155 = arith.index_cast %parallel_loop3A_1152 : i32 to index
        %parallel_loop3A_1156 = arith.constant 32 : index
        %parallel_loop3A_1157 = tpu.vector_load %arg11[%parallel_loop3A_1154, %parallel_loop3A_1155, %parallel_loop3A_1156] {strides = array<i32>} : memref<2x120x128xf32, #tpu.memory_space<vmem>>, vector<1x1x16xf32>,
        %parallel_loop3A_1158 = vector.shape_cast %parallel_loop3A_1157 : vector<1x1x16xf32> to vector<16xf32>
        %parallel_loop3A_1159 = arith.addf %parallel_loop3A_1150, %parallel_loop3A_1158 : vector<16xf32>
        %parallel_loop3A_1160 = arith.constant 13 : i32
        %parallel_loop3A_1161 = arith.addi %parallel_loop3A_188, %parallel_loop3A_1160 : i32
        %parallel_loop3A_1162 = arith.constant 0 : i32
        %parallel_loop3A_1163 = arith.index_cast %parallel_loop3A_1162 : i32 to index
        %parallel_loop3A_1164 = arith.index_cast %parallel_loop3A_1161 : i32 to index
        %parallel_loop3A_1165 = arith.constant 48 : index
        %parallel_loop3A_1166 = tpu.vector_load %arg10[%parallel_loop3A_1163, %parallel_loop3A_1164, %parallel_loop3A_1165] {strides = array<i32>} : memref<2x120x128xf32, #tpu.memory_space<vmem>>, vector<1x1x16xf32>,
        %parallel_loop3A_1167 = vector.shape_cast %parallel_loop3A_1166 : vector<1x1x16xf32> to vector<16xf32>
        %parallel_loop3A_1168 = arith.addf %parallel_loop3A_1105, %parallel_loop3A_1167 : vector<16xf32>
        %parallel_loop3A_1169 = arith.constant 13 : i32
        %parallel_loop3A_1170 = arith.addi %parallel_loop3A_188, %parallel_loop3A_1169 : i32
        %parallel_loop3A_1171 = arith.constant 0 : i32
        %parallel_loop3A_1172 = arith.index_cast %parallel_loop3A_1171 : i32 to index
        %parallel_loop3A_1173 = arith.index_cast %parallel_loop3A_1170 : i32 to index
        %parallel_loop3A_1174 = arith.constant 48 : index
        %parallel_loop3A_1175 = tpu.vector_load %arg11[%parallel_loop3A_1172, %parallel_loop3A_1173, %parallel_loop3A_1174] {strides = array<i32>} : memref<2x120x128xf32, #tpu.memory_space<vmem>>, vector<1x1x16xf32>,
        %parallel_loop3A_1176 = vector.shape_cast %parallel_loop3A_1175 : vector<1x1x16xf32> to vector<16xf32>
        %parallel_loop3A_1177 = arith.addf %parallel_loop3A_1168, %parallel_loop3A_1176 : vector<16xf32>
        %parallel_loop3A_1178 = arith.constant 14 : i32
        %parallel_loop3A_1179 = arith.addi %parallel_loop3A_188, %parallel_loop3A_1178 : i32
        %parallel_loop3A_1180 = arith.constant 0 : i32
        %parallel_loop3A_1181 = arith.index_cast %parallel_loop3A_1180 : i32 to index
        %parallel_loop3A_1182 = arith.index_cast %parallel_loop3A_1179 : i32 to index
        %parallel_loop3A_1183 = arith.constant 0 : index
        %parallel_loop3A_1184 = tpu.vector_load %arg10[%parallel_loop3A_1181, %parallel_loop3A_1182, %parallel_loop3A_1183] {strides = array<i32>} : memref<2x120x128xf32, #tpu.memory_space<vmem>>, vector<1x1x16xf32>,
        %parallel_loop3A_1185 = vector.shape_cast %parallel_loop3A_1184 : vector<1x1x16xf32> to vector<16xf32>
        %parallel_loop3A_1186 = arith.addf %parallel_loop3A_1123, %parallel_loop3A_1185 : vector<16xf32>
        %parallel_loop3A_1187 = arith.constant 14 : i32
        %parallel_loop3A_1188 = arith.addi %parallel_loop3A_188, %parallel_loop3A_1187 : i32
        %parallel_loop3A_1189 = arith.constant 0 : i32
        %parallel_loop3A_1190 = arith.index_cast %parallel_loop3A_1189 : i32 to index
        %parallel_loop3A_1191 = arith.index_cast %parallel_loop3A_1188 : i32 to index
        %parallel_loop3A_1192 = arith.constant 0 : index
        %parallel_loop3A_1193 = tpu.vector_load %arg11[%parallel_loop3A_1190, %parallel_loop3A_1191, %parallel_loop3A_1192] {strides = array<i32>} : memref<2x120x128xf32, #tpu.memory_space<vmem>>, vector<1x1x16xf32>,
        %parallel_loop3A_1194 = vector.shape_cast %parallel_loop3A_1193 : vector<1x1x16xf32> to vector<16xf32>
        %parallel_loop3A_1195 = arith.addf %parallel_loop3A_1186, %parallel_loop3A_1194 : vector<16xf32>
        %parallel_loop3A_1196 = arith.constant 14 : i32
        %parallel_loop3A_1197 = arith.addi %parallel_loop3A_188, %parallel_loop3A_1196 : i32
        %parallel_loop3A_1198 = arith.constant 0 : i32
        %parallel_loop3A_1199 = arith.index_cast %parallel_loop3A_1198 : i32 to index
        %parallel_loop3A_1200 = arith.index_cast %parallel_loop3A_1197 : i32 to index
        %parallel_loop3A_1201 = arith.constant 16 : index
        %parallel_loop3A_1202 = tpu.vector_load %arg10[%parallel_loop3A_1199, %parallel_loop3A_1200, %parallel_loop3A_1201] {strides = array<i32>} : memref<2x120x128xf32, #tpu.memory_space<vmem>>, vector<1x1x16xf32>,
        %parallel_loop3A_1203 = vector.shape_cast %parallel_loop3A_1202 : vector<1x1x16xf32> to vector<16xf32>
        %parallel_loop3A_1204 = arith.addf %parallel_loop3A_1141, %parallel_loop3A_1203 : vector<16xf32>
        %parallel_loop3A_1205 = arith.constant 14 : i32
        %parallel_loop3A_1206 = arith.addi %parallel_loop3A_188, %parallel_loop3A_1205 : i32
        %parallel_loop3A_1207 = arith.constant 0 : i32
        %parallel_loop3A_1208 = arith.index_cast %parallel_loop3A_1207 : i32 to index
        %parallel_loop3A_1209 = arith.index_cast %parallel_loop3A_1206 : i32 to index
        %parallel_loop3A_1210 = arith.constant 16 : index
        %parallel_loop3A_1211 = tpu.vector_load %arg11[%parallel_loop3A_1208, %parallel_loop3A_1209, %parallel_loop3A_1210] {strides = array<i32>} : memref<2x120x128xf32, #tpu.memory_space<vmem>>, vector<1x1x16xf32>,
        %parallel_loop3A_1212 = vector.shape_cast %parallel_loop3A_1211 : vector<1x1x16xf32> to vector<16xf32>
        %parallel_loop3A_1213 = arith.addf %parallel_loop3A_1204, %parallel_loop3A_1212 : vector<16xf32>
        %parallel_loop3A_1214 = arith.constant 14 : i32
        %parallel_loop3A_1215 = arith.addi %parallel_loop3A_188, %parallel_loop3A_1214 : i32
        %parallel_loop3A_1216 = arith.constant 0 : i32
        %parallel_loop3A_1217 = arith.index_cast %parallel_loop3A_1216 : i32 to index
        %parallel_loop3A_1218 = arith.index_cast %parallel_loop3A_1215 : i32 to index
        %parallel_loop3A_1219 = arith.constant 32 : index
        %parallel_loop3A_1220 = tpu.vector_load %arg10[%parallel_loop3A_1217, %parallel_loop3A_1218, %parallel_loop3A_1219] {strides = array<i32>} : memref<2x120x128xf32, #tpu.memory_space<vmem>>, vector<1x1x16xf32>,
        %parallel_loop3A_1221 = vector.shape_cast %parallel_loop3A_1220 : vector<1x1x16xf32> to vector<16xf32>
        %parallel_loop3A_1222 = arith.addf %parallel_loop3A_1159, %parallel_loop3A_1221 : vector<16xf32>
        %parallel_loop3A_1223 = arith.constant 14 : i32
        %parallel_loop3A_1224 = arith.addi %parallel_loop3A_188, %parallel_loop3A_1223 : i32
        %parallel_loop3A_1225 = arith.constant 0 : i32
        %parallel_loop3A_1226 = arith.index_cast %parallel_loop3A_1225 : i32 to index
        %parallel_loop3A_1227 = arith.index_cast %parallel_loop3A_1224 : i32 to index
        %parallel_loop3A_1228 = arith.constant 32 : index
        %parallel_loop3A_1229 = tpu.vector_load %arg11[%parallel_loop3A_1226, %parallel_loop3A_1227, %parallel_loop3A_1228] {strides = array<i32>} : memref<2x120x128xf32, #tpu.memory_space<vmem>>, vector<1x1x16xf32>,
        %parallel_loop3A_1230 = vector.shape_cast %parallel_loop3A_1229 : vector<1x1x16xf32> to vector<16xf32>
        %parallel_loop3A_1231 = arith.addf %parallel_loop3A_1222, %parallel_loop3A_1230 : vector<16xf32>
        %parallel_loop3A_1232 = arith.constant 14 : i32
        %parallel_loop3A_1233 = arith.addi %parallel_loop3A_188, %parallel_loop3A_1232 : i32
        %parallel_loop3A_1234 = arith.constant 0 : i32
        %parallel_loop3A_1235 = arith.index_cast %parallel_loop3A_1234 : i32 to index
        %parallel_loop3A_1236 = arith.index_cast %parallel_loop3A_1233 : i32 to index
        %parallel_loop3A_1237 = arith.constant 48 : index
        %parallel_loop3A_1238 = tpu.vector_load %arg10[%parallel_loop3A_1235, %parallel_loop3A_1236, %parallel_loop3A_1237] {strides = array<i32>} : memref<2x120x128xf32, #tpu.memory_space<vmem>>, vector<1x1x16xf32>,
        %parallel_loop3A_1239 = vector.shape_cast %parallel_loop3A_1238 : vector<1x1x16xf32> to vector<16xf32>
        %parallel_loop3A_1240 = arith.addf %parallel_loop3A_1177, %parallel_loop3A_1239 : vector<16xf32>
        %parallel_loop3A_1241 = arith.constant 14 : i32
        %parallel_loop3A_1242 = arith.addi %parallel_loop3A_188, %parallel_loop3A_1241 : i32
        %parallel_loop3A_1243 = arith.constant 0 : i32
        %parallel_loop3A_1244 = arith.index_cast %parallel_loop3A_1243 : i32 to index
        %parallel_loop3A_1245 = arith.index_cast %parallel_loop3A_1242 : i32 to index
        %parallel_loop3A_1246 = arith.constant 48 : index
        %parallel_loop3A_1247 = tpu.vector_load %arg11[%parallel_loop3A_1244, %parallel_loop3A_1245, %parallel_loop3A_1246] {strides = array<i32>} : memref<2x120x128xf32, #tpu.memory_space<vmem>>, vector<1x1x16xf32>,
        %parallel_loop3A_1248 = vector.shape_cast %parallel_loop3A_1247 : vector<1x1x16xf32> to vector<16xf32>
        %parallel_loop3A_1249 = arith.addf %parallel_loop3A_1240, %parallel_loop3A_1248 : vector<16xf32>
        %parallel_loop3A_1250 = arith.constant 0.0222222228 : f32
        %parallel_loop3A_1251 = vector.broadcast %parallel_loop3A_1250 : f32 to vector<16xf32>
        %parallel_loop3A_1252 = arith.mulf %parallel_loop3A_1195, %parallel_loop3A_1251 : vector<16xf32>
        %parallel_loop3A_1253 = arith.index_cast %parallel_loop3A_189 : i32 to index
        %parallel_loop3A_1254 = arith.constant 0 : index
        %parallel_loop3A_1255 = tpu.vector_load %arg13[%parallel_loop3A_1253, %parallel_loop3A_1254] {strides = array<i32>} : memref<512x64xf32, #tpu.memory_space<vmem>>, vector<1x16xf32>,
        %parallel_loop3A_1256 = vector.shape_cast %parallel_loop3A_1255 : vector<1x16xf32> to vector<16xf32>
        %parallel_loop3A_1257 = vector.shape_cast %parallel_loop3A_1252 : vector<16xf32> to vector<1x16xf32>
        tpu.vector_store %arg13[%parallel_loop3A_1253, %parallel_loop3A_1254], %parallel_loop3A_1257 {add = true, strides = array<i32>} : memref<512x64xf32, #tpu.memory_space<vmem>>, vector<1x16xf32>,
        %parallel_loop3A_1258 = arith.constant 0.0222222228 : f32
        %parallel_loop3A_1259 = vector.broadcast %parallel_loop3A_1258 : f32 to vector<16xf32>
        %parallel_loop3A_1260 = arith.mulf %parallel_loop3A_1213, %parallel_loop3A_1259 : vector<16xf32>
        %parallel_loop3A_1261 = arith.index_cast %parallel_loop3A_189 : i32 to index
        %parallel_loop3A_1262 = arith.constant 16 : index
        %parallel_loop3A_1263 = tpu.vector_load %arg13[%parallel_loop3A_1261, %parallel_loop3A_1262] {strides = array<i32>} : memref<512x64xf32, #tpu.memory_space<vmem>>, vector<1x16xf32>,
        %parallel_loop3A_1264 = vector.shape_cast %parallel_loop3A_1263 : vector<1x16xf32> to vector<16xf32>
        %parallel_loop3A_1265 = vector.shape_cast %parallel_loop3A_1260 : vector<16xf32> to vector<1x16xf32>
        tpu.vector_store %arg13[%parallel_loop3A_1261, %parallel_loop3A_1262], %parallel_loop3A_1265 {add = true, strides = array<i32>} : memref<512x64xf32, #tpu.memory_space<vmem>>, vector<1x16xf32>,
        %parallel_loop3A_1266 = arith.constant 0.0222222228 : f32
        %parallel_loop3A_1267 = vector.broadcast %parallel_loop3A_1266 : f32 to vector<16xf32>
        %parallel_loop3A_1268 = arith.mulf %parallel_loop3A_1231, %parallel_loop3A_1267 : vector<16xf32>
        %parallel_loop3A_1269 = arith.index_cast %parallel_loop3A_189 : i32 to index
        %parallel_loop3A_1270 = arith.constant 32 : index
        %parallel_loop3A_1271 = tpu.vector_load %arg13[%parallel_loop3A_1269, %parallel_loop3A_1270] {strides = array<i32>} : memref<512x64xf32, #tpu.memory_space<vmem>>, vector<1x16xf32>,
        %parallel_loop3A_1272 = vector.shape_cast %parallel_loop3A_1271 : vector<1x16xf32> to vector<16xf32>
        %parallel_loop3A_1273 = vector.shape_cast %parallel_loop3A_1268 : vector<16xf32> to vector<1x16xf32>
        tpu.vector_store %arg13[%parallel_loop3A_1269, %parallel_loop3A_1270], %parallel_loop3A_1273 {add = true, strides = array<i32>} : memref<512x64xf32, #tpu.memory_space<vmem>>, vector<1x16xf32>,
        %parallel_loop3A_1274 = arith.constant 0.0222222228 : f32
        %parallel_loop3A_1275 = vector.broadcast %parallel_loop3A_1274 : f32 to vector<16xf32>
        %parallel_loop3A_1276 = arith.mulf %parallel_loop3A_1249, %parallel_loop3A_1275 : vector<16xf32>
        %parallel_loop3A_1277 = arith.index_cast %parallel_loop3A_189 : i32 to index
        %parallel_loop3A_1278 = arith.constant 48 : index
        %parallel_loop3A_1279 = tpu.vector_load %arg13[%parallel_loop3A_1277, %parallel_loop3A_1278] {strides = array<i32>} : memref<512x64xf32, #tpu.memory_space<vmem>>, vector<1x16xf32>,
        %parallel_loop3A_1280 = vector.shape_cast %parallel_loop3A_1279 : vector<1x16xf32> to vector<16xf32>
        %parallel_loop3A_1281 = vector.shape_cast %parallel_loop3A_1276 : vector<16xf32> to vector<1x16xf32>
        tpu.vector_store %arg13[%parallel_loop3A_1277, %parallel_loop3A_1278], %parallel_loop3A_1281 {add = true, strides = array<i32>} : memref<512x64xf32, #tpu.memory_space<vmem>>, vector<1x16xf32>,
      } {sc.loop_unroll_factor = 2 : i64, sc.parallel_access}
      %add3A_149 = arith.constant 2 : i32
      %add3A_150 = arith.addi %mul3A_89, %add3A_149 : i32
      %lt3A = arith.constant 64 : i32
      %lt3A_151 = arith.cmpi slt, %add3A_150, %lt3A : i32
      %convert_element_type3A = arith.extui %lt3A_151 : i1 to i32
      %cond3A = arith.constant 0 : i32
      %cond3A_152 = arith.cmpi ne, %convert_element_type3A, %cond3A : i32
      scf.if %cond3A_152 {
        %add3A_186 = arith.constant 2 : i32
        %add3A_187 = arith.addi %mul3A_89, %add3A_186 : i32
        %mul3A_188 = arith.constant 120 : i32
        %mul3A_189 = arith.muli %add3A_187, %mul3A_188 : i32
        %dma_start3A_190 = arith.constant 0 : i32
        %dma_start3A_191 = arith.constant 0 : i32
        %dma_start3A_192 = arith.constant 0 : i32
        %dma_start3A_193 = arith.constant 0 : i32
        %dma_start3A_194 = tpu.memref_slice %arg10[%dma_start3A_190, %dma_start3A_192, %dma_start3A_193] : memref<2x120x128xf32, #tpu.memory_space<vmem>> -> memref<1x120x128xf32, #tpu.memory_space<vmem>>
        %dma_start3A_195 = tpu.memref_squeeze %dma_start3A_194 : memref<1x120x128xf32, #tpu.memory_space<vmem>> -> memref<120x128xf32, #tpu.memory_space<vmem>>
        %dma_start3A_196 = tpu.memref_slice %arg8[%mul3A_189] : memref<7680xi32, #tpu.memory_space<vmem>> -> memref<120xi32, #tpu.memory_space<vmem>>
        %dma_start3A_197 = arith.constant 0 : i32
        %dma_start3A_198 = arith.constant 0 : i32
        %dma_start3A_199 = tpu.memref_slice %arg2[%dma_start3A_197, %dma_start3A_198] : memref<1003520x128xf32, #tpu.memory_space<hbm>> -> memref<1003520x128xf32, #tpu.memory_space<hbm>>
        %dma_start3A_200 = tpu.memref_slice %arg14[%dma_start3A_191] : memref<2x!tpu.dma_semaphore, #tpu.memory_space<semaphore_mem>> -> memref<1x!tpu.dma_semaphore, #tpu.memory_space<semaphore_mem>>
        %dma_start3A_201 = tpu.memref_squeeze %dma_start3A_200 : memref<1x!tpu.dma_semaphore, #tpu.memory_space<semaphore_mem>> -> memref<!tpu.dma_semaphore, #tpu.memory_space<semaphore_mem>>
        tpu.enqueue_indirect_dma source(%dma_start3A_199 : memref<1003520x128xf32, #tpu.memory_space<hbm>>) target(%dma_start3A_195 : memref<120x128xf32, #tpu.memory_space<vmem>>) offsets(%dma_start3A_196 : memref<120xi32, #tpu.memory_space<vmem>>) semaphore(%dma_start3A_201 : memref<!tpu.dma_semaphore, #tpu.memory_space<semaphore_mem>>)
        %dma_start3A_202 = arith.constant 0 : i32
        %dma_start3A_203 = arith.constant 0 : i32
        %dma_start3A_204 = arith.constant 0 : i32
        %dma_start3A_205 = arith.constant 0 : i32
        %dma_start3A_206 = tpu.memref_slice %arg11[%dma_start3A_202, %dma_start3A_204, %dma_start3A_205] : memref<2x120x128xf32, #tpu.memory_space<vmem>> -> memref<1x120x128xf32, #tpu.memory_space<vmem>>
        %dma_start3A_207 = tpu.memref_squeeze %dma_start3A_206 : memref<1x120x128xf32, #tpu.memory_space<vmem>> -> memref<120x128xf32, #tpu.memory_space<vmem>>
        %dma_start3A_208 = tpu.memref_slice %arg9[%mul3A_189] : memref<7680xi32, #tpu.memory_space<vmem>> -> memref<120xi32, #tpu.memory_space<vmem>>
        %dma_start3A_209 = arith.constant 0 : i32
        %dma_start3A_210 = arith.constant 0 : i32
        %dma_start3A_211 = tpu.memref_slice %arg2[%dma_start3A_209, %dma_start3A_210] : memref<1003520x128xf32, #tpu.memory_space<hbm>> -> memref<1003520x128xf32, #tpu.memory_space<hbm>>
        %dma_start3A_212 = tpu.memref_slice %arg15[%dma_start3A_203] : memref<2x!tpu.dma_semaphore, #tpu.memory_space<semaphore_mem>> -> memref<1x!tpu.dma_semaphore, #tpu.memory_space<semaphore_mem>>
        %dma_start3A_213 = tpu.memref_squeeze %dma_start3A_212 : memref<1x!tpu.dma_semaphore, #tpu.memory_space<semaphore_mem>> -> memref<!tpu.dma_semaphore, #tpu.memory_space<semaphore_mem>>
        tpu.enqueue_indirect_dma source(%dma_start3A_211 : memref<1003520x128xf32, #tpu.memory_space<hbm>>) target(%dma_start3A_207 : memref<120x128xf32, #tpu.memory_space<vmem>>) offsets(%dma_start3A_208 : memref<120xi32, #tpu.memory_space<vmem>>) semaphore(%dma_start3A_213 : memref<!tpu.dma_semaphore, #tpu.memory_space<semaphore_mem>>)
      } else {
      }
      %dma_wait3A_153 = arith.constant 1 : i32
      %dma_wait3A_154 = arith.constant 1 : i32
      %dma_wait3A_155 = arith.constant 0 : i32
      %dma_wait3A_156 = arith.constant 0 : i32
      %dma_wait3A_157 = tpu.memref_slice %arg10[%dma_wait3A_153, %dma_wait3A_155, %dma_wait3A_156] : memref<2x120x128xf32, #tpu.memory_space<vmem>> -> memref<1x120x128xf32, #tpu.memory_space<vmem>>
      %dma_wait3A_158 = tpu.memref_squeeze %dma_wait3A_157 : memref<1x120x128xf32, #tpu.memory_space<vmem>> -> memref<120x128xf32, #tpu.memory_space<vmem>>
      %dma_wait3A_159 = arith.constant 0 : i32
      %dma_wait3A_160 = tpu.memref_slice %arg8[%dma_wait3A_159] : memref<7680xi32, #tpu.memory_space<vmem>> -> memref<120xi32, #tpu.memory_space<vmem>>
      %dma_wait3A_161 = arith.constant 0 : i32
      %dma_wait3A_162 = arith.constant 0 : i32
      %dma_wait3A_163 = tpu.memref_slice %arg2[%dma_wait3A_161, %dma_wait3A_162] : memref<1003520x128xf32, #tpu.memory_space<hbm>> -> memref<1003520x128xf32, #tpu.memory_space<hbm>>
      %dma_wait3A_164 = tpu.memref_slice %arg14[%dma_wait3A_154] : memref<2x!tpu.dma_semaphore, #tpu.memory_space<semaphore_mem>> -> memref<1x!tpu.dma_semaphore, #tpu.memory_space<semaphore_mem>>
      %dma_wait3A_165 = tpu.memref_squeeze %dma_wait3A_164 : memref<1x!tpu.dma_semaphore, #tpu.memory_space<semaphore_mem>> -> memref<!tpu.dma_semaphore, #tpu.memory_space<semaphore_mem>>
      tpu.wait_indirect_dma semaphore(%dma_wait3A_165 : memref<!tpu.dma_semaphore, #tpu.memory_space<semaphore_mem>>) src(%dma_wait3A_163 : memref<1003520x128xf32, #tpu.memory_space<hbm>>) dst(%dma_wait3A_158 : memref<120x128xf32, #tpu.memory_space<vmem>>)
      %dma_wait3A_166 = arith.constant 1 : i32
      %dma_wait3A_167 = arith.constant 1 : i32
      %dma_wait3A_168 = arith.constant 0 : i32
      %dma_wait3A_169 = arith.constant 0 : i32
      %dma_wait3A_170 = tpu.memref_slice %arg11[%dma_wait3A_166, %dma_wait3A_168, %dma_wait3A_169] : memref<2x120x128xf32, #tpu.memory_space<vmem>> -> memref<1x120x128xf32, #tpu.memory_space<vmem>>
      %dma_wait3A_171 = tpu.memref_squeeze %dma_wait3A_170 : memref<1x120x128xf32, #tpu.memory_space<vmem>> -> memref<120x128xf32, #tpu.memory_space<vmem>>
      %dma_wait3A_172 = arith.constant 0 : i32
      %dma_wait3A_173 = tpu.memref_slice %arg9[%dma_wait3A_172] : memref<7680xi32, #tpu.memory_space<vmem>> -> memref<120xi32, #tpu.memory_space<vmem>>
      %dma_wait3A_174 = arith.constant 0 : i32
      %dma_wait3A_175 = arith.constant 0 : i32
      %dma_wait3A_176 = tpu.memref_slice %arg2[%dma_wait3A_174, %dma_wait3A_175] : memref<1003520x128xf32, #tpu.memory_space<hbm>> -> memref<1003520x128xf32, #tpu.memory_space<hbm>>
      %dma_wait3A_177 = tpu.memref_slice %arg15[%dma_wait3A_167] : memref<2x!tpu.dma_semaphore, #tpu.memory_space<semaphore_mem>> -> memref<1x!tpu.dma_semaphore, #tpu.memory_space<semaphore_mem>>
      %dma_wait3A_178 = tpu.memref_squeeze %dma_wait3A_177 : memref<1x!tpu.dma_semaphore, #tpu.memory_space<semaphore_mem>> -> memref<!tpu.dma_semaphore, #tpu.memory_space<semaphore_mem>>
      tpu.wait_indirect_dma semaphore(%dma_wait3A_178 : memref<!tpu.dma_semaphore, #tpu.memory_space<semaphore_mem>>) src(%dma_wait3A_176 : memref<1003520x128xf32, #tpu.memory_space<hbm>>) dst(%dma_wait3A_171 : memref<120x128xf32, #tpu.memory_space<vmem>>)
      %add3A_179 = arith.constant 1 : i32
      %add3A_180 = arith.addi %mul3A_89, %add3A_179 : i32
      %mul3A_181 = arith.constant 8 : i32
      %mul3A_182 = arith.muli %add3A_180, %mul3A_181 : i32
      %parallel_loop3A_183 = arith.constant 0 : i32
      %parallel_loop3A_184 = arith.constant 8 : i32
      %parallel_loop3A_185 = arith.constant 1 : i32
      scf.for %parallel_loop3A_186 = %parallel_loop3A_183 to %parallel_loop3A_184 step %parallel_loop3A_185  : i32 {
        %parallel_loop3A_187 = arith.constant 15 : i32
        %parallel_loop3A_188 = arith.muli %parallel_loop3A_186, %parallel_loop3A_187 : i32
        %parallel_loop3A_189 = arith.addi %mul3A_182, %parallel_loop3A_186 : i32
        %parallel_loop3A_190 = arith.constant 1 : i32
        %parallel_loop3A_191 = arith.index_cast %parallel_loop3A_190 : i32 to index
        %parallel_loop3A_192 = arith.index_cast %parallel_loop3A_188 : i32 to index
        %parallel_loop3A_193 = arith.constant 0 : index
        %parallel_loop3A_194 = tpu.vector_load %arg10[%parallel_loop3A_191, %parallel_loop3A_192, %parallel_loop3A_193] {strides = array<i32>} : memref<2x120x128xf32, #tpu.memory_space<vmem>>, vector<1x1x16xf32>,
        %parallel_loop3A_195 = vector.shape_cast %parallel_loop3A_194 : vector<1x1x16xf32> to vector<16xf32>
        %parallel_loop3A_196 = arith.constant 1 : i32
        %parallel_loop3A_197 = arith.index_cast %parallel_loop3A_196 : i32 to index
        %parallel_loop3A_198 = arith.index_cast %parallel_loop3A_188 : i32 to index
        %parallel_loop3A_199 = arith.constant 0 : index
        %parallel_loop3A_200 = tpu.vector_load %arg11[%parallel_loop3A_197, %parallel_loop3A_198, %parallel_loop3A_199] {strides = array<i32>} : memref<2x120x128xf32, #tpu.memory_space<vmem>>, vector<1x1x16xf32>,
        %parallel_loop3A_201 = vector.shape_cast %parallel_loop3A_200 : vector<1x1x16xf32> to vector<16xf32>
        %parallel_loop3A_202 = arith.addf %parallel_loop3A_195, %parallel_loop3A_201 : vector<16xf32>
        %parallel_loop3A_203 = arith.constant 1 : i32
        %parallel_loop3A_204 = arith.index_cast %parallel_loop3A_203 : i32 to index
        %parallel_loop3A_205 = arith.index_cast %parallel_loop3A_188 : i32 to index
        %parallel_loop3A_206 = arith.constant 16 : index
        %parallel_loop3A_207 = tpu.vector_load %arg10[%parallel_loop3A_204, %parallel_loop3A_205, %parallel_loop3A_206] {strides = array<i32>} : memref<2x120x128xf32, #tpu.memory_space<vmem>>, vector<1x1x16xf32>,
        %parallel_loop3A_208 = vector.shape_cast %parallel_loop3A_207 : vector<1x1x16xf32> to vector<16xf32>
        %parallel_loop3A_209 = arith.constant 1 : i32
        %parallel_loop3A_210 = arith.index_cast %parallel_loop3A_209 : i32 to index
        %parallel_loop3A_211 = arith.index_cast %parallel_loop3A_188 : i32 to index
        %parallel_loop3A_212 = arith.constant 16 : index
        %parallel_loop3A_213 = tpu.vector_load %arg11[%parallel_loop3A_210, %parallel_loop3A_211, %parallel_loop3A_212] {strides = array<i32>} : memref<2x120x128xf32, #tpu.memory_space<vmem>>, vector<1x1x16xf32>,
        %parallel_loop3A_214 = vector.shape_cast %parallel_loop3A_213 : vector<1x1x16xf32> to vector<16xf32>
        %parallel_loop3A_215 = arith.addf %parallel_loop3A_208, %parallel_loop3A_214 : vector<16xf32>
        %parallel_loop3A_216 = arith.constant 1 : i32
        %parallel_loop3A_217 = arith.index_cast %parallel_loop3A_216 : i32 to index
        %parallel_loop3A_218 = arith.index_cast %parallel_loop3A_188 : i32 to index
        %parallel_loop3A_219 = arith.constant 32 : index
        %parallel_loop3A_220 = tpu.vector_load %arg10[%parallel_loop3A_217, %parallel_loop3A_218, %parallel_loop3A_219] {strides = array<i32>} : memref<2x120x128xf32, #tpu.memory_space<vmem>>, vector<1x1x16xf32>,
        %parallel_loop3A_221 = vector.shape_cast %parallel_loop3A_220 : vector<1x1x16xf32> to vector<16xf32>
        %parallel_loop3A_222 = arith.constant 1 : i32
        %parallel_loop3A_223 = arith.index_cast %parallel_loop3A_222 : i32 to index
        %parallel_loop3A_224 = arith.index_cast %parallel_loop3A_188 : i32 to index
        %parallel_loop3A_225 = arith.constant 32 : index
        %parallel_loop3A_226 = tpu.vector_load %arg11[%parallel_loop3A_223, %parallel_loop3A_224, %parallel_loop3A_225] {strides = array<i32>} : memref<2x120x128xf32, #tpu.memory_space<vmem>>, vector<1x1x16xf32>,
        %parallel_loop3A_227 = vector.shape_cast %parallel_loop3A_226 : vector<1x1x16xf32> to vector<16xf32>
        %parallel_loop3A_228 = arith.addf %parallel_loop3A_221, %parallel_loop3A_227 : vector<16xf32>
        %parallel_loop3A_229 = arith.constant 1 : i32
        %parallel_loop3A_230 = arith.index_cast %parallel_loop3A_229 : i32 to index
        %parallel_loop3A_231 = arith.index_cast %parallel_loop3A_188 : i32 to index
        %parallel_loop3A_232 = arith.constant 48 : index
        %parallel_loop3A_233 = tpu.vector_load %arg10[%parallel_loop3A_230, %parallel_loop3A_231, %parallel_loop3A_232] {strides = array<i32>} : memref<2x120x128xf32, #tpu.memory_space<vmem>>, vector<1x1x16xf32>,
        %parallel_loop3A_234 = vector.shape_cast %parallel_loop3A_233 : vector<1x1x16xf32> to vector<16xf32>
        %parallel_loop3A_235 = arith.constant 1 : i32
        %parallel_loop3A_236 = arith.index_cast %parallel_loop3A_235 : i32 to index
        %parallel_loop3A_237 = arith.index_cast %parallel_loop3A_188 : i32 to index
        %parallel_loop3A_238 = arith.constant 48 : index
        %parallel_loop3A_239 = tpu.vector_load %arg11[%parallel_loop3A_236, %parallel_loop3A_237, %parallel_loop3A_238] {strides = array<i32>} : memref<2x120x128xf32, #tpu.memory_space<vmem>>, vector<1x1x16xf32>,
        %parallel_loop3A_240 = vector.shape_cast %parallel_loop3A_239 : vector<1x1x16xf32> to vector<16xf32>
        %parallel_loop3A_241 = arith.addf %parallel_loop3A_234, %parallel_loop3A_240 : vector<16xf32>
        %parallel_loop3A_242 = arith.constant 1 : i32
        %parallel_loop3A_243 = arith.addi %parallel_loop3A_188, %parallel_loop3A_242 : i32
        %parallel_loop3A_244 = arith.constant 1 : i32
        %parallel_loop3A_245 = arith.index_cast %parallel_loop3A_244 : i32 to index
        %parallel_loop3A_246 = arith.index_cast %parallel_loop3A_243 : i32 to index
        %parallel_loop3A_247 = arith.constant 0 : index
        %parallel_loop3A_248 = tpu.vector_load %arg10[%parallel_loop3A_245, %parallel_loop3A_246, %parallel_loop3A_247] {strides = array<i32>} : memref<2x120x128xf32, #tpu.memory_space<vmem>>, vector<1x1x16xf32>,
        %parallel_loop3A_249 = vector.shape_cast %parallel_loop3A_248 : vector<1x1x16xf32> to vector<16xf32>
        %parallel_loop3A_250 = arith.addf %parallel_loop3A_202, %parallel_loop3A_249 : vector<16xf32>
        %parallel_loop3A_251 = arith.constant 1 : i32
        %parallel_loop3A_252 = arith.addi %parallel_loop3A_188, %parallel_loop3A_251 : i32
        %parallel_loop3A_253 = arith.constant 1 : i32
        %parallel_loop3A_254 = arith.index_cast %parallel_loop3A_253 : i32 to index
        %parallel_loop3A_255 = arith.index_cast %parallel_loop3A_252 : i32 to index
        %parallel_loop3A_256 = arith.constant 0 : index
        %parallel_loop3A_257 = tpu.vector_load %arg11[%parallel_loop3A_254, %parallel_loop3A_255, %parallel_loop3A_256] {strides = array<i32>} : memref<2x120x128xf32, #tpu.memory_space<vmem>>, vector<1x1x16xf32>,
        %parallel_loop3A_258 = vector.shape_cast %parallel_loop3A_257 : vector<1x1x16xf32> to vector<16xf32>
        %parallel_loop3A_259 = arith.addf %parallel_loop3A_250, %parallel_loop3A_258 : vector<16xf32>
        %parallel_loop3A_260 = arith.constant 1 : i32
        %parallel_loop3A_261 = arith.addi %parallel_loop3A_188, %parallel_loop3A_260 : i32
        %parallel_loop3A_262 = arith.constant 1 : i32
        %parallel_loop3A_263 = arith.index_cast %parallel_loop3A_262 : i32 to index
        %parallel_loop3A_264 = arith.index_cast %parallel_loop3A_261 : i32 to index
        %parallel_loop3A_265 = arith.constant 16 : index
        %parallel_loop3A_266 = tpu.vector_load %arg10[%parallel_loop3A_263, %parallel_loop3A_264, %parallel_loop3A_265] {strides = array<i32>} : memref<2x120x128xf32, #tpu.memory_space<vmem>>, vector<1x1x16xf32>,
        %parallel_loop3A_267 = vector.shape_cast %parallel_loop3A_266 : vector<1x1x16xf32> to vector<16xf32>
        %parallel_loop3A_268 = arith.addf %parallel_loop3A_215, %parallel_loop3A_267 : vector<16xf32>
        %parallel_loop3A_269 = arith.constant 1 : i32
        %parallel_loop3A_270 = arith.addi %parallel_loop3A_188, %parallel_loop3A_269 : i32
        %parallel_loop3A_271 = arith.constant 1 : i32
        %parallel_loop3A_272 = arith.index_cast %parallel_loop3A_271 : i32 to index
        %parallel_loop3A_273 = arith.index_cast %parallel_loop3A_270 : i32 to index
        %parallel_loop3A_274 = arith.constant 16 : index
        %parallel_loop3A_275 = tpu.vector_load %arg11[%parallel_loop3A_272, %parallel_loop3A_273, %parallel_loop3A_274] {strides = array<i32>} : memref<2x120x128xf32, #tpu.memory_space<vmem>>, vector<1x1x16xf32>,
        %parallel_loop3A_276 = vector.shape_cast %parallel_loop3A_275 : vector<1x1x16xf32> to vector<16xf32>
        %parallel_loop3A_277 = arith.addf %parallel_loop3A_268, %parallel_loop3A_276 : vector<16xf32>
        %parallel_loop3A_278 = arith.constant 1 : i32
        %parallel_loop3A_279 = arith.addi %parallel_loop3A_188, %parallel_loop3A_278 : i32
        %parallel_loop3A_280 = arith.constant 1 : i32
        %parallel_loop3A_281 = arith.index_cast %parallel_loop3A_280 : i32 to index
        %parallel_loop3A_282 = arith.index_cast %parallel_loop3A_279 : i32 to index
        %parallel_loop3A_283 = arith.constant 32 : index
        %parallel_loop3A_284 = tpu.vector_load %arg10[%parallel_loop3A_281, %parallel_loop3A_282, %parallel_loop3A_283] {strides = array<i32>} : memref<2x120x128xf32, #tpu.memory_space<vmem>>, vector<1x1x16xf32>,
        %parallel_loop3A_285 = vector.shape_cast %parallel_loop3A_284 : vector<1x1x16xf32> to vector<16xf32>
        %parallel_loop3A_286 = arith.addf %parallel_loop3A_228, %parallel_loop3A_285 : vector<16xf32>
        %parallel_loop3A_287 = arith.constant 1 : i32
        %parallel_loop3A_288 = arith.addi %parallel_loop3A_188, %parallel_loop3A_287 : i32
        %parallel_loop3A_289 = arith.constant 1 : i32
        %parallel_loop3A_290 = arith.index_cast %parallel_loop3A_289 : i32 to index
        %parallel_loop3A_291 = arith.index_cast %parallel_loop3A_288 : i32 to index
        %parallel_loop3A_292 = arith.constant 32 : index
        %parallel_loop3A_293 = tpu.vector_load %arg11[%parallel_loop3A_290, %parallel_loop3A_291, %parallel_loop3A_292] {strides = array<i32>} : memref<2x120x128xf32, #tpu.memory_space<vmem>>, vector<1x1x16xf32>,
        %parallel_loop3A_294 = vector.shape_cast %parallel_loop3A_293 : vector<1x1x16xf32> to vector<16xf32>
        %parallel_loop3A_295 = arith.addf %parallel_loop3A_286, %parallel_loop3A_294 : vector<16xf32>
        %parallel_loop3A_296 = arith.constant 1 : i32
        %parallel_loop3A_297 = arith.addi %parallel_loop3A_188, %parallel_loop3A_296 : i32
        %parallel_loop3A_298 = arith.constant 1 : i32
        %parallel_loop3A_299 = arith.index_cast %parallel_loop3A_298 : i32 to index
        %parallel_loop3A_300 = arith.index_cast %parallel_loop3A_297 : i32 to index
        %parallel_loop3A_301 = arith.constant 48 : index
        %parallel_loop3A_302 = tpu.vector_load %arg10[%parallel_loop3A_299, %parallel_loop3A_300, %parallel_loop3A_301] {strides = array<i32>} : memref<2x120x128xf32, #tpu.memory_space<vmem>>, vector<1x1x16xf32>,
        %parallel_loop3A_303 = vector.shape_cast %parallel_loop3A_302 : vector<1x1x16xf32> to vector<16xf32>
        %parallel_loop3A_304 = arith.addf %parallel_loop3A_241, %parallel_loop3A_303 : vector<16xf32>
        %parallel_loop3A_305 = arith.constant 1 : i32
        %parallel_loop3A_306 = arith.addi %parallel_loop3A_188, %parallel_loop3A_305 : i32
        %parallel_loop3A_307 = arith.constant 1 : i32
        %parallel_loop3A_308 = arith.index_cast %parallel_loop3A_307 : i32 to index
        %parallel_loop3A_309 = arith.index_cast %parallel_loop3A_306 : i32 to index
        %parallel_loop3A_310 = arith.constant 48 : index
        %parallel_loop3A_311 = tpu.vector_load %arg11[%parallel_loop3A_308, %parallel_loop3A_309, %parallel_loop3A_310] {strides = array<i32>} : memref<2x120x128xf32, #tpu.memory_space<vmem>>, vector<1x1x16xf32>,
        %parallel_loop3A_312 = vector.shape_cast %parallel_loop3A_311 : vector<1x1x16xf32> to vector<16xf32>
        %parallel_loop3A_313 = arith.addf %parallel_loop3A_304, %parallel_loop3A_312 : vector<16xf32>
        %parallel_loop3A_314 = arith.constant 2 : i32
        %parallel_loop3A_315 = arith.addi %parallel_loop3A_188, %parallel_loop3A_314 : i32
        %parallel_loop3A_316 = arith.constant 1 : i32
        %parallel_loop3A_317 = arith.index_cast %parallel_loop3A_316 : i32 to index
        %parallel_loop3A_318 = arith.index_cast %parallel_loop3A_315 : i32 to index
        %parallel_loop3A_319 = arith.constant 0 : index
        %parallel_loop3A_320 = tpu.vector_load %arg10[%parallel_loop3A_317, %parallel_loop3A_318, %parallel_loop3A_319] {strides = array<i32>} : memref<2x120x128xf32, #tpu.memory_space<vmem>>, vector<1x1x16xf32>,
        %parallel_loop3A_321 = vector.shape_cast %parallel_loop3A_320 : vector<1x1x16xf32> to vector<16xf32>
        %parallel_loop3A_322 = arith.addf %parallel_loop3A_259, %parallel_loop3A_321 : vector<16xf32>
        %parallel_loop3A_323 = arith.constant 2 : i32
        %parallel_loop3A_324 = arith.addi %parallel_loop3A_188, %parallel_loop3A_323 : i32
        %parallel_loop3A_325 = arith.constant 1 : i32
        %parallel_loop3A_326 = arith.index_cast %parallel_loop3A_325 : i32 to index
        %parallel_loop3A_327 = arith.index_cast %parallel_loop3A_324 : i32 to index
        %parallel_loop3A_328 = arith.constant 0 : index
        %parallel_loop3A_329 = tpu.vector_load %arg11[%parallel_loop3A_326, %parallel_loop3A_327, %parallel_loop3A_328] {strides = array<i32>} : memref<2x120x128xf32, #tpu.memory_space<vmem>>, vector<1x1x16xf32>,
        %parallel_loop3A_330 = vector.shape_cast %parallel_loop3A_329 : vector<1x1x16xf32> to vector<16xf32>
        %parallel_loop3A_331 = arith.addf %parallel_loop3A_322, %parallel_loop3A_330 : vector<16xf32>
        %parallel_loop3A_332 = arith.constant 2 : i32
        %parallel_loop3A_333 = arith.addi %parallel_loop3A_188, %parallel_loop3A_332 : i32
        %parallel_loop3A_334 = arith.constant 1 : i32
        %parallel_loop3A_335 = arith.index_cast %parallel_loop3A_334 : i32 to index
        %parallel_loop3A_336 = arith.index_cast %parallel_loop3A_333 : i32 to index
        %parallel_loop3A_337 = arith.constant 16 : index
        %parallel_loop3A_338 = tpu.vector_load %arg10[%parallel_loop3A_335, %parallel_loop3A_336, %parallel_loop3A_337] {strides = array<i32>} : memref<2x120x128xf32, #tpu.memory_space<vmem>>, vector<1x1x16xf32>,
        %parallel_loop3A_339 = vector.shape_cast %parallel_loop3A_338 : vector<1x1x16xf32> to vector<16xf32>
        %parallel_loop3A_340 = arith.addf %parallel_loop3A_277, %parallel_loop3A_339 : vector<16xf32>
        %parallel_loop3A_341 = arith.constant 2 : i32
        %parallel_loop3A_342 = arith.addi %parallel_loop3A_188, %parallel_loop3A_341 : i32
        %parallel_loop3A_343 = arith.constant 1 : i32
        %parallel_loop3A_344 = arith.index_cast %parallel_loop3A_343 : i32 to index
        %parallel_loop3A_345 = arith.index_cast %parallel_loop3A_342 : i32 to index
        %parallel_loop3A_346 = arith.constant 16 : index
        %parallel_loop3A_347 = tpu.vector_load %arg11[%parallel_loop3A_344, %parallel_loop3A_345, %parallel_loop3A_346] {strides = array<i32>} : memref<2x120x128xf32, #tpu.memory_space<vmem>>, vector<1x1x16xf32>,
        %parallel_loop3A_348 = vector.shape_cast %parallel_loop3A_347 : vector<1x1x16xf32> to vector<16xf32>
        %parallel_loop3A_349 = arith.addf %parallel_loop3A_340, %parallel_loop3A_348 : vector<16xf32>
        %parallel_loop3A_350 = arith.constant 2 : i32
        %parallel_loop3A_351 = arith.addi %parallel_loop3A_188, %parallel_loop3A_350 : i32
        %parallel_loop3A_352 = arith.constant 1 : i32
        %parallel_loop3A_353 = arith.index_cast %parallel_loop3A_352 : i32 to index
        %parallel_loop3A_354 = arith.index_cast %parallel_loop3A_351 : i32 to index
        %parallel_loop3A_355 = arith.constant 32 : index
        %parallel_loop3A_356 = tpu.vector_load %arg10[%parallel_loop3A_353, %parallel_loop3A_354, %parallel_loop3A_355] {strides = array<i32>} : memref<2x120x128xf32, #tpu.memory_space<vmem>>, vector<1x1x16xf32>,
        %parallel_loop3A_357 = vector.shape_cast %parallel_loop3A_356 : vector<1x1x16xf32> to vector<16xf32>
        %parallel_loop3A_358 = arith.addf %parallel_loop3A_295, %parallel_loop3A_357 : vector<16xf32>
        %parallel_loop3A_359 = arith.constant 2 : i32
        %parallel_loop3A_360 = arith.addi %parallel_loop3A_188, %parallel_loop3A_359 : i32
        %parallel_loop3A_361 = arith.constant 1 : i32
        %parallel_loop3A_362 = arith.index_cast %parallel_loop3A_361 : i32 to index
        %parallel_loop3A_363 = arith.index_cast %parallel_loop3A_360 : i32 to index
        %parallel_loop3A_364 = arith.constant 32 : index
        %parallel_loop3A_365 = tpu.vector_load %arg11[%parallel_loop3A_362, %parallel_loop3A_363, %parallel_loop3A_364] {strides = array<i32>} : memref<2x120x128xf32, #tpu.memory_space<vmem>>, vector<1x1x16xf32>,
        %parallel_loop3A_366 = vector.shape_cast %parallel_loop3A_365 : vector<1x1x16xf32> to vector<16xf32>
        %parallel_loop3A_367 = arith.addf %parallel_loop3A_358, %parallel_loop3A_366 : vector<16xf32>
        %parallel_loop3A_368 = arith.constant 2 : i32
        %parallel_loop3A_369 = arith.addi %parallel_loop3A_188, %parallel_loop3A_368 : i32
        %parallel_loop3A_370 = arith.constant 1 : i32
        %parallel_loop3A_371 = arith.index_cast %parallel_loop3A_370 : i32 to index
        %parallel_loop3A_372 = arith.index_cast %parallel_loop3A_369 : i32 to index
        %parallel_loop3A_373 = arith.constant 48 : index
        %parallel_loop3A_374 = tpu.vector_load %arg10[%parallel_loop3A_371, %parallel_loop3A_372, %parallel_loop3A_373] {strides = array<i32>} : memref<2x120x128xf32, #tpu.memory_space<vmem>>, vector<1x1x16xf32>,
        %parallel_loop3A_375 = vector.shape_cast %parallel_loop3A_374 : vector<1x1x16xf32> to vector<16xf32>
        %parallel_loop3A_376 = arith.addf %parallel_loop3A_313, %parallel_loop3A_375 : vector<16xf32>
        %parallel_loop3A_377 = arith.constant 2 : i32
        %parallel_loop3A_378 = arith.addi %parallel_loop3A_188, %parallel_loop3A_377 : i32
        %parallel_loop3A_379 = arith.constant 1 : i32
        %parallel_loop3A_380 = arith.index_cast %parallel_loop3A_379 : i32 to index
        %parallel_loop3A_381 = arith.index_cast %parallel_loop3A_378 : i32 to index
        %parallel_loop3A_382 = arith.constant 48 : index
        %parallel_loop3A_383 = tpu.vector_load %arg11[%parallel_loop3A_380, %parallel_loop3A_381, %parallel_loop3A_382] {strides = array<i32>} : memref<2x120x128xf32, #tpu.memory_space<vmem>>, vector<1x1x16xf32>,
        %parallel_loop3A_384 = vector.shape_cast %parallel_loop3A_383 : vector<1x1x16xf32> to vector<16xf32>
        %parallel_loop3A_385 = arith.addf %parallel_loop3A_376, %parallel_loop3A_384 : vector<16xf32>
        %parallel_loop3A_386 = arith.constant 3 : i32
        %parallel_loop3A_387 = arith.addi %parallel_loop3A_188, %parallel_loop3A_386 : i32
        %parallel_loop3A_388 = arith.constant 1 : i32
        %parallel_loop3A_389 = arith.index_cast %parallel_loop3A_388 : i32 to index
        %parallel_loop3A_390 = arith.index_cast %parallel_loop3A_387 : i32 to index
        %parallel_loop3A_391 = arith.constant 0 : index
        %parallel_loop3A_392 = tpu.vector_load %arg10[%parallel_loop3A_389, %parallel_loop3A_390, %parallel_loop3A_391] {strides = array<i32>} : memref<2x120x128xf32, #tpu.memory_space<vmem>>, vector<1x1x16xf32>,
        %parallel_loop3A_393 = vector.shape_cast %parallel_loop3A_392 : vector<1x1x16xf32> to vector<16xf32>
        %parallel_loop3A_394 = arith.addf %parallel_loop3A_331, %parallel_loop3A_393 : vector<16xf32>
        %parallel_loop3A_395 = arith.constant 3 : i32
        %parallel_loop3A_396 = arith.addi %parallel_loop3A_188, %parallel_loop3A_395 : i32
        %parallel_loop3A_397 = arith.constant 1 : i32
        %parallel_loop3A_398 = arith.index_cast %parallel_loop3A_397 : i32 to index
        %parallel_loop3A_399 = arith.index_cast %parallel_loop3A_396 : i32 to index
        %parallel_loop3A_400 = arith.constant 0 : index
        %parallel_loop3A_401 = tpu.vector_load %arg11[%parallel_loop3A_398, %parallel_loop3A_399, %parallel_loop3A_400] {strides = array<i32>} : memref<2x120x128xf32, #tpu.memory_space<vmem>>, vector<1x1x16xf32>,
        %parallel_loop3A_402 = vector.shape_cast %parallel_loop3A_401 : vector<1x1x16xf32> to vector<16xf32>
        %parallel_loop3A_403 = arith.addf %parallel_loop3A_394, %parallel_loop3A_402 : vector<16xf32>
        %parallel_loop3A_404 = arith.constant 3 : i32
        %parallel_loop3A_405 = arith.addi %parallel_loop3A_188, %parallel_loop3A_404 : i32
        %parallel_loop3A_406 = arith.constant 1 : i32
        %parallel_loop3A_407 = arith.index_cast %parallel_loop3A_406 : i32 to index
        %parallel_loop3A_408 = arith.index_cast %parallel_loop3A_405 : i32 to index
        %parallel_loop3A_409 = arith.constant 16 : index
        %parallel_loop3A_410 = tpu.vector_load %arg10[%parallel_loop3A_407, %parallel_loop3A_408, %parallel_loop3A_409] {strides = array<i32>} : memref<2x120x128xf32, #tpu.memory_space<vmem>>, vector<1x1x16xf32>,
        %parallel_loop3A_411 = vector.shape_cast %parallel_loop3A_410 : vector<1x1x16xf32> to vector<16xf32>
        %parallel_loop3A_412 = arith.addf %parallel_loop3A_349, %parallel_loop3A_411 : vector<16xf32>
        %parallel_loop3A_413 = arith.constant 3 : i32
        %parallel_loop3A_414 = arith.addi %parallel_loop3A_188, %parallel_loop3A_413 : i32
        %parallel_loop3A_415 = arith.constant 1 : i32
        %parallel_loop3A_416 = arith.index_cast %parallel_loop3A_415 : i32 to index
        %parallel_loop3A_417 = arith.index_cast %parallel_loop3A_414 : i32 to index
        %parallel_loop3A_418 = arith.constant 16 : index
        %parallel_loop3A_419 = tpu.vector_load %arg11[%parallel_loop3A_416, %parallel_loop3A_417, %parallel_loop3A_418] {strides = array<i32>} : memref<2x120x128xf32, #tpu.memory_space<vmem>>, vector<1x1x16xf32>,
        %parallel_loop3A_420 = vector.shape_cast %parallel_loop3A_419 : vector<1x1x16xf32> to vector<16xf32>
        %parallel_loop3A_421 = arith.addf %parallel_loop3A_412, %parallel_loop3A_420 : vector<16xf32>
        %parallel_loop3A_422 = arith.constant 3 : i32
        %parallel_loop3A_423 = arith.addi %parallel_loop3A_188, %parallel_loop3A_422 : i32
        %parallel_loop3A_424 = arith.constant 1 : i32
        %parallel_loop3A_425 = arith.index_cast %parallel_loop3A_424 : i32 to index
        %parallel_loop3A_426 = arith.index_cast %parallel_loop3A_423 : i32 to index
        %parallel_loop3A_427 = arith.constant 32 : index
        %parallel_loop3A_428 = tpu.vector_load %arg10[%parallel_loop3A_425, %parallel_loop3A_426, %parallel_loop3A_427] {strides = array<i32>} : memref<2x120x128xf32, #tpu.memory_space<vmem>>, vector<1x1x16xf32>,
        %parallel_loop3A_429 = vector.shape_cast %parallel_loop3A_428 : vector<1x1x16xf32> to vector<16xf32>
        %parallel_loop3A_430 = arith.addf %parallel_loop3A_367, %parallel_loop3A_429 : vector<16xf32>
        %parallel_loop3A_431 = arith.constant 3 : i32
        %parallel_loop3A_432 = arith.addi %parallel_loop3A_188, %parallel_loop3A_431 : i32
        %parallel_loop3A_433 = arith.constant 1 : i32
        %parallel_loop3A_434 = arith.index_cast %parallel_loop3A_433 : i32 to index
        %parallel_loop3A_435 = arith.index_cast %parallel_loop3A_432 : i32 to index
        %parallel_loop3A_436 = arith.constant 32 : index
        %parallel_loop3A_437 = tpu.vector_load %arg11[%parallel_loop3A_434, %parallel_loop3A_435, %parallel_loop3A_436] {strides = array<i32>} : memref<2x120x128xf32, #tpu.memory_space<vmem>>, vector<1x1x16xf32>,
        %parallel_loop3A_438 = vector.shape_cast %parallel_loop3A_437 : vector<1x1x16xf32> to vector<16xf32>
        %parallel_loop3A_439 = arith.addf %parallel_loop3A_430, %parallel_loop3A_438 : vector<16xf32>
        %parallel_loop3A_440 = arith.constant 3 : i32
        %parallel_loop3A_441 = arith.addi %parallel_loop3A_188, %parallel_loop3A_440 : i32
        %parallel_loop3A_442 = arith.constant 1 : i32
        %parallel_loop3A_443 = arith.index_cast %parallel_loop3A_442 : i32 to index
        %parallel_loop3A_444 = arith.index_cast %parallel_loop3A_441 : i32 to index
        %parallel_loop3A_445 = arith.constant 48 : index
        %parallel_loop3A_446 = tpu.vector_load %arg10[%parallel_loop3A_443, %parallel_loop3A_444, %parallel_loop3A_445] {strides = array<i32>} : memref<2x120x128xf32, #tpu.memory_space<vmem>>, vector<1x1x16xf32>,
        %parallel_loop3A_447 = vector.shape_cast %parallel_loop3A_446 : vector<1x1x16xf32> to vector<16xf32>
        %parallel_loop3A_448 = arith.addf %parallel_loop3A_385, %parallel_loop3A_447 : vector<16xf32>
        %parallel_loop3A_449 = arith.constant 3 : i32
        %parallel_loop3A_450 = arith.addi %parallel_loop3A_188, %parallel_loop3A_449 : i32
        %parallel_loop3A_451 = arith.constant 1 : i32
        %parallel_loop3A_452 = arith.index_cast %parallel_loop3A_451 : i32 to index
        %parallel_loop3A_453 = arith.index_cast %parallel_loop3A_450 : i32 to index
        %parallel_loop3A_454 = arith.constant 48 : index
        %parallel_loop3A_455 = tpu.vector_load %arg11[%parallel_loop3A_452, %parallel_loop3A_453, %parallel_loop3A_454] {strides = array<i32>} : memref<2x120x128xf32, #tpu.memory_space<vmem>>, vector<1x1x16xf32>,
        %parallel_loop3A_456 = vector.shape_cast %parallel_loop3A_455 : vector<1x1x16xf32> to vector<16xf32>
        %parallel_loop3A_457 = arith.addf %parallel_loop3A_448, %parallel_loop3A_456 : vector<16xf32>
        %parallel_loop3A_458 = arith.constant 4 : i32
        %parallel_loop3A_459 = arith.addi %parallel_loop3A_188, %parallel_loop3A_458 : i32
        %parallel_loop3A_460 = arith.constant 1 : i32
        %parallel_loop3A_461 = arith.index_cast %parallel_loop3A_460 : i32 to index
        %parallel_loop3A_462 = arith.index_cast %parallel_loop3A_459 : i32 to index
        %parallel_loop3A_463 = arith.constant 0 : index
        %parallel_loop3A_464 = tpu.vector_load %arg10[%parallel_loop3A_461, %parallel_loop3A_462, %parallel_loop3A_463] {strides = array<i32>} : memref<2x120x128xf32, #tpu.memory_space<vmem>>, vector<1x1x16xf32>,
        %parallel_loop3A_465 = vector.shape_cast %parallel_loop3A_464 : vector<1x1x16xf32> to vector<16xf32>
        %parallel_loop3A_466 = arith.addf %parallel_loop3A_403, %parallel_loop3A_465 : vector<16xf32>
        %parallel_loop3A_467 = arith.constant 4 : i32
        %parallel_loop3A_468 = arith.addi %parallel_loop3A_188, %parallel_loop3A_467 : i32
        %parallel_loop3A_469 = arith.constant 1 : i32
        %parallel_loop3A_470 = arith.index_cast %parallel_loop3A_469 : i32 to index
        %parallel_loop3A_471 = arith.index_cast %parallel_loop3A_468 : i32 to index
        %parallel_loop3A_472 = arith.constant 0 : index
        %parallel_loop3A_473 = tpu.vector_load %arg11[%parallel_loop3A_470, %parallel_loop3A_471, %parallel_loop3A_472] {strides = array<i32>} : memref<2x120x128xf32, #tpu.memory_space<vmem>>, vector<1x1x16xf32>,
        %parallel_loop3A_474 = vector.shape_cast %parallel_loop3A_473 : vector<1x1x16xf32> to vector<16xf32>
        %parallel_loop3A_475 = arith.addf %parallel_loop3A_466, %parallel_loop3A_474 : vector<16xf32>
        %parallel_loop3A_476 = arith.constant 4 : i32
        %parallel_loop3A_477 = arith.addi %parallel_loop3A_188, %parallel_loop3A_476 : i32
        %parallel_loop3A_478 = arith.constant 1 : i32
        %parallel_loop3A_479 = arith.index_cast %parallel_loop3A_478 : i32 to index
        %parallel_loop3A_480 = arith.index_cast %parallel_loop3A_477 : i32 to index
        %parallel_loop3A_481 = arith.constant 16 : index
        %parallel_loop3A_482 = tpu.vector_load %arg10[%parallel_loop3A_479, %parallel_loop3A_480, %parallel_loop3A_481] {strides = array<i32>} : memref<2x120x128xf32, #tpu.memory_space<vmem>>, vector<1x1x16xf32>,
        %parallel_loop3A_483 = vector.shape_cast %parallel_loop3A_482 : vector<1x1x16xf32> to vector<16xf32>
        %parallel_loop3A_484 = arith.addf %parallel_loop3A_421, %parallel_loop3A_483 : vector<16xf32>
        %parallel_loop3A_485 = arith.constant 4 : i32
        %parallel_loop3A_486 = arith.addi %parallel_loop3A_188, %parallel_loop3A_485 : i32
        %parallel_loop3A_487 = arith.constant 1 : i32
        %parallel_loop3A_488 = arith.index_cast %parallel_loop3A_487 : i32 to index
        %parallel_loop3A_489 = arith.index_cast %parallel_loop3A_486 : i32 to index
        %parallel_loop3A_490 = arith.constant 16 : index
        %parallel_loop3A_491 = tpu.vector_load %arg11[%parallel_loop3A_488, %parallel_loop3A_489, %parallel_loop3A_490] {strides = array<i32>} : memref<2x120x128xf32, #tpu.memory_space<vmem>>, vector<1x1x16xf32>,
        %parallel_loop3A_492 = vector.shape_cast %parallel_loop3A_491 : vector<1x1x16xf32> to vector<16xf32>
        %parallel_loop3A_493 = arith.addf %parallel_loop3A_484, %parallel_loop3A_492 : vector<16xf32>
        %parallel_loop3A_494 = arith.constant 4 : i32
        %parallel_loop3A_495 = arith.addi %parallel_loop3A_188, %parallel_loop3A_494 : i32
        %parallel_loop3A_496 = arith.constant 1 : i32
        %parallel_loop3A_497 = arith.index_cast %parallel_loop3A_496 : i32 to index
        %parallel_loop3A_498 = arith.index_cast %parallel_loop3A_495 : i32 to index
        %parallel_loop3A_499 = arith.constant 32 : index
        %parallel_loop3A_500 = tpu.vector_load %arg10[%parallel_loop3A_497, %parallel_loop3A_498, %parallel_loop3A_499] {strides = array<i32>} : memref<2x120x128xf32, #tpu.memory_space<vmem>>, vector<1x1x16xf32>,
        %parallel_loop3A_501 = vector.shape_cast %parallel_loop3A_500 : vector<1x1x16xf32> to vector<16xf32>
        %parallel_loop3A_502 = arith.addf %parallel_loop3A_439, %parallel_loop3A_501 : vector<16xf32>
        %parallel_loop3A_503 = arith.constant 4 : i32
        %parallel_loop3A_504 = arith.addi %parallel_loop3A_188, %parallel_loop3A_503 : i32
        %parallel_loop3A_505 = arith.constant 1 : i32
        %parallel_loop3A_506 = arith.index_cast %parallel_loop3A_505 : i32 to index
        %parallel_loop3A_507 = arith.index_cast %parallel_loop3A_504 : i32 to index
        %parallel_loop3A_508 = arith.constant 32 : index
        %parallel_loop3A_509 = tpu.vector_load %arg11[%parallel_loop3A_506, %parallel_loop3A_507, %parallel_loop3A_508] {strides = array<i32>} : memref<2x120x128xf32, #tpu.memory_space<vmem>>, vector<1x1x16xf32>,
        %parallel_loop3A_510 = vector.shape_cast %parallel_loop3A_509 : vector<1x1x16xf32> to vector<16xf32>
        %parallel_loop3A_511 = arith.addf %parallel_loop3A_502, %parallel_loop3A_510 : vector<16xf32>
        %parallel_loop3A_512 = arith.constant 4 : i32
        %parallel_loop3A_513 = arith.addi %parallel_loop3A_188, %parallel_loop3A_512 : i32
        %parallel_loop3A_514 = arith.constant 1 : i32
        %parallel_loop3A_515 = arith.index_cast %parallel_loop3A_514 : i32 to index
        %parallel_loop3A_516 = arith.index_cast %parallel_loop3A_513 : i32 to index
        %parallel_loop3A_517 = arith.constant 48 : index
        %parallel_loop3A_518 = tpu.vector_load %arg10[%parallel_loop3A_515, %parallel_loop3A_516, %parallel_loop3A_517] {strides = array<i32>} : memref<2x120x128xf32, #tpu.memory_space<vmem>>, vector<1x1x16xf32>,
        %parallel_loop3A_519 = vector.shape_cast %parallel_loop3A_518 : vector<1x1x16xf32> to vector<16xf32>
        %parallel_loop3A_520 = arith.addf %parallel_loop3A_457, %parallel_loop3A_519 : vector<16xf32>
        %parallel_loop3A_521 = arith.constant 4 : i32
        %parallel_loop3A_522 = arith.addi %parallel_loop3A_188, %parallel_loop3A_521 : i32
        %parallel_loop3A_523 = arith.constant 1 : i32
        %parallel_loop3A_524 = arith.index_cast %parallel_loop3A_523 : i32 to index
        %parallel_loop3A_525 = arith.index_cast %parallel_loop3A_522 : i32 to index
        %parallel_loop3A_526 = arith.constant 48 : index
        %parallel_loop3A_527 = tpu.vector_load %arg11[%parallel_loop3A_524, %parallel_loop3A_525, %parallel_loop3A_526] {strides = array<i32>} : memref<2x120x128xf32, #tpu.memory_space<vmem>>, vector<1x1x16xf32>,
        %parallel_loop3A_528 = vector.shape_cast %parallel_loop3A_527 : vector<1x1x16xf32> to vector<16xf32>
        %parallel_loop3A_529 = arith.addf %parallel_loop3A_520, %parallel_loop3A_528 : vector<16xf32>
        %parallel_loop3A_530 = arith.constant 5 : i32
        %parallel_loop3A_531 = arith.addi %parallel_loop3A_188, %parallel_loop3A_530 : i32
        %parallel_loop3A_532 = arith.constant 1 : i32
        %parallel_loop3A_533 = arith.index_cast %parallel_loop3A_532 : i32 to index
        %parallel_loop3A_534 = arith.index_cast %parallel_loop3A_531 : i32 to index
        %parallel_loop3A_535 = arith.constant 0 : index
        %parallel_loop3A_536 = tpu.vector_load %arg10[%parallel_loop3A_533, %parallel_loop3A_534, %parallel_loop3A_535] {strides = array<i32>} : memref<2x120x128xf32, #tpu.memory_space<vmem>>, vector<1x1x16xf32>,
        %parallel_loop3A_537 = vector.shape_cast %parallel_loop3A_536 : vector<1x1x16xf32> to vector<16xf32>
        %parallel_loop3A_538 = arith.addf %parallel_loop3A_475, %parallel_loop3A_537 : vector<16xf32>
        %parallel_loop3A_539 = arith.constant 5 : i32
        %parallel_loop3A_540 = arith.addi %parallel_loop3A_188, %parallel_loop3A_539 : i32
        %parallel_loop3A_541 = arith.constant 1 : i32
        %parallel_loop3A_542 = arith.index_cast %parallel_loop3A_541 : i32 to index
        %parallel_loop3A_543 = arith.index_cast %parallel_loop3A_540 : i32 to index
        %parallel_loop3A_544 = arith.constant 0 : index
        %parallel_loop3A_545 = tpu.vector_load %arg11[%parallel_loop3A_542, %parallel_loop3A_543, %parallel_loop3A_544] {strides = array<i32>} : memref<2x120x128xf32, #tpu.memory_space<vmem>>, vector<1x1x16xf32>,
        %parallel_loop3A_546 = vector.shape_cast %parallel_loop3A_545 : vector<1x1x16xf32> to vector<16xf32>
        %parallel_loop3A_547 = arith.addf %parallel_loop3A_538, %parallel_loop3A_546 : vector<16xf32>
        %parallel_loop3A_548 = arith.constant 5 : i32
        %parallel_loop3A_549 = arith.addi %parallel_loop3A_188, %parallel_loop3A_548 : i32
        %parallel_loop3A_550 = arith.constant 1 : i32
        %parallel_loop3A_551 = arith.index_cast %parallel_loop3A_550 : i32 to index
        %parallel_loop3A_552 = arith.index_cast %parallel_loop3A_549 : i32 to index
        %parallel_loop3A_553 = arith.constant 16 : index
        %parallel_loop3A_554 = tpu.vector_load %arg10[%parallel_loop3A_551, %parallel_loop3A_552, %parallel_loop3A_553] {strides = array<i32>} : memref<2x120x128xf32, #tpu.memory_space<vmem>>, vector<1x1x16xf32>,
        %parallel_loop3A_555 = vector.shape_cast %parallel_loop3A_554 : vector<1x1x16xf32> to vector<16xf32>
        %parallel_loop3A_556 = arith.addf %parallel_loop3A_493, %parallel_loop3A_555 : vector<16xf32>
        %parallel_loop3A_557 = arith.constant 5 : i32
        %parallel_loop3A_558 = arith.addi %parallel_loop3A_188, %parallel_loop3A_557 : i32
        %parallel_loop3A_559 = arith.constant 1 : i32
        %parallel_loop3A_560 = arith.index_cast %parallel_loop3A_559 : i32 to index
        %parallel_loop3A_561 = arith.index_cast %parallel_loop3A_558 : i32 to index
        %parallel_loop3A_562 = arith.constant 16 : index
        %parallel_loop3A_563 = tpu.vector_load %arg11[%parallel_loop3A_560, %parallel_loop3A_561, %parallel_loop3A_562] {strides = array<i32>} : memref<2x120x128xf32, #tpu.memory_space<vmem>>, vector<1x1x16xf32>,
        %parallel_loop3A_564 = vector.shape_cast %parallel_loop3A_563 : vector<1x1x16xf32> to vector<16xf32>
        %parallel_loop3A_565 = arith.addf %parallel_loop3A_556, %parallel_loop3A_564 : vector<16xf32>
        %parallel_loop3A_566 = arith.constant 5 : i32
        %parallel_loop3A_567 = arith.addi %parallel_loop3A_188, %parallel_loop3A_566 : i32
        %parallel_loop3A_568 = arith.constant 1 : i32
        %parallel_loop3A_569 = arith.index_cast %parallel_loop3A_568 : i32 to index
        %parallel_loop3A_570 = arith.index_cast %parallel_loop3A_567 : i32 to index
        %parallel_loop3A_571 = arith.constant 32 : index
        %parallel_loop3A_572 = tpu.vector_load %arg10[%parallel_loop3A_569, %parallel_loop3A_570, %parallel_loop3A_571] {strides = array<i32>} : memref<2x120x128xf32, #tpu.memory_space<vmem>>, vector<1x1x16xf32>,
        %parallel_loop3A_573 = vector.shape_cast %parallel_loop3A_572 : vector<1x1x16xf32> to vector<16xf32>
        %parallel_loop3A_574 = arith.addf %parallel_loop3A_511, %parallel_loop3A_573 : vector<16xf32>
        %parallel_loop3A_575 = arith.constant 5 : i32
        %parallel_loop3A_576 = arith.addi %parallel_loop3A_188, %parallel_loop3A_575 : i32
        %parallel_loop3A_577 = arith.constant 1 : i32
        %parallel_loop3A_578 = arith.index_cast %parallel_loop3A_577 : i32 to index
        %parallel_loop3A_579 = arith.index_cast %parallel_loop3A_576 : i32 to index
        %parallel_loop3A_580 = arith.constant 32 : index
        %parallel_loop3A_581 = tpu.vector_load %arg11[%parallel_loop3A_578, %parallel_loop3A_579, %parallel_loop3A_580] {strides = array<i32>} : memref<2x120x128xf32, #tpu.memory_space<vmem>>, vector<1x1x16xf32>,
        %parallel_loop3A_582 = vector.shape_cast %parallel_loop3A_581 : vector<1x1x16xf32> to vector<16xf32>
        %parallel_loop3A_583 = arith.addf %parallel_loop3A_574, %parallel_loop3A_582 : vector<16xf32>
        %parallel_loop3A_584 = arith.constant 5 : i32
        %parallel_loop3A_585 = arith.addi %parallel_loop3A_188, %parallel_loop3A_584 : i32
        %parallel_loop3A_586 = arith.constant 1 : i32
        %parallel_loop3A_587 = arith.index_cast %parallel_loop3A_586 : i32 to index
        %parallel_loop3A_588 = arith.index_cast %parallel_loop3A_585 : i32 to index
        %parallel_loop3A_589 = arith.constant 48 : index
        %parallel_loop3A_590 = tpu.vector_load %arg10[%parallel_loop3A_587, %parallel_loop3A_588, %parallel_loop3A_589] {strides = array<i32>} : memref<2x120x128xf32, #tpu.memory_space<vmem>>, vector<1x1x16xf32>,
        %parallel_loop3A_591 = vector.shape_cast %parallel_loop3A_590 : vector<1x1x16xf32> to vector<16xf32>
        %parallel_loop3A_592 = arith.addf %parallel_loop3A_529, %parallel_loop3A_591 : vector<16xf32>
        %parallel_loop3A_593 = arith.constant 5 : i32
        %parallel_loop3A_594 = arith.addi %parallel_loop3A_188, %parallel_loop3A_593 : i32
        %parallel_loop3A_595 = arith.constant 1 : i32
        %parallel_loop3A_596 = arith.index_cast %parallel_loop3A_595 : i32 to index
        %parallel_loop3A_597 = arith.index_cast %parallel_loop3A_594 : i32 to index
        %parallel_loop3A_598 = arith.constant 48 : index
        %parallel_loop3A_599 = tpu.vector_load %arg11[%parallel_loop3A_596, %parallel_loop3A_597, %parallel_loop3A_598] {strides = array<i32>} : memref<2x120x128xf32, #tpu.memory_space<vmem>>, vector<1x1x16xf32>,
        %parallel_loop3A_600 = vector.shape_cast %parallel_loop3A_599 : vector<1x1x16xf32> to vector<16xf32>
        %parallel_loop3A_601 = arith.addf %parallel_loop3A_592, %parallel_loop3A_600 : vector<16xf32>
        %parallel_loop3A_602 = arith.constant 6 : i32
        %parallel_loop3A_603 = arith.addi %parallel_loop3A_188, %parallel_loop3A_602 : i32
        %parallel_loop3A_604 = arith.constant 1 : i32
        %parallel_loop3A_605 = arith.index_cast %parallel_loop3A_604 : i32 to index
        %parallel_loop3A_606 = arith.index_cast %parallel_loop3A_603 : i32 to index
        %parallel_loop3A_607 = arith.constant 0 : index
        %parallel_loop3A_608 = tpu.vector_load %arg10[%parallel_loop3A_605, %parallel_loop3A_606, %parallel_loop3A_607] {strides = array<i32>} : memref<2x120x128xf32, #tpu.memory_space<vmem>>, vector<1x1x16xf32>,
        %parallel_loop3A_609 = vector.shape_cast %parallel_loop3A_608 : vector<1x1x16xf32> to vector<16xf32>
        %parallel_loop3A_610 = arith.addf %parallel_loop3A_547, %parallel_loop3A_609 : vector<16xf32>
        %parallel_loop3A_611 = arith.constant 6 : i32
        %parallel_loop3A_612 = arith.addi %parallel_loop3A_188, %parallel_loop3A_611 : i32
        %parallel_loop3A_613 = arith.constant 1 : i32
        %parallel_loop3A_614 = arith.index_cast %parallel_loop3A_613 : i32 to index
        %parallel_loop3A_615 = arith.index_cast %parallel_loop3A_612 : i32 to index
        %parallel_loop3A_616 = arith.constant 0 : index
        %parallel_loop3A_617 = tpu.vector_load %arg11[%parallel_loop3A_614, %parallel_loop3A_615, %parallel_loop3A_616] {strides = array<i32>} : memref<2x120x128xf32, #tpu.memory_space<vmem>>, vector<1x1x16xf32>,
        %parallel_loop3A_618 = vector.shape_cast %parallel_loop3A_617 : vector<1x1x16xf32> to vector<16xf32>
        %parallel_loop3A_619 = arith.addf %parallel_loop3A_610, %parallel_loop3A_618 : vector<16xf32>
        %parallel_loop3A_620 = arith.constant 6 : i32
        %parallel_loop3A_621 = arith.addi %parallel_loop3A_188, %parallel_loop3A_620 : i32
        %parallel_loop3A_622 = arith.constant 1 : i32
        %parallel_loop3A_623 = arith.index_cast %parallel_loop3A_622 : i32 to index
        %parallel_loop3A_624 = arith.index_cast %parallel_loop3A_621 : i32 to index
        %parallel_loop3A_625 = arith.constant 16 : index
        %parallel_loop3A_626 = tpu.vector_load %arg10[%parallel_loop3A_623, %parallel_loop3A_624, %parallel_loop3A_625] {strides = array<i32>} : memref<2x120x128xf32, #tpu.memory_space<vmem>>, vector<1x1x16xf32>,
        %parallel_loop3A_627 = vector.shape_cast %parallel_loop3A_626 : vector<1x1x16xf32> to vector<16xf32>
        %parallel_loop3A_628 = arith.addf %parallel_loop3A_565, %parallel_loop3A_627 : vector<16xf32>
        %parallel_loop3A_629 = arith.constant 6 : i32
        %parallel_loop3A_630 = arith.addi %parallel_loop3A_188, %parallel_loop3A_629 : i32
        %parallel_loop3A_631 = arith.constant 1 : i32
        %parallel_loop3A_632 = arith.index_cast %parallel_loop3A_631 : i32 to index
        %parallel_loop3A_633 = arith.index_cast %parallel_loop3A_630 : i32 to index
        %parallel_loop3A_634 = arith.constant 16 : index
        %parallel_loop3A_635 = tpu.vector_load %arg11[%parallel_loop3A_632, %parallel_loop3A_633, %parallel_loop3A_634] {strides = array<i32>} : memref<2x120x128xf32, #tpu.memory_space<vmem>>, vector<1x1x16xf32>,
        %parallel_loop3A_636 = vector.shape_cast %parallel_loop3A_635 : vector<1x1x16xf32> to vector<16xf32>
        %parallel_loop3A_637 = arith.addf %parallel_loop3A_628, %parallel_loop3A_636 : vector<16xf32>
        %parallel_loop3A_638 = arith.constant 6 : i32
        %parallel_loop3A_639 = arith.addi %parallel_loop3A_188, %parallel_loop3A_638 : i32
        %parallel_loop3A_640 = arith.constant 1 : i32
        %parallel_loop3A_641 = arith.index_cast %parallel_loop3A_640 : i32 to index
        %parallel_loop3A_642 = arith.index_cast %parallel_loop3A_639 : i32 to index
        %parallel_loop3A_643 = arith.constant 32 : index
        %parallel_loop3A_644 = tpu.vector_load %arg10[%parallel_loop3A_641, %parallel_loop3A_642, %parallel_loop3A_643] {strides = array<i32>} : memref<2x120x128xf32, #tpu.memory_space<vmem>>, vector<1x1x16xf32>,
        %parallel_loop3A_645 = vector.shape_cast %parallel_loop3A_644 : vector<1x1x16xf32> to vector<16xf32>
        %parallel_loop3A_646 = arith.addf %parallel_loop3A_583, %parallel_loop3A_645 : vector<16xf32>
        %parallel_loop3A_647 = arith.constant 6 : i32
        %parallel_loop3A_648 = arith.addi %parallel_loop3A_188, %parallel_loop3A_647 : i32
        %parallel_loop3A_649 = arith.constant 1 : i32
        %parallel_loop3A_650 = arith.index_cast %parallel_loop3A_649 : i32 to index
        %parallel_loop3A_651 = arith.index_cast %parallel_loop3A_648 : i32 to index
        %parallel_loop3A_652 = arith.constant 32 : index
        %parallel_loop3A_653 = tpu.vector_load %arg11[%parallel_loop3A_650, %parallel_loop3A_651, %parallel_loop3A_652] {strides = array<i32>} : memref<2x120x128xf32, #tpu.memory_space<vmem>>, vector<1x1x16xf32>,
        %parallel_loop3A_654 = vector.shape_cast %parallel_loop3A_653 : vector<1x1x16xf32> to vector<16xf32>
        %parallel_loop3A_655 = arith.addf %parallel_loop3A_646, %parallel_loop3A_654 : vector<16xf32>
        %parallel_loop3A_656 = arith.constant 6 : i32
        %parallel_loop3A_657 = arith.addi %parallel_loop3A_188, %parallel_loop3A_656 : i32
        %parallel_loop3A_658 = arith.constant 1 : i32
        %parallel_loop3A_659 = arith.index_cast %parallel_loop3A_658 : i32 to index
        %parallel_loop3A_660 = arith.index_cast %parallel_loop3A_657 : i32 to index
        %parallel_loop3A_661 = arith.constant 48 : index
        %parallel_loop3A_662 = tpu.vector_load %arg10[%parallel_loop3A_659, %parallel_loop3A_660, %parallel_loop3A_661] {strides = array<i32>} : memref<2x120x128xf32, #tpu.memory_space<vmem>>, vector<1x1x16xf32>,
        %parallel_loop3A_663 = vector.shape_cast %parallel_loop3A_662 : vector<1x1x16xf32> to vector<16xf32>
        %parallel_loop3A_664 = arith.addf %parallel_loop3A_601, %parallel_loop3A_663 : vector<16xf32>
        %parallel_loop3A_665 = arith.constant 6 : i32
        %parallel_loop3A_666 = arith.addi %parallel_loop3A_188, %parallel_loop3A_665 : i32
        %parallel_loop3A_667 = arith.constant 1 : i32
        %parallel_loop3A_668 = arith.index_cast %parallel_loop3A_667 : i32 to index
        %parallel_loop3A_669 = arith.index_cast %parallel_loop3A_666 : i32 to index
        %parallel_loop3A_670 = arith.constant 48 : index
        %parallel_loop3A_671 = tpu.vector_load %arg11[%parallel_loop3A_668, %parallel_loop3A_669, %parallel_loop3A_670] {strides = array<i32>} : memref<2x120x128xf32, #tpu.memory_space<vmem>>, vector<1x1x16xf32>,
        %parallel_loop3A_672 = vector.shape_cast %parallel_loop3A_671 : vector<1x1x16xf32> to vector<16xf32>
        %parallel_loop3A_673 = arith.addf %parallel_loop3A_664, %parallel_loop3A_672 : vector<16xf32>
        %parallel_loop3A_674 = arith.constant 7 : i32
        %parallel_loop3A_675 = arith.addi %parallel_loop3A_188, %parallel_loop3A_674 : i32
        %parallel_loop3A_676 = arith.constant 1 : i32
        %parallel_loop3A_677 = arith.index_cast %parallel_loop3A_676 : i32 to index
        %parallel_loop3A_678 = arith.index_cast %parallel_loop3A_675 : i32 to index
        %parallel_loop3A_679 = arith.constant 0 : index
        %parallel_loop3A_680 = tpu.vector_load %arg10[%parallel_loop3A_677, %parallel_loop3A_678, %parallel_loop3A_679] {strides = array<i32>} : memref<2x120x128xf32, #tpu.memory_space<vmem>>, vector<1x1x16xf32>,
        %parallel_loop3A_681 = vector.shape_cast %parallel_loop3A_680 : vector<1x1x16xf32> to vector<16xf32>
        %parallel_loop3A_682 = arith.addf %parallel_loop3A_619, %parallel_loop3A_681 : vector<16xf32>
        %parallel_loop3A_683 = arith.constant 7 : i32
        %parallel_loop3A_684 = arith.addi %parallel_loop3A_188, %parallel_loop3A_683 : i32
        %parallel_loop3A_685 = arith.constant 1 : i32
        %parallel_loop3A_686 = arith.index_cast %parallel_loop3A_685 : i32 to index
        %parallel_loop3A_687 = arith.index_cast %parallel_loop3A_684 : i32 to index
        %parallel_loop3A_688 = arith.constant 0 : index
        %parallel_loop3A_689 = tpu.vector_load %arg11[%parallel_loop3A_686, %parallel_loop3A_687, %parallel_loop3A_688] {strides = array<i32>} : memref<2x120x128xf32, #tpu.memory_space<vmem>>, vector<1x1x16xf32>,
        %parallel_loop3A_690 = vector.shape_cast %parallel_loop3A_689 : vector<1x1x16xf32> to vector<16xf32>
        %parallel_loop3A_691 = arith.addf %parallel_loop3A_682, %parallel_loop3A_690 : vector<16xf32>
        %parallel_loop3A_692 = arith.constant 7 : i32
        %parallel_loop3A_693 = arith.addi %parallel_loop3A_188, %parallel_loop3A_692 : i32
        %parallel_loop3A_694 = arith.constant 1 : i32
        %parallel_loop3A_695 = arith.index_cast %parallel_loop3A_694 : i32 to index
        %parallel_loop3A_696 = arith.index_cast %parallel_loop3A_693 : i32 to index
        %parallel_loop3A_697 = arith.constant 16 : index
        %parallel_loop3A_698 = tpu.vector_load %arg10[%parallel_loop3A_695, %parallel_loop3A_696, %parallel_loop3A_697] {strides = array<i32>} : memref<2x120x128xf32, #tpu.memory_space<vmem>>, vector<1x1x16xf32>,
        %parallel_loop3A_699 = vector.shape_cast %parallel_loop3A_698 : vector<1x1x16xf32> to vector<16xf32>
        %parallel_loop3A_700 = arith.addf %parallel_loop3A_637, %parallel_loop3A_699 : vector<16xf32>
        %parallel_loop3A_701 = arith.constant 7 : i32
        %parallel_loop3A_702 = arith.addi %parallel_loop3A_188, %parallel_loop3A_701 : i32
        %parallel_loop3A_703 = arith.constant 1 : i32
        %parallel_loop3A_704 = arith.index_cast %parallel_loop3A_703 : i32 to index
        %parallel_loop3A_705 = arith.index_cast %parallel_loop3A_702 : i32 to index
        %parallel_loop3A_706 = arith.constant 16 : index
        %parallel_loop3A_707 = tpu.vector_load %arg11[%parallel_loop3A_704, %parallel_loop3A_705, %parallel_loop3A_706] {strides = array<i32>} : memref<2x120x128xf32, #tpu.memory_space<vmem>>, vector<1x1x16xf32>,
        %parallel_loop3A_708 = vector.shape_cast %parallel_loop3A_707 : vector<1x1x16xf32> to vector<16xf32>
        %parallel_loop3A_709 = arith.addf %parallel_loop3A_700, %parallel_loop3A_708 : vector<16xf32>
        %parallel_loop3A_710 = arith.constant 7 : i32
        %parallel_loop3A_711 = arith.addi %parallel_loop3A_188, %parallel_loop3A_710 : i32
        %parallel_loop3A_712 = arith.constant 1 : i32
        %parallel_loop3A_713 = arith.index_cast %parallel_loop3A_712 : i32 to index
        %parallel_loop3A_714 = arith.index_cast %parallel_loop3A_711 : i32 to index
        %parallel_loop3A_715 = arith.constant 32 : index
        %parallel_loop3A_716 = tpu.vector_load %arg10[%parallel_loop3A_713, %parallel_loop3A_714, %parallel_loop3A_715] {strides = array<i32>} : memref<2x120x128xf32, #tpu.memory_space<vmem>>, vector<1x1x16xf32>,
        %parallel_loop3A_717 = vector.shape_cast %parallel_loop3A_716 : vector<1x1x16xf32> to vector<16xf32>
        %parallel_loop3A_718 = arith.addf %parallel_loop3A_655, %parallel_loop3A_717 : vector<16xf32>
        %parallel_loop3A_719 = arith.constant 7 : i32
        %parallel_loop3A_720 = arith.addi %parallel_loop3A_188, %parallel_loop3A_719 : i32
        %parallel_loop3A_721 = arith.constant 1 : i32
        %parallel_loop3A_722 = arith.index_cast %parallel_loop3A_721 : i32 to index
        %parallel_loop3A_723 = arith.index_cast %parallel_loop3A_720 : i32 to index
        %parallel_loop3A_724 = arith.constant 32 : index
        %parallel_loop3A_725 = tpu.vector_load %arg11[%parallel_loop3A_722, %parallel_loop3A_723, %parallel_loop3A_724] {strides = array<i32>} : memref<2x120x128xf32, #tpu.memory_space<vmem>>, vector<1x1x16xf32>,
        %parallel_loop3A_726 = vector.shape_cast %parallel_loop3A_725 : vector<1x1x16xf32> to vector<16xf32>
        %parallel_loop3A_727 = arith.addf %parallel_loop3A_718, %parallel_loop3A_726 : vector<16xf32>
        %parallel_loop3A_728 = arith.constant 7 : i32
        %parallel_loop3A_729 = arith.addi %parallel_loop3A_188, %parallel_loop3A_728 : i32
        %parallel_loop3A_730 = arith.constant 1 : i32
        %parallel_loop3A_731 = arith.index_cast %parallel_loop3A_730 : i32 to index
        %parallel_loop3A_732 = arith.index_cast %parallel_loop3A_729 : i32 to index
        %parallel_loop3A_733 = arith.constant 48 : index
        %parallel_loop3A_734 = tpu.vector_load %arg10[%parallel_loop3A_731, %parallel_loop3A_732, %parallel_loop3A_733] {strides = array<i32>} : memref<2x120x128xf32, #tpu.memory_space<vmem>>, vector<1x1x16xf32>,
        %parallel_loop3A_735 = vector.shape_cast %parallel_loop3A_734 : vector<1x1x16xf32> to vector<16xf32>
        %parallel_loop3A_736 = arith.addf %parallel_loop3A_673, %parallel_loop3A_735 : vector<16xf32>
        %parallel_loop3A_737 = arith.constant 7 : i32
        %parallel_loop3A_738 = arith.addi %parallel_loop3A_188, %parallel_loop3A_737 : i32
        %parallel_loop3A_739 = arith.constant 1 : i32
        %parallel_loop3A_740 = arith.index_cast %parallel_loop3A_739 : i32 to index
        %parallel_loop3A_741 = arith.index_cast %parallel_loop3A_738 : i32 to index
        %parallel_loop3A_742 = arith.constant 48 : index
        %parallel_loop3A_743 = tpu.vector_load %arg11[%parallel_loop3A_740, %parallel_loop3A_741, %parallel_loop3A_742] {strides = array<i32>} : memref<2x120x128xf32, #tpu.memory_space<vmem>>, vector<1x1x16xf32>,
        %parallel_loop3A_744 = vector.shape_cast %parallel_loop3A_743 : vector<1x1x16xf32> to vector<16xf32>
        %parallel_loop3A_745 = arith.addf %parallel_loop3A_736, %parallel_loop3A_744 : vector<16xf32>
        %parallel_loop3A_746 = arith.constant 8 : i32
        %parallel_loop3A_747 = arith.addi %parallel_loop3A_188, %parallel_loop3A_746 : i32
        %parallel_loop3A_748 = arith.constant 1 : i32
        %parallel_loop3A_749 = arith.index_cast %parallel_loop3A_748 : i32 to index
        %parallel_loop3A_750 = arith.index_cast %parallel_loop3A_747 : i32 to index
        %parallel_loop3A_751 = arith.constant 0 : index
        %parallel_loop3A_752 = tpu.vector_load %arg10[%parallel_loop3A_749, %parallel_loop3A_750, %parallel_loop3A_751] {strides = array<i32>} : memref<2x120x128xf32, #tpu.memory_space<vmem>>, vector<1x1x16xf32>,
        %parallel_loop3A_753 = vector.shape_cast %parallel_loop3A_752 : vector<1x1x16xf32> to vector<16xf32>
        %parallel_loop3A_754 = arith.addf %parallel_loop3A_691, %parallel_loop3A_753 : vector<16xf32>
        %parallel_loop3A_755 = arith.constant 8 : i32
        %parallel_loop3A_756 = arith.addi %parallel_loop3A_188, %parallel_loop3A_755 : i32
        %parallel_loop3A_757 = arith.constant 1 : i32
        %parallel_loop3A_758 = arith.index_cast %parallel_loop3A_757 : i32 to index
        %parallel_loop3A_759 = arith.index_cast %parallel_loop3A_756 : i32 to index
        %parallel_loop3A_760 = arith.constant 0 : index
        %parallel_loop3A_761 = tpu.vector_load %arg11[%parallel_loop3A_758, %parallel_loop3A_759, %parallel_loop3A_760] {strides = array<i32>} : memref<2x120x128xf32, #tpu.memory_space<vmem>>, vector<1x1x16xf32>,
        %parallel_loop3A_762 = vector.shape_cast %parallel_loop3A_761 : vector<1x1x16xf32> to vector<16xf32>
        %parallel_loop3A_763 = arith.addf %parallel_loop3A_754, %parallel_loop3A_762 : vector<16xf32>
        %parallel_loop3A_764 = arith.constant 8 : i32
        %parallel_loop3A_765 = arith.addi %parallel_loop3A_188, %parallel_loop3A_764 : i32
        %parallel_loop3A_766 = arith.constant 1 : i32
        %parallel_loop3A_767 = arith.index_cast %parallel_loop3A_766 : i32 to index
        %parallel_loop3A_768 = arith.index_cast %parallel_loop3A_765 : i32 to index
        %parallel_loop3A_769 = arith.constant 16 : index
        %parallel_loop3A_770 = tpu.vector_load %arg10[%parallel_loop3A_767, %parallel_loop3A_768, %parallel_loop3A_769] {strides = array<i32>} : memref<2x120x128xf32, #tpu.memory_space<vmem>>, vector<1x1x16xf32>,
        %parallel_loop3A_771 = vector.shape_cast %parallel_loop3A_770 : vector<1x1x16xf32> to vector<16xf32>
        %parallel_loop3A_772 = arith.addf %parallel_loop3A_709, %parallel_loop3A_771 : vector<16xf32>
        %parallel_loop3A_773 = arith.constant 8 : i32
        %parallel_loop3A_774 = arith.addi %parallel_loop3A_188, %parallel_loop3A_773 : i32
        %parallel_loop3A_775 = arith.constant 1 : i32
        %parallel_loop3A_776 = arith.index_cast %parallel_loop3A_775 : i32 to index
        %parallel_loop3A_777 = arith.index_cast %parallel_loop3A_774 : i32 to index
        %parallel_loop3A_778 = arith.constant 16 : index
        %parallel_loop3A_779 = tpu.vector_load %arg11[%parallel_loop3A_776, %parallel_loop3A_777, %parallel_loop3A_778] {strides = array<i32>} : memref<2x120x128xf32, #tpu.memory_space<vmem>>, vector<1x1x16xf32>,
        %parallel_loop3A_780 = vector.shape_cast %parallel_loop3A_779 : vector<1x1x16xf32> to vector<16xf32>
        %parallel_loop3A_781 = arith.addf %parallel_loop3A_772, %parallel_loop3A_780 : vector<16xf32>
        %parallel_loop3A_782 = arith.constant 8 : i32
        %parallel_loop3A_783 = arith.addi %parallel_loop3A_188, %parallel_loop3A_782 : i32
        %parallel_loop3A_784 = arith.constant 1 : i32
        %parallel_loop3A_785 = arith.index_cast %parallel_loop3A_784 : i32 to index
        %parallel_loop3A_786 = arith.index_cast %parallel_loop3A_783 : i32 to index
        %parallel_loop3A_787 = arith.constant 32 : index
        %parallel_loop3A_788 = tpu.vector_load %arg10[%parallel_loop3A_785, %parallel_loop3A_786, %parallel_loop3A_787] {strides = array<i32>} : memref<2x120x128xf32, #tpu.memory_space<vmem>>, vector<1x1x16xf32>,
        %parallel_loop3A_789 = vector.shape_cast %parallel_loop3A_788 : vector<1x1x16xf32> to vector<16xf32>
        %parallel_loop3A_790 = arith.addf %parallel_loop3A_727, %parallel_loop3A_789 : vector<16xf32>
        %parallel_loop3A_791 = arith.constant 8 : i32
        %parallel_loop3A_792 = arith.addi %parallel_loop3A_188, %parallel_loop3A_791 : i32
        %parallel_loop3A_793 = arith.constant 1 : i32
        %parallel_loop3A_794 = arith.index_cast %parallel_loop3A_793 : i32 to index
        %parallel_loop3A_795 = arith.index_cast %parallel_loop3A_792 : i32 to index
        %parallel_loop3A_796 = arith.constant 32 : index
        %parallel_loop3A_797 = tpu.vector_load %arg11[%parallel_loop3A_794, %parallel_loop3A_795, %parallel_loop3A_796] {strides = array<i32>} : memref<2x120x128xf32, #tpu.memory_space<vmem>>, vector<1x1x16xf32>,
        %parallel_loop3A_798 = vector.shape_cast %parallel_loop3A_797 : vector<1x1x16xf32> to vector<16xf32>
        %parallel_loop3A_799 = arith.addf %parallel_loop3A_790, %parallel_loop3A_798 : vector<16xf32>
        %parallel_loop3A_800 = arith.constant 8 : i32
        %parallel_loop3A_801 = arith.addi %parallel_loop3A_188, %parallel_loop3A_800 : i32
        %parallel_loop3A_802 = arith.constant 1 : i32
        %parallel_loop3A_803 = arith.index_cast %parallel_loop3A_802 : i32 to index
        %parallel_loop3A_804 = arith.index_cast %parallel_loop3A_801 : i32 to index
        %parallel_loop3A_805 = arith.constant 48 : index
        %parallel_loop3A_806 = tpu.vector_load %arg10[%parallel_loop3A_803, %parallel_loop3A_804, %parallel_loop3A_805] {strides = array<i32>} : memref<2x120x128xf32, #tpu.memory_space<vmem>>, vector<1x1x16xf32>,
        %parallel_loop3A_807 = vector.shape_cast %parallel_loop3A_806 : vector<1x1x16xf32> to vector<16xf32>
        %parallel_loop3A_808 = arith.addf %parallel_loop3A_745, %parallel_loop3A_807 : vector<16xf32>
        %parallel_loop3A_809 = arith.constant 8 : i32
        %parallel_loop3A_810 = arith.addi %parallel_loop3A_188, %parallel_loop3A_809 : i32
        %parallel_loop3A_811 = arith.constant 1 : i32
        %parallel_loop3A_812 = arith.index_cast %parallel_loop3A_811 : i32 to index
        %parallel_loop3A_813 = arith.index_cast %parallel_loop3A_810 : i32 to index
        %parallel_loop3A_814 = arith.constant 48 : index
        %parallel_loop3A_815 = tpu.vector_load %arg11[%parallel_loop3A_812, %parallel_loop3A_813, %parallel_loop3A_814] {strides = array<i32>} : memref<2x120x128xf32, #tpu.memory_space<vmem>>, vector<1x1x16xf32>,
        %parallel_loop3A_816 = vector.shape_cast %parallel_loop3A_815 : vector<1x1x16xf32> to vector<16xf32>
        %parallel_loop3A_817 = arith.addf %parallel_loop3A_808, %parallel_loop3A_816 : vector<16xf32>
        %parallel_loop3A_818 = arith.constant 9 : i32
        %parallel_loop3A_819 = arith.addi %parallel_loop3A_188, %parallel_loop3A_818 : i32
        %parallel_loop3A_820 = arith.constant 1 : i32
        %parallel_loop3A_821 = arith.index_cast %parallel_loop3A_820 : i32 to index
        %parallel_loop3A_822 = arith.index_cast %parallel_loop3A_819 : i32 to index
        %parallel_loop3A_823 = arith.constant 0 : index
        %parallel_loop3A_824 = tpu.vector_load %arg10[%parallel_loop3A_821, %parallel_loop3A_822, %parallel_loop3A_823] {strides = array<i32>} : memref<2x120x128xf32, #tpu.memory_space<vmem>>, vector<1x1x16xf32>,
        %parallel_loop3A_825 = vector.shape_cast %parallel_loop3A_824 : vector<1x1x16xf32> to vector<16xf32>
        %parallel_loop3A_826 = arith.addf %parallel_loop3A_763, %parallel_loop3A_825 : vector<16xf32>
        %parallel_loop3A_827 = arith.constant 9 : i32
        %parallel_loop3A_828 = arith.addi %parallel_loop3A_188, %parallel_loop3A_827 : i32
        %parallel_loop3A_829 = arith.constant 1 : i32
        %parallel_loop3A_830 = arith.index_cast %parallel_loop3A_829 : i32 to index
        %parallel_loop3A_831 = arith.index_cast %parallel_loop3A_828 : i32 to index
        %parallel_loop3A_832 = arith.constant 0 : index
        %parallel_loop3A_833 = tpu.vector_load %arg11[%parallel_loop3A_830, %parallel_loop3A_831, %parallel_loop3A_832] {strides = array<i32>} : memref<2x120x128xf32, #tpu.memory_space<vmem>>, vector<1x1x16xf32>,
        %parallel_loop3A_834 = vector.shape_cast %parallel_loop3A_833 : vector<1x1x16xf32> to vector<16xf32>
        %parallel_loop3A_835 = arith.addf %parallel_loop3A_826, %parallel_loop3A_834 : vector<16xf32>
        %parallel_loop3A_836 = arith.constant 9 : i32
        %parallel_loop3A_837 = arith.addi %parallel_loop3A_188, %parallel_loop3A_836 : i32
        %parallel_loop3A_838 = arith.constant 1 : i32
        %parallel_loop3A_839 = arith.index_cast %parallel_loop3A_838 : i32 to index
        %parallel_loop3A_840 = arith.index_cast %parallel_loop3A_837 : i32 to index
        %parallel_loop3A_841 = arith.constant 16 : index
        %parallel_loop3A_842 = tpu.vector_load %arg10[%parallel_loop3A_839, %parallel_loop3A_840, %parallel_loop3A_841] {strides = array<i32>} : memref<2x120x128xf32, #tpu.memory_space<vmem>>, vector<1x1x16xf32>,
        %parallel_loop3A_843 = vector.shape_cast %parallel_loop3A_842 : vector<1x1x16xf32> to vector<16xf32>
        %parallel_loop3A_844 = arith.addf %parallel_loop3A_781, %parallel_loop3A_843 : vector<16xf32>
        %parallel_loop3A_845 = arith.constant 9 : i32
        %parallel_loop3A_846 = arith.addi %parallel_loop3A_188, %parallel_loop3A_845 : i32
        %parallel_loop3A_847 = arith.constant 1 : i32
        %parallel_loop3A_848 = arith.index_cast %parallel_loop3A_847 : i32 to index
        %parallel_loop3A_849 = arith.index_cast %parallel_loop3A_846 : i32 to index
        %parallel_loop3A_850 = arith.constant 16 : index
        %parallel_loop3A_851 = tpu.vector_load %arg11[%parallel_loop3A_848, %parallel_loop3A_849, %parallel_loop3A_850] {strides = array<i32>} : memref<2x120x128xf32, #tpu.memory_space<vmem>>, vector<1x1x16xf32>,
        %parallel_loop3A_852 = vector.shape_cast %parallel_loop3A_851 : vector<1x1x16xf32> to vector<16xf32>
        %parallel_loop3A_853 = arith.addf %parallel_loop3A_844, %parallel_loop3A_852 : vector<16xf32>
        %parallel_loop3A_854 = arith.constant 9 : i32
        %parallel_loop3A_855 = arith.addi %parallel_loop3A_188, %parallel_loop3A_854 : i32
        %parallel_loop3A_856 = arith.constant 1 : i32
        %parallel_loop3A_857 = arith.index_cast %parallel_loop3A_856 : i32 to index
        %parallel_loop3A_858 = arith.index_cast %parallel_loop3A_855 : i32 to index
        %parallel_loop3A_859 = arith.constant 32 : index
        %parallel_loop3A_860 = tpu.vector_load %arg10[%parallel_loop3A_857, %parallel_loop3A_858, %parallel_loop3A_859] {strides = array<i32>} : memref<2x120x128xf32, #tpu.memory_space<vmem>>, vector<1x1x16xf32>,
        %parallel_loop3A_861 = vector.shape_cast %parallel_loop3A_860 : vector<1x1x16xf32> to vector<16xf32>
        %parallel_loop3A_862 = arith.addf %parallel_loop3A_799, %parallel_loop3A_861 : vector<16xf32>
        %parallel_loop3A_863 = arith.constant 9 : i32
        %parallel_loop3A_864 = arith.addi %parallel_loop3A_188, %parallel_loop3A_863 : i32
        %parallel_loop3A_865 = arith.constant 1 : i32
        %parallel_loop3A_866 = arith.index_cast %parallel_loop3A_865 : i32 to index
        %parallel_loop3A_867 = arith.index_cast %parallel_loop3A_864 : i32 to index
        %parallel_loop3A_868 = arith.constant 32 : index
        %parallel_loop3A_869 = tpu.vector_load %arg11[%parallel_loop3A_866, %parallel_loop3A_867, %parallel_loop3A_868] {strides = array<i32>} : memref<2x120x128xf32, #tpu.memory_space<vmem>>, vector<1x1x16xf32>,
        %parallel_loop3A_870 = vector.shape_cast %parallel_loop3A_869 : vector<1x1x16xf32> to vector<16xf32>
        %parallel_loop3A_871 = arith.addf %parallel_loop3A_862, %parallel_loop3A_870 : vector<16xf32>
        %parallel_loop3A_872 = arith.constant 9 : i32
        %parallel_loop3A_873 = arith.addi %parallel_loop3A_188, %parallel_loop3A_872 : i32
        %parallel_loop3A_874 = arith.constant 1 : i32
        %parallel_loop3A_875 = arith.index_cast %parallel_loop3A_874 : i32 to index
        %parallel_loop3A_876 = arith.index_cast %parallel_loop3A_873 : i32 to index
        %parallel_loop3A_877 = arith.constant 48 : index
        %parallel_loop3A_878 = tpu.vector_load %arg10[%parallel_loop3A_875, %parallel_loop3A_876, %parallel_loop3A_877] {strides = array<i32>} : memref<2x120x128xf32, #tpu.memory_space<vmem>>, vector<1x1x16xf32>,
        %parallel_loop3A_879 = vector.shape_cast %parallel_loop3A_878 : vector<1x1x16xf32> to vector<16xf32>
        %parallel_loop3A_880 = arith.addf %parallel_loop3A_817, %parallel_loop3A_879 : vector<16xf32>
        %parallel_loop3A_881 = arith.constant 9 : i32
        %parallel_loop3A_882 = arith.addi %parallel_loop3A_188, %parallel_loop3A_881 : i32
        %parallel_loop3A_883 = arith.constant 1 : i32
        %parallel_loop3A_884 = arith.index_cast %parallel_loop3A_883 : i32 to index
        %parallel_loop3A_885 = arith.index_cast %parallel_loop3A_882 : i32 to index
        %parallel_loop3A_886 = arith.constant 48 : index
        %parallel_loop3A_887 = tpu.vector_load %arg11[%parallel_loop3A_884, %parallel_loop3A_885, %parallel_loop3A_886] {strides = array<i32>} : memref<2x120x128xf32, #tpu.memory_space<vmem>>, vector<1x1x16xf32>,
        %parallel_loop3A_888 = vector.shape_cast %parallel_loop3A_887 : vector<1x1x16xf32> to vector<16xf32>
        %parallel_loop3A_889 = arith.addf %parallel_loop3A_880, %parallel_loop3A_888 : vector<16xf32>
        %parallel_loop3A_890 = arith.constant 10 : i32
        %parallel_loop3A_891 = arith.addi %parallel_loop3A_188, %parallel_loop3A_890 : i32
        %parallel_loop3A_892 = arith.constant 1 : i32
        %parallel_loop3A_893 = arith.index_cast %parallel_loop3A_892 : i32 to index
        %parallel_loop3A_894 = arith.index_cast %parallel_loop3A_891 : i32 to index
        %parallel_loop3A_895 = arith.constant 0 : index
        %parallel_loop3A_896 = tpu.vector_load %arg10[%parallel_loop3A_893, %parallel_loop3A_894, %parallel_loop3A_895] {strides = array<i32>} : memref<2x120x128xf32, #tpu.memory_space<vmem>>, vector<1x1x16xf32>,
        %parallel_loop3A_897 = vector.shape_cast %parallel_loop3A_896 : vector<1x1x16xf32> to vector<16xf32>
        %parallel_loop3A_898 = arith.addf %parallel_loop3A_835, %parallel_loop3A_897 : vector<16xf32>
        %parallel_loop3A_899 = arith.constant 10 : i32
        %parallel_loop3A_900 = arith.addi %parallel_loop3A_188, %parallel_loop3A_899 : i32
        %parallel_loop3A_901 = arith.constant 1 : i32
        %parallel_loop3A_902 = arith.index_cast %parallel_loop3A_901 : i32 to index
        %parallel_loop3A_903 = arith.index_cast %parallel_loop3A_900 : i32 to index
        %parallel_loop3A_904 = arith.constant 0 : index
        %parallel_loop3A_905 = tpu.vector_load %arg11[%parallel_loop3A_902, %parallel_loop3A_903, %parallel_loop3A_904] {strides = array<i32>} : memref<2x120x128xf32, #tpu.memory_space<vmem>>, vector<1x1x16xf32>,
        %parallel_loop3A_906 = vector.shape_cast %parallel_loop3A_905 : vector<1x1x16xf32> to vector<16xf32>
        %parallel_loop3A_907 = arith.addf %parallel_loop3A_898, %parallel_loop3A_906 : vector<16xf32>
        %parallel_loop3A_908 = arith.constant 10 : i32
        %parallel_loop3A_909 = arith.addi %parallel_loop3A_188, %parallel_loop3A_908 : i32
        %parallel_loop3A_910 = arith.constant 1 : i32
        %parallel_loop3A_911 = arith.index_cast %parallel_loop3A_910 : i32 to index
        %parallel_loop3A_912 = arith.index_cast %parallel_loop3A_909 : i32 to index
        %parallel_loop3A_913 = arith.constant 16 : index
        %parallel_loop3A_914 = tpu.vector_load %arg10[%parallel_loop3A_911, %parallel_loop3A_912, %parallel_loop3A_913] {strides = array<i32>} : memref<2x120x128xf32, #tpu.memory_space<vmem>>, vector<1x1x16xf32>,
        %parallel_loop3A_915 = vector.shape_cast %parallel_loop3A_914 : vector<1x1x16xf32> to vector<16xf32>
        %parallel_loop3A_916 = arith.addf %parallel_loop3A_853, %parallel_loop3A_915 : vector<16xf32>
        %parallel_loop3A_917 = arith.constant 10 : i32
        %parallel_loop3A_918 = arith.addi %parallel_loop3A_188, %parallel_loop3A_917 : i32
        %parallel_loop3A_919 = arith.constant 1 : i32
        %parallel_loop3A_920 = arith.index_cast %parallel_loop3A_919 : i32 to index
        %parallel_loop3A_921 = arith.index_cast %parallel_loop3A_918 : i32 to index
        %parallel_loop3A_922 = arith.constant 16 : index
        %parallel_loop3A_923 = tpu.vector_load %arg11[%parallel_loop3A_920, %parallel_loop3A_921, %parallel_loop3A_922] {strides = array<i32>} : memref<2x120x128xf32, #tpu.memory_space<vmem>>, vector<1x1x16xf32>,
        %parallel_loop3A_924 = vector.shape_cast %parallel_loop3A_923 : vector<1x1x16xf32> to vector<16xf32>
        %parallel_loop3A_925 = arith.addf %parallel_loop3A_916, %parallel_loop3A_924 : vector<16xf32>
        %parallel_loop3A_926 = arith.constant 10 : i32
        %parallel_loop3A_927 = arith.addi %parallel_loop3A_188, %parallel_loop3A_926 : i32
        %parallel_loop3A_928 = arith.constant 1 : i32
        %parallel_loop3A_929 = arith.index_cast %parallel_loop3A_928 : i32 to index
        %parallel_loop3A_930 = arith.index_cast %parallel_loop3A_927 : i32 to index
        %parallel_loop3A_931 = arith.constant 32 : index
        %parallel_loop3A_932 = tpu.vector_load %arg10[%parallel_loop3A_929, %parallel_loop3A_930, %parallel_loop3A_931] {strides = array<i32>} : memref<2x120x128xf32, #tpu.memory_space<vmem>>, vector<1x1x16xf32>,
        %parallel_loop3A_933 = vector.shape_cast %parallel_loop3A_932 : vector<1x1x16xf32> to vector<16xf32>
        %parallel_loop3A_934 = arith.addf %parallel_loop3A_871, %parallel_loop3A_933 : vector<16xf32>
        %parallel_loop3A_935 = arith.constant 10 : i32
        %parallel_loop3A_936 = arith.addi %parallel_loop3A_188, %parallel_loop3A_935 : i32
        %parallel_loop3A_937 = arith.constant 1 : i32
        %parallel_loop3A_938 = arith.index_cast %parallel_loop3A_937 : i32 to index
        %parallel_loop3A_939 = arith.index_cast %parallel_loop3A_936 : i32 to index
        %parallel_loop3A_940 = arith.constant 32 : index
        %parallel_loop3A_941 = tpu.vector_load %arg11[%parallel_loop3A_938, %parallel_loop3A_939, %parallel_loop3A_940] {strides = array<i32>} : memref<2x120x128xf32, #tpu.memory_space<vmem>>, vector<1x1x16xf32>,
        %parallel_loop3A_942 = vector.shape_cast %parallel_loop3A_941 : vector<1x1x16xf32> to vector<16xf32>
        %parallel_loop3A_943 = arith.addf %parallel_loop3A_934, %parallel_loop3A_942 : vector<16xf32>
        %parallel_loop3A_944 = arith.constant 10 : i32
        %parallel_loop3A_945 = arith.addi %parallel_loop3A_188, %parallel_loop3A_944 : i32
        %parallel_loop3A_946 = arith.constant 1 : i32
        %parallel_loop3A_947 = arith.index_cast %parallel_loop3A_946 : i32 to index
        %parallel_loop3A_948 = arith.index_cast %parallel_loop3A_945 : i32 to index
        %parallel_loop3A_949 = arith.constant 48 : index
        %parallel_loop3A_950 = tpu.vector_load %arg10[%parallel_loop3A_947, %parallel_loop3A_948, %parallel_loop3A_949] {strides = array<i32>} : memref<2x120x128xf32, #tpu.memory_space<vmem>>, vector<1x1x16xf32>,
        %parallel_loop3A_951 = vector.shape_cast %parallel_loop3A_950 : vector<1x1x16xf32> to vector<16xf32>
        %parallel_loop3A_952 = arith.addf %parallel_loop3A_889, %parallel_loop3A_951 : vector<16xf32>
        %parallel_loop3A_953 = arith.constant 10 : i32
        %parallel_loop3A_954 = arith.addi %parallel_loop3A_188, %parallel_loop3A_953 : i32
        %parallel_loop3A_955 = arith.constant 1 : i32
        %parallel_loop3A_956 = arith.index_cast %parallel_loop3A_955 : i32 to index
        %parallel_loop3A_957 = arith.index_cast %parallel_loop3A_954 : i32 to index
        %parallel_loop3A_958 = arith.constant 48 : index
        %parallel_loop3A_959 = tpu.vector_load %arg11[%parallel_loop3A_956, %parallel_loop3A_957, %parallel_loop3A_958] {strides = array<i32>} : memref<2x120x128xf32, #tpu.memory_space<vmem>>, vector<1x1x16xf32>,
        %parallel_loop3A_960 = vector.shape_cast %parallel_loop3A_959 : vector<1x1x16xf32> to vector<16xf32>
        %parallel_loop3A_961 = arith.addf %parallel_loop3A_952, %parallel_loop3A_960 : vector<16xf32>
        %parallel_loop3A_962 = arith.constant 11 : i32
        %parallel_loop3A_963 = arith.addi %parallel_loop3A_188, %parallel_loop3A_962 : i32
        %parallel_loop3A_964 = arith.constant 1 : i32
        %parallel_loop3A_965 = arith.index_cast %parallel_loop3A_964 : i32 to index
        %parallel_loop3A_966 = arith.index_cast %parallel_loop3A_963 : i32 to index
        %parallel_loop3A_967 = arith.constant 0 : index
        %parallel_loop3A_968 = tpu.vector_load %arg10[%parallel_loop3A_965, %parallel_loop3A_966, %parallel_loop3A_967] {strides = array<i32>} : memref<2x120x128xf32, #tpu.memory_space<vmem>>, vector<1x1x16xf32>,
        %parallel_loop3A_969 = vector.shape_cast %parallel_loop3A_968 : vector<1x1x16xf32> to vector<16xf32>
        %parallel_loop3A_970 = arith.addf %parallel_loop3A_907, %parallel_loop3A_969 : vector<16xf32>
        %parallel_loop3A_971 = arith.constant 11 : i32
        %parallel_loop3A_972 = arith.addi %parallel_loop3A_188, %parallel_loop3A_971 : i32
        %parallel_loop3A_973 = arith.constant 1 : i32
        %parallel_loop3A_974 = arith.index_cast %parallel_loop3A_973 : i32 to index
        %parallel_loop3A_975 = arith.index_cast %parallel_loop3A_972 : i32 to index
        %parallel_loop3A_976 = arith.constant 0 : index
        %parallel_loop3A_977 = tpu.vector_load %arg11[%parallel_loop3A_974, %parallel_loop3A_975, %parallel_loop3A_976] {strides = array<i32>} : memref<2x120x128xf32, #tpu.memory_space<vmem>>, vector<1x1x16xf32>,
        %parallel_loop3A_978 = vector.shape_cast %parallel_loop3A_977 : vector<1x1x16xf32> to vector<16xf32>
        %parallel_loop3A_979 = arith.addf %parallel_loop3A_970, %parallel_loop3A_978 : vector<16xf32>
        %parallel_loop3A_980 = arith.constant 11 : i32
        %parallel_loop3A_981 = arith.addi %parallel_loop3A_188, %parallel_loop3A_980 : i32
        %parallel_loop3A_982 = arith.constant 1 : i32
        %parallel_loop3A_983 = arith.index_cast %parallel_loop3A_982 : i32 to index
        %parallel_loop3A_984 = arith.index_cast %parallel_loop3A_981 : i32 to index
        %parallel_loop3A_985 = arith.constant 16 : index
        %parallel_loop3A_986 = tpu.vector_load %arg10[%parallel_loop3A_983, %parallel_loop3A_984, %parallel_loop3A_985] {strides = array<i32>} : memref<2x120x128xf32, #tpu.memory_space<vmem>>, vector<1x1x16xf32>,
        %parallel_loop3A_987 = vector.shape_cast %parallel_loop3A_986 : vector<1x1x16xf32> to vector<16xf32>
        %parallel_loop3A_988 = arith.addf %parallel_loop3A_925, %parallel_loop3A_987 : vector<16xf32>
        %parallel_loop3A_989 = arith.constant 11 : i32
        %parallel_loop3A_990 = arith.addi %parallel_loop3A_188, %parallel_loop3A_989 : i32
        %parallel_loop3A_991 = arith.constant 1 : i32
        %parallel_loop3A_992 = arith.index_cast %parallel_loop3A_991 : i32 to index
        %parallel_loop3A_993 = arith.index_cast %parallel_loop3A_990 : i32 to index
        %parallel_loop3A_994 = arith.constant 16 : index
        %parallel_loop3A_995 = tpu.vector_load %arg11[%parallel_loop3A_992, %parallel_loop3A_993, %parallel_loop3A_994] {strides = array<i32>} : memref<2x120x128xf32, #tpu.memory_space<vmem>>, vector<1x1x16xf32>,
        %parallel_loop3A_996 = vector.shape_cast %parallel_loop3A_995 : vector<1x1x16xf32> to vector<16xf32>
        %parallel_loop3A_997 = arith.addf %parallel_loop3A_988, %parallel_loop3A_996 : vector<16xf32>
        %parallel_loop3A_998 = arith.constant 11 : i32
        %parallel_loop3A_999 = arith.addi %parallel_loop3A_188, %parallel_loop3A_998 : i32
        %parallel_loop3A_1000 = arith.constant 1 : i32
        %parallel_loop3A_1001 = arith.index_cast %parallel_loop3A_1000 : i32 to index
        %parallel_loop3A_1002 = arith.index_cast %parallel_loop3A_999 : i32 to index
        %parallel_loop3A_1003 = arith.constant 32 : index
        %parallel_loop3A_1004 = tpu.vector_load %arg10[%parallel_loop3A_1001, %parallel_loop3A_1002, %parallel_loop3A_1003] {strides = array<i32>} : memref<2x120x128xf32, #tpu.memory_space<vmem>>, vector<1x1x16xf32>,
        %parallel_loop3A_1005 = vector.shape_cast %parallel_loop3A_1004 : vector<1x1x16xf32> to vector<16xf32>
        %parallel_loop3A_1006 = arith.addf %parallel_loop3A_943, %parallel_loop3A_1005 : vector<16xf32>
        %parallel_loop3A_1007 = arith.constant 11 : i32
        %parallel_loop3A_1008 = arith.addi %parallel_loop3A_188, %parallel_loop3A_1007 : i32
        %parallel_loop3A_1009 = arith.constant 1 : i32
        %parallel_loop3A_1010 = arith.index_cast %parallel_loop3A_1009 : i32 to index
        %parallel_loop3A_1011 = arith.index_cast %parallel_loop3A_1008 : i32 to index
        %parallel_loop3A_1012 = arith.constant 32 : index
        %parallel_loop3A_1013 = tpu.vector_load %arg11[%parallel_loop3A_1010, %parallel_loop3A_1011, %parallel_loop3A_1012] {strides = array<i32>} : memref<2x120x128xf32, #tpu.memory_space<vmem>>, vector<1x1x16xf32>,
        %parallel_loop3A_1014 = vector.shape_cast %parallel_loop3A_1013 : vector<1x1x16xf32> to vector<16xf32>
        %parallel_loop3A_1015 = arith.addf %parallel_loop3A_1006, %parallel_loop3A_1014 : vector<16xf32>
        %parallel_loop3A_1016 = arith.constant 11 : i32
        %parallel_loop3A_1017 = arith.addi %parallel_loop3A_188, %parallel_loop3A_1016 : i32
        %parallel_loop3A_1018 = arith.constant 1 : i32
        %parallel_loop3A_1019 = arith.index_cast %parallel_loop3A_1018 : i32 to index
        %parallel_loop3A_1020 = arith.index_cast %parallel_loop3A_1017 : i32 to index
        %parallel_loop3A_1021 = arith.constant 48 : index
        %parallel_loop3A_1022 = tpu.vector_load %arg10[%parallel_loop3A_1019, %parallel_loop3A_1020, %parallel_loop3A_1021] {strides = array<i32>} : memref<2x120x128xf32, #tpu.memory_space<vmem>>, vector<1x1x16xf32>,
        %parallel_loop3A_1023 = vector.shape_cast %parallel_loop3A_1022 : vector<1x1x16xf32> to vector<16xf32>
        %parallel_loop3A_1024 = arith.addf %parallel_loop3A_961, %parallel_loop3A_1023 : vector<16xf32>
        %parallel_loop3A_1025 = arith.constant 11 : i32
        %parallel_loop3A_1026 = arith.addi %parallel_loop3A_188, %parallel_loop3A_1025 : i32
        %parallel_loop3A_1027 = arith.constant 1 : i32
        %parallel_loop3A_1028 = arith.index_cast %parallel_loop3A_1027 : i32 to index
        %parallel_loop3A_1029 = arith.index_cast %parallel_loop3A_1026 : i32 to index
        %parallel_loop3A_1030 = arith.constant 48 : index
        %parallel_loop3A_1031 = tpu.vector_load %arg11[%parallel_loop3A_1028, %parallel_loop3A_1029, %parallel_loop3A_1030] {strides = array<i32>} : memref<2x120x128xf32, #tpu.memory_space<vmem>>, vector<1x1x16xf32>,
        %parallel_loop3A_1032 = vector.shape_cast %parallel_loop3A_1031 : vector<1x1x16xf32> to vector<16xf32>
        %parallel_loop3A_1033 = arith.addf %parallel_loop3A_1024, %parallel_loop3A_1032 : vector<16xf32>
        %parallel_loop3A_1034 = arith.constant 12 : i32
        %parallel_loop3A_1035 = arith.addi %parallel_loop3A_188, %parallel_loop3A_1034 : i32
        %parallel_loop3A_1036 = arith.constant 1 : i32
        %parallel_loop3A_1037 = arith.index_cast %parallel_loop3A_1036 : i32 to index
        %parallel_loop3A_1038 = arith.index_cast %parallel_loop3A_1035 : i32 to index
        %parallel_loop3A_1039 = arith.constant 0 : index
        %parallel_loop3A_1040 = tpu.vector_load %arg10[%parallel_loop3A_1037, %parallel_loop3A_1038, %parallel_loop3A_1039] {strides = array<i32>} : memref<2x120x128xf32, #tpu.memory_space<vmem>>, vector<1x1x16xf32>,
        %parallel_loop3A_1041 = vector.shape_cast %parallel_loop3A_1040 : vector<1x1x16xf32> to vector<16xf32>
        %parallel_loop3A_1042 = arith.addf %parallel_loop3A_979, %parallel_loop3A_1041 : vector<16xf32>
        %parallel_loop3A_1043 = arith.constant 12 : i32
        %parallel_loop3A_1044 = arith.addi %parallel_loop3A_188, %parallel_loop3A_1043 : i32
        %parallel_loop3A_1045 = arith.constant 1 : i32
        %parallel_loop3A_1046 = arith.index_cast %parallel_loop3A_1045 : i32 to index
        %parallel_loop3A_1047 = arith.index_cast %parallel_loop3A_1044 : i32 to index
        %parallel_loop3A_1048 = arith.constant 0 : index
        %parallel_loop3A_1049 = tpu.vector_load %arg11[%parallel_loop3A_1046, %parallel_loop3A_1047, %parallel_loop3A_1048] {strides = array<i32>} : memref<2x120x128xf32, #tpu.memory_space<vmem>>, vector<1x1x16xf32>,
        %parallel_loop3A_1050 = vector.shape_cast %parallel_loop3A_1049 : vector<1x1x16xf32> to vector<16xf32>
        %parallel_loop3A_1051 = arith.addf %parallel_loop3A_1042, %parallel_loop3A_1050 : vector<16xf32>
        %parallel_loop3A_1052 = arith.constant 12 : i32
        %parallel_loop3A_1053 = arith.addi %parallel_loop3A_188, %parallel_loop3A_1052 : i32
        %parallel_loop3A_1054 = arith.constant 1 : i32
        %parallel_loop3A_1055 = arith.index_cast %parallel_loop3A_1054 : i32 to index
        %parallel_loop3A_1056 = arith.index_cast %parallel_loop3A_1053 : i32 to index
        %parallel_loop3A_1057 = arith.constant 16 : index
        %parallel_loop3A_1058 = tpu.vector_load %arg10[%parallel_loop3A_1055, %parallel_loop3A_1056, %parallel_loop3A_1057] {strides = array<i32>} : memref<2x120x128xf32, #tpu.memory_space<vmem>>, vector<1x1x16xf32>,
        %parallel_loop3A_1059 = vector.shape_cast %parallel_loop3A_1058 : vector<1x1x16xf32> to vector<16xf32>
        %parallel_loop3A_1060 = arith.addf %parallel_loop3A_997, %parallel_loop3A_1059 : vector<16xf32>
        %parallel_loop3A_1061 = arith.constant 12 : i32
        %parallel_loop3A_1062 = arith.addi %parallel_loop3A_188, %parallel_loop3A_1061 : i32
        %parallel_loop3A_1063 = arith.constant 1 : i32
        %parallel_loop3A_1064 = arith.index_cast %parallel_loop3A_1063 : i32 to index
        %parallel_loop3A_1065 = arith.index_cast %parallel_loop3A_1062 : i32 to index
        %parallel_loop3A_1066 = arith.constant 16 : index
        %parallel_loop3A_1067 = tpu.vector_load %arg11[%parallel_loop3A_1064, %parallel_loop3A_1065, %parallel_loop3A_1066] {strides = array<i32>} : memref<2x120x128xf32, #tpu.memory_space<vmem>>, vector<1x1x16xf32>,
        %parallel_loop3A_1068 = vector.shape_cast %parallel_loop3A_1067 : vector<1x1x16xf32> to vector<16xf32>
        %parallel_loop3A_1069 = arith.addf %parallel_loop3A_1060, %parallel_loop3A_1068 : vector<16xf32>
        %parallel_loop3A_1070 = arith.constant 12 : i32
        %parallel_loop3A_1071 = arith.addi %parallel_loop3A_188, %parallel_loop3A_1070 : i32
        %parallel_loop3A_1072 = arith.constant 1 : i32
        %parallel_loop3A_1073 = arith.index_cast %parallel_loop3A_1072 : i32 to index
        %parallel_loop3A_1074 = arith.index_cast %parallel_loop3A_1071 : i32 to index
        %parallel_loop3A_1075 = arith.constant 32 : index
        %parallel_loop3A_1076 = tpu.vector_load %arg10[%parallel_loop3A_1073, %parallel_loop3A_1074, %parallel_loop3A_1075] {strides = array<i32>} : memref<2x120x128xf32, #tpu.memory_space<vmem>>, vector<1x1x16xf32>,
        %parallel_loop3A_1077 = vector.shape_cast %parallel_loop3A_1076 : vector<1x1x16xf32> to vector<16xf32>
        %parallel_loop3A_1078 = arith.addf %parallel_loop3A_1015, %parallel_loop3A_1077 : vector<16xf32>
        %parallel_loop3A_1079 = arith.constant 12 : i32
        %parallel_loop3A_1080 = arith.addi %parallel_loop3A_188, %parallel_loop3A_1079 : i32
        %parallel_loop3A_1081 = arith.constant 1 : i32
        %parallel_loop3A_1082 = arith.index_cast %parallel_loop3A_1081 : i32 to index
        %parallel_loop3A_1083 = arith.index_cast %parallel_loop3A_1080 : i32 to index
        %parallel_loop3A_1084 = arith.constant 32 : index
        %parallel_loop3A_1085 = tpu.vector_load %arg11[%parallel_loop3A_1082, %parallel_loop3A_1083, %parallel_loop3A_1084] {strides = array<i32>} : memref<2x120x128xf32, #tpu.memory_space<vmem>>, vector<1x1x16xf32>,
        %parallel_loop3A_1086 = vector.shape_cast %parallel_loop3A_1085 : vector<1x1x16xf32> to vector<16xf32>
        %parallel_loop3A_1087 = arith.addf %parallel_loop3A_1078, %parallel_loop3A_1086 : vector<16xf32>
        %parallel_loop3A_1088 = arith.constant 12 : i32
        %parallel_loop3A_1089 = arith.addi %parallel_loop3A_188, %parallel_loop3A_1088 : i32
        %parallel_loop3A_1090 = arith.constant 1 : i32
        %parallel_loop3A_1091 = arith.index_cast %parallel_loop3A_1090 : i32 to index
        %parallel_loop3A_1092 = arith.index_cast %parallel_loop3A_1089 : i32 to index
        %parallel_loop3A_1093 = arith.constant 48 : index
        %parallel_loop3A_1094 = tpu.vector_load %arg10[%parallel_loop3A_1091, %parallel_loop3A_1092, %parallel_loop3A_1093] {strides = array<i32>} : memref<2x120x128xf32, #tpu.memory_space<vmem>>, vector<1x1x16xf32>,
        %parallel_loop3A_1095 = vector.shape_cast %parallel_loop3A_1094 : vector<1x1x16xf32> to vector<16xf32>
        %parallel_loop3A_1096 = arith.addf %parallel_loop3A_1033, %parallel_loop3A_1095 : vector<16xf32>
        %parallel_loop3A_1097 = arith.constant 12 : i32
        %parallel_loop3A_1098 = arith.addi %parallel_loop3A_188, %parallel_loop3A_1097 : i32
        %parallel_loop3A_1099 = arith.constant 1 : i32
        %parallel_loop3A_1100 = arith.index_cast %parallel_loop3A_1099 : i32 to index
        %parallel_loop3A_1101 = arith.index_cast %parallel_loop3A_1098 : i32 to index
        %parallel_loop3A_1102 = arith.constant 48 : index
        %parallel_loop3A_1103 = tpu.vector_load %arg11[%parallel_loop3A_1100, %parallel_loop3A_1101, %parallel_loop3A_1102] {strides = array<i32>} : memref<2x120x128xf32, #tpu.memory_space<vmem>>, vector<1x1x16xf32>,
        %parallel_loop3A_1104 = vector.shape_cast %parallel_loop3A_1103 : vector<1x1x16xf32> to vector<16xf32>
        %parallel_loop3A_1105 = arith.addf %parallel_loop3A_1096, %parallel_loop3A_1104 : vector<16xf32>
        %parallel_loop3A_1106 = arith.constant 13 : i32
        %parallel_loop3A_1107 = arith.addi %parallel_loop3A_188, %parallel_loop3A_1106 : i32
        %parallel_loop3A_1108 = arith.constant 1 : i32
        %parallel_loop3A_1109 = arith.index_cast %parallel_loop3A_1108 : i32 to index
        %parallel_loop3A_1110 = arith.index_cast %parallel_loop3A_1107 : i32 to index
        %parallel_loop3A_1111 = arith.constant 0 : index
        %parallel_loop3A_1112 = tpu.vector_load %arg10[%parallel_loop3A_1109, %parallel_loop3A_1110, %parallel_loop3A_1111] {strides = array<i32>} : memref<2x120x128xf32, #tpu.memory_space<vmem>>, vector<1x1x16xf32>,
        %parallel_loop3A_1113 = vector.shape_cast %parallel_loop3A_1112 : vector<1x1x16xf32> to vector<16xf32>
        %parallel_loop3A_1114 = arith.addf %parallel_loop3A_1051, %parallel_loop3A_1113 : vector<16xf32>
        %parallel_loop3A_1115 = arith.constant 13 : i32
        %parallel_loop3A_1116 = arith.addi %parallel_loop3A_188, %parallel_loop3A_1115 : i32
        %parallel_loop3A_1117 = arith.constant 1 : i32
        %parallel_loop3A_1118 = arith.index_cast %parallel_loop3A_1117 : i32 to index
        %parallel_loop3A_1119 = arith.index_cast %parallel_loop3A_1116 : i32 to index
        %parallel_loop3A_1120 = arith.constant 0 : index
        %parallel_loop3A_1121 = tpu.vector_load %arg11[%parallel_loop3A_1118, %parallel_loop3A_1119, %parallel_loop3A_1120] {strides = array<i32>} : memref<2x120x128xf32, #tpu.memory_space<vmem>>, vector<1x1x16xf32>,
        %parallel_loop3A_1122 = vector.shape_cast %parallel_loop3A_1121 : vector<1x1x16xf32> to vector<16xf32>
        %parallel_loop3A_1123 = arith.addf %parallel_loop3A_1114, %parallel_loop3A_1122 : vector<16xf32>
        %parallel_loop3A_1124 = arith.constant 13 : i32
        %parallel_loop3A_1125 = arith.addi %parallel_loop3A_188, %parallel_loop3A_1124 : i32
        %parallel_loop3A_1126 = arith.constant 1 : i32
        %parallel_loop3A_1127 = arith.index_cast %parallel_loop3A_1126 : i32 to index
        %parallel_loop3A_1128 = arith.index_cast %parallel_loop3A_1125 : i32 to index
        %parallel_loop3A_1129 = arith.constant 16 : index
        %parallel_loop3A_1130 = tpu.vector_load %arg10[%parallel_loop3A_1127, %parallel_loop3A_1128, %parallel_loop3A_1129] {strides = array<i32>} : memref<2x120x128xf32, #tpu.memory_space<vmem>>, vector<1x1x16xf32>,
        %parallel_loop3A_1131 = vector.shape_cast %parallel_loop3A_1130 : vector<1x1x16xf32> to vector<16xf32>
        %parallel_loop3A_1132 = arith.addf %parallel_loop3A_1069, %parallel_loop3A_1131 : vector<16xf32>
        %parallel_loop3A_1133 = arith.constant 13 : i32
        %parallel_loop3A_1134 = arith.addi %parallel_loop3A_188, %parallel_loop3A_1133 : i32
        %parallel_loop3A_1135 = arith.constant 1 : i32
        %parallel_loop3A_1136 = arith.index_cast %parallel_loop3A_1135 : i32 to index
        %parallel_loop3A_1137 = arith.index_cast %parallel_loop3A_1134 : i32 to index
        %parallel_loop3A_1138 = arith.constant 16 : index
        %parallel_loop3A_1139 = tpu.vector_load %arg11[%parallel_loop3A_1136, %parallel_loop3A_1137, %parallel_loop3A_1138] {strides = array<i32>} : memref<2x120x128xf32, #tpu.memory_space<vmem>>, vector<1x1x16xf32>,
        %parallel_loop3A_1140 = vector.shape_cast %parallel_loop3A_1139 : vector<1x1x16xf32> to vector<16xf32>
        %parallel_loop3A_1141 = arith.addf %parallel_loop3A_1132, %parallel_loop3A_1140 : vector<16xf32>
        %parallel_loop3A_1142 = arith.constant 13 : i32
        %parallel_loop3A_1143 = arith.addi %parallel_loop3A_188, %parallel_loop3A_1142 : i32
        %parallel_loop3A_1144 = arith.constant 1 : i32
        %parallel_loop3A_1145 = arith.index_cast %parallel_loop3A_1144 : i32 to index
        %parallel_loop3A_1146 = arith.index_cast %parallel_loop3A_1143 : i32 to index
        %parallel_loop3A_1147 = arith.constant 32 : index
        %parallel_loop3A_1148 = tpu.vector_load %arg10[%parallel_loop3A_1145, %parallel_loop3A_1146, %parallel_loop3A_1147] {strides = array<i32>} : memref<2x120x128xf32, #tpu.memory_space<vmem>>, vector<1x1x16xf32>,
        %parallel_loop3A_1149 = vector.shape_cast %parallel_loop3A_1148 : vector<1x1x16xf32> to vector<16xf32>
        %parallel_loop3A_1150 = arith.addf %parallel_loop3A_1087, %parallel_loop3A_1149 : vector<16xf32>
        %parallel_loop3A_1151 = arith.constant 13 : i32
        %parallel_loop3A_1152 = arith.addi %parallel_loop3A_188, %parallel_loop3A_1151 : i32
        %parallel_loop3A_1153 = arith.constant 1 : i32
        %parallel_loop3A_1154 = arith.index_cast %parallel_loop3A_1153 : i32 to index
        %parallel_loop3A_1155 = arith.index_cast %parallel_loop3A_1152 : i32 to index
        %parallel_loop3A_1156 = arith.constant 32 : index
        %parallel_loop3A_1157 = tpu.vector_load %arg11[%parallel_loop3A_1154, %parallel_loop3A_1155, %parallel_loop3A_1156] {strides = array<i32>} : memref<2x120x128xf32, #tpu.memory_space<vmem>>, vector<1x1x16xf32>,
        %parallel_loop3A_1158 = vector.shape_cast %parallel_loop3A_1157 : vector<1x1x16xf32> to vector<16xf32>
        %parallel_loop3A_1159 = arith.addf %parallel_loop3A_1150, %parallel_loop3A_1158 : vector<16xf32>
        %parallel_loop3A_1160 = arith.constant 13 : i32
        %parallel_loop3A_1161 = arith.addi %parallel_loop3A_188, %parallel_loop3A_1160 : i32
        %parallel_loop3A_1162 = arith.constant 1 : i32
        %parallel_loop3A_1163 = arith.index_cast %parallel_loop3A_1162 : i32 to index
        %parallel_loop3A_1164 = arith.index_cast %parallel_loop3A_1161 : i32 to index
        %parallel_loop3A_1165 = arith.constant 48 : index
        %parallel_loop3A_1166 = tpu.vector_load %arg10[%parallel_loop3A_1163, %parallel_loop3A_1164, %parallel_loop3A_1165] {strides = array<i32>} : memref<2x120x128xf32, #tpu.memory_space<vmem>>, vector<1x1x16xf32>,
        %parallel_loop3A_1167 = vector.shape_cast %parallel_loop3A_1166 : vector<1x1x16xf32> to vector<16xf32>
        %parallel_loop3A_1168 = arith.addf %parallel_loop3A_1105, %parallel_loop3A_1167 : vector<16xf32>
        %parallel_loop3A_1169 = arith.constant 13 : i32
        %parallel_loop3A_1170 = arith.addi %parallel_loop3A_188, %parallel_loop3A_1169 : i32
        %parallel_loop3A_1171 = arith.constant 1 : i32
        %parallel_loop3A_1172 = arith.index_cast %parallel_loop3A_1171 : i32 to index
        %parallel_loop3A_1173 = arith.index_cast %parallel_loop3A_1170 : i32 to index
        %parallel_loop3A_1174 = arith.constant 48 : index
        %parallel_loop3A_1175 = tpu.vector_load %arg11[%parallel_loop3A_1172, %parallel_loop3A_1173, %parallel_loop3A_1174] {strides = array<i32>} : memref<2x120x128xf32, #tpu.memory_space<vmem>>, vector<1x1x16xf32>,
        %parallel_loop3A_1176 = vector.shape_cast %parallel_loop3A_1175 : vector<1x1x16xf32> to vector<16xf32>
        %parallel_loop3A_1177 = arith.addf %parallel_loop3A_1168, %parallel_loop3A_1176 : vector<16xf32>
        %parallel_loop3A_1178 = arith.constant 14 : i32
        %parallel_loop3A_1179 = arith.addi %parallel_loop3A_188, %parallel_loop3A_1178 : i32
        %parallel_loop3A_1180 = arith.constant 1 : i32
        %parallel_loop3A_1181 = arith.index_cast %parallel_loop3A_1180 : i32 to index
        %parallel_loop3A_1182 = arith.index_cast %parallel_loop3A_1179 : i32 to index
        %parallel_loop3A_1183 = arith.constant 0 : index
        %parallel_loop3A_1184 = tpu.vector_load %arg10[%parallel_loop3A_1181, %parallel_loop3A_1182, %parallel_loop3A_1183] {strides = array<i32>} : memref<2x120x128xf32, #tpu.memory_space<vmem>>, vector<1x1x16xf32>,
        %parallel_loop3A_1185 = vector.shape_cast %parallel_loop3A_1184 : vector<1x1x16xf32> to vector<16xf32>
        %parallel_loop3A_1186 = arith.addf %parallel_loop3A_1123, %parallel_loop3A_1185 : vector<16xf32>
        %parallel_loop3A_1187 = arith.constant 14 : i32
        %parallel_loop3A_1188 = arith.addi %parallel_loop3A_188, %parallel_loop3A_1187 : i32
        %parallel_loop3A_1189 = arith.constant 1 : i32
        %parallel_loop3A_1190 = arith.index_cast %parallel_loop3A_1189 : i32 to index
        %parallel_loop3A_1191 = arith.index_cast %parallel_loop3A_1188 : i32 to index
        %parallel_loop3A_1192 = arith.constant 0 : index
        %parallel_loop3A_1193 = tpu.vector_load %arg11[%parallel_loop3A_1190, %parallel_loop3A_1191, %parallel_loop3A_1192] {strides = array<i32>} : memref<2x120x128xf32, #tpu.memory_space<vmem>>, vector<1x1x16xf32>,
        %parallel_loop3A_1194 = vector.shape_cast %parallel_loop3A_1193 : vector<1x1x16xf32> to vector<16xf32>
        %parallel_loop3A_1195 = arith.addf %parallel_loop3A_1186, %parallel_loop3A_1194 : vector<16xf32>
        %parallel_loop3A_1196 = arith.constant 14 : i32
        %parallel_loop3A_1197 = arith.addi %parallel_loop3A_188, %parallel_loop3A_1196 : i32
        %parallel_loop3A_1198 = arith.constant 1 : i32
        %parallel_loop3A_1199 = arith.index_cast %parallel_loop3A_1198 : i32 to index
        %parallel_loop3A_1200 = arith.index_cast %parallel_loop3A_1197 : i32 to index
        %parallel_loop3A_1201 = arith.constant 16 : index
        %parallel_loop3A_1202 = tpu.vector_load %arg10[%parallel_loop3A_1199, %parallel_loop3A_1200, %parallel_loop3A_1201] {strides = array<i32>} : memref<2x120x128xf32, #tpu.memory_space<vmem>>, vector<1x1x16xf32>,
        %parallel_loop3A_1203 = vector.shape_cast %parallel_loop3A_1202 : vector<1x1x16xf32> to vector<16xf32>
        %parallel_loop3A_1204 = arith.addf %parallel_loop3A_1141, %parallel_loop3A_1203 : vector<16xf32>
        %parallel_loop3A_1205 = arith.constant 14 : i32
        %parallel_loop3A_1206 = arith.addi %parallel_loop3A_188, %parallel_loop3A_1205 : i32
        %parallel_loop3A_1207 = arith.constant 1 : i32
        %parallel_loop3A_1208 = arith.index_cast %parallel_loop3A_1207 : i32 to index
        %parallel_loop3A_1209 = arith.index_cast %parallel_loop3A_1206 : i32 to index
        %parallel_loop3A_1210 = arith.constant 16 : index
        %parallel_loop3A_1211 = tpu.vector_load %arg11[%parallel_loop3A_1208, %parallel_loop3A_1209, %parallel_loop3A_1210] {strides = array<i32>} : memref<2x120x128xf32, #tpu.memory_space<vmem>>, vector<1x1x16xf32>,
        %parallel_loop3A_1212 = vector.shape_cast %parallel_loop3A_1211 : vector<1x1x16xf32> to vector<16xf32>
        %parallel_loop3A_1213 = arith.addf %parallel_loop3A_1204, %parallel_loop3A_1212 : vector<16xf32>
        %parallel_loop3A_1214 = arith.constant 14 : i32
        %parallel_loop3A_1215 = arith.addi %parallel_loop3A_188, %parallel_loop3A_1214 : i32
        %parallel_loop3A_1216 = arith.constant 1 : i32
        %parallel_loop3A_1217 = arith.index_cast %parallel_loop3A_1216 : i32 to index
        %parallel_loop3A_1218 = arith.index_cast %parallel_loop3A_1215 : i32 to index
        %parallel_loop3A_1219 = arith.constant 32 : index
        %parallel_loop3A_1220 = tpu.vector_load %arg10[%parallel_loop3A_1217, %parallel_loop3A_1218, %parallel_loop3A_1219] {strides = array<i32>} : memref<2x120x128xf32, #tpu.memory_space<vmem>>, vector<1x1x16xf32>,
        %parallel_loop3A_1221 = vector.shape_cast %parallel_loop3A_1220 : vector<1x1x16xf32> to vector<16xf32>
        %parallel_loop3A_1222 = arith.addf %parallel_loop3A_1159, %parallel_loop3A_1221 : vector<16xf32>
        %parallel_loop3A_1223 = arith.constant 14 : i32
        %parallel_loop3A_1224 = arith.addi %parallel_loop3A_188, %parallel_loop3A_1223 : i32
        %parallel_loop3A_1225 = arith.constant 1 : i32
        %parallel_loop3A_1226 = arith.index_cast %parallel_loop3A_1225 : i32 to index
        %parallel_loop3A_1227 = arith.index_cast %parallel_loop3A_1224 : i32 to index
        %parallel_loop3A_1228 = arith.constant 32 : index
        %parallel_loop3A_1229 = tpu.vector_load %arg11[%parallel_loop3A_1226, %parallel_loop3A_1227, %parallel_loop3A_1228] {strides = array<i32>} : memref<2x120x128xf32, #tpu.memory_space<vmem>>, vector<1x1x16xf32>,
        %parallel_loop3A_1230 = vector.shape_cast %parallel_loop3A_1229 : vector<1x1x16xf32> to vector<16xf32>
        %parallel_loop3A_1231 = arith.addf %parallel_loop3A_1222, %parallel_loop3A_1230 : vector<16xf32>
        %parallel_loop3A_1232 = arith.constant 14 : i32
        %parallel_loop3A_1233 = arith.addi %parallel_loop3A_188, %parallel_loop3A_1232 : i32
        %parallel_loop3A_1234 = arith.constant 1 : i32
        %parallel_loop3A_1235 = arith.index_cast %parallel_loop3A_1234 : i32 to index
        %parallel_loop3A_1236 = arith.index_cast %parallel_loop3A_1233 : i32 to index
        %parallel_loop3A_1237 = arith.constant 48 : index
        %parallel_loop3A_1238 = tpu.vector_load %arg10[%parallel_loop3A_1235, %parallel_loop3A_1236, %parallel_loop3A_1237] {strides = array<i32>} : memref<2x120x128xf32, #tpu.memory_space<vmem>>, vector<1x1x16xf32>,
        %parallel_loop3A_1239 = vector.shape_cast %parallel_loop3A_1238 : vector<1x1x16xf32> to vector<16xf32>
        %parallel_loop3A_1240 = arith.addf %parallel_loop3A_1177, %parallel_loop3A_1239 : vector<16xf32>
        %parallel_loop3A_1241 = arith.constant 14 : i32
        %parallel_loop3A_1242 = arith.addi %parallel_loop3A_188, %parallel_loop3A_1241 : i32
        %parallel_loop3A_1243 = arith.constant 1 : i32
        %parallel_loop3A_1244 = arith.index_cast %parallel_loop3A_1243 : i32 to index
        %parallel_loop3A_1245 = arith.index_cast %parallel_loop3A_1242 : i32 to index
        %parallel_loop3A_1246 = arith.constant 48 : index
        %parallel_loop3A_1247 = tpu.vector_load %arg11[%parallel_loop3A_1244, %parallel_loop3A_1245, %parallel_loop3A_1246] {strides = array<i32>} : memref<2x120x128xf32, #tpu.memory_space<vmem>>, vector<1x1x16xf32>,
        %parallel_loop3A_1248 = vector.shape_cast %parallel_loop3A_1247 : vector<1x1x16xf32> to vector<16xf32>
        %parallel_loop3A_1249 = arith.addf %parallel_loop3A_1240, %parallel_loop3A_1248 : vector<16xf32>
        %parallel_loop3A_1250 = arith.constant 0.0222222228 : f32
        %parallel_loop3A_1251 = vector.broadcast %parallel_loop3A_1250 : f32 to vector<16xf32>
        %parallel_loop3A_1252 = arith.mulf %parallel_loop3A_1195, %parallel_loop3A_1251 : vector<16xf32>
        %parallel_loop3A_1253 = arith.index_cast %parallel_loop3A_189 : i32 to index
        %parallel_loop3A_1254 = arith.constant 0 : index
        %parallel_loop3A_1255 = tpu.vector_load %arg13[%parallel_loop3A_1253, %parallel_loop3A_1254] {strides = array<i32>} : memref<512x64xf32, #tpu.memory_space<vmem>>, vector<1x16xf32>,
        %parallel_loop3A_1256 = vector.shape_cast %parallel_loop3A_1255 : vector<1x16xf32> to vector<16xf32>
        %parallel_loop3A_1257 = vector.shape_cast %parallel_loop3A_1252 : vector<16xf32> to vector<1x16xf32>
        tpu.vector_store %arg13[%parallel_loop3A_1253, %parallel_loop3A_1254], %parallel_loop3A_1257 {add = true, strides = array<i32>} : memref<512x64xf32, #tpu.memory_space<vmem>>, vector<1x16xf32>,
        %parallel_loop3A_1258 = arith.constant 0.0222222228 : f32
        %parallel_loop3A_1259 = vector.broadcast %parallel_loop3A_1258 : f32 to vector<16xf32>
        %parallel_loop3A_1260 = arith.mulf %parallel_loop3A_1213, %parallel_loop3A_1259 : vector<16xf32>
        %parallel_loop3A_1261 = arith.index_cast %parallel_loop3A_189 : i32 to index
        %parallel_loop3A_1262 = arith.constant 16 : index
        %parallel_loop3A_1263 = tpu.vector_load %arg13[%parallel_loop3A_1261, %parallel_loop3A_1262] {strides = array<i32>} : memref<512x64xf32, #tpu.memory_space<vmem>>, vector<1x16xf32>,
        %parallel_loop3A_1264 = vector.shape_cast %parallel_loop3A_1263 : vector<1x16xf32> to vector<16xf32>
        %parallel_loop3A_1265 = vector.shape_cast %parallel_loop3A_1260 : vector<16xf32> to vector<1x16xf32>
        tpu.vector_store %arg13[%parallel_loop3A_1261, %parallel_loop3A_1262], %parallel_loop3A_1265 {add = true, strides = array<i32>} : memref<512x64xf32, #tpu.memory_space<vmem>>, vector<1x16xf32>,
        %parallel_loop3A_1266 = arith.constant 0.0222222228 : f32
        %parallel_loop3A_1267 = vector.broadcast %parallel_loop3A_1266 : f32 to vector<16xf32>
        %parallel_loop3A_1268 = arith.mulf %parallel_loop3A_1231, %parallel_loop3A_1267 : vector<16xf32>
        %parallel_loop3A_1269 = arith.index_cast %parallel_loop3A_189 : i32 to index
        %parallel_loop3A_1270 = arith.constant 32 : index
        %parallel_loop3A_1271 = tpu.vector_load %arg13[%parallel_loop3A_1269, %parallel_loop3A_1270] {strides = array<i32>} : memref<512x64xf32, #tpu.memory_space<vmem>>, vector<1x16xf32>,
        %parallel_loop3A_1272 = vector.shape_cast %parallel_loop3A_1271 : vector<1x16xf32> to vector<16xf32>
        %parallel_loop3A_1273 = vector.shape_cast %parallel_loop3A_1268 : vector<16xf32> to vector<1x16xf32>
        tpu.vector_store %arg13[%parallel_loop3A_1269, %parallel_loop3A_1270], %parallel_loop3A_1273 {add = true, strides = array<i32>} : memref<512x64xf32, #tpu.memory_space<vmem>>, vector<1x16xf32>,
        %parallel_loop3A_1274 = arith.constant 0.0222222228 : f32
        %parallel_loop3A_1275 = vector.broadcast %parallel_loop3A_1274 : f32 to vector<16xf32>
        %parallel_loop3A_1276 = arith.mulf %parallel_loop3A_1249, %parallel_loop3A_1275 : vector<16xf32>
        %parallel_loop3A_1277 = arith.index_cast %parallel_loop3A_189 : i32 to index
        %parallel_loop3A_1278 = arith.constant 48 : index
        %parallel_loop3A_1279 = tpu.vector_load %arg13[%parallel_loop3A_1277, %parallel_loop3A_1278] {strides = array<i32>} : memref<512x64xf32, #tpu.memory_space<vmem>>, vector<1x16xf32>,
        %parallel_loop3A_1280 = vector.shape_cast %parallel_loop3A_1279 : vector<1x16xf32> to vector<16xf32>
        %parallel_loop3A_1281 = vector.shape_cast %parallel_loop3A_1276 : vector<16xf32> to vector<1x16xf32>
        tpu.vector_store %arg13[%parallel_loop3A_1277, %parallel_loop3A_1278], %parallel_loop3A_1281 {add = true, strides = array<i32>} : memref<512x64xf32, #tpu.memory_space<vmem>>, vector<1x16xf32>,
      } {sc.loop_unroll_factor = 2 : i64, sc.parallel_access}
    }
    %scan3A_86 = arith.constant 32 : i32
    "tpu.region"() ({
      %run_scoped3A = tpu.sem_alloc : memref<!tpu.dma_semaphore, #tpu.memory_space<semaphore_mem>>
      %dma_start3A_87 = arith.constant 0 : i32
      %dma_start3A_88 = tpu.memref_slice %arg6[%mul3A_2, %dma_start3A_87] : memref<16384x64xf32, #tpu.memory_space<hbm>> -> memref<512x64xf32, #tpu.memory_space<hbm>>
      %dma_start3A_89 = arith.constant 0 : i32
      %dma_start3A_90 = tpu.memref_slice %arg6[%mul3A_2, %dma_start3A_89] : memref<16384x64xf32, #tpu.memory_space<hbm>> -> memref<512x64xf32, #tpu.memory_space<hbm>>
      tpu.enqueue_dma source(%arg13 : memref<512x64xf32, #tpu.memory_space<vmem>>) target(%dma_start3A_90 : memref<512x64xf32, #tpu.memory_space<hbm>>) target_semaphore(%run_scoped3A : memref<!tpu.dma_semaphore, #tpu.memory_space<semaphore_mem>>)
      %dma_wait3A_91 = arith.constant 0 : i32
      %dma_wait3A_92 = tpu.memref_slice %arg6[%mul3A_2, %dma_wait3A_91] : memref<16384x64xf32, #tpu.memory_space<hbm>> -> memref<512x64xf32, #tpu.memory_space<hbm>>
      %dma_wait3A_93 = arith.constant 0 : i32
      %dma_wait3A_94 = tpu.memref_slice %arg6[%mul3A_2, %dma_wait3A_93] : memref<16384x64xf32, #tpu.memory_space<hbm>> -> memref<512x64xf32, #tpu.memory_space<hbm>>
      tpu.wait_dma2 semaphore(%run_scoped3A : memref<!tpu.dma_semaphore, #tpu.memory_space<semaphore_mem>>) src(%arg13 : memref<512x64xf32, #tpu.memory_space<vmem>>) dst(%dma_wait3A_94 : memref<512x64xf32, #tpu.memory_space<hbm>>)
      tpu.yield
    }) : () -> ()
    return
  }
}

module attributes {stable_mosaic.version = 14 : i64} {
  func.func @_tc_transpose_body(%arg0: i32, %arg1: memref<64x20480xf32, #tpu.memory_space<vmem>>, %arg2: memref<20480x128xf32, #tpu.memory_space<vmem>>) attributes {dimension_semantics = [#tpu.dimension_semantics<arbitrary>], iteration_bounds = array<i64: 49>, scalar_prefetch = 0 : i64, scratch_operands = 0 : i64, tpu.core_type = #tpu.core_type<tc>, window_params = [{transform_indices = @transform_0, window_bounds = array<i64: 64, 20480>}, {transform_indices = @transform_1, window_bounds = array<i64: 20480, 128>}]} {
    %get3A = arith.constant 0 : index
    %get3A_0 = arith.constant 0 : index
    %get3A_1 = vector.load %arg1[%get3A, %get3A_0] : memref<64x20480xf32, #tpu.memory_space<vmem>>, vector<64x20480xf32>
    %transpose3A = tpu.transpose %get3A_1, [1, 0] : vector<64x20480xf32> -> vector<20480x64xf32>
    %swap3A = arith.constant 0 : index
    %swap3A_2 = arith.constant 0 : index
    %swap3A_3 = vector.load %arg2[%swap3A, %swap3A_2] : memref<20480x128xf32, #tpu.memory_space<vmem>>, vector<20480x64xf32>
    tpu.vector_store %arg2[%swap3A, %swap3A_2], %transpose3A {strides = array<i32>} : memref<20480x128xf32, #tpu.memory_space<vmem>>, vector<20480x64xf32>,
    %broadcast_in_dim3A = arith.constant 0.000000e+00 : f32
    %broadcast_in_dim3A_4 = vector.broadcast %broadcast_in_dim3A : f32 to vector<20480x64xf32>
    %swap3A_5 = arith.constant 0 : index
    %swap3A_6 = arith.constant 64 : index
    %swap3A_7 = vector.load %arg2[%swap3A_5, %swap3A_6] : memref<20480x128xf32, #tpu.memory_space<vmem>>, vector<20480x64xf32>
    tpu.vector_store %arg2[%swap3A_5, %swap3A_6], %broadcast_in_dim3A_4 {strides = array<i32>} : memref<20480x128xf32, #tpu.memory_space<vmem>>, vector<20480x64xf32>,
    return
  }
  func.func @transform_0(%arg0: i32) -> (i32, i32) {
    %c0_i32 = arith.constant 0 : i32
    %c0_i32_0 = arith.constant 0 : i32
    return %c0_i32, %arg0 : i32, i32
  }
  func.func @transform_1(%arg0: i32) -> (i32, i32) {
    %c0_i32 = arith.constant 0 : i32
    %c0_i32_0 = arith.constant 0 : i32
    return %arg0, %c0_i32 : i32, i32
  }
}

</mosaic_0001>

<sc_bundles>
// kernel: kernel.4.cloned.1.call-start
scs
__scs_entry_jumppad:
0x0: {  	(pc) =	sbr.rel $0x88, $3  }
0x1: {  	(tag) =	ssettag $0x0;
	lr =	simm.s32 $0x1  }
0x2: {  	[smem:$0x3F9D] =	sst lr;
	_ =	strace $0xD0000000  }
0x3: {  	_ = 	snop  }
0x4: {  	_ = 	snop  }
0x5: {  	_ = 	snop  }
0x6: {  	_ = 	snop  }
0x7: {  	_ = 	snop  }
__scs_overlays_trampoline_lowered:
0x8: {  	[smem:$0x3FAC] =	sst s0  }
0x9: {  	[smem:$0x3FAD] =	sst s1  }
0xa: {  	[smem:$0x3FAE] =	sst s2  }
0xb: {  	[smem:$0x3FAF] =	sst s3  }
0xc: {  	[smem:$0x3FB0] =	sst s4  }
0xd: {  	[smem:$0x3FB1] =	sst s5  }
0xe: {  	[smem:$0x3FB2] =	sst s6  }
0xf: {  	[smem:$0x3FB3] =	sst s7  }
0x10: {  	[smem:$0x3FB4] =	sst s8  }
0x11: {  	[smem:$0x3FB5] =	sst s9;
	s0 =	simm.s32 @!p0 $0x0  }
0x12: {  	s1 =	sld [smem:$0x3F9B];
	s0 =	simm.s32 @p0 $0x1  }
0x13: {  	[smem:$0x3FB6] =	sst s0;
	s0 =	simm.s32 @!p1 $0x0  }
0x14: {  	s2 =	sld [smem:$0x3F9A];
	s0 =	simm.s32 @p1 $0x1  }
0x15: {  	[smem:$0x3FB7] =	sst s0;
	s0 =	simm.s32 @!p2 $0x0  }
0x16: {  	s3 =	sld [smem:$0x3FDB];
	s0 =	simm.s32 @p2 $0x1  }
0x17: {  	s4 =	simm.s32 $0x1BF5;
	[smem:$0x3FB9] =	sst s0  }
0x18: {  	s0 =	sld [smem:$0x3F9C];
	_ =	swait.ge [sflag:s4], $0x0  }
0x19: {  	s7 =	sld [smem:$0x3F9D]  }
0x1a: {  	s8 =	sadd.s32 $0xFFFFE003, lr  }
0x1b: {  	s9 =	sadd.s32 $0xFFFFFEF7, lr;
	s5 =	simm.s32 $0xFFFFFFFF;
	p2 =	slt.u32 s8, $0xFFFFF086  }
0x1c: {  	p1 =	slt.u32 s9, $0xF7A;
	s5 =	simm.s32 @!p2 $0x0  }
0x1d: {  	s5 =	simm.s32 @p1 $0x1;
	p0 =	seq.s32 s7, s2  }
0x1e: {  	s7 =	smul.u32 @!p0 $0xF7A, s2;
	p2 =	seq.s32 @!p0 s5, $0x0  }
0x1f: {  	s9 =	smul.u32 $0xF7A, s1;
	s8 =	simm.s32 @!p0 $0x1BF5;
	p2 =	por !p2, p0  }
0x20: {  	[sflag:s8] =	ssyncset.s32 @!p0 $0xFFFFF086;
	s6 =	sadd.s32 @!p0 s3, s7;
	s7 =	simm.s32 @!p0 $0x108  }
0x21: {  	s3 =	sadd.s32 s3, s9;
	s6 =	sadd.s32 @!p0 $0x88, s6;
	s7 =	simm.s32 @p2 $0x1082  }
0x22: {  	[simem:s7], [sflag:s8] =	dma.local @!p0 [hbm:s6], $0xF7A  }
0x23: {  	s9 =	sor.u32 $0xD0000000, s2;
	s6 =	simm.s32 $0x108;
	_ =	swait.ge @!p0 [sflag:s8], $0x0  }
0x24: {  	s3 =	sadd.s32 $0x88, s3;
	s6 =	simm.s32 @!p1 $0x1082;
	[sflag:s4] =	ssyncset.s32 $0xFFFFF086  }
0x25: {  	[simem:s6], [sflag:s4] =	dma.local [hbm:s3], $0xF7A  }
0x26: {  	[smem:$0x3F9D] =	sst s1;
	(tag) =	ssettag s2;
	_ =	strace s9  }
0x27: {  	s1 =	sld [smem:$0x3FAD]  }
0x28: {  	s2 =	sld [smem:$0x3FAE]  }
0x29: {  	s4 =	sld [smem:$0x3FB0]  }
0x2a: {  	p0 =	seq.s32 s5, $0x0;
	s5 =	sld [smem:$0x3FB1]  }
0x2b: {  	s6 =	sld [smem:$0x3FB2]  }
0x2c: {  	s7 =	sld [smem:$0x3FB3]  }
0x2d: {  	s3 =	simm.s32 $0x108;
	s8 =	sld [smem:$0x3FB4]  }
0x2e: {  	s3 =	simm.s32 @!p0 $0x1082;
	s9 =	sld [smem:$0x3FB5]  }
0x2f: {  	lr =	sadd.s32 s0, s3;
	s0 =	sld [smem:$0x3FAC]  }
0x30: {  	s3 =	sld [smem:$0x3FAF]  }
0x31: {  	[smem:$0x3FB8] =	sst s10  }
0x32: {  	s10 =	sld [smem:$0x3FB6];
	_ =	sdelay $0x3  }
0x33: {  	p0 =	seq.s32 s10, $0x1;
	s10 =	sld [smem:$0x3FB8];
	_ =	sdelay $0x3  }
0x34: {  	[smem:$0x3FB8] =	sst s10  }
0x35: {  	s10 =	sld [smem:$0x3FB7];
	_ =	sdelay $0x3  }
0x36: {  	p1 =	seq.s32 s10, $0x1;
	s10 =	sld [smem:$0x3FB8];
	_ =	sdelay $0x3  }
0x37: {  	[smem:$0x3FB8] =	sst s10  }
0x38: {  	s10 =	sld [smem:$0x3FB9]  }
0x39: {  	_ = 	snop;
	(pc) =	sbr.ind lr, $3  }
0x3a: {  	_ = 	snop  }
0x3b: {  	_ = 	snop  }
0x3c: {  	p2 =	seq.s32 s10, $0x1;
	s10 =	sld [smem:$0x3FB8]  }
0x3d: {  	_ =	shalt  }
0x3e: {  	_ =	shalt  }
0x3f: {  	_ =	shalt  }
0x40: {  	_ =	shalt  }
0x41: {  	_ =	shalt  }
0x42: {  	_ =	shalt  }
0x43: {  	_ =	shalt  }
0x44: {  	_ =	shalt  }
0x45: {  	_ =	shalt  }
0x46: {  	_ =	shalt  }
0x47: {  	_ =	shalt  }
0x48: {  	_ =	shalt  }
0x49: {  	_ =	shalt  }
0x4a: {  	_ =	shalt  }
0x4b: {  	_ =	shalt  }
0x4c: {  	_ =	shalt  }
0x4d: {  	_ =	shalt  }
0x4e: {  	_ =	shalt  }
0x4f: {  	_ =	shalt  }
0x50: {  	_ =	shalt  }
0x51: {  	_ =	shalt  }
0x52: {  	_ =	shalt  }
0x53: {  	_ =	shalt  }
0x54: {  	_ =	shalt  }
0x55: {  	_ =	shalt  }
0x56: {  	_ =	shalt  }
0x57: {  	_ =	shalt  }
0x58: {  	_ =	shalt  }
0x59: {  	_ =	shalt  }
0x5a: {  	_ =	shalt  }
0x5b: {  	_ =	shalt  }
0x5c: {  	_ =	shalt  }
0x5d: {  	_ =	shalt  }
0x5e: {  	_ =	shalt  }
0x5f: {  	_ =	shalt  }
0x60: {  	_ =	shalt  }
0x61: {  	_ =	shalt  }
0x62: {  	_ =	shalt  }
0x63: {  	_ =	shalt  }
0x64: {  	_ =	shalt  }
0x65: {  	_ =	shalt  }
0x66: {  	_ =	shalt  }
0x67: {  	_ =	shalt  }
0x68: {  	_ =	shalt  }
0x69: {  	_ =	shalt  }
0x6a: {  	_ =	shalt  }
0x6b: {  	_ =	shalt  }
0x6c: {  	_ =	shalt  }
0x6d: {  	_ =	shalt  }
0x6e: {  	_ =	shalt  }
0x6f: {  	_ =	shalt  }
0x70: {  	_ =	shalt  }
0x71: {  	_ =	shalt  }
0x72: {  	_ =	shalt  }
0x73: {  	_ =	shalt  }
0x74: {  	_ =	shalt  }
0x75: {  	_ =	shalt  }
0x76: {  	_ =	shalt  }
0x77: {  	_ =	shalt  }
0x78: {  	_ =	shalt  }
0x79: {  	_ =	shalt  }
0x7a: {  	_ =	shalt  }
0x7b: {  	_ =	shalt  }
0x7c: {  	_ =	shalt  }
0x7d: {  	_ =	shalt  }
0x7e: {  	_ =	shalt  }
0x7f: {  	_ =	shalt  }
0x80: {  	_ =	shalt  }
0x81: {  	_ =	shalt  }
0x82: {  	_ =	shalt  }
0x83: {  	_ =	shalt  }
0x84: {  	_ =	shalt  }
0x85: {  	_ =	shalt  }
0x86: {  	_ =	shalt  }
0x87: {  	_ =	shalt  }
.Lfunc_end0:
.L_simem_size_0:
called_computation_lowered:
.L_overlay_start_0:
0x88: {  	s2 =	sld [smem:$0x3FD9]  }
0x89: {  	s3 =	sld [smem:$0x3FFE];
	_ =	sdelay $0x1  }
0x8a: {  	s1 =	srdreg.scid  }
0x8b: {  	s0 =	sand.u32 $0x1, s1  }
0x8c: {  	s17 =	sshll.u32 s0, $0xA;
	s2 =	sadd.s32 s3, s2  }
0x8d: {  	s2 =	sadd.s32 s2, s17  }
0x8e: {  	[smem:$0x3FC4] =	sst s2  }
0x8f: {  	_ = 	snop  }
0x90: {  	s2 =	sld [smem:$0x3FC9]  }
0x91: {  	s18 =	sld [smem:$0x3FD0];
	(tm) =	ssettm $0x1  }
0x92: {  	s4 =	sld [smem:$0x3FFB];
	_ =	sdelay $0x3  }
0x93: {  	_ =	strace s4  }
0x94: {  	s4 =	sld [smem:$0x3FFC];
	_ =	sdelay $0x3  }
0x95: {  	_ =	strace s4  }
0x96: {  	s4 =	sld [smem:$0x3FFD];
	_ =	sdelay $0x3  }
0x97: {  	_ =	strace s4  }
0x98: {  	_ =	strace $0x8FFFFFFF  }
0x99: {  	s19 =	sld [smem:$0x3FDB];
	_ =	sdelay $0x1  }
0x9a: {  	s5 =	simm.s32 $_scs_section_size  }
0x9b: {  	s6 =	simm.s32 $_size__tile_overlayer_lowered;
	s7 =	simm.s32 $_tile_overlayer_lowered  }
0x9c: {  	s22 =	simm.s32 $0x1BFF;
	s21 =	sshll.u32 s7, $0x1;
	s4 =	sadd.s32 s5, s19  }
0x9d: {  	s8 =	simm.s32 $0x0;
	s20 =	sshll.u32 s6, $0x1;
	s6 =	sadd.s32 s21, s4  }
0x9e: {  	[timem:s8], [sflag:s22] =	dma.local [hbm:s6], s20  }
0x9f: {  	_ =	swait.ge [sflag:s22], s20  }
0xa0: {  	s5 =	ssub.s32 $0x0, s20;
	[sflag:s22] =	ssyncset.done $0x0  }
0xa1: {  	[sflag:s22] =	ssyncadd.s32 s5;
	_ =	sdelay $0x1  }
0xa2: {  	s23 =	simm.s32 $0x1B8B  }
0xa3: {  	_ =	swait.ge [sflag:s23], $0x1  }
0xa4: {  	[sflag:s23] =	ssyncset.done $0x0  }
0xa5: {  	s25 =	simm.s32 $0x1B8E;
	s24 =	sld [smem:$0x3FFE];
	[sflag:s23] =	ssyncadd.s32 $0xFFFFFFFF  }
0xa6: {  	s26 =	simm.s32 $execute0_lowered;
	[smem:$0x3FD2] =	sst s25  }
0xa7: {  	s6 =	sshll.u32 s26, $0x1;
	_ =	strace $0x80000046;
	[dreg:$0x1] =	wrdreg $0xFFFFFFFF  }
0xa8: {  	s28 =	simm.s32 $_size_execute0_lowered;
	s4 =	sadd.s32 s4, s6;
	[dreg:$0x0] =	wrdreg $0x0  }
0xa9: {  	s6 =	sshll.u32 s28, $0x1;
	[dreg:$0x2] =	wrdreg s4  }
0xaa: {  	[dreg:$0x3] =	wrdreg s6  }
0xab: {  	[dreg:$0x4] =	wrdreg $0xC0  }
0xac: {  	_ =	task [dreg:s8], $0x5FFFF  }
0xad: {  	[dreg:$0x1] =	wrdreg $0xFFFFFFFF  }
0xae: {  	[dreg:$0x0] =	wrdreg $0x60  }
0xaf: {  	[dreg:$0x2] =	wrdreg s24  }
0xb0: {  	[dreg:$0x3] =	wrdreg s2  }
0xb1: {  	[dreg:$0x4] =	wrdreg s18  }
0xb2: {  	[dreg:$0x5] =	wrdreg $0x9  }
0xb3: {  	_ =	task.clear_ibuf [dreg:s8], $0x6FFFF;
	_ =	strace $0x90000046  }
0xb4: {  	s29 =	simm.s32 $0x9;
	_ =	strace $0x80000048  }
0xb5: {  	_ =	swait.ge [sflag:s29], $0x1  }
0xb6: {  	[sflag:s29] =	ssyncadd.s32 $0xFFFFFFFF  }
0xb7: {  	_ =	strace $0x90000048  }
0xb8: {  	_ =	sfence  }
0xb9: {  	s30 =	sld [smem:$0x0];
	_ =	sdelay $0x2  }
0xba: {  	s31 =	sshll.u32 s1, $0xD;
	s1 =	sshrl.u32 s1, $0x2  }
0xbb: {  	s3 =	sand.u32 $0x4000, s31;
	s1 =	sadd.s32 s1, s30  }
0xbc: {  	s0 =	sor.u32 s3, s0;
	s1 =	sshll.u32 s1, $0x11  }
0xbd: {  	s0 =	sor.u32 s1, s0  }
0xbe: {  	s0 =	sadd.s32 $0x8F2B, s0  }
0xbf: {  	[sflag:s0] =	ssyncadd.remote.s32 $0x1  }
0xc0: {  	_ =	sfence.sel $0xFFFF  }
0xc1: {  	[dreg:$0x0] =	wrdreg $0xFFFFFFFF;
	(pc) =	sbr.abs _section_cstart, $3  }
0xc2: {  	[dreg:$0x1] =	wrdreg $0xFFFFFFFF  }
0xc3: {  	_ =	task.clear_ibuf [dreg:s8], $0x2FFFF;
	_ =	strace $0x9FFFFFFF  }
0xc4: {  	(tm) =	ssettm $0x7FFFFFFF  }
0xc5: {  	_ =	shalt  }
tec
execute0_lowered:
.L_overlay_start_1:
0x0: {  	(tag) =	ssettag $0x1  }
0x1: {  	s0 =	rddreg [dreg:$0x0]  }
0x2: {  	s1 =	rddreg [dreg:$0x1];
	s2 =	srdreg.scid  }
0x3: {  	s4 =	stileid.u32;
	s7 =	rddreg [dreg:$0x2]  }
0x4: {  	s10 =	simm.s32 $0x200;
	s11 =	simm.s32 $0x2000;
	s12 =	simm.s32 $0x80  }
0x5: {  	s13 =	simm.s32 $0x12E00;
	s14 =	simm.s32 $0x5;
	s17 =	simm.s32 $0x78  }
0x6: {  	s18 =	simm.s32 $0x3E00;
	s19 =	simm.s32 $0xB600;
	s20 =	simm.s32 $0x7A00  }
0x7: {  	s21 =	simm.s32 $0xF200;
	s22 =	simm.s32 $0x1;
	s23 =	simm.s32 $0x3  }
0x8: {  	s24 =	simm.s32 $0x2;
	s25 =	simm.s32 $0x4;
	s26 =	simm.s32 $0x16E00  }
0x9: {  	s3 =	sand.u32 $0x1, s2;
	s4 =	sshll.u32 s4, $0x1;
	s2 =	simm.s32 $0x0  }
0xa: {  	s28 =	simm.s32 $0x0;
	s8 =	sor.u32 s3, s4;
	[smem:$0x7FF] =	sst s2  }
0xb: {  	s5 =	ssub.s32 $0x2, s3;
	s3 =	sadd.s32 $0x10F600, s0;
	s4 =	smul.u32 $0x3C0, s8  }
0xc: {  	_ =	strace $0x80000047;
	s29 =	sshrl.u32 s5, $0x1;
	s30 =	sshll.u32 s8, $0x6  }
0xd: {  	s31 =	sshll.u32 s8, $0xC;
	s9 =	ssub.s32 s5, s29;
	s5 =	sadd.s32 s1, s30  }
0xe: {  	s7 =	sadd.s32 s7, s31;
	s0 =	sadd.s32 s4, s0;
	s8 =	smax.u32 s9, $0x1  }
0xf: {  	s9 =	simm.s32 $0x6;
	s4 =	sadd.s32 $0x100600, s0;
	s6 =	sadd.s32 $0x107E00, s0  }
.LBB2_1:
0x10: {  	[tilespmem:s2], [sflag:$0x6] =	stream.linear.gather [hbm4b:s5+s2], $0x200, $0x38;
	[tilespmem:$0x1EE00] =	vst v63  }
0x11: {  	_ =	swait.ge [sflag:s9], $0x200  }
0x12: {  	[sflag:s9] =	ssyncset.done $0x0  }
0x13: {  	[sflag:s9] =	ssyncadd.s32 $0xFFFFFE00  }
0x14: {  	[tilespmem:s10], [sflag:$0x6] =	stream.linear.gather [hbm4b:s4+s2], $0x1E00, $0x38;
	[tilespmem:$0x1EE00] =	vst v63  }
0x15: {  	_ =	swait.ge [sflag:s9], $0x1E00  }
0x16: {  	[sflag:s9] =	ssyncset.done $0x0  }
0x17: {  	[sflag:s9] =	ssyncadd.s32 $0xFFFFE200  }
0x18: {  	[tilespmem:s11], [sflag:$0x6] =	stream.linear.gather [hbm4b:s6+s2], $0x1E00, $0x38;
	[tilespmem:$0x1EE00] =	vst v63  }
0x19: {  	_ =	swait.ge [sflag:s9], $0x1E00  }
0x1a: {  	[sflag:s9] =	ssyncset.done $0x0  }
0x1b: {  	[sflag:s9] =	ssyncadd.s32 $0xFFFFE200  }
0x1c: {  	[tilespmem:s13], [sflag:$0x5] =	stream.indirect.gather [hbm4b:s3+s12], $0x80, s2, s12, $0xb8;
	[tilespmem:$0x1EE00] =	vst v63  }
0x1d: {  	_ =	swait.ge [sflag:s14], $0x4000  }
0x1e: {  	[sflag:s14] =	ssyncset.done $0x0  }
0x1f: {  	s30 =	simm.s32 $0x12F00;
	[sflag:s14] =	ssyncadd.s32 $0xFFFFC000  }
0x20: {  	v0 =	vld [tilespmem:s30+$0x80];
	_ =	sdelay $0x3  }
0x21: {  	v1 =	vld [tilespmem:s30+$0xFFFFFF00]  }
0x22: {  	v2 =	vld [tilespmem:s30+$0xFFFFFF80];
	v0 =	vmul.f32 $3.333333430e-01, v0  }
0x23: {  	s0 =	simm.s32 $0x16E80;
	v3 =	vld [tilespmem:s30+$0x0]  }
0x24: {  	[tilespmem:s0+$0x40] =	vst v0  }
0x25: {  	v0 =	vld [tilespmem:s30+$0x90]  }
0x26: {  	v1 =	vmul.f32 $3.333333430e-01, v1  }
0x27: {  	v2 =	vmul.f32 $3.333333430e-01, v2  }
0x28: {  	v3 =	vmul.f32 $3.333333430e-01, v3;
	[tilespmem:s0+$0xFFFFFF80] =	vst v1  }
0x29: {  	[tilespmem:s0+$0xFFFFFFC0] =	vst v2;
	v1 =	vld [tilespmem:s30+$0xFFFFFF10]  }
0x2a: {  	[tilespmem:s0+$0x0] =	vst v3;
	v2 =	vld [tilespmem:s30+$0xFFFFFF90];
	v0 =	vmul.f32 $3.333333430e-01, v0  }
0x2b: {  	s1 =	simm.s32 $0x13100;
	v3 =	vld [tilespmem:s30+$0x10]  }
0x2c: {  	[tilespmem:s0+$0x50] =	vst v0;
	v0 =	vld [tilespmem:s1+$0x80]  }
0x2d: {  	v4 =	vld [tilespmem:s30+$0xA0]  }
0x2e: {  	v5 =	vld [tilespmem:s1+$0xFFFFFF80];
	v1 =	vmul.f32 $3.333333430e-01, v1  }
0x2f: {  	v6 =	vld [tilespmem:s1+$0x0];
	v2 =	vmul.f32 $3.333333430e-01, v2  }
0x30: {  	v3 =	vmul.f32 $3.333333430e-01, v3;
	[tilespmem:s0+$0xFFFFFF90] =	vst v1;
	v1 =	vld [tilespmem:s1+$0xFFFFFF00]  }
0x31: {  	[tilespmem:s0+$0xFFFFFFD0] =	vst v2;
	v2 =	vld [tilespmem:s30+$0xFFFFFF20];
	v0 =	vmul.f32 $3.333333430e-01, v0  }
0x32: {  	s15 =	simm.s32 $0x16F80;
	[tilespmem:s0+$0x10] =	vst v3;
	v7 =	vld [tilespmem:s30+$0xFFFFFFA0];
	v3 =	vmul.f32 $3.333333430e-01, v4  }
0x33: {  	v4 =	vmul.f32 $3.333333430e-01, v5;
	[tilespmem:s15+$0x40] =	vst v0;
	v0 =	vld [tilespmem:s30+$0x20]  }
0x34: {  	v5 =	vmul.f32 $3.333333430e-01, v6;
	v6 =	vld [tilespmem:s1+$0x90];
	[tilespmem:s0+$0x60] =	vst v3  }
0x35: {  	v1 =	vmul.f32 $3.333333430e-01, v1;
	[tilespmem:s15+$0xFFFFFFC0] =	vst v4;
	v8 =	vld [tilespmem:s30+$0xB0]  }
0x36: {  	v2 =	vmul.f32 $3.333333430e-01, v2;
	[tilespmem:s15+$0x0] =	vst v5;
	v9 =	vld [tilespmem:s1+$0xFFFFFF90]  }
0x37: {  	[tilespmem:s15+$0xFFFFFF80] =	vst v1;
	v5 =	vmul.f32 $3.333333430e-01, v7;
	v3 =	vld [tilespmem:s1+$0x10]  }
0x38: {  	v4 =	vld [tilespmem:s1+$0xFFFFFF10];
	[tilespmem:s0+$0xFFFFFFA0] =	vst v2;
	v2 =	vmul.f32 $3.333333430e-01, v0  }
0x39: {  	v1 =	vld [tilespmem:s30+$0xFFFFFF30];
	[tilespmem:s0+$0xFFFFFFE0] =	vst v5;
	v7 =	vmul.f32 $3.333333430e-01, v6  }
0x3a: {  	v0 =	vld [tilespmem:s30+$0xFFFFFFB0];
	[tilespmem:s0+$0x20] =	vst v2;
	v5 =	vmul.f32 $3.333333430e-01, v8  }
0x3b: {  	s16 =	simm.s32 $0x4;
	s29 =	simm.s32 $0x13300;
	v6 =	vmul.f32 $3.333333430e-01, v9;
	[tilespmem:s15+$0x50] =	vst v7;
	v2 =	vld [tilespmem:s30+$0x30]  }
.LBB2_2:
0x3c: {  	v7 =	vld [tilespmem:s29+$0x80];
	v3 =	vmul.f32 $3.333333430e-01, v3;
	[tilespmem:s0+$0x70] =	vst v5  }
0x3d: {  	s16 =	sadd.s32 $0x4, s16;
	v4 =	vmul.f32 $3.333333430e-01, v4;
	[tilespmem:s15+$0xFFFFFFD0] =	vst v6;
	v5 =	vld [tilespmem:s1+$0xA0]  }
0x3e: {  	p0 =	slt.u32 s16, $0x7C;
	v6 =	vld [tilespmem:s29+$0xFFFFFF80];
	[tilespmem:s15+$0x10] =	vst v3;
	v1 =	vmul.f32 $3.333333430e-01, v1  }
0x3f: {  	v3 =	vld [tilespmem:s29+$0x0];
	[tilespmem:s15+$0xFFFFFF90] =	vst v4;
	v0 =	vmul.f32 $3.333333430e-01, v0  }
0x40: {  	v4 =	vld [tilespmem:s29+$0xFFFFFF00];
	[tilespmem:s0+$0xFFFFFFB0] =	vst v1;
	v1 =	vmul.f32 $3.333333430e-01, v2  }
0x41: {  	v2 =	vmul.f32 $3.333333430e-01, v7;
	v7 =	vld [tilespmem:s1+$0xFFFFFF20];
	[tilespmem:s0+$0xFFFFFFF0] =	vst v0  }
0x42: {  	v0 =	vld [tilespmem:s1+$0xFFFFFFA0];
	v5 =	vmul.f32 $3.333333430e-01, v5;
	[tilespmem:s0+$0x30] =	vst v1;
	s0 =	smov.u32 s15;
	s15 =	sadd.s32 $0x100, s15  }
0x43: {  	v1 =	vmul.f32 $3.333333430e-01, v6;
	[tilespmem:s15+$0x40] =	vst v2;
	v2 =	vld [tilespmem:s1+$0x20]  }
0x44: {  	v3 =	vmul.f32 $3.333333430e-01, v3;
	v6 =	vld [tilespmem:s29+$0x90];
	[tilespmem:s0+$0x60] =	vst v5  }
0x45: {  	v4 =	vmul.f32 $3.333333430e-01, v4;
	[tilespmem:s15+$0xFFFFFFC0] =	vst v1;
	v5 =	vld [tilespmem:s1+$0xB0]  }
0x46: {  	v8 =	vld [tilespmem:s29+$0xFFFFFF90];
	[tilespmem:s15+$0x0] =	vst v3;
	v1 =	vmul.f32 $3.333333430e-01, v7  }
.Ltmp0:
0x47: {  	[tilespmem:s15+$0xFFFFFF80] =	vst v4;
	v3 =	vld [tilespmem:s29+$0x10];
	v0 =	vmul.f32 $3.333333430e-01, v0;
	(pc) =	sbr.rel @p0 .LBB2_2-.Ltmp0, $4  }
0x48: {  	v4 =	vld [tilespmem:s29+$0xFFFFFF10];
	[tilespmem:s0+$0xFFFFFFA0] =	vst v1;
	v2 =	vmul.f32 $3.333333430e-01, v2  }
0x49: {  	v7 =	vmul.f32 $3.333333430e-01, v6;
	v1 =	vld [tilespmem:s1+$0xFFFFFF30];
	[tilespmem:s0+$0xFFFFFFE0] =	vst v0  }
0x4a: {  	v0 =	vld [tilespmem:s1+$0xFFFFFFB0];
	[tilespmem:s0+$0x20] =	vst v2;
	v5 =	vmul.f32 $3.333333430e-01, v5  }
0x4b: {  	v6 =	vmul.f32 $3.333333430e-01, v8;
	[tilespmem:s15+$0x50] =	vst v7;
	v2 =	vld [tilespmem:s1+$0x30];
	s1 =	smov.u32 s29;
	s29 =	sadd.s32 $0x200, s29  }
0x4c: {  	_ = 	snop  }
0x4d: {  	v4 =	vmul.f32 $3.333333430e-01, v4;
	_ =	sdelay $0x1  }
0x4e: {  	v3 =	vmul.f32 $3.333333430e-01, v3;
	v7 =	vld [tilespmem:s1+$0xA0];
	[tilespmem:s15+$0xFFFFFF90] =	vst v4  }
0x4f: {  	[tilespmem:s15+$0xFFFFFFD0] =	vst v6;
	v4 =	vld [tilespmem:s1+$0xFFFFFF20]  }
0x50: {  	[tilespmem:s15+$0x10] =	vst v3;
	v3 =	vld [tilespmem:s1+$0xFFFFFFA0]  }
0x51: {  	v6 =	vld [tilespmem:s1+$0x20];
	_ =	sdelay $0x1  }
0x52: {  	v7 =	vmul.f32 $3.333333430e-01, v7  }
0x53: {  	v4 =	vmul.f32 $3.333333430e-01, v4  }
0x54: {  	[tilespmem:s15+$0x60] =	vst v7;
	v3 =	vmul.f32 $3.333333430e-01, v3  }
0x55: {  	v7 =	vld [tilespmem:s1+$0xB0];
	[tilespmem:s15+$0xFFFFFFA0] =	vst v4;
	v4 =	vmul.f32 $3.333333430e-01, v6  }
0x56: {  	[tilespmem:s15+$0xFFFFFFE0] =	vst v3;
	v6 =	vld [tilespmem:s1+$0xFFFFFF30]  }
0x57: {  	v1 =	vmul.f32 $3.333333430e-01, v1;
	v3 =	vld [tilespmem:s1+$0xFFFFFFB0];
	[tilespmem:s15+$0x20] =	vst v4  }
0x58: {  	[tilespmem:s0+$0x70] =	vst v5;
	v0 =	vmul.f32 $3.333333430e-01, v0;
	v4 =	vld [tilespmem:s1+$0x30]  }
0x59: {  	[tilespmem:s0+$0xFFFFFFB0] =	vst v1;
	v1 =	vmul.f32 $3.333333430e-01, v2  }
0x5a: {  	[tilespmem:s0+$0xFFFFFFF0] =	vst v0;
	v0 =	vmul.f32 $3.333333430e-01, v7  }
0x5b: {  	[tilespmem:s0+$0x30] =	vst v1;
	v1 =	vmul.f32 $3.333333430e-01, v6  }
0x5c: {  	[tilespmem:s15+$0x70] =	vst v0;
	v0 =	vmul.f32 $3.333333430e-01, v3  }
0x5d: {  	[tilespmem:s15+$0xFFFFFFB0] =	vst v1;
	v1 =	vmul.f32 $3.333333430e-01, v4  }
0x5e: {  	[tilespmem:s15+$0xFFFFFFF0] =	vst v0  }
0x5f: {  	[tilespmem:s15+$0x30] =	vst v1  }
0x60: {  	[tilespmem:s13], [sflag:$0x5] =	stream.indirect.gather [hbm4b:s3+s12], $0x80, s12, s12, $0xb8;
	[tilespmem:$0x1EE00] =	vst v63  }
0x61: {  	_ =	swait.ge [sflag:s14], $0x4000  }
0x62: {  	[sflag:s14] =	ssyncset.done $0x0  }
0x63: {  	s30 =	simm.s32 $0x12F00;
	[sflag:s14] =	ssyncadd.s32 $0xFFFFC000  }
0x64: {  	v0 =	vld [tilespmem:s30+$0x80];
	_ =	sdelay $0x3  }
0x65: {  	v1 =	vld [tilespmem:s30+$0xFFFFFF00]  }
0x66: {  	v2 =	vld [tilespmem:s30+$0xFFFFFF80];
	v0 =	vmul.f32 $3.333333430e-01, v0  }
0x67: {  	s0 =	simm.s32 $0x18EF0;
	v3 =	vld [tilespmem:s30+$0x0]  }
0x68: {  	[tilespmem:s0+$0xFFFFFFD0] =	vst v0  }
0x69: {  	v0 =	vld [tilespmem:s30+$0x90]  }
0x6a: {  	v1 =	vmul.f32 $3.333333430e-01, v1  }
0x6b: {  	v2 =	vmul.f32 $3.333333430e-01, v2  }
0x6c: {  	v3 =	vmul.f32 $3.333333430e-01, v3;
	[tilespmem:s0+$0xFFFFFF10] =	vst v1  }
0x6d: {  	[tilespmem:s0+$0xFFFFFF50] =	vst v2;
	v1 =	vld [tilespmem:s30+$0xFFFFFF10]  }
0x6e: {  	[tilespmem:s0+$0xFFFFFF90] =	vst v3;
	v2 =	vld [tilespmem:s30+$0xFFFFFF90];
	v0 =	vmul.f32 $3.333333430e-01, v0  }
0x6f: {  	s1 =	simm.s32 $0x13100;
	v3 =	vld [tilespmem:s30+$0x10]  }
0x70: {  	[tilespmem:s0+$0xFFFFFFE0] =	vst v0;
	v0 =	vld [tilespmem:s1+$0x80]  }
0x71: {  	v4 =	vld [tilespmem:s30+$0xA0]  }
0x72: {  	v5 =	vld [tilespmem:s1+$0xFFFFFF80];
	v1 =	vmul.f32 $3.333333430e-01, v1  }
0x73: {  	v6 =	vld [tilespmem:s1+$0x0];
	v2 =	vmul.f32 $3.333333430e-01, v2  }
0x74: {  	v3 =	vmul.f32 $3.333333430e-01, v3;
	[tilespmem:s0+$0xFFFFFF20] =	vst v1;
	v1 =	vld [tilespmem:s1+$0xFFFFFF00]  }
0x75: {  	[tilespmem:s0+$0xFFFFFF60] =	vst v2;
	v2 =	vld [tilespmem:s30+$0xFFFFFF20];
	v0 =	vmul.f32 $3.333333430e-01, v0  }
0x76: {  	s15 =	simm.s32 $0x18FF0;
	[tilespmem:s0+$0xFFFFFFA0] =	vst v3;
	v7 =	vld [tilespmem:s30+$0xFFFFFFA0];
	v3 =	vmul.f32 $3.333333430e-01, v4  }
0x77: {  	v4 =	vmul.f32 $3.333333430e-01, v5;
	[tilespmem:s15+$0xFFFFFFD0] =	vst v0;
	v0 =	vld [tilespmem:s30+$0x20]  }
0x78: {  	v5 =	vmul.f32 $3.333333430e-01, v6;
	v6 =	vld [tilespmem:s1+$0x90];
	[tilespmem:s0+$0xFFFFFFF0] =	vst v3  }
0x79: {  	v1 =	vmul.f32 $3.333333430e-01, v1;
	[tilespmem:s15+$0xFFFFFF50] =	vst v4;
	v8 =	vld [tilespmem:s30+$0xB0]  }
0x7a: {  	v2 =	vmul.f32 $3.333333430e-01, v2;
	[tilespmem:s15+$0xFFFFFF90] =	vst v5;
	v9 =	vld [tilespmem:s1+$0xFFFFFF90]  }
0x7b: {  	[tilespmem:s15+$0xFFFFFF10] =	vst v1;
	v5 =	vmul.f32 $3.333333430e-01, v7;
	v3 =	vld [tilespmem:s1+$0x10]  }
0x7c: {  	v4 =	vld [tilespmem:s1+$0xFFFFFF10];
	[tilespmem:s0+$0xFFFFFF30] =	vst v2;
	v2 =	vmul.f32 $3.333333430e-01, v0  }
0x7d: {  	v1 =	vld [tilespmem:s30+$0xFFFFFF30];
	[tilespmem:s0+$0xFFFFFF70] =	vst v5;
	v7 =	vmul.f32 $3.333333430e-01, v6  }
0x7e: {  	v0 =	vld [tilespmem:s30+$0xFFFFFFB0];
	[tilespmem:s0+$0xFFFFFFB0] =	vst v2;
	v5 =	vmul.f32 $3.333333430e-01, v8  }
0x7f: {  	s16 =	simm.s32 $0x4;
	s29 =	simm.s32 $0x13300;
	v6 =	vmul.f32 $3.333333430e-01, v9;
	[tilespmem:s15+$0xFFFFFFE0] =	vst v7;
	v2 =	vld [tilespmem:s30+$0x30]  }
.LBB2_4:
0x80: {  	v7 =	vld [tilespmem:s29+$0x80];
	v3 =	vmul.f32 $3.333333430e-01, v3;
	[tilespmem:s0+$0x0] =	vst v5  }
0x81: {  	s16 =	sadd.s32 $0x4, s16;
	v4 =	vmul.f32 $3.333333430e-01, v4;
	[tilespmem:s15+$0xFFFFFF60] =	vst v6;
	v5 =	vld [tilespmem:s1+$0xA0]  }
0x82: {  	p0 =	slt.u32 s16, $0x7C;
	v6 =	vld [tilespmem:s29+$0xFFFFFF80];
	[tilespmem:s15+$0xFFFFFFA0] =	vst v3;
	v1 =	vmul.f32 $3.333333430e-01, v1  }
0x83: {  	v3 =	vld [tilespmem:s29+$0x0];
	[tilespmem:s15+$0xFFFFFF20] =	vst v4;
	v0 =	vmul.f32 $3.333333430e-01, v0  }
0x84: {  	v4 =	vld [tilespmem:s29+$0xFFFFFF00];
	[tilespmem:s0+$0xFFFFFF40] =	vst v1;
	v1 =	vmul.f32 $3.333333430e-01, v2  }
0x85: {  	v2 =	vmul.f32 $3.333333430e-01, v7;
	v7 =	vld [tilespmem:s1+$0xFFFFFF20];
	[tilespmem:s0+$0xFFFFFF80] =	vst v0  }
0x86: {  	v0 =	vld [tilespmem:s1+$0xFFFFFFA0];
	v5 =	vmul.f32 $3.333333430e-01, v5;
	[tilespmem:s0+$0xFFFFFFC0] =	vst v1;
	s0 =	smov.u32 s15;
	s15 =	sadd.s32 $0x100, s15  }
0x87: {  	v1 =	vmul.f32 $3.333333430e-01, v6;
	[tilespmem:s15+$0xFFFFFFD0] =	vst v2;
	v2 =	vld [tilespmem:s1+$0x20]  }
0x88: {  	v3 =	vmul.f32 $3.333333430e-01, v3;
	v6 =	vld [tilespmem:s29+$0x90];
	[tilespmem:s0+$0xFFFFFFF0] =	vst v5  }
0x89: {  	v4 =	vmul.f32 $3.333333430e-01, v4;
	[tilespmem:s15+$0xFFFFFF50] =	vst v1;
	v5 =	vld [tilespmem:s1+$0xB0]  }
0x8a: {  	v8 =	vld [tilespmem:s29+$0xFFFFFF90];
	[tilespmem:s15+$0xFFFFFF90] =	vst v3;
	v1 =	vmul.f32 $3.333333430e-01, v7  }
.Ltmp1:
0x8b: {  	[tilespmem:s15+$0xFFFFFF10] =	vst v4;
	v3 =	vld [tilespmem:s29+$0x10];
	v0 =	vmul.f32 $3.333333430e-01, v0;
	(pc) =	sbr.rel @p0 .LBB2_4-.Ltmp1, $4  }
0x8c: {  	v4 =	vld [tilespmem:s29+$0xFFFFFF10];
	[tilespmem:s0+$0xFFFFFF30] =	vst v1;
	v2 =	vmul.f32 $3.333333430e-01, v2  }
0x8d: {  	v7 =	vmul.f32 $3.333333430e-01, v6;
	v1 =	vld [tilespmem:s1+$0xFFFFFF30];
	[tilespmem:s0+$0xFFFFFF70] =	vst v0  }
0x8e: {  	v0 =	vld [tilespmem:s1+$0xFFFFFFB0];
	[tilespmem:s0+$0xFFFFFFB0] =	vst v2;
	v5 =	vmul.f32 $3.333333430e-01, v5  }
0x8f: {  	v6 =	vmul.f32 $3.333333430e-01, v8;
	[tilespmem:s15+$0xFFFFFFE0] =	vst v7;
	v2 =	vld [tilespmem:s1+$0x30];
	s1 =	smov.u32 s29;
	s29 =	sadd.s32 $0x200, s29  }
0x90: {  	_ = 	snop  }
0x91: {  	v4 =	vmul.f32 $3.333333430e-01, v4;
	_ =	sdelay $0x1  }
0x92: {  	v3 =	vmul.f32 $3.333333430e-01, v3;
	v7 =	vld [tilespmem:s1+$0xA0];
	[tilespmem:s15+$0xFFFFFF20] =	vst v4  }
0x93: {  	[tilespmem:s15+$0xFFFFFF60] =	vst v6;
	v4 =	vld [tilespmem:s1+$0xFFFFFF20]  }
0x94: {  	[tilespmem:s15+$0xFFFFFFA0] =	vst v3;
	v3 =	vld [tilespmem:s1+$0xFFFFFFA0]  }
0x95: {  	v6 =	vld [tilespmem:s1+$0x20];
	_ =	sdelay $0x1  }
0x96: {  	v7 =	vmul.f32 $3.333333430e-01, v7  }
0x97: {  	v4 =	vmul.f32 $3.333333430e-01, v4  }
0x98: {  	[tilespmem:s15+$0xFFFFFFF0] =	vst v7;
	v3 =	vmul.f32 $3.333333430e-01, v3  }
0x99: {  	v7 =	vld [tilespmem:s1+$0xB0];
	[tilespmem:s15+$0xFFFFFF30] =	vst v4;
	v4 =	vmul.f32 $3.333333430e-01, v6  }
0x9a: {  	[tilespmem:s15+$0xFFFFFF70] =	vst v3;
	v6 =	vld [tilespmem:s1+$0xFFFFFF30]  }
0x9b: {  	v1 =	vmul.f32 $3.333333430e-01, v1;
	v3 =	vld [tilespmem:s1+$0xFFFFFFB0];
	[tilespmem:s15+$0xFFFFFFB0] =	vst v4  }
0x9c: {  	[tilespmem:s0+$0x0] =	vst v5;
	v0 =	vmul.f32 $3.333333430e-01, v0;
	v4 =	vld [tilespmem:s1+$0x30]  }
0x9d: {  	[tilespmem:s0+$0xFFFFFF40] =	vst v1;
	v1 =	vmul.f32 $3.333333430e-01, v2  }
0x9e: {  	[tilespmem:s0+$0xFFFFFF80] =	vst v0;
	v0 =	vmul.f32 $3.333333430e-01, v7  }
0x9f: {  	[tilespmem:s0+$0xFFFFFFC0] =	vst v1;
	v1 =	vmul.f32 $3.333333430e-01, v6  }
0xa0: {  	[tilespmem:s15+$0x0] =	vst v0;
	v0 =	vmul.f32 $3.333333430e-01, v3  }
0xa1: {  	[tilespmem:s15+$0xFFFFFF40] =	vst v1;
	v1 =	vmul.f32 $3.333333430e-01, v4  }
0xa2: {  	[tilespmem:s15+$0xFFFFFF80] =	vst v0  }
0xa3: {  	s31 =	simm.s32 $0x100;
	[tilespmem:s15+$0xFFFFFFC0] =	vst v1  }
0xa4: {  	[tilespmem:s13], [sflag:$0x5] =	stream.indirect.gather [hbm4b:s3+s12], $0x80, s31, s12, $0xb8;
	[tilespmem:$0x1EE00] =	vst v63  }
0xa5: {  	_ =	swait.ge [sflag:s14], $0x4000  }
0xa6: {  	[sflag:s14] =	ssyncset.done $0x0  }
0xa7: {  	s30 =	simm.s32 $0x12F00;
	[sflag:s14] =	ssyncadd.s32 $0xFFFFC000  }
0xa8: {  	v0 =	vld [tilespmem:s30+$0x80];
	_ =	sdelay $0x3  }
0xa9: {  	v1 =	vld [tilespmem:s30+$0xFFFFFF00]  }
0xaa: {  	v2 =	vld [tilespmem:s30+$0xFFFFFF80];
	v0 =	vmul.f32 $3.333333430e-01, v0  }
0xab: {  	s0 =	simm.s32 $0x1AE00;
	v3 =	vld [tilespmem:s30+$0x0]  }
0xac: {  	[tilespmem:s0+$0xC0] =	vst v0  }
0xad: {  	v0 =	vld [tilespmem:s30+$0x90]  }
0xae: {  	v1 =	vmul.f32 $3.333333430e-01, v1  }
0xaf: {  	v2 =	vmul.f32 $3.333333430e-01, v2  }
0xb0: {  	v3 =	vmul.f32 $3.333333430e-01, v3;
	[tilespmem:s0+$0x0] =	vst v1  }
0xb1: {  	[tilespmem:s0+$0x40] =	vst v2;
	v1 =	vld [tilespmem:s30+$0xFFFFFF10]  }
0xb2: {  	[tilespmem:s0+$0x80] =	vst v3;
	v2 =	vld [tilespmem:s30+$0xFFFFFF90];
	v0 =	vmul.f32 $3.333333430e-01, v0  }
0xb3: {  	s1 =	simm.s32 $0x13100;
	v3 =	vld [tilespmem:s30+$0x10]  }
0xb4: {  	[tilespmem:s0+$0xD0] =	vst v0;
	v0 =	vld [tilespmem:s1+$0x80]  }
0xb5: {  	v4 =	vld [tilespmem:s30+$0xA0]  }
0xb6: {  	v5 =	vld [tilespmem:s1+$0xFFFFFF80];
	v1 =	vmul.f32 $3.333333430e-01, v1  }
0xb7: {  	v6 =	vld [tilespmem:s1+$0x0];
	v2 =	vmul.f32 $3.333333430e-01, v2  }
0xb8: {  	v3 =	vmul.f32 $3.333333430e-01, v3;
	[tilespmem:s0+$0x10] =	vst v1;
	v1 =	vld [tilespmem:s1+$0xFFFFFF00]  }
0xb9: {  	[tilespmem:s0+$0x50] =	vst v2;
	v2 =	vld [tilespmem:s30+$0xFFFFFF20];
	v0 =	vmul.f32 $3.333333430e-01, v0  }
0xba: {  	s15 =	simm.s32 $0x1AF00;
	[tilespmem:s0+$0x90] =	vst v3;
	v7 =	vld [tilespmem:s30+$0xFFFFFFA0];
	v3 =	vmul.f32 $3.333333430e-01, v4  }
0xbb: {  	v4 =	vmul.f32 $3.333333430e-01, v5;
	[tilespmem:s15+$0xC0] =	vst v0;
	v0 =	vld [tilespmem:s30+$0x20]  }
0xbc: {  	v5 =	vmul.f32 $3.333333430e-01, v6;
	v6 =	vld [tilespmem:s1+$0x90];
	[tilespmem:s0+$0xE0] =	vst v3  }
0xbd: {  	v1 =	vmul.f32 $3.333333430e-01, v1;
	[tilespmem:s15+$0x40] =	vst v4;
	v8 =	vld [tilespmem:s30+$0xB0]  }
0xbe: {  	v2 =	vmul.f32 $3.333333430e-01, v2;
	[tilespmem:s15+$0x80] =	vst v5;
	v9 =	vld [tilespmem:s1+$0xFFFFFF90]  }
0xbf: {  	[tilespmem:s15+$0x0] =	vst v1;
	v5 =	vmul.f32 $3.333333430e-01, v7;
	v3 =	vld [tilespmem:s1+$0x10]  }
0xc0: {  	v4 =	vld [tilespmem:s1+$0xFFFFFF10];
	[tilespmem:s0+$0x20] =	vst v2;
	v2 =	vmul.f32 $3.333333430e-01, v0  }
0xc1: {  	v1 =	vld [tilespmem:s30+$0xFFFFFF30];
	[tilespmem:s0+$0x60] =	vst v5;
	v7 =	vmul.f32 $3.333333430e-01, v6  }
0xc2: {  	v0 =	vld [tilespmem:s30+$0xFFFFFFB0];
	[tilespmem:s0+$0xA0] =	vst v2;
	v5 =	vmul.f32 $3.333333430e-01, v8  }
0xc3: {  	s16 =	simm.s32 $0x4;
	s29 =	simm.s32 $0x13300;
	v6 =	vmul.f32 $3.333333430e-01, v9;
	[tilespmem:s15+$0xD0] =	vst v7;
	v2 =	vld [tilespmem:s30+$0x30]  }
.LBB2_6:
0xc4: {  	v7 =	vld [tilespmem:s29+$0x80];
	v3 =	vmul.f32 $3.333333430e-01, v3;
	[tilespmem:s0+$0xF0] =	vst v5  }
0xc5: {  	s16 =	sadd.s32 $0x4, s16;
	v4 =	vmul.f32 $3.333333430e-01, v4;
	[tilespmem:s15+$0x50] =	vst v6;
	v5 =	vld [tilespmem:s1+$0xA0]  }
0xc6: {  	p0 =	slt.u32 s16, $0x7C;
	v6 =	vld [tilespmem:s29+$0xFFFFFF80];
	[tilespmem:s15+$0x90] =	vst v3;
	v1 =	vmul.f32 $3.333333430e-01, v1  }
0xc7: {  	v3 =	vld [tilespmem:s29+$0x0];
	[tilespmem:s15+$0x10] =	vst v4;
	v0 =	vmul.f32 $3.333333430e-01, v0  }
0xc8: {  	v4 =	vld [tilespmem:s29+$0xFFFFFF00];
	[tilespmem:s0+$0x30] =	vst v1;
	v1 =	vmul.f32 $3.333333430e-01, v2  }
0xc9: {  	v2 =	vmul.f32 $3.333333430e-01, v7;
	v7 =	vld [tilespmem:s1+$0xFFFFFF20];
	[tilespmem:s0+$0x70] =	vst v0  }
0xca: {  	v0 =	vld [tilespmem:s1+$0xFFFFFFA0];
	v5 =	vmul.f32 $3.333333430e-01, v5;
	[tilespmem:s0+$0xB0] =	vst v1;
	s0 =	smov.u32 s15;
	s15 =	sadd.s32 $0x100, s15  }
0xcb: {  	v1 =	vmul.f32 $3.333333430e-01, v6;
	[tilespmem:s15+$0xC0] =	vst v2;
	v2 =	vld [tilespmem:s1+$0x20]  }
0xcc: {  	v3 =	vmul.f32 $3.333333430e-01, v3;
	v6 =	vld [tilespmem:s29+$0x90];
	[tilespmem:s0+$0xE0] =	vst v5  }
0xcd: {  	v4 =	vmul.f32 $3.333333430e-01, v4;
	[tilespmem:s15+$0x40] =	vst v1;
	v5 =	vld [tilespmem:s1+$0xB0]  }
0xce: {  	v8 =	vld [tilespmem:s29+$0xFFFFFF90];
	[tilespmem:s15+$0x80] =	vst v3;
	v1 =	vmul.f32 $3.333333430e-01, v7  }
.Ltmp2:
0xcf: {  	[tilespmem:s15+$0x0] =	vst v4;
	v3 =	vld [tilespmem:s29+$0x10];
	v0 =	vmul.f32 $3.333333430e-01, v0;
	(pc) =	sbr.rel @p0 .LBB2_6-.Ltmp2, $4  }
0xd0: {  	v4 =	vld [tilespmem:s29+$0xFFFFFF10];
	[tilespmem:s0+$0x20] =	vst v1;
	v2 =	vmul.f32 $3.333333430e-01, v2  }
0xd1: {  	v7 =	vmul.f32 $3.333333430e-01, v6;
	v1 =	vld [tilespmem:s1+$0xFFFFFF30];
	[tilespmem:s0+$0x60] =	vst v0  }
0xd2: {  	v0 =	vld [tilespmem:s1+$0xFFFFFFB0];
	[tilespmem:s0+$0xA0] =	vst v2;
	v5 =	vmul.f32 $3.333333430e-01, v5  }
0xd3: {  	v6 =	vmul.f32 $3.333333430e-01, v8;
	[tilespmem:s15+$0xD0] =	vst v7;
	v2 =	vld [tilespmem:s1+$0x30];
	s1 =	smov.u32 s29;
	s29 =	sadd.s32 $0x200, s29  }
0xd4: {  	_ = 	snop  }
0xd5: {  	v4 =	vmul.f32 $3.333333430e-01, v4;
	_ =	sdelay $0x1  }
0xd6: {  	v3 =	vmul.f32 $3.333333430e-01, v3;
	v7 =	vld [tilespmem:s1+$0xA0];
	[tilespmem:s15+$0x10] =	vst v4  }
0xd7: {  	[tilespmem:s15+$0x50] =	vst v6;
	v4 =	vld [tilespmem:s1+$0xFFFFFF20]  }
0xd8: {  	[tilespmem:s15+$0x90] =	vst v3;
	v3 =	vld [tilespmem:s1+$0xFFFFFFA0]  }
0xd9: {  	v6 =	vld [tilespmem:s1+$0x20];
	_ =	sdelay $0x1  }
0xda: {  	v7 =	vmul.f32 $3.333333430e-01, v7  }
0xdb: {  	v4 =	vmul.f32 $3.333333430e-01, v4  }
0xdc: {  	[tilespmem:s15+$0xE0] =	vst v7;
	v3 =	vmul.f32 $3.333333430e-01, v3  }
0xdd: {  	v7 =	vld [tilespmem:s1+$0xB0];
	[tilespmem:s15+$0x20] =	vst v4;
	v4 =	vmul.f32 $3.333333430e-01, v6  }
0xde: {  	[tilespmem:s15+$0x60] =	vst v3;
	v6 =	vld [tilespmem:s1+$0xFFFFFF30]  }
0xdf: {  	v1 =	vmul.f32 $3.333333430e-01, v1;
	v3 =	vld [tilespmem:s1+$0xFFFFFFB0];
	[tilespmem:s15+$0xA0] =	vst v4  }
0xe0: {  	[tilespmem:s0+$0xF0] =	vst v5;
	v0 =	vmul.f32 $3.333333430e-01, v0;
	v4 =	vld [tilespmem:s1+$0x30]  }
0xe1: {  	[tilespmem:s0+$0x30] =	vst v1;
	v1 =	vmul.f32 $3.333333430e-01, v2  }
0xe2: {  	[tilespmem:s0+$0x70] =	vst v0;
	v0 =	vmul.f32 $3.333333430e-01, v7  }
0xe3: {  	[tilespmem:s0+$0xB0] =	vst v1;
	v1 =	vmul.f32 $3.333333430e-01, v6  }
0xe4: {  	[tilespmem:s15+$0xF0] =	vst v0;
	v0 =	vmul.f32 $3.333333430e-01, v3  }
0xe5: {  	[tilespmem:s15+$0x30] =	vst v1;
	v1 =	vmul.f32 $3.333333430e-01, v4  }
0xe6: {  	[tilespmem:s15+$0x70] =	vst v0  }
0xe7: {  	s31 =	simm.s32 $0x180;
	[tilespmem:s15+$0xB0] =	vst v1  }
0xe8: {  	[tilespmem:s13], [sflag:$0x5] =	stream.indirect.gather [hbm4b:s3+s12], $0x80, s31, s12, $0xb8;
	[tilespmem:$0x1EE00] =	vst v63  }
0xe9: {  	_ =	swait.ge [sflag:s14], $0x4000  }
0xea: {  	[sflag:s14] =	ssyncset.done $0x0  }
0xeb: {  	s30 =	simm.s32 $0x12F00;
	[sflag:s14] =	ssyncadd.s32 $0xFFFFC000  }
0xec: {  	v0 =	vld [tilespmem:s30+$0x80];
	_ =	sdelay $0x3  }
0xed: {  	v1 =	vld [tilespmem:s30+$0xFFFFFF00]  }
0xee: {  	v2 =	vld [tilespmem:s30+$0xFFFFFF80];
	v0 =	vmul.f32 $3.333333430e-01, v0  }
0xef: {  	s0 =	simm.s32 $0x1CE00;
	v3 =	vld [tilespmem:s30+$0x0]  }
0xf0: {  	[tilespmem:s0+$0xC0] =	vst v0  }
0xf1: {  	v0 =	vld [tilespmem:s30+$0x90]  }
0xf2: {  	v1 =	vmul.f32 $3.333333430e-01, v1  }
0xf3: {  	v2 =	vmul.f32 $3.333333430e-01, v2  }
0xf4: {  	v3 =	vmul.f32 $3.333333430e-01, v3;
	[tilespmem:s0+$0x0] =	vst v1  }
0xf5: {  	[tilespmem:s0+$0x40] =	vst v2;
	v1 =	vld [tilespmem:s30+$0xFFFFFF10]  }
0xf6: {  	[tilespmem:s0+$0x80] =	vst v3;
	v2 =	vld [tilespmem:s30+$0xFFFFFF90];
	v0 =	vmul.f32 $3.333333430e-01, v0  }
0xf7: {  	s1 =	simm.s32 $0x13100;
	v3 =	vld [tilespmem:s30+$0x10]  }
0xf8: {  	[tilespmem:s0+$0xD0] =	vst v0;
	v0 =	vld [tilespmem:s1+$0x80]  }
0xf9: {  	v4 =	vld [tilespmem:s30+$0xA0]  }
0xfa: {  	v5 =	vld [tilespmem:s1+$0xFFFFFF80];
	v1 =	vmul.f32 $3.333333430e-01, v1  }
0xfb: {  	v6 =	vld [tilespmem:s1+$0x0];
	v2 =	vmul.f32 $3.333333430e-01, v2  }
0xfc: {  	v3 =	vmul.f32 $3.333333430e-01, v3;
	[tilespmem:s0+$0x10] =	vst v1;
	v1 =	vld [tilespmem:s1+$0xFFFFFF00]  }
0xfd: {  	[tilespmem:s0+$0x50] =	vst v2;
	v2 =	vld [tilespmem:s30+$0xFFFFFF20];
	v0 =	vmul.f32 $3.333333430e-01, v0  }
0xfe: {  	s15 =	simm.s32 $0x1CF00;
	[tilespmem:s0+$0x90] =	vst v3;
	v7 =	vld [tilespmem:s30+$0xFFFFFFA0];
	v3 =	vmul.f32 $3.333333430e-01, v4  }
0xff: {  	v4 =	vmul.f32 $3.333333430e-01, v5;
	[tilespmem:s15+$0xC0] =	vst v0;
	v0 =	vld [tilespmem:s30+$0x20]  }
0x100: {  	v5 =	vmul.f32 $3.333333430e-01, v6;
	v6 =	vld [tilespmem:s1+$0x90];
	[tilespmem:s0+$0xE0] =	vst v3  }
0x101: {  	v1 =	vmul.f32 $3.333333430e-01, v1;
	[tilespmem:s15+$0x40] =	vst v4;
	v8 =	vld [tilespmem:s30+$0xB0]  }
0x102: {  	v2 =	vmul.f32 $3.333333430e-01, v2;
	[tilespmem:s15+$0x80] =	vst v5;
	v9 =	vld [tilespmem:s1+$0xFFFFFF90]  }
0x103: {  	[tilespmem:s15+$0x0] =	vst v1;
	v5 =	vmul.f32 $3.333333430e-01, v7;
	v3 =	vld [tilespmem:s1+$0x10]  }
0x104: {  	v4 =	vld [tilespmem:s1+$0xFFFFFF10];
	[tilespmem:s0+$0x20] =	vst v2;
	v2 =	vmul.f32 $3.333333430e-01, v0  }
0x105: {  	v1 =	vld [tilespmem:s30+$0xFFFFFF30];
	[tilespmem:s0+$0x60] =	vst v5;
	v7 =	vmul.f32 $3.333333430e-01, v6  }
0x106: {  	v0 =	vld [tilespmem:s30+$0xFFFFFFB0];
	[tilespmem:s0+$0xA0] =	vst v2;
	v5 =	vmul.f32 $3.333333430e-01, v8  }
0x107: {  	s16 =	simm.s32 $0x4;
	s29 =	simm.s32 $0x13300;
	v6 =	vmul.f32 $3.333333430e-01, v9;
	[tilespmem:s15+$0xD0] =	vst v7;
	v2 =	vld [tilespmem:s30+$0x30]  }
.LBB2_8:
0x108: {  	v7 =	vld [tilespmem:s29+$0x80];
	v3 =	vmul.f32 $3.333333430e-01, v3;
	[tilespmem:s0+$0xF0] =	vst v5  }
0x109: {  	s16 =	sadd.s32 $0x4, s16;
	v4 =	vmul.f32 $3.333333430e-01, v4;
	[tilespmem:s15+$0x50] =	vst v6;
	v5 =	vld [tilespmem:s1+$0xA0]  }
0x10a: {  	p0 =	slt.u32 s16, $0x7C;
	v6 =	vld [tilespmem:s29+$0xFFFFFF80];
	[tilespmem:s15+$0x90] =	vst v3;
	v1 =	vmul.f32 $3.333333430e-01, v1  }
0x10b: {  	v3 =	vld [tilespmem:s29+$0x0];
	[tilespmem:s15+$0x10] =	vst v4;
	v0 =	vmul.f32 $3.333333430e-01, v0  }
0x10c: {  	v4 =	vld [tilespmem:s29+$0xFFFFFF00];
	[tilespmem:s0+$0x30] =	vst v1;
	v1 =	vmul.f32 $3.333333430e-01, v2  }
0x10d: {  	v2 =	vmul.f32 $3.333333430e-01, v7;
	v7 =	vld [tilespmem:s1+$0xFFFFFF20];
	[tilespmem:s0+$0x70] =	vst v0  }
0x10e: {  	v0 =	vld [tilespmem:s1+$0xFFFFFFA0];
	v5 =	vmul.f32 $3.333333430e-01, v5;
	[tilespmem:s0+$0xB0] =	vst v1;
	s0 =	smov.u32 s15;
	s15 =	sadd.s32 $0x100, s15  }
0x10f: {  	v1 =	vmul.f32 $3.333333430e-01, v6;
	[tilespmem:s15+$0xC0] =	vst v2;
	v2 =	vld [tilespmem:s1+$0x20]  }
0x110: {  	v3 =	vmul.f32 $3.333333430e-01, v3;
	v6 =	vld [tilespmem:s29+$0x90];
	[tilespmem:s0+$0xE0] =	vst v5  }
0x111: {  	v4 =	vmul.f32 $3.333333430e-01, v4;
	[tilespmem:s15+$0x40] =	vst v1;
	v5 =	vld [tilespmem:s1+$0xB0]  }
0x112: {  	v8 =	vld [tilespmem:s29+$0xFFFFFF90];
	[tilespmem:s15+$0x80] =	vst v3;
	v1 =	vmul.f32 $3.333333430e-01, v7  }
.Ltmp3:
0x113: {  	[tilespmem:s15+$0x0] =	vst v4;
	v3 =	vld [tilespmem:s29+$0x10];
	v0 =	vmul.f32 $3.333333430e-01, v0;
	(pc) =	sbr.rel @p0 .LBB2_8-.Ltmp3, $4  }
0x114: {  	v4 =	vld [tilespmem:s29+$0xFFFFFF10];
	[tilespmem:s0+$0x20] =	vst v1;
	v2 =	vmul.f32 $3.333333430e-01, v2  }
0x115: {  	v7 =	vmul.f32 $3.333333430e-01, v6;
	v1 =	vld [tilespmem:s1+$0xFFFFFF30];
	[tilespmem:s0+$0x60] =	vst v0  }
0x116: {  	v0 =	vld [tilespmem:s1+$0xFFFFFFB0];
	[tilespmem:s0+$0xA0] =	vst v2;
	v5 =	vmul.f32 $3.333333430e-01, v5  }
0x117: {  	v6 =	vmul.f32 $3.333333430e-01, v8;
	[tilespmem:s15+$0xD0] =	vst v7;
	v2 =	vld [tilespmem:s1+$0x30];
	s1 =	smov.u32 s29;
	s29 =	sadd.s32 $0x200, s29  }
0x118: {  	v3 =	vmul.f32 $3.333333430e-01, v3  }
0x119: {  	v7 =	vld [tilespmem:s1+$0xA0];
	v4 =	vmul.f32 $3.333333430e-01, v4;
	[tilespmem:s15+$0x50] =	vst v6  }
0x11a: {  	[tilespmem:s15+$0x90] =	vst v3;
	v53 =	vld [tilespmem:s1+$0xFFFFFFA0]  }
0x11b: {  	[tilespmem:s15+$0x10] =	vst v4;
	v54 =	vld [tilespmem:s1+$0x20]  }
0x11c: {  	v4 =	vld [tilespmem:s1+$0xFFFFFF20];
	_ =	sdelay $0x1  }
0x11d: {  	v7 =	vmul.f32 $3.333333430e-01, v7  }
0x11e: {  	v3 =	vmul.f32 $3.333333430e-01, v53  }
0x11f: {  	[tilespmem:s15+$0xE0] =	vst v7;
	v6 =	vmul.f32 $3.333333430e-01, v54  }
0x120: {  	v55 =	vld [tilespmem:s1+$0xB0];
	v4 =	vmul.f32 $3.333333430e-01, v4;
	[tilespmem:s15+$0x60] =	vst v3  }
0x121: {  	[tilespmem:s15+$0xA0] =	vst v6;
	v57 =	vld [tilespmem:s1+$0xFFFFFFB0]  }
0x122: {  	v1 =	vmul.f32 $3.333333430e-01, v1;
	[tilespmem:s15+$0x20] =	vst v4;
	v58 =	vld [tilespmem:s1+$0x30]  }
0x123: {  	[tilespmem:s0+$0xF0] =	vst v5;
	v0 =	vmul.f32 $3.333333430e-01, v0;
	v56 =	vld [tilespmem:s1+$0xFFFFFF30]  }
0x124: {  	[tilespmem:s0+$0x30] =	vst v1;
	v59 =	vmul.f32 $3.333333430e-01, v2  }
0x125: {  	[tilespmem:s0+$0x70] =	vst v0;
	v60 =	vmul.f32 $3.333333430e-01, v55  }
0x126: {  	[tilespmem:s0+$0xB0] =	vst v59;
	v62 =	vmul.f32 $3.333333430e-01, v57  }
0x127: {  	[tilespmem:s15+$0xF0] =	vst v60;
	v63 =	vmul.f32 $3.333333430e-01, v58  }
0x128: {  	v61 =	vmul.f32 $3.333333430e-01, v56;
	[tilespmem:s15+$0x70] =	vst v62  }
0x129: {  	[tilespmem:s15+$0xB0] =	vst v63  }
0x12a: {  	[tilespmem:s15+$0x30] =	vst v61  }
0x12b: {  	[tilespmem:s18], [sflag:$0x1] =	stream.indirect.gather [hbm4b:s3+s17], $0x80, s10, s17, $0xb8;
	[tilespmem:$0x1EE00] =	vst v63  }
0x12c: {  	s29 =	simm.s32 $0x0  }
0x12d: {  	[tilespmem:s19], [sflag:$0x3] =	stream.indirect.gather [hbm4b:s3+s17], $0x80, s11, s17, $0xb8;
	[tilespmem:$0x1EE00] =	vst v63  }
.LBB2_10:
0x12e: {  	s30 =	sshllo.u32 s29, $0x1  }
0x12f: {  	s0 =	smul.u32 $0x78, s30;
	_ =	sdelay $0x1  }
0x130: {  	s1 =	sadd.s32 $0x200, s0  }
0x131: {  	[tilespmem:s20], [sflag:$0x2] =	stream.indirect.gather [hbm4b:s3+s17], $0x80, s1, s17, $0xb8;
	[tilespmem:$0x1EE00] =	vst v63  }
0x132: {  	s0 =	sadd.s32 $0x2000, s0  }
0x133: {  	[tilespmem:s21], [sflag:$0x4] =	stream.indirect.gather [hbm4b:s3+s17], $0x80, s0, s17, $0xb8;
	[tilespmem:$0x1EE00] =	vst v63  }
0x134: {  	_ =	swait.ge [sflag:s22], $0x3C00  }
0x135: {  	[sflag:s22] =	ssyncset.done $0x0  }
0x136: {  	[sflag:s22] =	ssyncadd.s32 $0xFFFFC400  }
0x137: {  	_ =	swait.ge [sflag:s23], $0x3C00  }
0x138: {  	[sflag:s23] =	ssyncset.done $0x0  }
0x139: {  	s31 =	sshll.u32 s29, $0x4;
	s1 =	simm.s32 $0x0;
	[sflag:s23] =	ssyncadd.s32 $0xFFFFC400  }
.LBB2_11:
0x13a: {  	s16 =	smul.u32 $0x780, s1;
	_ =	sdelay $0x1  }
0x13b: {  	v62 =	vld [tilespmem:s16+$0xBA00];
	_ =	sdelay $0x4  }
0x13c: {  	[tilespmem:$0x1FBB0] =	vst v62;
	v62 =	vld [tilespmem:s16+$0xBA10];
	_ =	sdelay $0x4  }
0x13d: {  	[tilespmem:$0x1FBD0] =	vst v62;
	v62 =	vld [tilespmem:s16+$0x4220];
	_ =	sdelay $0x4  }
0x13e: {  	[tilespmem:$0x1FBC0] =	vst v62;
	v62 =	vld [tilespmem:s16+$0xBA20];
	_ =	sdelay $0x4  }
0x13f: {  	[tilespmem:$0x1FBF0] =	vst v62;
	v62 =	vld [tilespmem:s16+$0x4230];
	_ =	sdelay $0x4  }
0x140: {  	[tilespmem:$0x1FBE0] =	vst v62;
	v62 =	vld [tilespmem:s16+$0xBA30];
	_ =	sdelay $0x4  }
0x141: {  	[tilespmem:$0x1FC10] =	vst v62;
	v62 =	vld [tilespmem:s16+$0x4280];
	_ =	sdelay $0x4  }
0x142: {  	[tilespmem:$0x1FC00] =	vst v62;
	v62 =	vld [tilespmem:s16+$0xBA80];
	_ =	sdelay $0x4  }
0x143: {  	[tilespmem:$0x1FC30] =	vst v62;
	v62 =	vld [tilespmem:s16+$0x4290];
	_ =	sdelay $0x4  }
0x144: {  	[tilespmem:$0x1FC20] =	vst v62;
	v62 =	vld [tilespmem:s16+$0xBA90];
	_ =	sdelay $0x4  }
0x145: {  	[tilespmem:$0x1FC50] =	vst v62;
	v62 =	vld [tilespmem:s16+$0x42A0];
	_ =	sdelay $0x4  }
0x146: {  	[tilespmem:$0x1FC40] =	vst v62;
	v62 =	vld [tilespmem:s16+$0xBAA0];
	_ =	sdelay $0x4  }
0x147: {  	[tilespmem:$0x1FC70] =	vst v62;
	v62 =	vld [tilespmem:s16+$0x42B0];
	_ =	sdelay $0x4  }
0x148: {  	[tilespmem:$0x1FC60] =	vst v62;
	v62 =	vld [tilespmem:s16+$0xBAB0];
	_ =	sdelay $0x4  }
0x149: {  	[tilespmem:$0x1FC90] =	vst v62;
	v62 =	vld [tilespmem:s16+$0x4300];
	_ =	sdelay $0x4  }
0x14a: {  	[tilespmem:$0x1FC80] =	vst v62;
	v62 =	vld [tilespmem:s16+$0xBB00];
	_ =	sdelay $0x4  }
0x14b: {  	[tilespmem:$0x1FCB0] =	vst v62;
	v62 =	vld [tilespmem:s16+$0x4310]  }
0x14c: {  	v10 =	vld [tilespmem:s16+$0x3E00]  }
0x14d: {  	v3 =	vld [tilespmem:s16+$0xB600]  }
0x14e: {  	v6 =	vld [tilespmem:s16+$0x3E10]  }
0x14f: {  	v4 =	vld [tilespmem:s16+$0xB610]  }
0x150: {  	[tilespmem:$0x1FCA0] =	vst v62;
	v62 =	vld [tilespmem:s16+$0xBB10]  }
0x151: {  	v7 =	vld [tilespmem:s16+$0x3E20]  }
0x152: {  	v2 =	vld [tilespmem:s16+$0xB620]  }
0x153: {  	v12 =	vld [tilespmem:s16+$0x3E30]  }
0x154: {  	v8 =	vld [tilespmem:s16+$0xB630]  }
0x155: {  	[tilespmem:$0x1FCD0] =	vst v62;
	v62 =	vld [tilespmem:s16+$0x4320]  }
0x156: {  	v0 =	vld [tilespmem:s16+$0x3E80]  }
0x157: {  	v13 =	vld [tilespmem:s16+$0xB680]  }
0x158: {  	v1 =	vld [tilespmem:s16+$0x3E90]  }
0x159: {  	v14 =	vld [tilespmem:s16+$0xB690]  }
0x15a: {  	[tilespmem:$0x1FCC0] =	vst v62;
	v62 =	vld [tilespmem:s16+$0xBB20]  }
0x15b: {  	v5 =	vld [tilespmem:s16+$0x3EA0]  }
0x15c: {  	v16 =	vld [tilespmem:s16+$0xB6A0]  }
0x15d: {  	v9 =	vld [tilespmem:s16+$0x3EB0]  }
0x15e: {  	v18 =	vld [tilespmem:s16+$0xB6B0]  }
0x15f: {  	[tilespmem:$0x1FCF0] =	vst v62;
	v62 =	vld [tilespmem:s16+$0x4330]  }
0x160: {  	v11 =	vld [tilespmem:s16+$0x3F00]  }
0x161: {  	v20 =	vld [tilespmem:s16+$0xB700]  }
0x162: {  	v15 =	vld [tilespmem:s16+$0x3F10]  }
0x163: {  	v57 =	vld [tilespmem:s16+$0xB710]  }
0x164: {  	[tilespmem:$0x1FCE0] =	vst v62;
	v62 =	vld [tilespmem:s16+$0xBB30]  }
0x165: {  	v17 =	vld [tilespmem:s16+$0x3F20]  }
0x166: {  	v52 =	vld [tilespmem:s16+$0xB720]  }
0x167: {  	v19 =	vld [tilespmem:s16+$0x3F30]  }
0x168: {  	v45 =	vld [tilespmem:s16+$0xB730]  }
0x169: {  	[tilespmem:$0x1FD10] =	vst v62;
	v62 =	vld [tilespmem:s16+$0x4380]  }
0x16a: {  	v21 =	vld [tilespmem:s16+$0x3F80]  }
0x16b: {  	v60 =	vld [tilespmem:s16+$0xB780]  }
0x16c: {  	v22 =	vld [tilespmem:s16+$0x3F90]  }
0x16d: {  	v35 =	vld [tilespmem:s16+$0xB790]  }
0x16e: {  	[tilespmem:$0x1FD00] =	vst v62;
	v62 =	vld [tilespmem:s16+$0xBB80]  }
0x16f: {  	v23 =	vld [tilespmem:s16+$0x3FA0]  }
0x170: {  	v41 =	vld [tilespmem:s16+$0xB7A0]  }
0x171: {  	v24 =	vld [tilespmem:s16+$0x3FB0]  }
0x172: {  	v28 =	vld [tilespmem:s16+$0xB7B0]  }
0x173: {  	[tilespmem:$0x1FD30] =	vst v62;
	v62 =	vld [tilespmem:s16+$0x4390]  }
0x174: {  	v25 =	vld [tilespmem:s16+$0x4000]  }
0x175: {  	v31 =	vld [tilespmem:s16+$0xB800]  }
0x176: {  	v26 =	vld [tilespmem:s16+$0x4010]  }
0x177: {  	v33 =	vld [tilespmem:s16+$0xB810]  }
0x178: {  	[tilespmem:$0x1FD20] =	vst v62;
	v62 =	vld [tilespmem:s16+$0xBB90]  }
0x179: {  	v27 =	vld [tilespmem:s16+$0x4020]  }
0x17a: {  	v34 =	vld [tilespmem:s16+$0xB820]  }
0x17b: {  	v29 =	vld [tilespmem:s16+$0x4030]  }
0x17c: {  	v38 =	vld [tilespmem:s16+$0xB830]  }
0x17d: {  	[tilespmem:$0x1FD50] =	vst v62;
	v62 =	vld [tilespmem:s16+$0x43A0]  }
0x17e: {  	v30 =	vld [tilespmem:s16+$0x4080]  }
0x17f: {  	v40 =	vld [tilespmem:s16+$0xB880]  }
0x180: {  	v32 =	vld [tilespmem:s16+$0x4090]  }
0x181: {  	v43 =	vld [tilespmem:s16+$0xB890]  }
0x182: {  	[tilespmem:$0x1FD40] =	vst v62;
	v62 =	vld [tilespmem:s16+$0xBBA0]  }
0x183: {  	v36 =	vld [tilespmem:s16+$0x40A0]  }
0x184: {  	v44 =	vld [tilespmem:s16+$0xB8A0]  }
0x185: {  	v37 =	vld [tilespmem:s16+$0x40B0]  }
0x186: {  	v48 =	vld [tilespmem:s16+$0xB8B0]  }
0x187: {  	[tilespmem:$0x1FD70] =	vst v62;
	v62 =	vld [tilespmem:s16+$0x43B0]  }
0x188: {  	v39 =	vld [tilespmem:s16+$0x4100]  }
0x189: {  	v50 =	vld [tilespmem:s16+$0xB900]  }
0x18a: {  	v42 =	vld [tilespmem:s16+$0x4110]  }
0x18b: {  	v51 =	vld [tilespmem:s16+$0xB910]  }
0x18c: {  	[tilespmem:$0x1FD60] =	vst v62;
	v62 =	vld [tilespmem:s16+$0xBBB0]  }
0x18d: {  	v46 =	vld [tilespmem:s16+$0x4120]  }
0x18e: {  	v55 =	vld [tilespmem:s16+$0xB920]  }
0x18f: {  	v47 =	vld [tilespmem:s16+$0x4130]  }
0x190: {  	v58 =	vld [tilespmem:s16+$0xB930]  }
0x191: {  	[tilespmem:$0x1FD90] =	vst v62;
	v62 =	vld [tilespmem:s16+$0x4400]  }
0x192: {  	v49 =	vld [tilespmem:s16+$0x4180]  }
0x193: {  	v61 =	vld [tilespmem:s16+$0xB980]  }
0x194: {  	v53 =	vld [tilespmem:s16+$0x4190]  }
0x195: {  	v54 =	vld [tilespmem:s16+$0xB990]  }
0x196: {  	[tilespmem:$0x1FD80] =	vst v62;
	v62 =	vld [tilespmem:s16+$0xBC00]  }
0x197: {  	v56 =	vld [tilespmem:s16+$0xB9A0]  }
0x198: {  	v59 =	vld [tilespmem:s16+$0xB9B0]  }
0x199: {  	v63 =	vld [tilespmem:s16+$0x4210]  }
0x19a: {  	[tilespmem:$0x1FB80] =	vst v54;
	v54 =	vld [tilespmem:s16+$0x41A0]  }
0x19b: {  	s0 =	sor.u32 $0x1, s1;
	[tilespmem:$0x1FDB0] =	vst v62;
	v62 =	vld [tilespmem:s16+$0x4410]  }
0x19c: {  	s15 =	smul.u32 $0x780, s0;
	[tilespmem:$0x1FB90] =	vst v56;
	v56 =	vld [tilespmem:s16+$0x41B0]  }
0x19d: {  	[tilespmem:$0x1FBA0] =	vst v59;
	v59 =	vld [tilespmem:s16+$0x4200]  }
0x19e: {  	v3 =	vadd.f32 v3, v10;
	v10 =	vld [tilespmem:s15+$0xB630]  }
0x19f: {  	v12 =	vadd.f32 v8, v12;
	v8 =	vld [tilespmem:s15+$0x3E90]  }
0x1a0: {  	[tilespmem:$0x1FDA0] =	vst v62;
	v62 =	vld [tilespmem:s16+$0xBC10]  }
0x1a1: {  	v4 =	vadd.f32 v4, v6;
	v6 =	vld [tilespmem:s15+$0x3F80]  }
0x1a2: {  	v2 =	vadd.f32 v2, v7;
	v7 =	vld [tilespmem:s15+$0x3FB0]  }
0x1a3: {  	v0 =	vadd.f32 v0, v3;
	v3 =	vadd.f32 v9, v12;
	v12 =	vld [tilespmem:s15+$0x3EA0]  }
0x1a4: {  	v1 =	vadd.f32 v1, v4;
	v4 =	vld [tilespmem:s15+$0x3F90]  }
0x1a5: {  	[tilespmem:$0x1FDD0] =	vst v62;
	v62 =	vld [tilespmem:s16+$0x4420]  }
0x1a6: {  	v9 =	vld [tilespmem:s15+$0xB800]  }
0x1a7: {  	v0 =	vadd.f32 v13, v0;
	v13 =	vld [tilespmem:s15+$0xB6A0]  }
0x1a8: {  	v1 =	vadd.f32 v14, v1;
	v14 =	vld [tilespmem:s15+$0x3EB0]  }
0x1a9: {  	[tilespmem:$0x1FF80] =	vst v10;
	v10 =	vld [tilespmem:s15+$0x3E80]  }
0x1aa: {  	[tilespmem:$0x1FDC0] =	vst v62;
	v62 =	vld [tilespmem:s16+$0xBC20]  }
0x1ab: {  	v3 =	vadd.f32 v18, v3;
	[tilespmem:$0x1FF90] =	vst v8;
	v8 =	vld [tilespmem:s15+$0xB7B0]  }
0x1ac: {  	v2 =	vadd.f32 v5, v2;
	v1 =	vadd.f32 v15, v1;
	v15 =	vld [tilespmem:s15+$0xB6B0]  }
0x1ad: {  	v3 =	vadd.f32 v19, v3;
	v19 =	vld [tilespmem:s15+$0xB780]  }
0x1ae: {  	v2 =	vadd.f32 v16, v2;
	v0 =	vadd.f32 v11, v0;
	v11 =	vld [tilespmem:s15+$0xB790]  }
0x1af: {  	[tilespmem:$0x1FDF0] =	vst v62;
	v62 =	vld [tilespmem:s16+$0x4430]  }
0x1b0: {  	v2 =	vadd.f32 v17, v2;
	[tilespmem:$0x1FFB0] =	vst v12;
	v12 =	vld [tilespmem:s15+$0xB810]  }
0x1b1: {  	v1 =	vadd.f32 v57, v1;
	v57 =	vld [tilespmem:s15+$0x3F00]  }
0x1b2: {  	v2 =	vadd.f32 v52, v2;
	v52 =	vld [tilespmem:s15+$0xB700]  }
0x1b3: {  	v3 =	vadd.f32 v45, v3;
	v45 =	vld [tilespmem:s15+$0x3F10]  }
0x1b4: {  	[tilespmem:$0x1FDE0] =	vst v62;
	v62 =	vld [tilespmem:s16+$0xBC30]  }
0x1b5: {  	[tilespmem:$0x1FFE0] =	vst v13;
	v13 =	vld [tilespmem:s15+$0x4010]  }
0x1b6: {  	v0 =	vadd.f32 v20, v0;
	[tilespmem:$0x1FFD0] =	vst v14;
	v14 =	vld [tilespmem:s15+$0xB820]  }
0x1b7: {  	[tilespmem:$0x1FF70] =	vst v10;
	v10 =	vld [tilespmem:s15+$0xB680]  }
0x1b8: {  	v0 =	vadd.f32 v21, v0;
	v21 =	vld [tilespmem:s15+$0x3F30]  }
0x1b9: {  	[tilespmem:$0x1FE10] =	vst v62;
	v62 =	vld [tilespmem:s16+$0x4480]  }
0x1ba: {  	v1 =	vadd.f32 v22, v1;
	v22 =	vld [tilespmem:s15+$0xB730]  }
0x1bb: {  	v3 =	vadd.f32 v24, v3;
	v24 =	vld [tilespmem:$0x1FB80]  }
0x1bc: {  	[tilespmem:$0x1FFF0] =	vst v15;
	v15 =	vld [tilespmem:s15+$0x4020]  }
0x1bd: {  	v0 =	vadd.f32 v60, v0;
	v60 =	vld [tilespmem:s15+$0xB710]  }
0x1be: {  	v2 =	vadd.f32 v23, v2;
	[tilespmem:$0x1FE00] =	vst v62;
	v62 =	vld [tilespmem:s16+$0xBC80]  }
0x1bf: {  	v1 =	vadd.f32 v35, v1;
	v35 =	vld [tilespmem:s15+$0x3F20]  }
0x1c0: {  	v2 =	vadd.f32 v41, v2;
	v41 =	vld [tilespmem:s15+$0xB720]  }
0x1c1: {  	v3 =	vadd.f32 v28, v3;
	v28 =	vld [tilespmem:$0x1FBB0]  }
0x1c2: {  	v0 =	vadd.f32 v25, v0;
	v25 =	vld [tilespmem:$0x1FB90]  }
0x1c3: {  	v2 =	vadd.f32 v27, v2;
	[tilespmem:$0x1FE30] =	vst v62;
	v62 =	vld [tilespmem:s16+$0x4490]  }
0x1c4: {  	v1 =	vadd.f32 v26, v1;
	v27 =	vld [tilespmem:$0x1FBA0]  }
0x1c5: {  	v3 =	vadd.f32 v29, v3;
	v29 =	vld [tilespmem:$0x1FBC0];
	v2 =	vadd.f32 v34, v2  }
0x1c6: {  	[tilespmem:$0x1FFA0] =	vst v10;
	v10 =	vld [tilespmem:s15+$0xB690];
	v0 =	vadd.f32 v31, v0  }
0x1c7: {  	v1 =	vadd.f32 v33, v1;
	v16 =	vadd.f32 v36, v2;
	v2 =	vld [tilespmem:s15+$0x3FA0]  }
0x1c8: {  	v0 =	vadd.f32 v30, v0;
	[tilespmem:$0x1FE20] =	vst v62;
	v62 =	vld [tilespmem:s16+$0xBC90]  }
0x1c9: {  	v3 =	vadd.f32 v38, v3;
	v1 =	vadd.f32 v32, v1;
	v30 =	vld [tilespmem:$0x1FBD0]  }
0x1ca: {  	v32 =	vld [tilespmem:$0x1FBF0];
	v0 =	vadd.f32 v40, v0  }
0x1cb: {  	v3 =	vadd.f32 v37, v3;
	[tilespmem:$0x1FFC0] =	vst v10;
	v1 =	vadd.f32 v43, v1;
	v10 =	vld [tilespmem:s15+$0x4000]  }
0x1cc: {  	v5 =	vadd.f32 v44, v16;
	v16 =	vld [tilespmem:s15+$0xB830];
	v17 =	vadd.f32 v39, v0  }
0x1cd: {  	v3 =	vadd.f32 v48, v3;
	[tilespmem:$0x1FE50] =	vst v62;
	v62 =	vld [tilespmem:s16+$0x44A0]  }
0x1ce: {  	v31 =	vld [tilespmem:$0x1FBE0];
	v1 =	vadd.f32 v42, v1;
	v18 =	vadd.f32 v50, v17  }
0x1cf: {  	v0 =	vld [tilespmem:s15+$0xB7A0];
	v5 =	vadd.f32 v46, v5;
	v3 =	vadd.f32 v47, v3  }
0x1d0: {  	v1 =	vadd.f32 v51, v1;
	v20 =	vadd.f32 v49, v18;
	v18 =	vld [tilespmem:s15+$0x4030]  }
0x1d1: {  	v5 =	vadd.f32 v55, v5;
	v34 =	vld [tilespmem:$0x1FC10]  }
0x1d2: {  	v3 =	vadd.f32 v58, v3;
	v1 =	vadd.f32 v53, v1;
	[tilespmem:$0x1FE40] =	vst v62;
	v62 =	vld [tilespmem:s16+$0xBCA0]  }
0x1d3: {  	v5 =	vadd.f32 v54, v5;
	v23 =	vadd.f32 v61, v20;
	v20 =	vld [tilespmem:s15+$0xB880]  }
0x1d4: {  	v3 =	vadd.f32 v56, v3;
	v1 =	vadd.f32 v24, v1;
	v24 =	vld [tilespmem:s15+$0x4090]  }
0x1d5: {  	v5 =	vadd.f32 v25, v5;
	v25 =	vld [tilespmem:s15+$0xB890]  }
0x1d6: {  	v3 =	vadd.f32 v27, v3;
	v27 =	vld [tilespmem:s15+$0xB8A0]  }
0x1d7: {  	[tilespmem:$0x1FE70] =	vst v62;
	v62 =	vld [tilespmem:s16+$0x44B0]  }
0x1d8: {  	v26 =	vadd.f32 v59, v23;
	v23 =	vld [tilespmem:s15+$0x4080]  }
0x1d9: {  	v5 =	vadd.f32 v29, v5;
	v29 =	vld [tilespmem:s15+$0xB8B0]  }
0x1da: {  	v3 =	vadd.f32 v31, v3;
	v31 =	vld [tilespmem:s15+$0xB900]  }
0x1db: {  	v33 =	vld [tilespmem:$0x1FC00]  }
0x1dc: {  	[tilespmem:$0x1FE60] =	vst v62;
	v62 =	vld [tilespmem:s16+$0xBCB0]  }
0x1dd: {  	v1 =	vadd.f32 v63, v1;
	v17 =	vadd.f32 v28, v26;
	v26 =	vld [tilespmem:s15+$0x40A0]  }
0x1de: {  	v28 =	vld [tilespmem:s15+$0x40B0]  }
0x1df: {  	v1 =	vadd.f32 v30, v1;
	v30 =	vld [tilespmem:s15+$0x4100]  }
0x1e0: {  	v5 =	vadd.f32 v32, v5;
	v32 =	vld [tilespmem:s15+$0x4110]  }
0x1e1: {  	[tilespmem:$0x1FE90] =	vst v62;
	v62 =	vld [tilespmem:s16+$0x4500]  }
0x1e2: {  	v3 =	vadd.f32 v34, v3;
	v34 =	vld [tilespmem:s15+$0x4120]  }
0x1e3: {  	v37 =	vld [tilespmem:$0x1FC30]  }
0x1e4: {  	v17 =	vadd.f32 v33, v17;
	v33 =	vld [tilespmem:s15+$0xB910]  }
0x1e5: {  	v36 =	vld [tilespmem:$0x1FC20]  }
0x1e6: {  	[tilespmem:$0x1FE80] =	vst v62;
	v62 =	vld [tilespmem:s16+$0xBD00]  }
0x1e7: {  	v39 =	vld [tilespmem:$0x1FC50]  }
0x1e8: {  	v17 =	vadd.f32 v37, v17;
	v37 =	vld [tilespmem:s15+$0x4130]  }
0x1e9: {  	v38 =	vld [tilespmem:$0x1FC40]  }
0x1ea: {  	v1 =	vadd.f32 v36, v1;
	v36 =	vld [tilespmem:s15+$0xB920]  }
0x1eb: {  	[tilespmem:$0x1FEB0] =	vst v62;
	v62 =	vld [tilespmem:s16+$0x4510]  }
0x1ec: {  	v1 =	vadd.f32 v39, v1;
	v39 =	vld [tilespmem:s15+$0x4180]  }
0x1ed: {  	v42 =	vld [tilespmem:$0x1FC70]  }
0x1ee: {  	v5 =	vadd.f32 v38, v5;
	v38 =	vld [tilespmem:s15+$0xB930]  }
0x1ef: {  	v40 =	vld [tilespmem:$0x1FC60]  }
0x1f0: {  	[tilespmem:$0x1FEA0] =	vst v62;
	v62 =	vld [tilespmem:s16+$0xBD10]  }
0x1f1: {  	v44 =	vld [tilespmem:$0x1FC90]  }
0x1f2: {  	v43 =	vld [tilespmem:$0x1FC80]  }
0x1f3: {  	v47 =	vld [tilespmem:$0x1FCB0]  }
0x1f4: {  	v46 =	vld [tilespmem:$0x1FCA0]  }
0x1f5: {  	[tilespmem:$0x1FED0] =	vst v62;
	v62 =	vld [tilespmem:s16+$0x4520]  }
0x1f6: {  	v49 =	vld [tilespmem:$0x1FCD0]  }
0x1f7: {  	v48 =	vld [tilespmem:$0x1FCC0]  }
0x1f8: {  	v51 =	vld [tilespmem:$0x1FCF0]  }
0x1f9: {  	v50 =	vld [tilespmem:$0x1FCE0]  }
0x1fa: {  	[tilespmem:$0x1FEC0] =	vst v62;
	v62 =	vld [tilespmem:s16+$0xBD20]  }
0x1fb: {  	v54 =	vld [tilespmem:$0x1FD10]  }
0x1fc: {  	v53 =	vld [tilespmem:$0x1FD00]  }
0x1fd: {  	v56 =	vld [tilespmem:$0x1FD30]  }
0x1fe: {  	v3 =	vadd.f32 v40, v3;
	v55 =	vld [tilespmem:$0x1FD20]  }
0x1ff: {  	[tilespmem:$0x1FEF0] =	vst v62;
	v62 =	vld [tilespmem:s16+$0x4530]  }
0x200: {  	v3 =	vadd.f32 v44, v3;
	v59 =	vld [tilespmem:$0x1FD50]  }
0x201: {  	v61 =	vld [tilespmem:$0x1FD60]  }
0x202: {  	v17 =	vadd.f32 v43, v17;
	v3 =	vadd.f32 v50, v3;
	v58 =	vld [tilespmem:$0x1FD40]  }
0x203: {  	v5 =	vadd.f32 v42, v5;
	v42 =	vld [tilespmem:$0x1FD90]  }
0x204: {  	v17 =	vadd.f32 v47, v17;
	v3 =	vadd.f32 v54, v3;
	[tilespmem:$0x1FEE0] =	vst v62;
	v62 =	vld [tilespmem:s16+$0xBD30]  }
0x205: {  	v40 =	vld [tilespmem:$0x1FD80]  }
0x206: {  	v17 =	vadd.f32 v53, v17;
	v63 =	vld [tilespmem:$0x1FD70];
	v3 =	vadd.f32 v61, v3  }
0x207: {  	v44 =	vld [tilespmem:$0x1FDB0]  }
0x208: {  	v17 =	vadd.f32 v56, v17;
	v3 =	vadd.f32 v42, v3;
	v42 =	vld [tilespmem:s15+$0x4190]  }
0x209: {  	[tilespmem:$0x1FF20] =	vst v62;
	v62 =	vld [tilespmem:s15+$0x3E00]  }
0x20a: {  	v17 =	vadd.f32 v40, v17;
	v40 =	vld [tilespmem:s15+$0xB980]  }
0x20b: {  	v43 =	vld [tilespmem:$0x1FDA0]  }
0x20c: {  	v17 =	vadd.f32 v44, v17;
	v44 =	vld [tilespmem:s15+$0x41A0]  }
0x20d: {  	v47 =	vld [tilespmem:$0x1FDD0]  }
0x20e: {  	v1 =	vadd.f32 v46, v1;
	[tilespmem:$0x1FF00] =	vst v62;
	v62 =	vld [tilespmem:s15+$0xB600]  }
0x20f: {  	v46 =	vld [tilespmem:$0x1FDC0]  }
0x210: {  	v1 =	vadd.f32 v49, v1;
	v5 =	vadd.f32 v48, v5;
	v49 =	vld [tilespmem:$0x1FDF0]  }
0x211: {  	v48 =	vld [tilespmem:$0x1FDE0]  }
0x212: {  	v5 =	vadd.f32 v51, v5;
	v51 =	vld [tilespmem:$0x1FE10]  }
0x213: {  	[tilespmem:$0x1FF10] =	vst v62;
	v62 =	vld [tilespmem:s15+$0x3E10]  }
0x214: {  	v50 =	vld [tilespmem:$0x1FE00]  }
0x215: {  	v54 =	vld [tilespmem:$0x1FE30]  }
0x216: {  	v53 =	vld [tilespmem:$0x1FE20]  }
0x217: {  	v5 =	vadd.f32 v58, v5;
	v56 =	vld [tilespmem:$0x1FE50]  }
0x218: {  	v1 =	vadd.f32 v55, v1;
	[tilespmem:$0x1FF30] =	vst v62;
	v62 =	vld [tilespmem:s15+$0xB610]  }
0x219: {  	v5 =	vadd.f32 v63, v5;
	v55 =	vld [tilespmem:$0x1FE40]  }
0x21a: {  	v1 =	vadd.f32 v59, v1;
	v59 =	vld [tilespmem:$0x1FE70]  }
0x21b: {  	v5 =	vadd.f32 v46, v5;
	v58 =	vld [tilespmem:$0x1FE60]  }
0x21c: {  	v1 =	vadd.f32 v43, v1;
	v63 =	vld [tilespmem:$0x1FE90]  }
0x21d: {  	v5 =	vadd.f32 v49, v5;
	[tilespmem:$0x1FF40] =	vst v62;
	v62 =	vld [tilespmem:s15+$0x3E20]  }
0x21e: {  	v1 =	vadd.f32 v47, v1;
	v61 =	vld [tilespmem:$0x1FE80]  }
0x21f: {  	v17 =	vadd.f32 v50, v17;
	v5 =	vadd.f32 v55, v5;
	v49 =	vld [tilespmem:$0x1FEB0]  }
0x220: {  	v3 =	vadd.f32 v48, v3;
	v1 =	vadd.f32 v53, v1;
	v53 =	vld [tilespmem:$0x1FEE0]  }
0x221: {  	v17 =	vadd.f32 v54, v17;
	v5 =	vadd.f32 v59, v5;
	v59 =	vld [tilespmem:$0x1FF30]  }
0x222: {  	v3 =	vadd.f32 v51, v3;
	[tilespmem:$0x1FF50] =	vst v62;
	v62 =	vld [tilespmem:s15+$0xB620]  }
0x223: {  	v17 =	vadd.f32 v61, v17;
	v61 =	vld [tilespmem:$0x1FF40]  }
0x224: {  	v3 =	vadd.f32 v58, v3;
	v50 =	vld [tilespmem:$0x1FEC0]  }
0x225: {  	v55 =	vld [tilespmem:$0x1FF00]  }
0x226: {  	v1 =	vadd.f32 v56, v1;
	v47 =	vadd.f32 v63, v3;
	v56 =	vld [tilespmem:$0x1FF10]  }
0x227: {  	v3 =	vadd.f32 v49, v17;
	v63 =	vld [tilespmem:$0x1FF50];
	[tilespmem:$0x1FF60] =	vst v62  }
0x228: {  	v17 =	vadd.f32 v53, v47;
	v53 =	vadd.f32 v61, v59;
	v61 =	vld [tilespmem:$0x1FF60]  }
0x229: {  	v43 =	vld [tilespmem:s15+$0xB990]  }
0x22a: {  	v48 =	vld [tilespmem:$0x1FEA0]  }
0x22b: {  	v58 =	vld [tilespmem:$0x1FF20]  }
0x22c: {  	v5 =	vadd.f32 v50, v5;
	v62 =	vld [tilespmem:s15+$0x3E30]  }
0x22d: {  	v50 =	vadd.f32 v56, v55;
	v55 =	vadd.f32 v61, v63;
	v61 =	vld [tilespmem:$0x1FF80]  }
0x22e: {  	v46 =	vld [tilespmem:s15+$0xB9A0]  }
0x22f: {  	v63 =	vld [tilespmem:$0x1FF70]  }
0x230: {  	v49 =	vld [tilespmem:s15+$0xB9B0]  }
0x231: {  	v1 =	vadd.f32 v48, v1;
	v48 =	vld [tilespmem:s15+$0x41B0]  }
0x232: {  	v17 =	vadd.f32 v58, v17;
	v58 =	vadd.f32 v61, v62;
	v61 =	vld [tilespmem:$0x1FFA0]  }
0x233: {  	v51 =	vld [tilespmem:$0x1FED0]  }
0x234: {  	v50 =	vadd.f32 v63, v50;
	v63 =	vld [tilespmem:$0x1FF90]  }
0x235: {  	v54 =	vld [tilespmem:$0x1FEF0]  }
0x236: {  	v62 =	vld [tilespmem:$0x1FFC0]  }
0x237: {  	v50 =	vadd.f32 v61, v50;
	v61 =	vld [tilespmem:$0x1FFB0]  }
0x238: {  	v1 =	vadd.f32 v51, v1;
	v51 =	vld [tilespmem:s15+$0xBA00]  }
0x239: {  	v53 =	vadd.f32 v63, v53;
	v63 =	vld [tilespmem:$0x1FFE0]  }
0x23a: {  	v5 =	vadd.f32 v54, v5;
	v54 =	vld [tilespmem:s15+$0x4210]  }
0x23b: {  	v47 =	vld [tilespmem:s15+$0x4200]  }
0x23c: {  	v53 =	vadd.f32 v62, v53;
	v62 =	vld [tilespmem:$0x1FFD0];
	v55 =	vadd.f32 v61, v55  }
0x23d: {  	v56 =	vld [tilespmem:s15+$0xBA10]  }
0x23e: {  	v55 =	vadd.f32 v63, v55;
	v63 =	vld [tilespmem:$0x1FFF0]  }
0x23f: {  	v59 =	vld [tilespmem:s15+$0x4220]  }
0x240: {  	v50 =	vadd.f32 v57, v50;
	v57 =	vld [tilespmem:s15+$0xBA30]  }
0x241: {  	v45 =	vadd.f32 v45, v53;
	v53 =	vld [tilespmem:s15+$0x4280];
	v58 =	vadd.f32 v62, v58  }
0x242: {  	v50 =	vadd.f32 v52, v50;
	v52 =	vld [tilespmem:s15+$0xBA80]  }
0x243: {  	v61 =	vld [tilespmem:s15+$0xBA20];
	v45 =	vadd.f32 v60, v45;
	v58 =	vadd.f32 v63, v58  }
0x244: {  	v6 =	vadd.f32 v6, v50;
	v50 =	vld [tilespmem:s15+$0x43B0];
	v35 =	vadd.f32 v35, v55  }
0x245: {  	v60 =	vld [tilespmem:s15+$0x4400];
	v21 =	vadd.f32 v21, v58  }
0x246: {  	v62 =	vld [tilespmem:s15+$0x4230];
	v4 =	vadd.f32 v4, v45;
	v35 =	vadd.f32 v41, v35  }
0x247: {  	v6 =	vadd.f32 v19, v6;
	v19 =	vld [tilespmem:s15+$0xBAA0];
	v21 =	vadd.f32 v22, v21  }
0x248: {  	v45 =	vld [tilespmem:s15+$0x4380];
	v4 =	vadd.f32 v11, v4;
	v2 =	vadd.f32 v2, v35  }
0x249: {  	v55 =	vld [tilespmem:s15+$0x4290];
	v7 =	vadd.f32 v7, v21  }
0x24a: {  	v11 =	vld [tilespmem:s15+$0x42B0];
	v4 =	vadd.f32 v13, v4;
	v0 =	vadd.f32 v0, v2  }
0x24b: {  	v41 =	vld [tilespmem:s15+$0xBA90];
	v35 =	vadd.f32 v10, v6;
	v7 =	vadd.f32 v8, v7  }
0x24c: {  	v13 =	vld [tilespmem:s15+$0x4320];
	v4 =	vadd.f32 v12, v4;
	v0 =	vadd.f32 v15, v0  }
0x24d: {  	v63 =	vld [tilespmem:s15+$0xBC00];
	v2 =	vadd.f32 v9, v35;
	v7 =	vadd.f32 v18, v7  }
0x24e: {  	v6 =	vld [tilespmem:s15+$0xBAB0];
	v4 =	vadd.f32 v24, v4;
	v0 =	vadd.f32 v14, v0  }
0x24f: {  	v10 =	vld [tilespmem:s15+$0x4310];
	v2 =	vadd.f32 v23, v2;
	v7 =	vadd.f32 v16, v7  }
0x250: {  	v12 =	vld [tilespmem:s15+$0xBB10];
	v4 =	vadd.f32 v25, v4;
	v0 =	vadd.f32 v26, v0  }
0x251: {  	v58 =	vld [tilespmem:s15+$0xBBB0];
	v2 =	vadd.f32 v20, v2;
	v7 =	vadd.f32 v28, v7  }
0x252: {  	v9 =	vld [tilespmem:s15+$0xBB00];
	v4 =	vadd.f32 v32, v4;
	v0 =	vadd.f32 v27, v0  }
0x253: {  	v22 =	vld [tilespmem:s15+$0x42A0];
	v2 =	vadd.f32 v30, v2;
	v7 =	vadd.f32 v29, v7  }
0x254: {  	v24 =	vld [tilespmem:s15+$0x43A0];
	v4 =	vadd.f32 v33, v4;
	v0 =	vadd.f32 v34, v0  }
0x255: {  	v15 =	vld [tilespmem:s15+$0x4330];
	v2 =	vadd.f32 v31, v2;
	v7 =	vadd.f32 v37, v7  }
0x256: {  	v23 =	vld [tilespmem:s15+$0xBB90];
	v4 =	vadd.f32 v42, v4;
	v0 =	vadd.f32 v36, v0  }
0x257: {  	v21 =	vld [tilespmem:s15+$0x4390];
	v2 =	vadd.f32 v39, v2;
	v7 =	vadd.f32 v38, v7  }
0x258: {  	v25 =	vld [tilespmem:s15+$0xBBA0];
	v4 =	vadd.f32 v43, v4;
	v0 =	vadd.f32 v44, v0  }
0x259: {  	v14 =	vld [tilespmem:s15+$0xBB20];
	v2 =	vadd.f32 v40, v2;
	v7 =	vadd.f32 v48, v7  }
0x25a: {  	v20 =	vld [tilespmem:s15+$0xBB80];
	v4 =	vadd.f32 v54, v4;
	v0 =	vadd.f32 v46, v0  }
0x25b: {  	v8 =	vld [tilespmem:s15+$0x4300];
	v2 =	vadd.f32 v47, v2;
	v7 =	vadd.f32 v49, v7  }
0x25c: {  	v16 =	vld [tilespmem:s15+$0xBB30];
	v4 =	vadd.f32 v56, v4;
	v0 =	vadd.f32 v59, v0  }
0x25d: {  	v42 =	vld [tilespmem:s15+$0x4480];
	v2 =	vadd.f32 v51, v2;
	v7 =	vadd.f32 v62, v7  }
0x25e: {  	v39 =	vld [tilespmem:s15+$0xBC20];
	v4 =	vadd.f32 v55, v4;
	v0 =	vadd.f32 v61, v0  }
0x25f: {  	v43 =	vld [tilespmem:s15+$0xBC80];
	v2 =	vadd.f32 v53, v2;
	v7 =	vadd.f32 v57, v7  }
0x260: {  	v36 =	vld [tilespmem:s15+$0x4410];
	v4 =	vadd.f32 v41, v4;
	v0 =	vadd.f32 v22, v0  }
0x261: {  	v40 =	vld [tilespmem:s15+$0x4430];
	v2 =	vadd.f32 v52, v2;
	v7 =	vadd.f32 v11, v7  }
0x262: {  	v54 =	vld [tilespmem:s15+$0x4520];
	v4 =	vadd.f32 v10, v4;
	v0 =	vadd.f32 v19, v0  }
0x263: {  	v44 =	vld [tilespmem:s15+$0x4490];
	v2 =	vadd.f32 v8, v2;
	v6 =	vadd.f32 v6, v7  }
0x264: {  	v47 =	vld [tilespmem:s15+$0xBCA0];
	v4 =	vadd.f32 v12, v4;
	v0 =	vadd.f32 v13, v0  }
0x265: {  	v37 =	vld [tilespmem:s15+$0xBC10];
	v2 =	vadd.f32 v9, v2;
	v6 =	vadd.f32 v15, v6  }
0x266: {  	v46 =	vld [tilespmem:s15+$0x44A0];
	v4 =	vadd.f32 v21, v4;
	v0 =	vadd.f32 v14, v0  }
0x267: {  	v38 =	vld [tilespmem:s15+$0x4420];
	v2 =	vadd.f32 v45, v2;
	v6 =	vadd.f32 v16, v6  }
0x268: {  	v51 =	vld [tilespmem:s15+$0xBD00];
	v4 =	vadd.f32 v23, v4;
	v0 =	vadd.f32 v24, v0  }
0x269: {  	v41 =	vld [tilespmem:s15+$0xBC30];
	v2 =	vadd.f32 v20, v2;
	v6 =	vadd.f32 v50, v6  }
0x26a: {  	v48 =	vld [tilespmem:s15+$0x44B0];
	v4 =	vadd.f32 v36, v4;
	v0 =	vadd.f32 v25, v0  }
0x26b: {  	v45 =	vld [tilespmem:s15+$0xBC90];
	v2 =	vadd.f32 v60, v2;
	v6 =	vadd.f32 v58, v6  }
0x26c: {  	v52 =	vld [tilespmem:s15+$0x4510];
	v4 =	vadd.f32 v37, v4;
	v0 =	vadd.f32 v38, v0  }
0x26d: {  	v49 =	vld [tilespmem:s15+$0xBCB0];
	v2 =	vadd.f32 v63, v2;
	v6 =	vadd.f32 v40, v6  }
0x26e: {  	v4 =	vadd.f32 v44, v4;
	v50 =	vld [tilespmem:s15+$0x4500];
	v0 =	vadd.f32 v39, v0  }
0x26f: {  	v53 =	vld [tilespmem:s15+$0xBD10];
	v2 =	vadd.f32 v42, v2;
	v6 =	vadd.f32 v41, v6  }
0x270: {  	v55 =	vld [tilespmem:s15+$0x4530];
	v4 =	vadd.f32 v45, v4;
	v0 =	vadd.f32 v46, v0  }
0x271: {  	s16 =	sadd.s32 s31, s1;
	v56 =	vld [tilespmem:s15+$0xBD20];
	v2 =	vadd.f32 v43, v2;
	v6 =	vadd.f32 v48, v6  }
0x272: {  	v3 =	vmul.f32 $2.222222280e-02, v3;
	s16 =	sshll.u32 s16, $0x6;
	v57 =	vld [tilespmem:s15+$0xBD30];
	v4 =	vadd.f32 v52, v4;
	v0 =	vadd.f32 v47, v0  }
0x273: {  	v1 =	vmul.f32 $2.222222280e-02, v1;
	s15 =	sand.u32 $0x3FFFFFC0, s16;
	v2 =	vadd.f32 v50, v2;
	v6 =	vadd.f32 v49, v6  }
0x274: {  	v61 =	vmul.f32 $2.222222280e-02, v17;
	[tilespmem:s15+$0x16E00] =	vst.add.f32.msk $0xffff, v3;
	v59 =	vadd.f32 v53, v4;
	v0 =	vadd.f32 v54, v0  }
0x275: {  	s0 =	sadd.s32 s31, s0;
	[tilespmem:s15+$0x16E10] =	vst.add.f32.msk $0xffff, v1;
	v58 =	vmul.f32 $2.222222280e-02, v5;
	v2 =	vadd.f32 v51, v2;
	v60 =	vadd.f32 v55, v6  }
0x276: {  	p0 =	slt.u32 s1, $0x6;
	s0 =	sshll.u32 s0, $0x6;
	[tilespmem:s15+$0x16E30] =	vst.add.f32.msk $0xffff, v61;
	v1 =	vmul.f32 $2.222222280e-02, v59;
	v0 =	vadd.f32 v56, v0  }
.Ltmp4:
0x277: {  	s0 =	sand.u32 $0x3FFFFFC0, s0;
	[tilespmem:s15+$0x16E20] =	vst.add.f32.msk $0xffff, v58;
	v2 =	vmul.f32 $2.222222280e-02, v2;
	v62 =	vadd.f32 v57, v60;
	(pc) =	sbr.rel @p0 .LBB2_11-.Ltmp4, $4  }
0x278: {  	[tilespmem:s0+$0x16E10] =	vst.add.f32.msk $0xffff, v1;
	v0 =	vmul.f32 $2.222222280e-02, v0  }
0x279: {  	[tilespmem:s0+$0x16E00] =	vst.add.f32.msk $0xffff, v2;
	v63 =	vmul.f32 $2.222222280e-02, v62  }
0x27a: {  	s16 =	sadd.s32 $0x2, s1;
	[tilespmem:s0+$0x16E20] =	vst.add.f32.msk $0xffff, v0  }
0x27b: {  	s1 =	smov.u32 s16;
	[tilespmem:s0+$0x16E30] =	vst.add.f32.msk $0xffff, v63  }
0x27c: {  	p0 =	seq.s32 s29, $0x1F  }
0x27d: {  	s0 =	smul.u32 @!p0 $0xF0, s29;
	_ =	sdelay $0x1  }
0x27e: {  	s15 =	simm.s32 @!p0 $0x78;
	s16 =	simm.s32 @!p0 $0x3E00;
	s1 =	sadd.s32 @!p0 $0x2F0, s0  }
0x27f: {  	[tilespmem:s16], [sflag:$0x1] =	stream.indirect.gather @!p0 [hbm4b:s3+s15], $0x80, s1, s15, $0xb8;
	[tilespmem:$0x1EE00] =	vst v63  }
0x280: {  	s0 =	sadd.s32 @!p0 $0x20F0, s0;
	s1 =	simm.s32 @!p0 $0xB600  }
0x281: {  	[tilespmem:s1], [sflag:$0x3] =	stream.indirect.gather @!p0 [hbm4b:s3+s15], $0x80, s0, s15, $0xb8;
	[tilespmem:$0x1EE00] =	vst v63  }
0x282: {  	_ =	swait.ge [sflag:s24], $0x3C00  }
0x283: {  	[sflag:s24] =	ssyncset.done $0x0  }
0x284: {  	[sflag:s24] =	ssyncadd.s32 $0xFFFFC400  }
0x285: {  	_ =	swait.ge [sflag:s25], $0x3C00  }
0x286: {  	[sflag:s25] =	ssyncset.done $0x0  }
0x287: {  	s30 =	sshll.u32 s30, $0x3;
	s1 =	simm.s32 $0x0;
	[sflag:s25] =	ssyncadd.s32 $0xFFFFC400  }
.LBB2_13:
0x288: {  	s16 =	smul.u32 $0x780, s1;
	_ =	sdelay $0x1  }
0x289: {  	v62 =	vld [tilespmem:s16+$0xF600];
	_ =	sdelay $0x4  }
0x28a: {  	[tilespmem:$0x1F730] =	vst v62;
	v62 =	vld [tilespmem:s16+$0xF610];
	_ =	sdelay $0x4  }
0x28b: {  	[tilespmem:$0x1F750] =	vst v62;
	v62 =	vld [tilespmem:s16+$0x7E20];
	_ =	sdelay $0x4  }
0x28c: {  	[tilespmem:$0x1F740] =	vst v62;
	v62 =	vld [tilespmem:s16+$0xF620];
	_ =	sdelay $0x4  }
0x28d: {  	[tilespmem:$0x1F770] =	vst v62;
	v62 =	vld [tilespmem:s16+$0x7E30];
	_ =	sdelay $0x4  }
0x28e: {  	[tilespmem:$0x1F760] =	vst v62;
	v62 =	vld [tilespmem:s16+$0xF630];
	_ =	sdelay $0x4  }
0x28f: {  	[tilespmem:$0x1F790] =	vst v62;
	v62 =	vld [tilespmem:s16+$0x7E80];
	_ =	sdelay $0x4  }
0x290: {  	[tilespmem:$0x1F780] =	vst v62;
	v62 =	vld [tilespmem:s16+$0xF680];
	_ =	sdelay $0x4  }
0x291: {  	[tilespmem:$0x1F7B0] =	vst v62;
	v62 =	vld [tilespmem:s16+$0x7E90];
	_ =	sdelay $0x4  }
0x292: {  	[tilespmem:$0x1F7A0] =	vst v62;
	v62 =	vld [tilespmem:s16+$0xF690];
	_ =	sdelay $0x4  }
0x293: {  	[tilespmem:$0x1F7D0] =	vst v62;
	v62 =	vld [tilespmem:s16+$0x7EA0];
	_ =	sdelay $0x4  }
0x294: {  	[tilespmem:$0x1F7C0] =	vst v62;
	v62 =	vld [tilespmem:s16+$0xF6A0];
	_ =	sdelay $0x4  }
0x295: {  	[tilespmem:$0x1F7F0] =	vst v62;
	v62 =	vld [tilespmem:s16+$0x7EB0];
	_ =	sdelay $0x4  }
0x296: {  	[tilespmem:$0x1F7E0] =	vst v62;
	v62 =	vld [tilespmem:s16+$0xF6B0];
	_ =	sdelay $0x4  }
0x297: {  	[tilespmem:$0x1F810] =	vst v62;
	v62 =	vld [tilespmem:s16+$0x7F00];
	_ =	sdelay $0x4  }
0x298: {  	[tilespmem:$0x1F800] =	vst v62;
	v62 =	vld [tilespmem:s16+$0xF700];
	_ =	sdelay $0x4  }
0x299: {  	[tilespmem:$0x1F830] =	vst v62;
	v62 =	vld [tilespmem:s16+$0x7F10]  }
0x29a: {  	v10 =	vld [tilespmem:s16+$0x7A00]  }
0x29b: {  	v3 =	vld [tilespmem:s16+$0xF200]  }
0x29c: {  	v6 =	vld [tilespmem:s16+$0x7A10]  }
0x29d: {  	v4 =	vld [tilespmem:s16+$0xF210]  }
0x29e: {  	[tilespmem:$0x1F820] =	vst v62;
	v62 =	vld [tilespmem:s16+$0xF710]  }
0x29f: {  	v7 =	vld [tilespmem:s16+$0x7A20]  }
0x2a0: {  	v2 =	vld [tilespmem:s16+$0xF220]  }
0x2a1: {  	v12 =	vld [tilespmem:s16+$0x7A30]  }
0x2a2: {  	v8 =	vld [tilespmem:s16+$0xF230]  }
0x2a3: {  	[tilespmem:$0x1F850] =	vst v62;
	v62 =	vld [tilespmem:s16+$0x7F20]  }
0x2a4: {  	v0 =	vld [tilespmem:s16+$0x7A80]  }
0x2a5: {  	v13 =	vld [tilespmem:s16+$0xF280]  }
0x2a6: {  	v1 =	vld [tilespmem:s16+$0x7A90]  }
0x2a7: {  	v14 =	vld [tilespmem:s16+$0xF290]  }
0x2a8: {  	[tilespmem:$0x1F840] =	vst v62;
	v62 =	vld [tilespmem:s16+$0xF720]  }
0x2a9: {  	v5 =	vld [tilespmem:s16+$0x7AA0]  }
0x2aa: {  	v16 =	vld [tilespmem:s16+$0xF2A0]  }
0x2ab: {  	v9 =	vld [tilespmem:s16+$0x7AB0]  }
0x2ac: {  	v18 =	vld [tilespmem:s16+$0xF2B0]  }
0x2ad: {  	[tilespmem:$0x1F870] =	vst v62;
	v62 =	vld [tilespmem:s16+$0x7F30]  }
0x2ae: {  	v11 =	vld [tilespmem:s16+$0x7B00]  }
0x2af: {  	v20 =	vld [tilespmem:s16+$0xF300]  }
0x2b0: {  	v15 =	vld [tilespmem:s16+$0x7B10]  }
0x2b1: {  	v57 =	vld [tilespmem:s16+$0xF310]  }
0x2b2: {  	[tilespmem:$0x1F860] =	vst v62;
	v62 =	vld [tilespmem:s16+$0xF730]  }
0x2b3: {  	v17 =	vld [tilespmem:s16+$0x7B20]  }
0x2b4: {  	v52 =	vld [tilespmem:s16+$0xF320]  }
0x2b5: {  	v19 =	vld [tilespmem:s16+$0x7B30]  }
0x2b6: {  	v45 =	vld [tilespmem:s16+$0xF330]  }
0x2b7: {  	[tilespmem:$0x1F890] =	vst v62;
	v62 =	vld [tilespmem:s16+$0x7F80]  }
0x2b8: {  	v21 =	vld [tilespmem:s16+$0x7B80]  }
0x2b9: {  	v60 =	vld [tilespmem:s16+$0xF380]  }
0x2ba: {  	v22 =	vld [tilespmem:s16+$0x7B90]  }
0x2bb: {  	v35 =	vld [tilespmem:s16+$0xF390]  }
0x2bc: {  	[tilespmem:$0x1F880] =	vst v62;
	v62 =	vld [tilespmem:s16+$0xF780]  }
0x2bd: {  	v23 =	vld [tilespmem:s16+$0x7BA0]  }
0x2be: {  	v41 =	vld [tilespmem:s16+$0xF3A0]  }
0x2bf: {  	v24 =	vld [tilespmem:s16+$0x7BB0]  }
0x2c0: {  	v28 =	vld [tilespmem:s16+$0xF3B0]  }
0x2c1: {  	[tilespmem:$0x1F8B0] =	vst v62;
	v62 =	vld [tilespmem:s16+$0x7F90]  }
0x2c2: {  	v25 =	vld [tilespmem:s16+$0x7C00]  }
0x2c3: {  	v31 =	vld [tilespmem:s16+$0xF400]  }
0x2c4: {  	v26 =	vld [tilespmem:s16+$0x7C10]  }
0x2c5: {  	v33 =	vld [tilespmem:s16+$0xF410]  }
0x2c6: {  	[tilespmem:$0x1F8A0] =	vst v62;
	v62 =	vld [tilespmem:s16+$0xF790]  }
0x2c7: {  	v27 =	vld [tilespmem:s16+$0x7C20]  }
0x2c8: {  	v34 =	vld [tilespmem:s16+$0xF420]  }
0x2c9: {  	v29 =	vld [tilespmem:s16+$0x7C30]  }
0x2ca: {  	v38 =	vld [tilespmem:s16+$0xF430]  }
0x2cb: {  	[tilespmem:$0x1F8D0] =	vst v62;
	v62 =	vld [tilespmem:s16+$0x7FA0]  }
0x2cc: {  	v30 =	vld [tilespmem:s16+$0x7C80]  }
0x2cd: {  	v40 =	vld [tilespmem:s16+$0xF480]  }
0x2ce: {  	v32 =	vld [tilespmem:s16+$0x7C90]  }
0x2cf: {  	v43 =	vld [tilespmem:s16+$0xF490]  }
0x2d0: {  	[tilespmem:$0x1F8C0] =	vst v62;
	v62 =	vld [tilespmem:s16+$0xF7A0]  }
0x2d1: {  	v36 =	vld [tilespmem:s16+$0x7CA0]  }
0x2d2: {  	v44 =	vld [tilespmem:s16+$0xF4A0]  }
0x2d3: {  	v37 =	vld [tilespmem:s16+$0x7CB0]  }
0x2d4: {  	v48 =	vld [tilespmem:s16+$0xF4B0]  }
0x2d5: {  	[tilespmem:$0x1F8F0] =	vst v62;
	v62 =	vld [tilespmem:s16+$0x7FB0]  }
0x2d6: {  	v39 =	vld [tilespmem:s16+$0x7D00]  }
0x2d7: {  	v50 =	vld [tilespmem:s16+$0xF500]  }
0x2d8: {  	v42 =	vld [tilespmem:s16+$0x7D10]  }
0x2d9: {  	v51 =	vld [tilespmem:s16+$0xF510]  }
0x2da: {  	[tilespmem:$0x1F8E0] =	vst v62;
	v62 =	vld [tilespmem:s16+$0xF7B0]  }
0x2db: {  	v46 =	vld [tilespmem:s16+$0x7D20]  }
0x2dc: {  	v55 =	vld [tilespmem:s16+$0xF520]  }
0x2dd: {  	v47 =	vld [tilespmem:s16+$0x7D30]  }
0x2de: {  	v58 =	vld [tilespmem:s16+$0xF530]  }
0x2df: {  	[tilespmem:$0x1F910] =	vst v62;
	v62 =	vld [tilespmem:s16+$0x8000]  }
0x2e0: {  	v49 =	vld [tilespmem:s16+$0x7D80]  }
0x2e1: {  	v61 =	vld [tilespmem:s16+$0xF580]  }
0x2e2: {  	v53 =	vld [tilespmem:s16+$0x7D90]  }
0x2e3: {  	v54 =	vld [tilespmem:s16+$0xF590]  }
0x2e4: {  	[tilespmem:$0x1F900] =	vst v62;
	v62 =	vld [tilespmem:s16+$0xF800]  }
0x2e5: {  	v56 =	vld [tilespmem:s16+$0xF5A0]  }
0x2e6: {  	v59 =	vld [tilespmem:s16+$0xF5B0]  }
0x2e7: {  	v63 =	vld [tilespmem:s16+$0x7E10]  }
0x2e8: {  	[tilespmem:$0x1F700] =	vst v54;
	v54 =	vld [tilespmem:s16+$0x7DA0]  }
0x2e9: {  	s0 =	sor.u32 $0x1, s1;
	[tilespmem:$0x1F930] =	vst v62;
	v62 =	vld [tilespmem:s16+$0x8010]  }
0x2ea: {  	s15 =	smul.u32 $0x780, s0;
	[tilespmem:$0x1F710] =	vst v56;
	v56 =	vld [tilespmem:s16+$0x7DB0]  }
0x2eb: {  	[tilespmem:$0x1F720] =	vst v59;
	v59 =	vld [tilespmem:s16+$0x7E00]  }
0x2ec: {  	v3 =	vadd.f32 v3, v10;
	v10 =	vld [tilespmem:s15+$0xF230]  }
0x2ed: {  	v12 =	vadd.f32 v8, v12;
	v8 =	vld [tilespmem:s15+$0x7A90]  }
0x2ee: {  	[tilespmem:$0x1F920] =	vst v62;
	v62 =	vld [tilespmem:s16+$0xF810]  }
0x2ef: {  	v4 =	vadd.f32 v4, v6;
	v6 =	vld [tilespmem:s15+$0x7B80]  }
0x2f0: {  	v2 =	vadd.f32 v2, v7;
	v7 =	vld [tilespmem:s15+$0x7BB0]  }
0x2f1: {  	v0 =	vadd.f32 v0, v3;
	v3 =	vadd.f32 v9, v12;
	v12 =	vld [tilespmem:s15+$0x7AA0]  }
0x2f2: {  	v1 =	vadd.f32 v1, v4;
	v4 =	vld [tilespmem:s15+$0x7B90]  }
0x2f3: {  	[tilespmem:$0x1F950] =	vst v62;
	v62 =	vld [tilespmem:s16+$0x8020]  }
0x2f4: {  	v9 =	vld [tilespmem:s15+$0xF400]  }
0x2f5: {  	v0 =	vadd.f32 v13, v0;
	v13 =	vld [tilespmem:s15+$0xF2A0]  }
0x2f6: {  	v1 =	vadd.f32 v14, v1;
	v14 =	vld [tilespmem:s15+$0x7AB0]  }
0x2f7: {  	[tilespmem:$0x1FB00] =	vst v10;
	v10 =	vld [tilespmem:s15+$0x7A80]  }
0x2f8: {  	[tilespmem:$0x1F940] =	vst v62;
	v62 =	vld [tilespmem:s16+$0xF820]  }
0x2f9: {  	v3 =	vadd.f32 v18, v3;
	[tilespmem:$0x1FB10] =	vst v8;
	v8 =	vld [tilespmem:s15+$0xF3B0]  }
0x2fa: {  	v2 =	vadd.f32 v5, v2;
	v1 =	vadd.f32 v15, v1;
	v15 =	vld [tilespmem:s15+$0xF2B0]  }
0x2fb: {  	v3 =	vadd.f32 v19, v3;
	v19 =	vld [tilespmem:s15+$0xF380]  }
0x2fc: {  	v2 =	vadd.f32 v16, v2;
	v0 =	vadd.f32 v11, v0;
	v11 =	vld [tilespmem:s15+$0xF390]  }
0x2fd: {  	[tilespmem:$0x1F970] =	vst v62;
	v62 =	vld [tilespmem:s16+$0x8030]  }
0x2fe: {  	v2 =	vadd.f32 v17, v2;
	[tilespmem:$0x1FB30] =	vst v12;
	v12 =	vld [tilespmem:s15+$0xF410]  }
0x2ff: {  	v1 =	vadd.f32 v57, v1;
	v57 =	vld [tilespmem:s15+$0x7B00]  }
0x300: {  	v2 =	vadd.f32 v52, v2;
	v52 =	vld [tilespmem:s15+$0xF300]  }
0x301: {  	v3 =	vadd.f32 v45, v3;
	v45 =	vld [tilespmem:s15+$0x7B10]  }
0x302: {  	[tilespmem:$0x1F960] =	vst v62;
	v62 =	vld [tilespmem:s16+$0xF830]  }
0x303: {  	[tilespmem:$0x1FB60] =	vst v13;
	v13 =	vld [tilespmem:s15+$0x7C10]  }
0x304: {  	v0 =	vadd.f32 v20, v0;
	[tilespmem:$0x1FB50] =	vst v14;
	v14 =	vld [tilespmem:s15+$0xF420]  }
0x305: {  	[tilespmem:$0x1FAF0] =	vst v10;
	v10 =	vld [tilespmem:s15+$0xF280]  }
0x306: {  	v0 =	vadd.f32 v21, v0;
	v21 =	vld [tilespmem:s15+$0x7B30]  }
0x307: {  	[tilespmem:$0x1F990] =	vst v62;
	v62 =	vld [tilespmem:s16+$0x8080]  }
0x308: {  	v1 =	vadd.f32 v22, v1;
	v22 =	vld [tilespmem:s15+$0xF330]  }
0x309: {  	v3 =	vadd.f32 v24, v3;
	v24 =	vld [tilespmem:$0x1F700]  }
0x30a: {  	[tilespmem:$0x1FB70] =	vst v15;
	v15 =	vld [tilespmem:s15+$0x7C20]  }
0x30b: {  	v0 =	vadd.f32 v60, v0;
	v60 =	vld [tilespmem:s15+$0xF310]  }
0x30c: {  	v2 =	vadd.f32 v23, v2;
	[tilespmem:$0x1F980] =	vst v62;
	v62 =	vld [tilespmem:s16+$0xF880]  }
0x30d: {  	v1 =	vadd.f32 v35, v1;
	v35 =	vld [tilespmem:s15+$0x7B20]  }
0x30e: {  	v2 =	vadd.f32 v41, v2;
	v41 =	vld [tilespmem:s15+$0xF320]  }
0x30f: {  	v3 =	vadd.f32 v28, v3;
	v28 =	vld [tilespmem:$0x1F730]  }
0x310: {  	v0 =	vadd.f32 v25, v0;
	v25 =	vld [tilespmem:$0x1F710]  }
0x311: {  	v2 =	vadd.f32 v27, v2;
	[tilespmem:$0x1F9B0] =	vst v62;
	v62 =	vld [tilespmem:s16+$0x8090]  }
0x312: {  	v1 =	vadd.f32 v26, v1;
	v27 =	vld [tilespmem:$0x1F720]  }
0x313: {  	v3 =	vadd.f32 v29, v3;
	v29 =	vld [tilespmem:$0x1F740];
	v2 =	vadd.f32 v34, v2  }
0x314: {  	[tilespmem:$0x1FB20] =	vst v10;
	v10 =	vld [tilespmem:s15+$0xF290];
	v0 =	vadd.f32 v31, v0  }
0x315: {  	v1 =	vadd.f32 v33, v1;
	v16 =	vadd.f32 v36, v2;
	v2 =	vld [tilespmem:s15+$0x7BA0]  }
0x316: {  	v0 =	vadd.f32 v30, v0;
	[tilespmem:$0x1F9A0] =	vst v62;
	v62 =	vld [tilespmem:s16+$0xF890]  }
0x317: {  	v3 =	vadd.f32 v38, v3;
	v1 =	vadd.f32 v32, v1;
	v30 =	vld [tilespmem:$0x1F750]  }
0x318: {  	v32 =	vld [tilespmem:$0x1F770];
	v0 =	vadd.f32 v40, v0  }
0x319: {  	v3 =	vadd.f32 v37, v3;
	[tilespmem:$0x1FB40] =	vst v10;
	v1 =	vadd.f32 v43, v1;
	v10 =	vld [tilespmem:s15+$0x7C00]  }
0x31a: {  	v5 =	vadd.f32 v44, v16;
	v16 =	vld [tilespmem:s15+$0xF430];
	v17 =	vadd.f32 v39, v0  }
0x31b: {  	v3 =	vadd.f32 v48, v3;
	[tilespmem:$0x1F9D0] =	vst v62;
	v62 =	vld [tilespmem:s16+$0x80A0]  }
0x31c: {  	v31 =	vld [tilespmem:$0x1F760];
	v1 =	vadd.f32 v42, v1;
	v18 =	vadd.f32 v50, v17  }
0x31d: {  	v0 =	vld [tilespmem:s15+$0xF3A0];
	v5 =	vadd.f32 v46, v5;
	v3 =	vadd.f32 v47, v3  }
0x31e: {  	v1 =	vadd.f32 v51, v1;
	v20 =	vadd.f32 v49, v18;
	v18 =	vld [tilespmem:s15+$0x7C30]  }
0x31f: {  	v5 =	vadd.f32 v55, v5;
	v34 =	vld [tilespmem:$0x1F790]  }
0x320: {  	v3 =	vadd.f32 v58, v3;
	v1 =	vadd.f32 v53, v1;
	[tilespmem:$0x1F9C0] =	vst v62;
	v62 =	vld [tilespmem:s16+$0xF8A0]  }
0x321: {  	v5 =	vadd.f32 v54, v5;
	v23 =	vadd.f32 v61, v20;
	v20 =	vld [tilespmem:s15+$0xF480]  }
0x322: {  	v3 =	vadd.f32 v56, v3;
	v1 =	vadd.f32 v24, v1;
	v24 =	vld [tilespmem:s15+$0x7C90]  }
0x323: {  	v5 =	vadd.f32 v25, v5;
	v25 =	vld [tilespmem:s15+$0xF490]  }
0x324: {  	v3 =	vadd.f32 v27, v3;
	v27 =	vld [tilespmem:s15+$0xF4A0]  }
0x325: {  	[tilespmem:$0x1F9F0] =	vst v62;
	v62 =	vld [tilespmem:s16+$0x80B0]  }
0x326: {  	v26 =	vadd.f32 v59, v23;
	v23 =	vld [tilespmem:s15+$0x7C80]  }
0x327: {  	v5 =	vadd.f32 v29, v5;
	v29 =	vld [tilespmem:s15+$0xF4B0]  }
0x328: {  	v3 =	vadd.f32 v31, v3;
	v31 =	vld [tilespmem:s15+$0xF500]  }
0x329: {  	v33 =	vld [tilespmem:$0x1F780]  }
0x32a: {  	[tilespmem:$0x1F9E0] =	vst v62;
	v62 =	vld [tilespmem:s16+$0xF8B0]  }
0x32b: {  	v1 =	vadd.f32 v63, v1;
	v17 =	vadd.f32 v28, v26;
	v26 =	vld [tilespmem:s15+$0x7CA0]  }
0x32c: {  	v28 =	vld [tilespmem:s15+$0x7CB0]  }
0x32d: {  	v1 =	vadd.f32 v30, v1;
	v30 =	vld [tilespmem:s15+$0x7D00]  }
0x32e: {  	v5 =	vadd.f32 v32, v5;
	v32 =	vld [tilespmem:s15+$0x7D10]  }
0x32f: {  	[tilespmem:$0x1FA10] =	vst v62;
	v62 =	vld [tilespmem:s16+$0x8100]  }
0x330: {  	v3 =	vadd.f32 v34, v3;
	v34 =	vld [tilespmem:s15+$0x7D20]  }
0x331: {  	v37 =	vld [tilespmem:$0x1F7B0]  }
0x332: {  	v17 =	vadd.f32 v33, v17;
	v33 =	vld [tilespmem:s15+$0xF510]  }
0x333: {  	v36 =	vld [tilespmem:$0x1F7A0]  }
0x334: {  	[tilespmem:$0x1FA00] =	vst v62;
	v62 =	vld [tilespmem:s16+$0xF900]  }
0x335: {  	v39 =	vld [tilespmem:$0x1F7D0]  }
0x336: {  	v17 =	vadd.f32 v37, v17;
	v37 =	vld [tilespmem:s15+$0x7D30]  }
0x337: {  	v38 =	vld [tilespmem:$0x1F7C0]  }
0x338: {  	v1 =	vadd.f32 v36, v1;
	v36 =	vld [tilespmem:s15+$0xF520]  }
0x339: {  	[tilespmem:$0x1FA30] =	vst v62;
	v62 =	vld [tilespmem:s16+$0x8110]  }
0x33a: {  	v1 =	vadd.f32 v39, v1;
	v39 =	vld [tilespmem:s15+$0x7D80]  }
0x33b: {  	v42 =	vld [tilespmem:$0x1F7F0]  }
0x33c: {  	v5 =	vadd.f32 v38, v5;
	v38 =	vld [tilespmem:s15+$0xF530]  }
0x33d: {  	v40 =	vld [tilespmem:$0x1F7E0]  }
0x33e: {  	[tilespmem:$0x1FA20] =	vst v62;
	v62 =	vld [tilespmem:s16+$0xF910]  }
0x33f: {  	v44 =	vld [tilespmem:$0x1F810]  }
0x340: {  	v43 =	vld [tilespmem:$0x1F800]  }
0x341: {  	v47 =	vld [tilespmem:$0x1F830]  }
0x342: {  	v46 =	vld [tilespmem:$0x1F820]  }
0x343: {  	[tilespmem:$0x1FA50] =	vst v62;
	v62 =	vld [tilespmem:s16+$0x8120]  }
0x344: {  	v49 =	vld [tilespmem:$0x1F850]  }
0x345: {  	v48 =	vld [tilespmem:$0x1F840]  }
0x346: {  	v51 =	vld [tilespmem:$0x1F870]  }
0x347: {  	v50 =	vld [tilespmem:$0x1F860]  }
0x348: {  	[tilespmem:$0x1FA40] =	vst v62;
	v62 =	vld [tilespmem:s16+$0xF920]  }
0x349: {  	v54 =	vld [tilespmem:$0x1F890]  }
0x34a: {  	v53 =	vld [tilespmem:$0x1F880]  }
0x34b: {  	v56 =	vld [tilespmem:$0x1F8B0]  }
0x34c: {  	v3 =	vadd.f32 v40, v3;
	v55 =	vld [tilespmem:$0x1F8A0]  }
0x34d: {  	[tilespmem:$0x1FA70] =	vst v62;
	v62 =	vld [tilespmem:s16+$0x8130]  }
0x34e: {  	v3 =	vadd.f32 v44, v3;
	v59 =	vld [tilespmem:$0x1F8D0]  }
0x34f: {  	v61 =	vld [tilespmem:$0x1F8E0]  }
0x350: {  	v17 =	vadd.f32 v43, v17;
	v3 =	vadd.f32 v50, v3;
	v58 =	vld [tilespmem:$0x1F8C0]  }
0x351: {  	v5 =	vadd.f32 v42, v5;
	v42 =	vld [tilespmem:$0x1F910]  }
0x352: {  	v17 =	vadd.f32 v47, v17;
	v3 =	vadd.f32 v54, v3;
	[tilespmem:$0x1FA60] =	vst v62;
	v62 =	vld [tilespmem:s16+$0xF930]  }
0x353: {  	v40 =	vld [tilespmem:$0x1F900]  }
0x354: {  	v17 =	vadd.f32 v53, v17;
	v63 =	vld [tilespmem:$0x1F8F0];
	v3 =	vadd.f32 v61, v3  }
0x355: {  	v44 =	vld [tilespmem:$0x1F930]  }
0x356: {  	v17 =	vadd.f32 v56, v17;
	v3 =	vadd.f32 v42, v3;
	v42 =	vld [tilespmem:s15+$0x7D90]  }
0x357: {  	[tilespmem:$0x1FAA0] =	vst v62;
	v62 =	vld [tilespmem:s15+$0x7A00]  }
0x358: {  	v17 =	vadd.f32 v40, v17;
	v40 =	vld [tilespmem:s15+$0xF580]  }
0x359: {  	v43 =	vld [tilespmem:$0x1F920]  }
0x35a: {  	v17 =	vadd.f32 v44, v17;
	v44 =	vld [tilespmem:s15+$0x7DA0]  }
0x35b: {  	v47 =	vld [tilespmem:$0x1F950]  }
0x35c: {  	v1 =	vadd.f32 v46, v1;
	[tilespmem:$0x1FA80] =	vst v62;
	v62 =	vld [tilespmem:s15+$0xF200]  }
0x35d: {  	v46 =	vld [tilespmem:$0x1F940]  }
0x35e: {  	v1 =	vadd.f32 v49, v1;
	v5 =	vadd.f32 v48, v5;
	v49 =	vld [tilespmem:$0x1F970]  }
0x35f: {  	v48 =	vld [tilespmem:$0x1F960]  }
0x360: {  	v5 =	vadd.f32 v51, v5;
	v51 =	vld [tilespmem:$0x1F990]  }
0x361: {  	[tilespmem:$0x1FA90] =	vst v62;
	v62 =	vld [tilespmem:s15+$0x7A10]  }
0x362: {  	v50 =	vld [tilespmem:$0x1F980]  }
0x363: {  	v54 =	vld [tilespmem:$0x1F9B0]  }
0x364: {  	v53 =	vld [tilespmem:$0x1F9A0]  }
0x365: {  	v5 =	vadd.f32 v58, v5;
	v56 =	vld [tilespmem:$0x1F9D0]  }
0x366: {  	v1 =	vadd.f32 v55, v1;
	[tilespmem:$0x1FAB0] =	vst v62;
	v62 =	vld [tilespmem:s15+$0xF210]  }
0x367: {  	v5 =	vadd.f32 v63, v5;
	v55 =	vld [tilespmem:$0x1F9C0]  }
0x368: {  	v1 =	vadd.f32 v59, v1;
	v59 =	vld [tilespmem:$0x1F9F0]  }
0x369: {  	v5 =	vadd.f32 v46, v5;
	v58 =	vld [tilespmem:$0x1F9E0]  }
0x36a: {  	v1 =	vadd.f32 v43, v1;
	v63 =	vld [tilespmem:$0x1FA10]  }
0x36b: {  	v5 =	vadd.f32 v49, v5;
	[tilespmem:$0x1FAC0] =	vst v62;
	v62 =	vld [tilespmem:s15+$0x7A20]  }
0x36c: {  	v1 =	vadd.f32 v47, v1;
	v61 =	vld [tilespmem:$0x1FA00]  }
0x36d: {  	v17 =	vadd.f32 v50, v17;
	v5 =	vadd.f32 v55, v5;
	v49 =	vld [tilespmem:$0x1FA30]  }
0x36e: {  	v3 =	vadd.f32 v48, v3;
	v1 =	vadd.f32 v53, v1;
	v53 =	vld [tilespmem:$0x1FA60]  }
0x36f: {  	v17 =	vadd.f32 v54, v17;
	v5 =	vadd.f32 v59, v5;
	v59 =	vld [tilespmem:$0x1FAB0]  }
0x370: {  	v3 =	vadd.f32 v51, v3;
	[tilespmem:$0x1FAD0] =	vst v62;
	v62 =	vld [tilespmem:s15+$0xF220]  }
0x371: {  	v17 =	vadd.f32 v61, v17;
	v61 =	vld [tilespmem:$0x1FAC0]  }
0x372: {  	v3 =	vadd.f32 v58, v3;
	v50 =	vld [tilespmem:$0x1FA40]  }
0x373: {  	v55 =	vld [tilespmem:$0x1FA80]  }
0x374: {  	v1 =	vadd.f32 v56, v1;
	v47 =	vadd.f32 v63, v3;
	v56 =	vld [tilespmem:$0x1FA90]  }
0x375: {  	v3 =	vadd.f32 v49, v17;
	v63 =	vld [tilespmem:$0x1FAD0];
	[tilespmem:$0x1FAE0] =	vst v62  }
0x376: {  	v17 =	vadd.f32 v53, v47;
	v53 =	vadd.f32 v61, v59;
	v61 =	vld [tilespmem:$0x1FAE0]  }
0x377: {  	v43 =	vld [tilespmem:s15+$0xF590]  }
0x378: {  	v48 =	vld [tilespmem:$0x1FA20]  }
0x379: {  	v58 =	vld [tilespmem:$0x1FAA0]  }
0x37a: {  	v5 =	vadd.f32 v50, v5;
	v62 =	vld [tilespmem:s15+$0x7A30]  }
0x37b: {  	v50 =	vadd.f32 v56, v55;
	v55 =	vadd.f32 v61, v63;
	v61 =	vld [tilespmem:$0x1FB00]  }
0x37c: {  	v46 =	vld [tilespmem:s15+$0xF5A0]  }
0x37d: {  	v63 =	vld [tilespmem:$0x1FAF0]  }
0x37e: {  	v49 =	vld [tilespmem:s15+$0xF5B0]  }
0x37f: {  	v1 =	vadd.f32 v48, v1;
	v48 =	vld [tilespmem:s15+$0x7DB0]  }
0x380: {  	v17 =	vadd.f32 v58, v17;
	v58 =	vadd.f32 v61, v62;
	v61 =	vld [tilespmem:$0x1FB20]  }
0x381: {  	v51 =	vld [tilespmem:$0x1FA50]  }
0x382: {  	v50 =	vadd.f32 v63, v50;
	v63 =	vld [tilespmem:$0x1FB10]  }
0x383: {  	v54 =	vld [tilespmem:$0x1FA70]  }
0x384: {  	v62 =	vld [tilespmem:$0x1FB40]  }
0x385: {  	v50 =	vadd.f32 v61, v50;
	v61 =	vld [tilespmem:$0x1FB30]  }
0x386: {  	v1 =	vadd.f32 v51, v1;
	v51 =	vld [tilespmem:s15+$0xF600]  }
0x387: {  	v53 =	vadd.f32 v63, v53;
	v63 =	vld [tilespmem:$0x1FB60]  }
0x388: {  	v5 =	vadd.f32 v54, v5;
	v54 =	vld [tilespmem:s15+$0x7E10]  }
0x389: {  	v47 =	vld [tilespmem:s15+$0x7E00]  }
0x38a: {  	v53 =	vadd.f32 v62, v53;
	v62 =	vld [tilespmem:$0x1FB50];
	v55 =	vadd.f32 v61, v55  }
0x38b: {  	v56 =	vld [tilespmem:s15+$0xF610]  }
0x38c: {  	v55 =	vadd.f32 v63, v55;
	v63 =	vld [tilespmem:$0x1FB70]  }
0x38d: {  	v59 =	vld [tilespmem:s15+$0x7E20]  }
0x38e: {  	v50 =	vadd.f32 v57, v50;
	v57 =	vld [tilespmem:s15+$0xF630]  }
0x38f: {  	v45 =	vadd.f32 v45, v53;
	v53 =	vld [tilespmem:s15+$0x7E80];
	v58 =	vadd.f32 v62, v58  }
0x390: {  	v50 =	vadd.f32 v52, v50;
	v52 =	vld [tilespmem:s15+$0xF680]  }
0x391: {  	v61 =	vld [tilespmem:s15+$0xF620];
	v45 =	vadd.f32 v60, v45;
	v58 =	vadd.f32 v63, v58  }
0x392: {  	v6 =	vadd.f32 v6, v50;
	v50 =	vld [tilespmem:s15+$0x7FB0];
	v35 =	vadd.f32 v35, v55  }
0x393: {  	v60 =	vld [tilespmem:s15+$0x8000];
	v21 =	vadd.f32 v21, v58  }
0x394: {  	v62 =	vld [tilespmem:s15+$0x7E30];
	v4 =	vadd.f32 v4, v45;
	v35 =	vadd.f32 v41, v35  }
0x395: {  	v6 =	vadd.f32 v19, v6;
	v19 =	vld [tilespmem:s15+$0xF6A0];
	v21 =	vadd.f32 v22, v21  }
0x396: {  	v45 =	vld [tilespmem:s15+$0x7F80];
	v4 =	vadd.f32 v11, v4;
	v2 =	vadd.f32 v2, v35  }
0x397: {  	v55 =	vld [tilespmem:s15+$0x7E90];
	v7 =	vadd.f32 v7, v21  }
0x398: {  	v11 =	vld [tilespmem:s15+$0x7EB0];
	v4 =	vadd.f32 v13, v4;
	v0 =	vadd.f32 v0, v2  }
0x399: {  	v41 =	vld [tilespmem:s15+$0xF690];
	v35 =	vadd.f32 v10, v6;
	v7 =	vadd.f32 v8, v7  }
0x39a: {  	v13 =	vld [tilespmem:s15+$0x7F20];
	v4 =	vadd.f32 v12, v4;
	v0 =	vadd.f32 v15, v0  }
0x39b: {  	v63 =	vld [tilespmem:s15+$0xF800];
	v2 =	vadd.f32 v9, v35;
	v7 =	vadd.f32 v18, v7  }
0x39c: {  	v6 =	vld [tilespmem:s15+$0xF6B0];
	v4 =	vadd.f32 v24, v4;
	v0 =	vadd.f32 v14, v0  }
0x39d: {  	v10 =	vld [tilespmem:s15+$0x7F10];
	v2 =	vadd.f32 v23, v2;
	v7 =	vadd.f32 v16, v7  }
0x39e: {  	v12 =	vld [tilespmem:s15+$0xF710];
	v4 =	vadd.f32 v25, v4;
	v0 =	vadd.f32 v26, v0  }
0x39f: {  	v58 =	vld [tilespmem:s15+$0xF7B0];
	v2 =	vadd.f32 v20, v2;
	v7 =	vadd.f32 v28, v7  }
0x3a0: {  	v9 =	vld [tilespmem:s15+$0xF700];
	v4 =	vadd.f32 v32, v4;
	v0 =	vadd.f32 v27, v0  }
0x3a1: {  	v22 =	vld [tilespmem:s15+$0x7EA0];
	v2 =	vadd.f32 v30, v2;
	v7 =	vadd.f32 v29, v7  }
0x3a2: {  	v24 =	vld [tilespmem:s15+$0x7FA0];
	v4 =	vadd.f32 v33, v4;
	v0 =	vadd.f32 v34, v0  }
0x3a3: {  	v15 =	vld [tilespmem:s15+$0x7F30];
	v2 =	vadd.f32 v31, v2;
	v7 =	vadd.f32 v37, v7  }
0x3a4: {  	v23 =	vld [tilespmem:s15+$0xF790];
	v4 =	vadd.f32 v42, v4;
	v0 =	vadd.f32 v36, v0  }
0x3a5: {  	v21 =	vld [tilespmem:s15+$0x7F90];
	v2 =	vadd.f32 v39, v2;
	v7 =	vadd.f32 v38, v7  }
0x3a6: {  	v25 =	vld [tilespmem:s15+$0xF7A0];
	v4 =	vadd.f32 v43, v4;
	v0 =	vadd.f32 v44, v0  }
0x3a7: {  	v14 =	vld [tilespmem:s15+$0xF720];
	v2 =	vadd.f32 v40, v2;
	v7 =	vadd.f32 v48, v7  }
0x3a8: {  	v20 =	vld [tilespmem:s15+$0xF780];
	v4 =	vadd.f32 v54, v4;
	v0 =	vadd.f32 v46, v0  }
0x3a9: {  	v8 =	vld [tilespmem:s15+$0x7F00];
	v2 =	vadd.f32 v47, v2;
	v7 =	vadd.f32 v49, v7  }
0x3aa: {  	v16 =	vld [tilespmem:s15+$0xF730];
	v4 =	vadd.f32 v56, v4;
	v0 =	vadd.f32 v59, v0  }
0x3ab: {  	v42 =	vld [tilespmem:s15+$0x8080];
	v2 =	vadd.f32 v51, v2;
	v7 =	vadd.f32 v62, v7  }
0x3ac: {  	v39 =	vld [tilespmem:s15+$0xF820];
	v4 =	vadd.f32 v55, v4;
	v0 =	vadd.f32 v61, v0  }
0x3ad: {  	v43 =	vld [tilespmem:s15+$0xF880];
	v2 =	vadd.f32 v53, v2;
	v7 =	vadd.f32 v57, v7  }
0x3ae: {  	v36 =	vld [tilespmem:s15+$0x8010];
	v4 =	vadd.f32 v41, v4;
	v0 =	vadd.f32 v22, v0  }
0x3af: {  	v40 =	vld [tilespmem:s15+$0x8030];
	v2 =	vadd.f32 v52, v2;
	v7 =	vadd.f32 v11, v7  }
0x3b0: {  	v54 =	vld [tilespmem:s15+$0x8120];
	v4 =	vadd.f32 v10, v4;
	v0 =	vadd.f32 v19, v0  }
0x3b1: {  	v44 =	vld [tilespmem:s15+$0x8090];
	v2 =	vadd.f32 v8, v2;
	v6 =	vadd.f32 v6, v7  }
0x3b2: {  	v47 =	vld [tilespmem:s15+$0xF8A0];
	v4 =	vadd.f32 v12, v4;
	v0 =	vadd.f32 v13, v0  }
0x3b3: {  	v37 =	vld [tilespmem:s15+$0xF810];
	v2 =	vadd.f32 v9, v2;
	v6 =	vadd.f32 v15, v6  }
0x3b4: {  	v46 =	vld [tilespmem:s15+$0x80A0];
	v4 =	vadd.f32 v21, v4;
	v0 =	vadd.f32 v14, v0  }
0x3b5: {  	v38 =	vld [tilespmem:s15+$0x8020];
	v2 =	vadd.f32 v45, v2;
	v6 =	vadd.f32 v16, v6  }
0x3b6: {  	v51 =	vld [tilespmem:s15+$0xF900];
	v4 =	vadd.f32 v23, v4;
	v0 =	vadd.f32 v24, v0  }
0x3b7: {  	v41 =	vld [tilespmem:s15+$0xF830];
	v2 =	vadd.f32 v20, v2;
	v6 =	vadd.f32 v50, v6  }
0x3b8: {  	v48 =	vld [tilespmem:s15+$0x80B0];
	v4 =	vadd.f32 v36, v4;
	v0 =	vadd.f32 v25, v0  }
0x3b9: {  	v45 =	vld [tilespmem:s15+$0xF890];
	v2 =	vadd.f32 v60, v2;
	v6 =	vadd.f32 v58, v6  }
0x3ba: {  	v52 =	vld [tilespmem:s15+$0x8110];
	v4 =	vadd.f32 v37, v4;
	v0 =	vadd.f32 v38, v0  }
0x3bb: {  	v49 =	vld [tilespmem:s15+$0xF8B0];
	v2 =	vadd.f32 v63, v2;
	v6 =	vadd.f32 v40, v6  }
0x3bc: {  	v4 =	vadd.f32 v44, v4;
	v50 =	vld [tilespmem:s15+$0x8100];
	v0 =	vadd.f32 v39, v0  }
0x3bd: {  	v53 =	vld [tilespmem:s15+$0xF910];
	v2 =	vadd.f32 v42, v2;
	v6 =	vadd.f32 v41, v6  }
0x3be: {  	v55 =	vld [tilespmem:s15+$0x8130];
	v4 =	vadd.f32 v45, v4;
	v0 =	vadd.f32 v46, v0  }
0x3bf: {  	s31 =	sadd.s32 s30, s1;
	v56 =	vld [tilespmem:s15+$0xF920];
	v2 =	vadd.f32 v43, v2;
	v6 =	vadd.f32 v48, v6  }
0x3c0: {  	v3 =	vmul.f32 $2.222222280e-02, v3;
	s16 =	sshll.u32 s31, $0x6;
	v57 =	vld [tilespmem:s15+$0xF930];
	v4 =	vadd.f32 v52, v4;
	v0 =	vadd.f32 v47, v0  }
0x3c1: {  	v1 =	vmul.f32 $2.222222280e-02, v1;
	s15 =	sand.u32 $0x3FFFFFC0, s16;
	v2 =	vadd.f32 v50, v2;
	v6 =	vadd.f32 v49, v6  }
0x3c2: {  	v61 =	vmul.f32 $2.222222280e-02, v17;
	[tilespmem:s15+$0x16E00] =	vst.add.f32.msk $0xffff, v3;
	v59 =	vadd.f32 v53, v4;
	v0 =	vadd.f32 v54, v0  }
0x3c3: {  	s0 =	sadd.s32 s30, s0;
	[tilespmem:s15+$0x16E10] =	vst.add.f32.msk $0xffff, v1;
	v58 =	vmul.f32 $2.222222280e-02, v5;
	v2 =	vadd.f32 v51, v2;
	v60 =	vadd.f32 v55, v6  }
0x3c4: {  	p0 =	slt.u32 s1, $0x6;
	s0 =	sshll.u32 s0, $0x6;
	[tilespmem:s15+$0x16E30] =	vst.add.f32.msk $0xffff, v61;
	v1 =	vmul.f32 $2.222222280e-02, v59;
	v0 =	vadd.f32 v56, v0  }
.Ltmp5:
0x3c5: {  	s0 =	sand.u32 $0x3FFFFFC0, s0;
	[tilespmem:s15+$0x16E20] =	vst.add.f32.msk $0xffff, v58;
	v2 =	vmul.f32 $2.222222280e-02, v2;
	v62 =	vadd.f32 v57, v60;
	(pc) =	sbr.rel @p0 .LBB2_13-.Ltmp5, $4  }
0x3c6: {  	[tilespmem:s0+$0x16E10] =	vst.add.f32.msk $0xffff, v1;
	v0 =	vmul.f32 $2.222222280e-02, v0  }
0x3c7: {  	[tilespmem:s0+$0x16E00] =	vst.add.f32.msk $0xffff, v2;
	v63 =	vmul.f32 $2.222222280e-02, v62  }
0x3c8: {  	s31 =	sadd.s32 $0x2, s1;
	[tilespmem:s0+$0x16E20] =	vst.add.f32.msk $0xffff, v0  }
0x3c9: {  	s1 =	smov.u32 s31;
	[tilespmem:s0+$0x16E30] =	vst.add.f32.msk $0xffff, v63  }
0x3ca: {  	s29 =	sadd.s32 $0x1, s29  }
0x3cb: {  	p0 =	sne.s32 s29, $0x20  }
.Ltmp6:
0x3cc: {  	_ = 	snop;
	(pc) =	sbr.rel @p0 .LBB2_10-.Ltmp6, $1  }
0x3cd: {  	_ =	sdelay $0x3  }
0x3ce: {  	s28 =	sadd.s32 $0x1, s28  }
0x3cf: {  	p0 =	sne.s32 s28, s8  }
.Ltmp7:
0x3d0: {  	_ = 	snop;
	(pc) =	sbr.rel @p0 .LBB2_1-.Ltmp7, $4  }
0x3d1: {  	[hbm4b:s7+s2] =	stream.linear.scatter [tilespmem:s26], [sflag:$0x6], $0x8000, $0x38;
	[tilespmem:$0x1EE00] =	vst v63  }
0x3d2: {  	_ =	swait.ge [sflag:s9], $0x8000  }
0x3d3: {  	[sflag:s9] =	ssyncset.done $0x0  }
0x3d4: {  	[sflag:s9] =	ssyncadd.s32 $0xFFFF8000  }
0x3d5: {  	_ =	sfence.sel $0x180000  }
0x3d6: {  	[bflag:$0x0] =	sbarrier.arrive $0xFFFF  }
0x3d7: {  	_ =	strace $0x90000047  }
0x3d8: {  	s0 =	stileid.u32;
	[bflag:$0x2] =	sbarrier.arrive $0xFFFF  }
0x3d9: {  	p0 =	sne.s32 s0, $0x0;
	s0 =	rddreg [dreg:$0x3]  }
0x3da: {  	s0 =	sadd.s32 @!p0 $0x100000, s0  }
0x3db: {  	[sflag:s0] =	ssyncadd.tile.s32 @!p0 $0x1;
	_ =	shalt  }
.Lfunc_end2:
_tile_overlayer_lowered:
.L_overlay_start_2:
0x3dc: {  	(tag) =	ssettag $0x2  }
0x3dd: {  	s0 =	rddreg [dreg:$0x0];
	s2 =	stileid.u32  }
0x3de: {  	s1 =	rddreg [dreg:$0x1];
	p0 =	sne.s32 s2, $0x0  }
0x3df: {  	s3 =	rddreg [dreg:$0x2];
	[bflag:$0x3] =	sbarrier.arrive $0xFFFF;
	s2 =	simm.s32 @!p0 $0x1C06  }
0x3e0: {  	[timem:s3], [sflag:s2] =	dma.local @!p0 [hbm:s0], s1  }
0x3e1: {  	s0 =	simm.s32 @!p0 $0x6  }
0x3e2: {  	_ =	swait.ge @!p0 [sflag:s0], s1  }
0x3e3: {  	s1 =	ssub.s32 @!p0 $0x0, s1;
	[sflag:s0] =	ssyncset.done @!p0 $0x0  }
0x3e4: {  	[sflag:s0] =	ssyncadd.s32 @!p0 s1  }
0x3e5: {  	[bflag:$0x3] =	sbarrier.arrive $0xFFFF  }
0x3e6: {  	_ =	shalt  }

</sc_bundles>
